<compile_context>
chip_gen: v7x
topology: tpu7x:2x2x1
jax: 0.10.2.dev20260603
libtpu: 0.0.44.dev20260713+nightly
codegen_flags: <defaults>
</compile_context>

<pallas_src>
import functools

import numpy as np
import jax
import jax.numpy as jnp
from jax import lax
from jax.experimental import pallas as pl
from jax.experimental.pallas import tpu as pltpu
from jax.experimental.pallas import tpu_sc as plsc

D_MODEL = 768
MAX_SEQ_LEN = 8192
_SEED_STRIDE = 64


def _pos_encoding(max_len, d_model):
    pos = np.arange(max_len, dtype=np.float32)[:, None]
    _2i = np.arange(0, d_model, 2, dtype=np.float32)
    div = np.power(10000.0, _2i / d_model)
    pe = np.zeros((max_len, d_model), dtype=np.float32)
    pe[:, 0::2] = np.sin(pos / div)
    pe[:, 1::2] = np.cos(pos / div)
    return pe


def _pe_coef(d_model):
    _2i = np.arange(0, d_model, 2, dtype=np.float64)
    omega = 1.0 / np.power(10000.0, _2i / d_model)
    coef = 2.0 * np.cos(omega)
    return np.repeat(coef, 2).astype(np.float32)


_PE = _pos_encoding(MAX_SEQ_LEN, D_MODEL)


@functools.lru_cache(maxsize=None)
def _pe_seeds_device(S):
    seeds = _PE[:S].reshape(S // _SEED_STRIDE, _SEED_STRIDE, D_MODEL)[:, :2]
    return (jnp.asarray(seeds.reshape(-1, D_MODEL)),
            jnp.asarray(_pe_coef(D_MODEL)[None, :]))


_NC = 2
_NS = 16
_NW = _NC * _NS
_CHUNK = 16


@functools.lru_cache(maxsize=None)
def _make_kernel(B, S, D):
    total = B * S
    per_pos = S // _NW
    assert per_pos * _NW == S and per_pos % (2 * _CHUNK) == 0
    assert per_pos % _SEED_STRIDE == 0 and _SEED_STRIDE % _CHUNK == 0
    n_chunks = per_pos // _CHUNK
    n_seed = per_pos // _SEED_STRIDE
    cpg = _SEED_STRIDE // _CHUNK
    n_col = D // 16
    mesh = plsc.VectorSubcoreMesh(core_axis_name="c", subcore_axis_name="s")

    row_t = pltpu.VMEM((_CHUNK, D), jnp.float32)
    sem_t = pltpu.SemaphoreType.DMA

    @functools.partial(
        pl.kernel,
        mesh=mesh,
        out_type=jax.ShapeDtypeStruct((total, D), jnp.float32),
        scratch_types=(
            [pltpu.VMEM((B, per_pos), jnp.int32),
             pltpu.VMEM((2 * n_seed, D), jnp.float32),
             pltpu.VMEM((1, D), jnp.float32),
             pltpu.VMEM((2, D), jnp.float32)]
            + [row_t] * (2 * B)
            + [sem_t] * (4 * B + 1)
        ),
    )
    def k(idx_hbm, table_hbm, seeds_hbm, coef_hbm, out_hbm,
          idx_v, seeds_v, coef_v, carry_v, *bufs_and_sems):
        rows = (bufs_and_sems[:B], bufs_and_sems[B:2 * B])
        gsem = (bufs_and_sems[2 * B:3 * B], bufs_and_sems[3 * B:4 * B])
        wsem = (bufs_and_sems[4 * B:5 * B], bufs_and_sems[5 * B:6 * B])
        psem = bufs_and_sems[6 * B]

        wid = lax.axis_index("s") * _NC + lax.axis_index("c")
        pos0 = wid * per_pos
        for b in range(B):
            pltpu.async_copy(idx_hbm.at[b, pl.ds(pos0, per_pos)],
                             idx_v.at[b], wsem[0][b])
        for b in range(B):
            pltpu.make_async_copy(idx_hbm.at[b, pl.ds(pos0, per_pos)],
                                  idx_v.at[b], wsem[0][b]).wait()

        def g_start(pc, b, st):
            pltpu.async_copy(
                table_hbm.at[idx_v.at[b, pl.ds(pc * _CHUNK, _CHUNK)]],
                rows[st][b], gsem[st][b])

        def g_wait(pc, b, st):
            pltpu.make_async_copy(
                table_hbm.at[idx_v.at[b, pl.ds(pc * _CHUNK, _CHUNK)]],
                rows[st][b], gsem[st][b]).wait()

        def w_start(pc, b, st):
            pltpu.async_copy(
                rows[st][b],
                out_hbm.at[pl.ds(b * S + pos0 + pc * _CHUNK, _CHUNK)],
                wsem[st][b])

        def w_wait(b, st):
            pltpu.make_async_copy(rows[st][b], out_hbm.at[pl.ds(0, _CHUNK)],
                                  wsem[st][b]).wait()

        for b in range(B):
            g_start(0, b, 0)
        pltpu.async_copy(seeds_hbm.at[pl.ds(wid * 2 * n_seed, 2 * n_seed)],
                         seeds_v, psem)
        pltpu.async_copy(coef_hbm, coef_v, psem)
        pltpu.make_async_copy(
            seeds_hbm.at[pl.ds(0, 2 * n_seed)], seeds_v, psem).wait()
        pltpu.make_async_copy(coef_hbm, coef_v, psem).wait()

        @pl.loop(0, n_seed)
        def _(sg):
            for dj in range(cpg):
                pc = sg * cpg + dj
                st = dj % 2
                nst = 1 - st
                @pl.when(pc + 1 < n_chunks)
                def _():
                    for b in range(B):
                        if dj == 0:

                            @pl.when(sg > 0)
                            def _():
                                w_wait(b, nst)
                        else:
                            w_wait(b, nst)
                        g_start(pc + 1, b, nst)

                for b in range(B):
                    g_wait(pc, b, st)

                cur = rows[st]
                last_in_group = dj == cpg - 1

                @pl.loop(0, n_col)
                def _(c):
                    cs = pl.ds(c * 16, 16)
                    cf = coef_v[0, cs]
                    if dj == 0:
                        pm1 = seeds_v[2 * sg, cs]
                        p = seeds_v[2 * sg + 1, cs]
                    else:
                        pm1 = carry_v[0, cs]
                        p = carry_v[1, cs]

                    for b in range(B):
                        plsc.addupdate(cur[b].at[0, cs], pm1)
                    for b in range(B):
                        plsc.addupdate(cur[b].at[1, cs], p)
                    for r in range(2, _CHUNK):
                        pm1, p = p, cf * p - pm1
                        for b in range(B):
                            plsc.addupdate(cur[b].at[r, cs], p)
                    if not last_in_group:
                        pm1, p = p, cf * p - pm1
                        pm1, p = p, cf * p - pm1
                        carry_v[0, cs] = pm1
                        carry_v[1, cs] = p

                for b in range(B):
                    w_start(pc, b, st)

        for st in range(2):
            for b in range(B):
                w_wait(b, st)

    return k


@jax.jit
def _run(x, table, seeds, coef):
    B, S = x.shape
    D = table.shape[1]
    out = _make_kernel(B, S, D)(x, table, seeds, coef)
    return out.reshape(B, S, D)


def kernel(x, table):
    seeds, coef = _pe_seeds_device(x.shape[1])
    return _run(x, table, seeds, coef)

# --- scband reference (transcript-rebuilt; emitter-appended) ---
"""Pipeline reference for scband-transformer-embedding-44435731645192 (READ-ONLY COPY).

The authoritative reference and input builder live on the scoring server;
editing this copy changes nothing except your own understanding.
"""

import jax, jax.numpy as jnp
import numpy as np

VOCAB = 100000
D_MODEL = 768
MAX_SEQ_LEN = 8192


def _pos_encoding(max_len, d_model):
    pos = np.arange(max_len, dtype=np.float32)[:, None]
    _2i = np.arange(0, d_model, 2, dtype=np.float32)
    div = np.power(10000.0, _2i / d_model)
    pe = np.zeros((max_len, d_model), dtype=np.float32)
    pe[:, 0::2] = np.sin(pos / div)
    pe[:, 1::2] = np.cos(pos / div)
    return jnp.asarray(pe)


_PE = _pos_encoding(MAX_SEQ_LEN, D_MODEL)


def setup_inputs(seed: int = 0) -> dict:
    key = jax.random.key(seed)
    k1, k2 = jax.random.split(key)
    x = jax.random.randint(k1, (4, 8192), 0, VOCAB, dtype=jnp.int32)
    table = jax.random.normal(k2, (VOCAB, D_MODEL), dtype=jnp.float32) * 0.02
    return {"x": x, "table": table}


def reference(x, table):
    # TokenEmbedding: plain embedding lookup (gather rows)
    tok_emb = jnp.take(table, x, axis=0)  # [B, S, D]
    # PositionalEncoding: sinusoidal buffer sliced to seq_len
    seq_len = x.shape[1]
    pos_emb = _PE[:seq_len, :][None, :, :]  # [1, S, D]
    # dropout p=0.0 -> identity
    out = tok_emb + pos_emb
    return out

if __name__ == "__main__":
    import jax
    _d = setup_inputs()
    print(jax.jit(kernel)(*tuple(_d.values())))

</pallas_src>

<mosaic_0001>
#map = affine_map<(d0, d1) -> (0, 0)>
module attributes {stable_mosaic.version = 14 : i64} {
  func.func @k(%arg0: i32, %arg1: i32, %arg2: memref<4x8192xi32, #tpu.memory_space<hbm>>, %arg3: memref<100000x768xf32, #tpu.memory_space<hbm>>, %arg4: memref<256x768xf32, #tpu.memory_space<hbm>>, %arg5: memref<1x768xf32, #tpu.memory_space<hbm>>, %arg6: memref<32768x768xf32, #tpu.memory_space<hbm>>, %arg7: memref<4x256xi32, #tpu.memory_space<vmem>>, %arg8: memref<8x768xf32, #tpu.memory_space<vmem>>, %arg9: memref<1x768xf32, #tpu.memory_space<vmem>>, %arg10: memref<2x768xf32, #tpu.memory_space<vmem>>, %arg11: memref<16x768xf32, #tpu.memory_space<vmem>>, %arg12: memref<16x768xf32, #tpu.memory_space<vmem>>, %arg13: memref<16x768xf32, #tpu.memory_space<vmem>>, %arg14: memref<16x768xf32, #tpu.memory_space<vmem>>, %arg15: memref<16x768xf32, #tpu.memory_space<vmem>>, %arg16: memref<16x768xf32, #tpu.memory_space<vmem>>, %arg17: memref<16x768xf32, #tpu.memory_space<vmem>>, %arg18: memref<16x768xf32, #tpu.memory_space<vmem>>, %arg19: memref<!tpu.dma_semaphore, #tpu.memory_space<semaphore_mem>>, %arg20: memref<!tpu.dma_semaphore, #tpu.memory_space<semaphore_mem>>, %arg21: memref<!tpu.dma_semaphore, #tpu.memory_space<semaphore_mem>>, %arg22: memref<!tpu.dma_semaphore, #tpu.memory_space<semaphore_mem>>, %arg23: memref<!tpu.dma_semaphore, #tpu.memory_space<semaphore_mem>>, %arg24: memref<!tpu.dma_semaphore, #tpu.memory_space<semaphore_mem>>, %arg25: memref<!tpu.dma_semaphore, #tpu.memory_space<semaphore_mem>>, %arg26: memref<!tpu.dma_semaphore, #tpu.memory_space<semaphore_mem>>, %arg27: memref<!tpu.dma_semaphore, #tpu.memory_space<semaphore_mem>>, %arg28: memref<!tpu.dma_semaphore, #tpu.memory_space<semaphore_mem>>, %arg29: memref<!tpu.dma_semaphore, #tpu.memory_space<semaphore_mem>>, %arg30: memref<!tpu.dma_semaphore, #tpu.memory_space<semaphore_mem>>, %arg31: memref<!tpu.dma_semaphore, #tpu.memory_space<semaphore_mem>>, %arg32: memref<!tpu.dma_semaphore, #tpu.memory_space<semaphore_mem>>, %arg33: memref<!tpu.dma_semaphore, #tpu.memory_space<semaphore_mem>>, %arg34: memref<!tpu.dma_semaphore, #tpu.memory_space<semaphore_mem>>, %arg35: memref<!tpu.dma_semaphore, #tpu.memory_space<semaphore_mem>>) attributes {dimension_semantics = [#tpu.dimension_semantics<core_parallel>, #tpu.dimension_semantics<subcore_parallel>], iteration_bounds = array<i64: 2, 16>, scalar_prefetch = 0 : i64, scratch_operands = 29 : i64, tpu.core_type = #tpu.core_type<sc_vector_subcore>, window_params = [{transform_indices = #map}, {transform_indices = #map}, {transform_indices = #map}, {transform_indices = #map}, {transform_indices = #map}]} {
    %mul3A = arith.constant 2 : i32
    %mul3A_0 = arith.muli %arg1, %mul3A : i32
    %add3A = arith.addi %mul3A_0, %arg0 : i32
    %mul3A_1 = arith.constant 256 : i32
    %mul3A_2 = arith.muli %add3A, %mul3A_1 : i32
    %dma_start3A = arith.constant 0 : i32
    %dma_start3A_3 = arith.constant 0 : i32
    %dma_start3A_4 = arith.constant 0 : i32
    %dma_start3A_5 = tpu.memref_slice %arg7[%dma_start3A_3, %dma_start3A_4] : memref<4x256xi32, #tpu.memory_space<vmem>> -> memref<1x256xi32, #tpu.memory_space<vmem>>
    %dma_start3A_6 = tpu.memref_squeeze %dma_start3A_5 : memref<1x256xi32, #tpu.memory_space<vmem>> -> memref<256xi32, #tpu.memory_space<vmem>>
    %dma_start3A_7 = tpu.memref_slice %arg2[%dma_start3A, %mul3A_2] : memref<4x8192xi32, #tpu.memory_space<hbm>> -> memref<1x256xi32, #tpu.memory_space<hbm>>
    %dma_start3A_8 = tpu.memref_squeeze %dma_start3A_7 : memref<1x256xi32, #tpu.memory_space<hbm>> -> memref<256xi32, #tpu.memory_space<hbm>>
    %dma_start3A_9 = arith.constant 0 : i32
    %dma_start3A_10 = tpu.memref_slice %arg7[%dma_start3A_3, %dma_start3A_9] : memref<4x256xi32, #tpu.memory_space<vmem>> -> memref<1x256xi32, #tpu.memory_space<vmem>>
    %dma_start3A_11 = tpu.memref_squeeze %dma_start3A_10 : memref<1x256xi32, #tpu.memory_space<vmem>> -> memref<256xi32, #tpu.memory_space<vmem>>
    %dma_start3A_12 = tpu.memref_slice %arg2[%dma_start3A, %mul3A_2] : memref<4x8192xi32, #tpu.memory_space<hbm>> -> memref<1x256xi32, #tpu.memory_space<hbm>>
    %dma_start3A_13 = tpu.memref_squeeze %dma_start3A_12 : memref<1x256xi32, #tpu.memory_space<hbm>> -> memref<256xi32, #tpu.memory_space<hbm>>
    tpu.enqueue_dma source(%dma_start3A_13 : memref<256xi32, #tpu.memory_space<hbm>>) target(%dma_start3A_11 : memref<256xi32, #tpu.memory_space<vmem>>) target_semaphore(%arg27 : memref<!tpu.dma_semaphore, #tpu.memory_space<semaphore_mem>>)
    %dma_start3A_14 = arith.constant 1 : i32
    %dma_start3A_15 = arith.constant 1 : i32
    %dma_start3A_16 = arith.constant 0 : i32
    %dma_start3A_17 = tpu.memref_slice %arg7[%dma_start3A_15, %dma_start3A_16] : memref<4x256xi32, #tpu.memory_space<vmem>> -> memref<1x256xi32, #tpu.memory_space<vmem>>
    %dma_start3A_18 = tpu.memref_squeeze %dma_start3A_17 : memref<1x256xi32, #tpu.memory_space<vmem>> -> memref<256xi32, #tpu.memory_space<vmem>>
    %dma_start3A_19 = tpu.memref_slice %arg2[%dma_start3A_14, %mul3A_2] : memref<4x8192xi32, #tpu.memory_space<hbm>> -> memref<1x256xi32, #tpu.memory_space<hbm>>
    %dma_start3A_20 = tpu.memref_squeeze %dma_start3A_19 : memref<1x256xi32, #tpu.memory_space<hbm>> -> memref<256xi32, #tpu.memory_space<hbm>>
    %dma_start3A_21 = arith.constant 0 : i32
    %dma_start3A_22 = tpu.memref_slice %arg7[%dma_start3A_15, %dma_start3A_21] : memref<4x256xi32, #tpu.memory_space<vmem>> -> memref<1x256xi32, #tpu.memory_space<vmem>>
    %dma_start3A_23 = tpu.memref_squeeze %dma_start3A_22 : memref<1x256xi32, #tpu.memory_space<vmem>> -> memref<256xi32, #tpu.memory_space<vmem>>
    %dma_start3A_24 = tpu.memref_slice %arg2[%dma_start3A_14, %mul3A_2] : memref<4x8192xi32, #tpu.memory_space<hbm>> -> memref<1x256xi32, #tpu.memory_space<hbm>>
    %dma_start3A_25 = tpu.memref_squeeze %dma_start3A_24 : memref<1x256xi32, #tpu.memory_space<hbm>> -> memref<256xi32, #tpu.memory_space<hbm>>
    tpu.enqueue_dma source(%dma_start3A_25 : memref<256xi32, #tpu.memory_space<hbm>>) target(%dma_start3A_23 : memref<256xi32, #tpu.memory_space<vmem>>) target_semaphore(%arg28 : memref<!tpu.dma_semaphore, #tpu.memory_space<semaphore_mem>>)
    %dma_start3A_26 = arith.constant 2 : i32
    %dma_start3A_27 = arith.constant 2 : i32
    %dma_start3A_28 = arith.constant 0 : i32
    %dma_start3A_29 = tpu.memref_slice %arg7[%dma_start3A_27, %dma_start3A_28] : memref<4x256xi32, #tpu.memory_space<vmem>> -> memref<1x256xi32, #tpu.memory_space<vmem>>
    %dma_start3A_30 = tpu.memref_squeeze %dma_start3A_29 : memref<1x256xi32, #tpu.memory_space<vmem>> -> memref<256xi32, #tpu.memory_space<vmem>>
    %dma_start3A_31 = tpu.memref_slice %arg2[%dma_start3A_26, %mul3A_2] : memref<4x8192xi32, #tpu.memory_space<hbm>> -> memref<1x256xi32, #tpu.memory_space<hbm>>
    %dma_start3A_32 = tpu.memref_squeeze %dma_start3A_31 : memref<1x256xi32, #tpu.memory_space<hbm>> -> memref<256xi32, #tpu.memory_space<hbm>>
    %dma_start3A_33 = arith.constant 0 : i32
    %dma_start3A_34 = tpu.memref_slice %arg7[%dma_start3A_27, %dma_start3A_33] : memref<4x256xi32, #tpu.memory_space<vmem>> -> memref<1x256xi32, #tpu.memory_space<vmem>>
    %dma_start3A_35 = tpu.memref_squeeze %dma_start3A_34 : memref<1x256xi32, #tpu.memory_space<vmem>> -> memref<256xi32, #tpu.memory_space<vmem>>
    %dma_start3A_36 = tpu.memref_slice %arg2[%dma_start3A_26, %mul3A_2] : memref<4x8192xi32, #tpu.memory_space<hbm>> -> memref<1x256xi32, #tpu.memory_space<hbm>>
    %dma_start3A_37 = tpu.memref_squeeze %dma_start3A_36 : memref<1x256xi32, #tpu.memory_space<hbm>> -> memref<256xi32, #tpu.memory_space<hbm>>
    tpu.enqueue_dma source(%dma_start3A_37 : memref<256xi32, #tpu.memory_space<hbm>>) target(%dma_start3A_35 : memref<256xi32, #tpu.memory_space<vmem>>) target_semaphore(%arg29 : memref<!tpu.dma_semaphore, #tpu.memory_space<semaphore_mem>>)
    %dma_start3A_38 = arith.constant 3 : i32
    %dma_start3A_39 = arith.constant 3 : i32
    %dma_start3A_40 = arith.constant 0 : i32
    %dma_start3A_41 = tpu.memref_slice %arg7[%dma_start3A_39, %dma_start3A_40] : memref<4x256xi32, #tpu.memory_space<vmem>> -> memref<1x256xi32, #tpu.memory_space<vmem>>
    %dma_start3A_42 = tpu.memref_squeeze %dma_start3A_41 : memref<1x256xi32, #tpu.memory_space<vmem>> -> memref<256xi32, #tpu.memory_space<vmem>>
    %dma_start3A_43 = tpu.memref_slice %arg2[%dma_start3A_38, %mul3A_2] : memref<4x8192xi32, #tpu.memory_space<hbm>> -> memref<1x256xi32, #tpu.memory_space<hbm>>
    %dma_start3A_44 = tpu.memref_squeeze %dma_start3A_43 : memref<1x256xi32, #tpu.memory_space<hbm>> -> memref<256xi32, #tpu.memory_space<hbm>>
    %dma_start3A_45 = arith.constant 0 : i32
    %dma_start3A_46 = tpu.memref_slice %arg7[%dma_start3A_39, %dma_start3A_45] : memref<4x256xi32, #tpu.memory_space<vmem>> -> memref<1x256xi32, #tpu.memory_space<vmem>>
    %dma_start3A_47 = tpu.memref_squeeze %dma_start3A_46 : memref<1x256xi32, #tpu.memory_space<vmem>> -> memref<256xi32, #tpu.memory_space<vmem>>
    %dma_start3A_48 = tpu.memref_slice %arg2[%dma_start3A_38, %mul3A_2] : memref<4x8192xi32, #tpu.memory_space<hbm>> -> memref<1x256xi32, #tpu.memory_space<hbm>>
    %dma_start3A_49 = tpu.memref_squeeze %dma_start3A_48 : memref<1x256xi32, #tpu.memory_space<hbm>> -> memref<256xi32, #tpu.memory_space<hbm>>
    tpu.enqueue_dma source(%dma_start3A_49 : memref<256xi32, #tpu.memory_space<hbm>>) target(%dma_start3A_47 : memref<256xi32, #tpu.memory_space<vmem>>) target_semaphore(%arg30 : memref<!tpu.dma_semaphore, #tpu.memory_space<semaphore_mem>>)
    %dma_wait3A = arith.constant 0 : i32
    %dma_wait3A_50 = arith.constant 0 : i32
    %dma_wait3A_51 = arith.constant 0 : i32
    %dma_wait3A_52 = tpu.memref_slice %arg7[%dma_wait3A_50, %dma_wait3A_51] : memref<4x256xi32, #tpu.memory_space<vmem>> -> memref<1x256xi32, #tpu.memory_space<vmem>>
    %dma_wait3A_53 = tpu.memref_squeeze %dma_wait3A_52 : memref<1x256xi32, #tpu.memory_space<vmem>> -> memref<256xi32, #tpu.memory_space<vmem>>
    %dma_wait3A_54 = tpu.memref_slice %arg2[%dma_wait3A, %mul3A_2] : memref<4x8192xi32, #tpu.memory_space<hbm>> -> memref<1x256xi32, #tpu.memory_space<hbm>>
    %dma_wait3A_55 = tpu.memref_squeeze %dma_wait3A_54 : memref<1x256xi32, #tpu.memory_space<hbm>> -> memref<256xi32, #tpu.memory_space<hbm>>
    %dma_wait3A_56 = arith.constant 0 : i32
    %dma_wait3A_57 = tpu.memref_slice %arg7[%dma_wait3A_50, %dma_wait3A_56] : memref<4x256xi32, #tpu.memory_space<vmem>> -> memref<1x256xi32, #tpu.memory_space<vmem>>
    %dma_wait3A_58 = tpu.memref_squeeze %dma_wait3A_57 : memref<1x256xi32, #tpu.memory_space<vmem>> -> memref<256xi32, #tpu.memory_space<vmem>>
    %dma_wait3A_59 = tpu.memref_slice %arg2[%dma_wait3A, %mul3A_2] : memref<4x8192xi32, #tpu.memory_space<hbm>> -> memref<1x256xi32, #tpu.memory_space<hbm>>
    %dma_wait3A_60 = tpu.memref_squeeze %dma_wait3A_59 : memref<1x256xi32, #tpu.memory_space<hbm>> -> memref<256xi32, #tpu.memory_space<hbm>>
    tpu.wait_dma2 semaphore(%arg27 : memref<!tpu.dma_semaphore, #tpu.memory_space<semaphore_mem>>) src(%dma_wait3A_60 : memref<256xi32, #tpu.memory_space<hbm>>) dst(%dma_wait3A_58 : memref<256xi32, #tpu.memory_space<vmem>>)
    %dma_wait3A_61 = arith.constant 1 : i32
    %dma_wait3A_62 = arith.constant 1 : i32
    %dma_wait3A_63 = arith.constant 0 : i32
    %dma_wait3A_64 = tpu.memref_slice %arg7[%dma_wait3A_62, %dma_wait3A_63] : memref<4x256xi32, #tpu.memory_space<vmem>> -> memref<1x256xi32, #tpu.memory_space<vmem>>
    %dma_wait3A_65 = tpu.memref_squeeze %dma_wait3A_64 : memref<1x256xi32, #tpu.memory_space<vmem>> -> memref<256xi32, #tpu.memory_space<vmem>>
    %dma_wait3A_66 = tpu.memref_slice %arg2[%dma_wait3A_61, %mul3A_2] : memref<4x8192xi32, #tpu.memory_space<hbm>> -> memref<1x256xi32, #tpu.memory_space<hbm>>
    %dma_wait3A_67 = tpu.memref_squeeze %dma_wait3A_66 : memref<1x256xi32, #tpu.memory_space<hbm>> -> memref<256xi32, #tpu.memory_space<hbm>>
    %dma_wait3A_68 = arith.constant 0 : i32
    %dma_wait3A_69 = tpu.memref_slice %arg7[%dma_wait3A_62, %dma_wait3A_68] : memref<4x256xi32, #tpu.memory_space<vmem>> -> memref<1x256xi32, #tpu.memory_space<vmem>>
    %dma_wait3A_70 = tpu.memref_squeeze %dma_wait3A_69 : memref<1x256xi32, #tpu.memory_space<vmem>> -> memref<256xi32, #tpu.memory_space<vmem>>
    %dma_wait3A_71 = tpu.memref_slice %arg2[%dma_wait3A_61, %mul3A_2] : memref<4x8192xi32, #tpu.memory_space<hbm>> -> memref<1x256xi32, #tpu.memory_space<hbm>>
    %dma_wait3A_72 = tpu.memref_squeeze %dma_wait3A_71 : memref<1x256xi32, #tpu.memory_space<hbm>> -> memref<256xi32, #tpu.memory_space<hbm>>
    tpu.wait_dma2 semaphore(%arg28 : memref<!tpu.dma_semaphore, #tpu.memory_space<semaphore_mem>>) src(%dma_wait3A_72 : memref<256xi32, #tpu.memory_space<hbm>>) dst(%dma_wait3A_70 : memref<256xi32, #tpu.memory_space<vmem>>)
    %dma_wait3A_73 = arith.constant 2 : i32
    %dma_wait3A_74 = arith.constant 2 : i32
    %dma_wait3A_75 = arith.constant 0 : i32
    %dma_wait3A_76 = tpu.memref_slice %arg7[%dma_wait3A_74, %dma_wait3A_75] : memref<4x256xi32, #tpu.memory_space<vmem>> -> memref<1x256xi32, #tpu.memory_space<vmem>>
    %dma_wait3A_77 = tpu.memref_squeeze %dma_wait3A_76 : memref<1x256xi32, #tpu.memory_space<vmem>> -> memref<256xi32, #tpu.memory_space<vmem>>
    %dma_wait3A_78 = tpu.memref_slice %arg2[%dma_wait3A_73, %mul3A_2] : memref<4x8192xi32, #tpu.memory_space<hbm>> -> memref<1x256xi32, #tpu.memory_space<hbm>>
    %dma_wait3A_79 = tpu.memref_squeeze %dma_wait3A_78 : memref<1x256xi32, #tpu.memory_space<hbm>> -> memref<256xi32, #tpu.memory_space<hbm>>
    %dma_wait3A_80 = arith.constant 0 : i32
    %dma_wait3A_81 = tpu.memref_slice %arg7[%dma_wait3A_74, %dma_wait3A_80] : memref<4x256xi32, #tpu.memory_space<vmem>> -> memref<1x256xi32, #tpu.memory_space<vmem>>
    %dma_wait3A_82 = tpu.memref_squeeze %dma_wait3A_81 : memref<1x256xi32, #tpu.memory_space<vmem>> -> memref<256xi32, #tpu.memory_space<vmem>>
    %dma_wait3A_83 = tpu.memref_slice %arg2[%dma_wait3A_73, %mul3A_2] : memref<4x8192xi32, #tpu.memory_space<hbm>> -> memref<1x256xi32, #tpu.memory_space<hbm>>
    %dma_wait3A_84 = tpu.memref_squeeze %dma_wait3A_83 : memref<1x256xi32, #tpu.memory_space<hbm>> -> memref<256xi32, #tpu.memory_space<hbm>>
    tpu.wait_dma2 semaphore(%arg29 : memref<!tpu.dma_semaphore, #tpu.memory_space<semaphore_mem>>) src(%dma_wait3A_84 : memref<256xi32, #tpu.memory_space<hbm>>) dst(%dma_wait3A_82 : memref<256xi32, #tpu.memory_space<vmem>>)
    %dma_wait3A_85 = arith.constant 3 : i32
    %dma_wait3A_86 = arith.constant 3 : i32
    %dma_wait3A_87 = arith.constant 0 : i32
    %dma_wait3A_88 = tpu.memref_slice %arg7[%dma_wait3A_86, %dma_wait3A_87] : memref<4x256xi32, #tpu.memory_space<vmem>> -> memref<1x256xi32, #tpu.memory_space<vmem>>
    %dma_wait3A_89 = tpu.memref_squeeze %dma_wait3A_88 : memref<1x256xi32, #tpu.memory_space<vmem>> -> memref<256xi32, #tpu.memory_space<vmem>>
    %dma_wait3A_90 = tpu.memref_slice %arg2[%dma_wait3A_85, %mul3A_2] : memref<4x8192xi32, #tpu.memory_space<hbm>> -> memref<1x256xi32, #tpu.memory_space<hbm>>
    %dma_wait3A_91 = tpu.memref_squeeze %dma_wait3A_90 : memref<1x256xi32, #tpu.memory_space<hbm>> -> memref<256xi32, #tpu.memory_space<hbm>>
    %dma_wait3A_92 = arith.constant 0 : i32
    %dma_wait3A_93 = tpu.memref_slice %arg7[%dma_wait3A_86, %dma_wait3A_92] : memref<4x256xi32, #tpu.memory_space<vmem>> -> memref<1x256xi32, #tpu.memory_space<vmem>>
    %dma_wait3A_94 = tpu.memref_squeeze %dma_wait3A_93 : memref<1x256xi32, #tpu.memory_space<vmem>> -> memref<256xi32, #tpu.memory_space<vmem>>
    %dma_wait3A_95 = tpu.memref_slice %arg2[%dma_wait3A_85, %mul3A_2] : memref<4x8192xi32, #tpu.memory_space<hbm>> -> memref<1x256xi32, #tpu.memory_space<hbm>>
    %dma_wait3A_96 = tpu.memref_squeeze %dma_wait3A_95 : memref<1x256xi32, #tpu.memory_space<hbm>> -> memref<256xi32, #tpu.memory_space<hbm>>
    tpu.wait_dma2 semaphore(%arg30 : memref<!tpu.dma_semaphore, #tpu.memory_space<semaphore_mem>>) src(%dma_wait3A_96 : memref<256xi32, #tpu.memory_space<hbm>>) dst(%dma_wait3A_94 : memref<256xi32, #tpu.memory_space<vmem>>)
    %dma_start3A_97 = arith.constant 0 : i32
    %dma_start3A_98 = arith.constant 0 : i32
    %dma_start3A_99 = tpu.memref_slice %arg7[%dma_start3A_97, %dma_start3A_98] : memref<4x256xi32, #tpu.memory_space<vmem>> -> memref<1x16xi32, #tpu.memory_space<vmem>>
    %dma_start3A_100 = tpu.memref_squeeze %dma_start3A_99 : memref<1x16xi32, #tpu.memory_space<vmem>> -> memref<16xi32, #tpu.memory_space<vmem>>
    %dma_start3A_101 = arith.constant 0 : i32
    %dma_start3A_102 = arith.constant 0 : i32
    %dma_start3A_103 = tpu.memref_slice %arg3[%dma_start3A_101, %dma_start3A_102] : memref<100000x768xf32, #tpu.memory_space<hbm>> -> memref<100000x768xf32, #tpu.memory_space<hbm>>
    tpu.enqueue_indirect_dma source(%dma_start3A_103 : memref<100000x768xf32, #tpu.memory_space<hbm>>) target(%arg11 : memref<16x768xf32, #tpu.memory_space<vmem>>) offsets(%dma_start3A_100 : memref<16xi32, #tpu.memory_space<vmem>>) semaphore(%arg19 : memref<!tpu.dma_semaphore, #tpu.memory_space<semaphore_mem>>)
    %dma_start3A_104 = arith.constant 1 : i32
    %dma_start3A_105 = arith.constant 0 : i32
    %dma_start3A_106 = tpu.memref_slice %arg7[%dma_start3A_104, %dma_start3A_105] : memref<4x256xi32, #tpu.memory_space<vmem>> -> memref<1x16xi32, #tpu.memory_space<vmem>>
    %dma_start3A_107 = tpu.memref_squeeze %dma_start3A_106 : memref<1x16xi32, #tpu.memory_space<vmem>> -> memref<16xi32, #tpu.memory_space<vmem>>
    %dma_start3A_108 = arith.constant 0 : i32
    %dma_start3A_109 = arith.constant 0 : i32
    %dma_start3A_110 = tpu.memref_slice %arg3[%dma_start3A_108, %dma_start3A_109] : memref<100000x768xf32, #tpu.memory_space<hbm>> -> memref<100000x768xf32, #tpu.memory_space<hbm>>
    tpu.enqueue_indirect_dma source(%dma_start3A_110 : memref<100000x768xf32, #tpu.memory_space<hbm>>) target(%arg12 : memref<16x768xf32, #tpu.memory_space<vmem>>) offsets(%dma_start3A_107 : memref<16xi32, #tpu.memory_space<vmem>>) semaphore(%arg20 : memref<!tpu.dma_semaphore, #tpu.memory_space<semaphore_mem>>)
    %dma_start3A_111 = arith.constant 2 : i32
    %dma_start3A_112 = arith.constant 0 : i32
    %dma_start3A_113 = tpu.memref_slice %arg7[%dma_start3A_111, %dma_start3A_112] : memref<4x256xi32, #tpu.memory_space<vmem>> -> memref<1x16xi32, #tpu.memory_space<vmem>>
    %dma_start3A_114 = tpu.memref_squeeze %dma_start3A_113 : memref<1x16xi32, #tpu.memory_space<vmem>> -> memref<16xi32, #tpu.memory_space<vmem>>
    %dma_start3A_115 = arith.constant 0 : i32
    %dma_start3A_116 = arith.constant 0 : i32
    %dma_start3A_117 = tpu.memref_slice %arg3[%dma_start3A_115, %dma_start3A_116] : memref<100000x768xf32, #tpu.memory_space<hbm>> -> memref<100000x768xf32, #tpu.memory_space<hbm>>
    tpu.enqueue_indirect_dma source(%dma_start3A_117 : memref<100000x768xf32, #tpu.memory_space<hbm>>) target(%arg13 : memref<16x768xf32, #tpu.memory_space<vmem>>) offsets(%dma_start3A_114 : memref<16xi32, #tpu.memory_space<vmem>>) semaphore(%arg21 : memref<!tpu.dma_semaphore, #tpu.memory_space<semaphore_mem>>)
    %dma_start3A_118 = arith.constant 3 : i32
    %dma_start3A_119 = arith.constant 0 : i32
    %dma_start3A_120 = tpu.memref_slice %arg7[%dma_start3A_118, %dma_start3A_119] : memref<4x256xi32, #tpu.memory_space<vmem>> -> memref<1x16xi32, #tpu.memory_space<vmem>>
    %dma_start3A_121 = tpu.memref_squeeze %dma_start3A_120 : memref<1x16xi32, #tpu.memory_space<vmem>> -> memref<16xi32, #tpu.memory_space<vmem>>
    %dma_start3A_122 = arith.constant 0 : i32
    %dma_start3A_123 = arith.constant 0 : i32
    %dma_start3A_124 = tpu.memref_slice %arg3[%dma_start3A_122, %dma_start3A_123] : memref<100000x768xf32, #tpu.memory_space<hbm>> -> memref<100000x768xf32, #tpu.memory_space<hbm>>
    tpu.enqueue_indirect_dma source(%dma_start3A_124 : memref<100000x768xf32, #tpu.memory_space<hbm>>) target(%arg14 : memref<16x768xf32, #tpu.memory_space<vmem>>) offsets(%dma_start3A_121 : memref<16xi32, #tpu.memory_space<vmem>>) semaphore(%arg22 : memref<!tpu.dma_semaphore, #tpu.memory_space<semaphore_mem>>)
    %mul3A_125 = arith.constant 2 : i32
    %mul3A_126 = arith.muli %add3A, %mul3A_125 : i32
    %mul3A_127 = arith.constant 4 : i32
    %mul3A_128 = arith.muli %mul3A_126, %mul3A_127 : i32
    %dma_start3A_129 = arith.constant 0 : i32
    %dma_start3A_130 = tpu.memref_slice %arg4[%mul3A_128, %dma_start3A_129] : memref<256x768xf32, #tpu.memory_space<hbm>> -> memref<8x768xf32, #tpu.memory_space<hbm>>
    %dma_start3A_131 = arith.constant 0 : i32
    %dma_start3A_132 = tpu.memref_slice %arg4[%mul3A_128, %dma_start3A_131] : memref<256x768xf32, #tpu.memory_space<hbm>> -> memref<8x768xf32, #tpu.memory_space<hbm>>
    tpu.enqueue_dma source(%dma_start3A_132 : memref<8x768xf32, #tpu.memory_space<hbm>>) target(%arg8 : memref<8x768xf32, #tpu.memory_space<vmem>>) target_semaphore(%arg35 : memref<!tpu.dma_semaphore, #tpu.memory_space<semaphore_mem>>)
    tpu.enqueue_dma source(%arg5 : memref<1x768xf32, #tpu.memory_space<hbm>>) target(%arg9 : memref<1x768xf32, #tpu.memory_space<vmem>>) target_semaphore(%arg35 : memref<!tpu.dma_semaphore, #tpu.memory_space<semaphore_mem>>)
    %dma_wait3A_133 = arith.constant 0 : i32
    %dma_wait3A_134 = arith.constant 0 : i32
    %dma_wait3A_135 = tpu.memref_slice %arg4[%dma_wait3A_133, %dma_wait3A_134] : memref<256x768xf32, #tpu.memory_space<hbm>> -> memref<8x768xf32, #tpu.memory_space<hbm>>
    %dma_wait3A_136 = arith.constant 0 : i32
    %dma_wait3A_137 = arith.constant 0 : i32
    %dma_wait3A_138 = tpu.memref_slice %arg4[%dma_wait3A_136, %dma_wait3A_137] : memref<256x768xf32, #tpu.memory_space<hbm>> -> memref<8x768xf32, #tpu.memory_space<hbm>>
    tpu.wait_dma2 semaphore(%arg35 : memref<!tpu.dma_semaphore, #tpu.memory_space<semaphore_mem>>) src(%dma_wait3A_138 : memref<8x768xf32, #tpu.memory_space<hbm>>) dst(%arg8 : memref<8x768xf32, #tpu.memory_space<vmem>>)
    tpu.wait_dma2 semaphore(%arg35 : memref<!tpu.dma_semaphore, #tpu.memory_space<semaphore_mem>>) src(%arg5 : memref<1x768xf32, #tpu.memory_space<hbm>>) dst(%arg9 : memref<1x768xf32, #tpu.memory_space<vmem>>)
    %scan3A = arith.constant 0 : i32
    %scan3A_139 = arith.constant 4 : i32
    %scan3A_140 = arith.addi %scan3A, %scan3A_139 : i32
    %scan3A_141 = arith.constant 1 : i32
    scf.for %scan3A_191 = %scan3A to %scan3A_140 step %scan3A_141  : i32 {
      %mul3A_192 = arith.constant 1 : i32
      %mul3A_193 = arith.muli %scan3A_191, %mul3A_192 : i32
      %add3A_194 = arith.constant 0 : i32
      %add3A_195 = arith.addi %add3A_194, %mul3A_193 : i32
      %mul3A_196 = arith.constant 4 : i32
      %mul3A_197 = arith.muli %add3A_195, %mul3A_196 : i32
      %add3A_198 = arith.constant 0 : i32
      %add3A_199 = arith.addi %mul3A_197, %add3A_198 : i32
      %add3A_200 = arith.constant 1 : i32
      %add3A_201 = arith.addi %add3A_199, %add3A_200 : i32
      %lt3A = arith.constant 16 : i32
      %lt3A_202 = arith.cmpi slt, %add3A_201, %lt3A : i32
      %convert_element_type3A = arith.extui %lt3A_202 : i1 to i32
      %cond3A = arith.constant 0 : i32
      %cond3A_203 = arith.cmpi ne, %convert_element_type3A, %cond3A : i32
      scf.if %cond3A_203 {
        %gt3A = arith.constant 0 : i32
        %gt3A_529 = arith.cmpi sgt, %add3A_195, %gt3A : i32
        %convert_element_type3A_530 = arith.extui %gt3A_529 : i1 to i32
        %cond3A_531 = arith.constant 0 : i32
        %cond3A_532 = arith.cmpi ne, %convert_element_type3A_530, %cond3A_531 : i32
        scf.if %cond3A_532 {
          %dma_wait3A_588 = arith.constant 0 : i32
          %dma_wait3A_589 = arith.constant 0 : i32
          %dma_wait3A_590 = tpu.memref_slice %arg6[%dma_wait3A_588, %dma_wait3A_589] : memref<32768x768xf32, #tpu.memory_space<hbm>> -> memref<16x768xf32, #tpu.memory_space<hbm>>
          %dma_wait3A_591 = arith.constant 0 : i32
          %dma_wait3A_592 = arith.constant 0 : i32
          %dma_wait3A_593 = tpu.memref_slice %arg6[%dma_wait3A_591, %dma_wait3A_592] : memref<32768x768xf32, #tpu.memory_space<hbm>> -> memref<16x768xf32, #tpu.memory_space<hbm>>
          tpu.wait_dma2 semaphore(%arg31 : memref<!tpu.dma_semaphore, #tpu.memory_space<semaphore_mem>>) src(%arg15 : memref<16x768xf32, #tpu.memory_space<vmem>>) dst(%dma_wait3A_593 : memref<16x768xf32, #tpu.memory_space<hbm>>)
        } else {
        }
        %add3A_533 = arith.constant 1 : i32
        %add3A_534 = arith.addi %add3A_199, %add3A_533 : i32
        %mul3A_535 = arith.constant 16 : i32
        %mul3A_536 = arith.muli %add3A_534, %mul3A_535 : i32
        %dma_start3A_537 = arith.constant 0 : i32
        %dma_start3A_538 = tpu.memref_slice %arg7[%dma_start3A_537, %mul3A_536] : memref<4x256xi32, #tpu.memory_space<vmem>> -> memref<1x16xi32, #tpu.memory_space<vmem>>
        %dma_start3A_539 = tpu.memref_squeeze %dma_start3A_538 : memref<1x16xi32, #tpu.memory_space<vmem>> -> memref<16xi32, #tpu.memory_space<vmem>>
        %dma_start3A_540 = arith.constant 0 : i32
        %dma_start3A_541 = arith.constant 0 : i32
        %dma_start3A_542 = tpu.memref_slice %arg3[%dma_start3A_540, %dma_start3A_541] : memref<100000x768xf32, #tpu.memory_space<hbm>> -> memref<100000x768xf32, #tpu.memory_space<hbm>>
        tpu.enqueue_indirect_dma source(%dma_start3A_542 : memref<100000x768xf32, #tpu.memory_space<hbm>>) target(%arg15 : memref<16x768xf32, #tpu.memory_space<vmem>>) offsets(%dma_start3A_539 : memref<16xi32, #tpu.memory_space<vmem>>) semaphore(%arg23 : memref<!tpu.dma_semaphore, #tpu.memory_space<semaphore_mem>>)
        %gt3A_543 = arith.constant 0 : i32
        %gt3A_544 = arith.cmpi sgt, %add3A_195, %gt3A_543 : i32
        %convert_element_type3A_545 = arith.extui %gt3A_544 : i1 to i32
        %cond3A_546 = arith.constant 0 : i32
        %cond3A_547 = arith.cmpi ne, %convert_element_type3A_545, %cond3A_546 : i32
        scf.if %cond3A_547 {
          %dma_wait3A_588 = arith.constant 0 : i32
          %dma_wait3A_589 = arith.constant 0 : i32
          %dma_wait3A_590 = tpu.memref_slice %arg6[%dma_wait3A_588, %dma_wait3A_589] : memref<32768x768xf32, #tpu.memory_space<hbm>> -> memref<16x768xf32, #tpu.memory_space<hbm>>
          %dma_wait3A_591 = arith.constant 0 : i32
          %dma_wait3A_592 = arith.constant 0 : i32
          %dma_wait3A_593 = tpu.memref_slice %arg6[%dma_wait3A_591, %dma_wait3A_592] : memref<32768x768xf32, #tpu.memory_space<hbm>> -> memref<16x768xf32, #tpu.memory_space<hbm>>
          tpu.wait_dma2 semaphore(%arg32 : memref<!tpu.dma_semaphore, #tpu.memory_space<semaphore_mem>>) src(%arg16 : memref<16x768xf32, #tpu.memory_space<vmem>>) dst(%dma_wait3A_593 : memref<16x768xf32, #tpu.memory_space<hbm>>)
        } else {
        }
        %add3A_548 = arith.constant 1 : i32
        %add3A_549 = arith.addi %add3A_199, %add3A_548 : i32
        %mul3A_550 = arith.constant 16 : i32
        %mul3A_551 = arith.muli %add3A_549, %mul3A_550 : i32
        %dma_start3A_552 = arith.constant 1 : i32
        %dma_start3A_553 = tpu.memref_slice %arg7[%dma_start3A_552, %mul3A_551] : memref<4x256xi32, #tpu.memory_space<vmem>> -> memref<1x16xi32, #tpu.memory_space<vmem>>
        %dma_start3A_554 = tpu.memref_squeeze %dma_start3A_553 : memref<1x16xi32, #tpu.memory_space<vmem>> -> memref<16xi32, #tpu.memory_space<vmem>>
        %dma_start3A_555 = arith.constant 0 : i32
        %dma_start3A_556 = arith.constant 0 : i32
        %dma_start3A_557 = tpu.memref_slice %arg3[%dma_start3A_555, %dma_start3A_556] : memref<100000x768xf32, #tpu.memory_space<hbm>> -> memref<100000x768xf32, #tpu.memory_space<hbm>>
        tpu.enqueue_indirect_dma source(%dma_start3A_557 : memref<100000x768xf32, #tpu.memory_space<hbm>>) target(%arg16 : memref<16x768xf32, #tpu.memory_space<vmem>>) offsets(%dma_start3A_554 : memref<16xi32, #tpu.memory_space<vmem>>) semaphore(%arg24 : memref<!tpu.dma_semaphore, #tpu.memory_space<semaphore_mem>>)
        %gt3A_558 = arith.constant 0 : i32
        %gt3A_559 = arith.cmpi sgt, %add3A_195, %gt3A_558 : i32
        %convert_element_type3A_560 = arith.extui %gt3A_559 : i1 to i32
        %cond3A_561 = arith.constant 0 : i32
        %cond3A_562 = arith.cmpi ne, %convert_element_type3A_560, %cond3A_561 : i32
        scf.if %cond3A_562 {
          %dma_wait3A_588 = arith.constant 0 : i32
          %dma_wait3A_589 = arith.constant 0 : i32
          %dma_wait3A_590 = tpu.memref_slice %arg6[%dma_wait3A_588, %dma_wait3A_589] : memref<32768x768xf32, #tpu.memory_space<hbm>> -> memref<16x768xf32, #tpu.memory_space<hbm>>
          %dma_wait3A_591 = arith.constant 0 : i32
          %dma_wait3A_592 = arith.constant 0 : i32
          %dma_wait3A_593 = tpu.memref_slice %arg6[%dma_wait3A_591, %dma_wait3A_592] : memref<32768x768xf32, #tpu.memory_space<hbm>> -> memref<16x768xf32, #tpu.memory_space<hbm>>
          tpu.wait_dma2 semaphore(%arg33 : memref<!tpu.dma_semaphore, #tpu.memory_space<semaphore_mem>>) src(%arg17 : memref<16x768xf32, #tpu.memory_space<vmem>>) dst(%dma_wait3A_593 : memref<16x768xf32, #tpu.memory_space<hbm>>)
        } else {
        }
        %add3A_563 = arith.constant 1 : i32
        %add3A_564 = arith.addi %add3A_199, %add3A_563 : i32
        %mul3A_565 = arith.constant 16 : i32
        %mul3A_566 = arith.muli %add3A_564, %mul3A_565 : i32
        %dma_start3A_567 = arith.constant 2 : i32
        %dma_start3A_568 = tpu.memref_slice %arg7[%dma_start3A_567, %mul3A_566] : memref<4x256xi32, #tpu.memory_space<vmem>> -> memref<1x16xi32, #tpu.memory_space<vmem>>
        %dma_start3A_569 = tpu.memref_squeeze %dma_start3A_568 : memref<1x16xi32, #tpu.memory_space<vmem>> -> memref<16xi32, #tpu.memory_space<vmem>>
        %dma_start3A_570 = arith.constant 0 : i32
        %dma_start3A_571 = arith.constant 0 : i32
        %dma_start3A_572 = tpu.memref_slice %arg3[%dma_start3A_570, %dma_start3A_571] : memref<100000x768xf32, #tpu.memory_space<hbm>> -> memref<100000x768xf32, #tpu.memory_space<hbm>>
        tpu.enqueue_indirect_dma source(%dma_start3A_572 : memref<100000x768xf32, #tpu.memory_space<hbm>>) target(%arg17 : memref<16x768xf32, #tpu.memory_space<vmem>>) offsets(%dma_start3A_569 : memref<16xi32, #tpu.memory_space<vmem>>) semaphore(%arg25 : memref<!tpu.dma_semaphore, #tpu.memory_space<semaphore_mem>>)
        %gt3A_573 = arith.constant 0 : i32
        %gt3A_574 = arith.cmpi sgt, %add3A_195, %gt3A_573 : i32
        %convert_element_type3A_575 = arith.extui %gt3A_574 : i1 to i32
        %cond3A_576 = arith.constant 0 : i32
        %cond3A_577 = arith.cmpi ne, %convert_element_type3A_575, %cond3A_576 : i32
        scf.if %cond3A_577 {
          %dma_wait3A_588 = arith.constant 0 : i32
          %dma_wait3A_589 = arith.constant 0 : i32
          %dma_wait3A_590 = tpu.memref_slice %arg6[%dma_wait3A_588, %dma_wait3A_589] : memref<32768x768xf32, #tpu.memory_space<hbm>> -> memref<16x768xf32, #tpu.memory_space<hbm>>
          %dma_wait3A_591 = arith.constant 0 : i32
          %dma_wait3A_592 = arith.constant 0 : i32
          %dma_wait3A_593 = tpu.memref_slice %arg6[%dma_wait3A_591, %dma_wait3A_592] : memref<32768x768xf32, #tpu.memory_space<hbm>> -> memref<16x768xf32, #tpu.memory_space<hbm>>
          tpu.wait_dma2 semaphore(%arg34 : memref<!tpu.dma_semaphore, #tpu.memory_space<semaphore_mem>>) src(%arg18 : memref<16x768xf32, #tpu.memory_space<vmem>>) dst(%dma_wait3A_593 : memref<16x768xf32, #tpu.memory_space<hbm>>)
        } else {
        }
        %add3A_578 = arith.constant 1 : i32
        %add3A_579 = arith.addi %add3A_199, %add3A_578 : i32
        %mul3A_580 = arith.constant 16 : i32
        %mul3A_581 = arith.muli %add3A_579, %mul3A_580 : i32
        %dma_start3A_582 = arith.constant 3 : i32
        %dma_start3A_583 = tpu.memref_slice %arg7[%dma_start3A_582, %mul3A_581] : memref<4x256xi32, #tpu.memory_space<vmem>> -> memref<1x16xi32, #tpu.memory_space<vmem>>
        %dma_start3A_584 = tpu.memref_squeeze %dma_start3A_583 : memref<1x16xi32, #tpu.memory_space<vmem>> -> memref<16xi32, #tpu.memory_space<vmem>>
        %dma_start3A_585 = arith.constant 0 : i32
        %dma_start3A_586 = arith.constant 0 : i32
        %dma_start3A_587 = tpu.memref_slice %arg3[%dma_start3A_585, %dma_start3A_586] : memref<100000x768xf32, #tpu.memory_space<hbm>> -> memref<100000x768xf32, #tpu.memory_space<hbm>>
        tpu.enqueue_indirect_dma source(%dma_start3A_587 : memref<100000x768xf32, #tpu.memory_space<hbm>>) target(%arg18 : memref<16x768xf32, #tpu.memory_space<vmem>>) offsets(%dma_start3A_584 : memref<16xi32, #tpu.memory_space<vmem>>) semaphore(%arg26 : memref<!tpu.dma_semaphore, #tpu.memory_space<semaphore_mem>>)
      } else {
      }
      %mul3A_204 = arith.constant 16 : i32
      %mul3A_205 = arith.muli %add3A_199, %mul3A_204 : i32
      %dma_wait3A_206 = arith.constant 0 : i32
      %dma_wait3A_207 = tpu.memref_slice %arg7[%dma_wait3A_206, %mul3A_205] : memref<4x256xi32, #tpu.memory_space<vmem>> -> memref<1x16xi32, #tpu.memory_space<vmem>>
      %dma_wait3A_208 = tpu.memref_squeeze %dma_wait3A_207 : memref<1x16xi32, #tpu.memory_space<vmem>> -> memref<16xi32, #tpu.memory_space<vmem>>
      %dma_wait3A_209 = arith.constant 0 : i32
      %dma_wait3A_210 = arith.constant 0 : i32
      %dma_wait3A_211 = tpu.memref_slice %arg3[%dma_wait3A_209, %dma_wait3A_210] : memref<100000x768xf32, #tpu.memory_space<hbm>> -> memref<100000x768xf32, #tpu.memory_space<hbm>>
      tpu.wait_indirect_dma semaphore(%arg19 : memref<!tpu.dma_semaphore, #tpu.memory_space<semaphore_mem>>) src(%dma_wait3A_211 : memref<100000x768xf32, #tpu.memory_space<hbm>>) dst(%arg11 : memref<16x768xf32, #tpu.memory_space<vmem>>)
      %mul3A_212 = arith.constant 16 : i32
      %mul3A_213 = arith.muli %add3A_199, %mul3A_212 : i32
      %dma_wait3A_214 = arith.constant 1 : i32
      %dma_wait3A_215 = tpu.memref_slice %arg7[%dma_wait3A_214, %mul3A_213] : memref<4x256xi32, #tpu.memory_space<vmem>> -> memref<1x16xi32, #tpu.memory_space<vmem>>
      %dma_wait3A_216 = tpu.memref_squeeze %dma_wait3A_215 : memref<1x16xi32, #tpu.memory_space<vmem>> -> memref<16xi32, #tpu.memory_space<vmem>>
      %dma_wait3A_217 = arith.constant 0 : i32
      %dma_wait3A_218 = arith.constant 0 : i32
      %dma_wait3A_219 = tpu.memref_slice %arg3[%dma_wait3A_217, %dma_wait3A_218] : memref<100000x768xf32, #tpu.memory_space<hbm>> -> memref<100000x768xf32, #tpu.memory_space<hbm>>
      tpu.wait_indirect_dma semaphore(%arg20 : memref<!tpu.dma_semaphore, #tpu.memory_space<semaphore_mem>>) src(%dma_wait3A_219 : memref<100000x768xf32, #tpu.memory_space<hbm>>) dst(%arg12 : memref<16x768xf32, #tpu.memory_space<vmem>>)
      %mul3A_220 = arith.constant 16 : i32
      %mul3A_221 = arith.muli %add3A_199, %mul3A_220 : i32
      %dma_wait3A_222 = arith.constant 2 : i32
      %dma_wait3A_223 = tpu.memref_slice %arg7[%dma_wait3A_222, %mul3A_221] : memref<4x256xi32, #tpu.memory_space<vmem>> -> memref<1x16xi32, #tpu.memory_space<vmem>>
      %dma_wait3A_224 = tpu.memref_squeeze %dma_wait3A_223 : memref<1x16xi32, #tpu.memory_space<vmem>> -> memref<16xi32, #tpu.memory_space<vmem>>
      %dma_wait3A_225 = arith.constant 0 : i32
      %dma_wait3A_226 = arith.constant 0 : i32
      %dma_wait3A_227 = tpu.memref_slice %arg3[%dma_wait3A_225, %dma_wait3A_226] : memref<100000x768xf32, #tpu.memory_space<hbm>> -> memref<100000x768xf32, #tpu.memory_space<hbm>>
      tpu.wait_indirect_dma semaphore(%arg21 : memref<!tpu.dma_semaphore, #tpu.memory_space<semaphore_mem>>) src(%dma_wait3A_227 : memref<100000x768xf32, #tpu.memory_space<hbm>>) dst(%arg13 : memref<16x768xf32, #tpu.memory_space<vmem>>)
      %mul3A_228 = arith.constant 16 : i32
      %mul3A_229 = arith.muli %add3A_199, %mul3A_228 : i32
      %dma_wait3A_230 = arith.constant 3 : i32
      %dma_wait3A_231 = tpu.memref_slice %arg7[%dma_wait3A_230, %mul3A_229] : memref<4x256xi32, #tpu.memory_space<vmem>> -> memref<1x16xi32, #tpu.memory_space<vmem>>
      %dma_wait3A_232 = tpu.memref_squeeze %dma_wait3A_231 : memref<1x16xi32, #tpu.memory_space<vmem>> -> memref<16xi32, #tpu.memory_space<vmem>>
      %dma_wait3A_233 = arith.constant 0 : i32
      %dma_wait3A_234 = arith.constant 0 : i32
      %dma_wait3A_235 = tpu.memref_slice %arg3[%dma_wait3A_233, %dma_wait3A_234] : memref<100000x768xf32, #tpu.memory_space<hbm>> -> memref<100000x768xf32, #tpu.memory_space<hbm>>
      tpu.wait_indirect_dma semaphore(%arg22 : memref<!tpu.dma_semaphore, #tpu.memory_space<semaphore_mem>>) src(%dma_wait3A_235 : memref<100000x768xf32, #tpu.memory_space<hbm>>) dst(%arg14 : memref<16x768xf32, #tpu.memory_space<vmem>>)
      %scan3A_236 = arith.constant 0 : i32
      %scan3A_237 = arith.constant 48 : i32
      %scan3A_238 = arith.addi %scan3A_236, %scan3A_237 : i32
      %scan3A_239 = arith.constant 1 : i32
      scf.for %scan3A_529 = %scan3A_236 to %scan3A_238 step %scan3A_239  : i32 {
        %mul3A_530 = arith.constant 1 : i32
        %mul3A_531 = arith.muli %scan3A_529, %mul3A_530 : i32
        %add3A_532 = arith.constant 0 : i32
        %add3A_533 = arith.addi %add3A_532, %mul3A_531 : i32
        %mul3A_534 = arith.constant 16 : i32
        %mul3A_535 = arith.muli %add3A_533, %mul3A_534 : i32
        %get3A = arith.constant 0 : i32
        %get3A_536 = arith.index_cast %get3A : i32 to index
        %get3A_537 = arith.index_cast %mul3A_535 : i32 to index
        %get3A_538 = tpu.vector_load %arg9[%get3A_536, %get3A_537] {strides = array<i32>} : memref<1x768xf32, #tpu.memory_space<vmem>>, vector<1x16xf32>,
        %get3A_539 = vector.shape_cast %get3A_538 : vector<1x16xf32> to vector<16xf32>
        %mul3A_540 = arith.constant 2 : i32
        %mul3A_541 = arith.muli %mul3A_540, %add3A_195 : i32
        %get3A_542 = arith.index_cast %mul3A_541 : i32 to index
        %get3A_543 = arith.index_cast %mul3A_535 : i32 to index
        %get3A_544 = tpu.vector_load %arg8[%get3A_542, %get3A_543] {strides = array<i32>} : memref<8x768xf32, #tpu.memory_space<vmem>>, vector<1x16xf32>,
        %get3A_545 = vector.shape_cast %get3A_544 : vector<1x16xf32> to vector<16xf32>
        %mul3A_546 = arith.constant 2 : i32
        %mul3A_547 = arith.muli %mul3A_546, %add3A_195 : i32
        %add3A_548 = arith.constant 1 : i32
        %add3A_549 = arith.addi %mul3A_547, %add3A_548 : i32
        %get3A_550 = arith.index_cast %add3A_549 : i32 to index
        %get3A_551 = arith.index_cast %mul3A_535 : i32 to index
        %get3A_552 = tpu.vector_load %arg8[%get3A_550, %get3A_551] {strides = array<i32>} : memref<8x768xf32, #tpu.memory_space<vmem>>, vector<1x16xf32>,
        %get3A_553 = vector.shape_cast %get3A_552 : vector<1x16xf32> to vector<16xf32>
        %swap3A = arith.constant 0 : i32
        %swap3A_554 = arith.index_cast %swap3A : i32 to index
        %swap3A_555 = arith.index_cast %mul3A_535 : i32 to index
        %swap3A_556 = tpu.vector_load %arg11[%swap3A_554, %swap3A_555] {strides = array<i32>} : memref<16x768xf32, #tpu.memory_space<vmem>>, vector<1x16xf32>,
        %swap3A_557 = vector.shape_cast %swap3A_556 : vector<1x16xf32> to vector<16xf32>
        %swap3A_558 = vector.shape_cast %get3A_545 : vector<16xf32> to vector<1x16xf32>
        tpu.vector_store %arg11[%swap3A_554, %swap3A_555], %swap3A_558 {add = true, strides = array<i32>} : memref<16x768xf32, #tpu.memory_space<vmem>>, vector<1x16xf32>,
        %swap3A_559 = arith.constant 0 : i32
        %swap3A_560 = arith.index_cast %swap3A_559 : i32 to index
        %swap3A_561 = arith.index_cast %mul3A_535 : i32 to index
        %swap3A_562 = tpu.vector_load %arg12[%swap3A_560, %swap3A_561] {strides = array<i32>} : memref<16x768xf32, #tpu.memory_space<vmem>>, vector<1x16xf32>,
        %swap3A_563 = vector.shape_cast %swap3A_562 : vector<1x16xf32> to vector<16xf32>
        %swap3A_564 = vector.shape_cast %get3A_545 : vector<16xf32> to vector<1x16xf32>
        tpu.vector_store %arg12[%swap3A_560, %swap3A_561], %swap3A_564 {add = true, strides = array<i32>} : memref<16x768xf32, #tpu.memory_space<vmem>>, vector<1x16xf32>,
        %swap3A_565 = arith.constant 0 : i32
        %swap3A_566 = arith.index_cast %swap3A_565 : i32 to index
        %swap3A_567 = arith.index_cast %mul3A_535 : i32 to index
        %swap3A_568 = tpu.vector_load %arg13[%swap3A_566, %swap3A_567] {strides = array<i32>} : memref<16x768xf32, #tpu.memory_space<vmem>>, vector<1x16xf32>,
        %swap3A_569 = vector.shape_cast %swap3A_568 : vector<1x16xf32> to vector<16xf32>
        %swap3A_570 = vector.shape_cast %get3A_545 : vector<16xf32> to vector<1x16xf32>
        tpu.vector_store %arg13[%swap3A_566, %swap3A_567], %swap3A_570 {add = true, strides = array<i32>} : memref<16x768xf32, #tpu.memory_space<vmem>>, vector<1x16xf32>,
        %swap3A_571 = arith.constant 0 : i32
        %swap3A_572 = arith.index_cast %swap3A_571 : i32 to index
        %swap3A_573 = arith.index_cast %mul3A_535 : i32 to index
        %swap3A_574 = tpu.vector_load %arg14[%swap3A_572, %swap3A_573] {strides = array<i32>} : memref<16x768xf32, #tpu.memory_space<vmem>>, vector<1x16xf32>,
        %swap3A_575 = vector.shape_cast %swap3A_574 : vector<1x16xf32> to vector<16xf32>
        %swap3A_576 = vector.shape_cast %get3A_545 : vector<16xf32> to vector<1x16xf32>
        tpu.vector_store %arg14[%swap3A_572, %swap3A_573], %swap3A_576 {add = true, strides = array<i32>} : memref<16x768xf32, #tpu.memory_space<vmem>>, vector<1x16xf32>,
        %swap3A_577 = arith.constant 1 : i32
        %swap3A_578 = arith.index_cast %swap3A_577 : i32 to index
        %swap3A_579 = arith.index_cast %mul3A_535 : i32 to index
        %swap3A_580 = tpu.vector_load %arg11[%swap3A_578, %swap3A_579] {strides = array<i32>} : memref<16x768xf32, #tpu.memory_space<vmem>>, vector<1x16xf32>,
        %swap3A_581 = vector.shape_cast %swap3A_580 : vector<1x16xf32> to vector<16xf32>
        %swap3A_582 = vector.shape_cast %get3A_553 : vector<16xf32> to vector<1x16xf32>
        tpu.vector_store %arg11[%swap3A_578, %swap3A_579], %swap3A_582 {add = true, strides = array<i32>} : memref<16x768xf32, #tpu.memory_space<vmem>>, vector<1x16xf32>,
        %swap3A_583 = arith.constant 1 : i32
        %swap3A_584 = arith.index_cast %swap3A_583 : i32 to index
        %swap3A_585 = arith.index_cast %mul3A_535 : i32 to index
        %swap3A_586 = tpu.vector_load %arg12[%swap3A_584, %swap3A_585] {strides = array<i32>} : memref<16x768xf32, #tpu.memory_space<vmem>>, vector<1x16xf32>,
        %swap3A_587 = vector.shape_cast %swap3A_586 : vector<1x16xf32> to vector<16xf32>
        %swap3A_588 = vector.shape_cast %get3A_553 : vector<16xf32> to vector<1x16xf32>
        tpu.vector_store %arg12[%swap3A_584, %swap3A_585], %swap3A_588 {add = true, strides = array<i32>} : memref<16x768xf32, #tpu.memory_space<vmem>>, vector<1x16xf32>,
        %swap3A_589 = arith.constant 1 : i32
        %swap3A_590 = arith.index_cast %swap3A_589 : i32 to index
        %swap3A_591 = arith.index_cast %mul3A_535 : i32 to index
        %swap3A_592 = tpu.vector_load %arg13[%swap3A_590, %swap3A_591] {strides = array<i32>} : memref<16x768xf32, #tpu.memory_space<vmem>>, vector<1x16xf32>,
        %swap3A_593 = vector.shape_cast %swap3A_592 : vector<1x16xf32> to vector<16xf32>
        %swap3A_594 = vector.shape_cast %get3A_553 : vector<16xf32> to vector<1x16xf32>
        tpu.vector_store %arg13[%swap3A_590, %swap3A_591], %swap3A_594 {add = true, strides = array<i32>} : memref<16x768xf32, #tpu.memory_space<vmem>>, vector<1x16xf32>,
        %swap3A_595 = arith.constant 1 : i32
        %swap3A_596 = arith.index_cast %swap3A_595 : i32 to index
        %swap3A_597 = arith.index_cast %mul3A_535 : i32 to index
        %swap3A_598 = tpu.vector_load %arg14[%swap3A_596, %swap3A_597] {strides = array<i32>} : memref<16x768xf32, #tpu.memory_space<vmem>>, vector<1x16xf32>,
        %swap3A_599 = vector.shape_cast %swap3A_598 : vector<1x16xf32> to vector<16xf32>
        %swap3A_600 = vector.shape_cast %get3A_553 : vector<16xf32> to vector<1x16xf32>
        tpu.vector_store %arg14[%swap3A_596, %swap3A_597], %swap3A_600 {add = true, strides = array<i32>} : memref<16x768xf32, #tpu.memory_space<vmem>>, vector<1x16xf32>,
        %mul3A_601 = arith.mulf %get3A_539, %get3A_553 : vector<16xf32>
        %sub3A = arith.subf %mul3A_601, %get3A_545 : vector<16xf32>
        %swap3A_602 = arith.constant 2 : i32
        %swap3A_603 = arith.index_cast %swap3A_602 : i32 to index
        %swap3A_604 = arith.index_cast %mul3A_535 : i32 to index
        %swap3A_605 = tpu.vector_load %arg11[%swap3A_603, %swap3A_604] {strides = array<i32>} : memref<16x768xf32, #tpu.memory_space<vmem>>, vector<1x16xf32>,
        %swap3A_606 = vector.shape_cast %swap3A_605 : vector<1x16xf32> to vector<16xf32>
        %swap3A_607 = vector.shape_cast %sub3A : vector<16xf32> to vector<1x16xf32>
        tpu.vector_store %arg11[%swap3A_603, %swap3A_604], %swap3A_607 {add = true, strides = array<i32>} : memref<16x768xf32, #tpu.memory_space<vmem>>, vector<1x16xf32>,
        %swap3A_608 = arith.constant 2 : i32
        %swap3A_609 = arith.index_cast %swap3A_608 : i32 to index
        %swap3A_610 = arith.index_cast %mul3A_535 : i32 to index
        %swap3A_611 = tpu.vector_load %arg12[%swap3A_609, %swap3A_610] {strides = array<i32>} : memref<16x768xf32, #tpu.memory_space<vmem>>, vector<1x16xf32>,
        %swap3A_612 = vector.shape_cast %swap3A_611 : vector<1x16xf32> to vector<16xf32>
        %swap3A_613 = vector.shape_cast %sub3A : vector<16xf32> to vector<1x16xf32>
        tpu.vector_store %arg12[%swap3A_609, %swap3A_610], %swap3A_613 {add = true, strides = array<i32>} : memref<16x768xf32, #tpu.memory_space<vmem>>, vector<1x16xf32>,
        %swap3A_614 = arith.constant 2 : i32
        %swap3A_615 = arith.index_cast %swap3A_614 : i32 to index
        %swap3A_616 = arith.index_cast %mul3A_535 : i32 to index
        %swap3A_617 = tpu.vector_load %arg13[%swap3A_615, %swap3A_616] {strides = array<i32>} : memref<16x768xf32, #tpu.memory_space<vmem>>, vector<1x16xf32>,
        %swap3A_618 = vector.shape_cast %swap3A_617 : vector<1x16xf32> to vector<16xf32>
        %swap3A_619 = vector.shape_cast %sub3A : vector<16xf32> to vector<1x16xf32>
        tpu.vector_store %arg13[%swap3A_615, %swap3A_616], %swap3A_619 {add = true, strides = array<i32>} : memref<16x768xf32, #tpu.memory_space<vmem>>, vector<1x16xf32>,
        %swap3A_620 = arith.constant 2 : i32
        %swap3A_621 = arith.index_cast %swap3A_620 : i32 to index
        %swap3A_622 = arith.index_cast %mul3A_535 : i32 to index
        %swap3A_623 = tpu.vector_load %arg14[%swap3A_621, %swap3A_622] {strides = array<i32>} : memref<16x768xf32, #tpu.memory_space<vmem>>, vector<1x16xf32>,
        %swap3A_624 = vector.shape_cast %swap3A_623 : vector<1x16xf32> to vector<16xf32>
        %swap3A_625 = vector.shape_cast %sub3A : vector<16xf32> to vector<1x16xf32>
        tpu.vector_store %arg14[%swap3A_621, %swap3A_622], %swap3A_625 {add = true, strides = array<i32>} : memref<16x768xf32, #tpu.memory_space<vmem>>, vector<1x16xf32>,
        %mul3A_626 = arith.mulf %get3A_539, %sub3A : vector<16xf32>
        %sub3A_627 = arith.subf %mul3A_626, %get3A_553 : vector<16xf32>
        %swap3A_628 = arith.constant 3 : i32
        %swap3A_629 = arith.index_cast %swap3A_628 : i32 to index
        %swap3A_630 = arith.index_cast %mul3A_535 : i32 to index
        %swap3A_631 = tpu.vector_load %arg11[%swap3A_629, %swap3A_630] {strides = array<i32>} : memref<16x768xf32, #tpu.memory_space<vmem>>, vector<1x16xf32>,
        %swap3A_632 = vector.shape_cast %swap3A_631 : vector<1x16xf32> to vector<16xf32>
        %swap3A_633 = vector.shape_cast %sub3A_627 : vector<16xf32> to vector<1x16xf32>
        tpu.vector_store %arg11[%swap3A_629, %swap3A_630], %swap3A_633 {add = true, strides = array<i32>} : memref<16x768xf32, #tpu.memory_space<vmem>>, vector<1x16xf32>,
        %swap3A_634 = arith.constant 3 : i32
        %swap3A_635 = arith.index_cast %swap3A_634 : i32 to index
        %swap3A_636 = arith.index_cast %mul3A_535 : i32 to index
        %swap3A_637 = tpu.vector_load %arg12[%swap3A_635, %swap3A_636] {strides = array<i32>} : memref<16x768xf32, #tpu.memory_space<vmem>>, vector<1x16xf32>,
        %swap3A_638 = vector.shape_cast %swap3A_637 : vector<1x16xf32> to vector<16xf32>
        %swap3A_639 = vector.shape_cast %sub3A_627 : vector<16xf32> to vector<1x16xf32>
        tpu.vector_store %arg12[%swap3A_635, %swap3A_636], %swap3A_639 {add = true, strides = array<i32>} : memref<16x768xf32, #tpu.memory_space<vmem>>, vector<1x16xf32>,
        %swap3A_640 = arith.constant 3 : i32
        %swap3A_641 = arith.index_cast %swap3A_640 : i32 to index
        %swap3A_642 = arith.index_cast %mul3A_535 : i32 to index
        %swap3A_643 = tpu.vector_load %arg13[%swap3A_641, %swap3A_642] {strides = array<i32>} : memref<16x768xf32, #tpu.memory_space<vmem>>, vector<1x16xf32>,
        %swap3A_644 = vector.shape_cast %swap3A_643 : vector<1x16xf32> to vector<16xf32>
        %swap3A_645 = vector.shape_cast %sub3A_627 : vector<16xf32> to vector<1x16xf32>
        tpu.vector_store %arg13[%swap3A_641, %swap3A_642], %swap3A_645 {add = true, strides = array<i32>} : memref<16x768xf32, #tpu.memory_space<vmem>>, vector<1x16xf32>,
        %swap3A_646 = arith.constant 3 : i32
        %swap3A_647 = arith.index_cast %swap3A_646 : i32 to index
        %swap3A_648 = arith.index_cast %mul3A_535 : i32 to index
        %swap3A_649 = tpu.vector_load %arg14[%swap3A_647, %swap3A_648] {strides = array<i32>} : memref<16x768xf32, #tpu.memory_space<vmem>>, vector<1x16xf32>,
        %swap3A_650 = vector.shape_cast %swap3A_649 : vector<1x16xf32> to vector<16xf32>
        %swap3A_651 = vector.shape_cast %sub3A_627 : vector<16xf32> to vector<1x16xf32>
        tpu.vector_store %arg14[%swap3A_647, %swap3A_648], %swap3A_651 {add = true, strides = array<i32>} : memref<16x768xf32, #tpu.memory_space<vmem>>, vector<1x16xf32>,
        %mul3A_652 = arith.mulf %get3A_539, %sub3A_627 : vector<16xf32>
        %sub3A_653 = arith.subf %mul3A_652, %sub3A : vector<16xf32>
        %swap3A_654 = arith.constant 4 : i32
        %swap3A_655 = arith.index_cast %swap3A_654 : i32 to index
        %swap3A_656 = arith.index_cast %mul3A_535 : i32 to index
        %swap3A_657 = tpu.vector_load %arg11[%swap3A_655, %swap3A_656] {strides = array<i32>} : memref<16x768xf32, #tpu.memory_space<vmem>>, vector<1x16xf32>,
        %swap3A_658 = vector.shape_cast %swap3A_657 : vector<1x16xf32> to vector<16xf32>
        %swap3A_659 = vector.shape_cast %sub3A_653 : vector<16xf32> to vector<1x16xf32>
        tpu.vector_store %arg11[%swap3A_655, %swap3A_656], %swap3A_659 {add = true, strides = array<i32>} : memref<16x768xf32, #tpu.memory_space<vmem>>, vector<1x16xf32>,
        %swap3A_660 = arith.constant 4 : i32
        %swap3A_661 = arith.index_cast %swap3A_660 : i32 to index
        %swap3A_662 = arith.index_cast %mul3A_535 : i32 to index
        %swap3A_663 = tpu.vector_load %arg12[%swap3A_661, %swap3A_662] {strides = array<i32>} : memref<16x768xf32, #tpu.memory_space<vmem>>, vector<1x16xf32>,
        %swap3A_664 = vector.shape_cast %swap3A_663 : vector<1x16xf32> to vector<16xf32>
        %swap3A_665 = vector.shape_cast %sub3A_653 : vector<16xf32> to vector<1x16xf32>
        tpu.vector_store %arg12[%swap3A_661, %swap3A_662], %swap3A_665 {add = true, strides = array<i32>} : memref<16x768xf32, #tpu.memory_space<vmem>>, vector<1x16xf32>,
        %swap3A_666 = arith.constant 4 : i32
        %swap3A_667 = arith.index_cast %swap3A_666 : i32 to index
        %swap3A_668 = arith.index_cast %mul3A_535 : i32 to index
        %swap3A_669 = tpu.vector_load %arg13[%swap3A_667, %swap3A_668] {strides = array<i32>} : memref<16x768xf32, #tpu.memory_space<vmem>>, vector<1x16xf32>,
        %swap3A_670 = vector.shape_cast %swap3A_669 : vector<1x16xf32> to vector<16xf32>
        %swap3A_671 = vector.shape_cast %sub3A_653 : vector<16xf32> to vector<1x16xf32>
        tpu.vector_store %arg13[%swap3A_667, %swap3A_668], %swap3A_671 {add = true, strides = array<i32>} : memref<16x768xf32, #tpu.memory_space<vmem>>, vector<1x16xf32>,
        %swap3A_672 = arith.constant 4 : i32
        %swap3A_673 = arith.index_cast %swap3A_672 : i32 to index
        %swap3A_674 = arith.index_cast %mul3A_535 : i32 to index
        %swap3A_675 = tpu.vector_load %arg14[%swap3A_673, %swap3A_674] {strides = array<i32>} : memref<16x768xf32, #tpu.memory_space<vmem>>, vector<1x16xf32>,
        %swap3A_676 = vector.shape_cast %swap3A_675 : vector<1x16xf32> to vector<16xf32>
        %swap3A_677 = vector.shape_cast %sub3A_653 : vector<16xf32> to vector<1x16xf32>
        tpu.vector_store %arg14[%swap3A_673, %swap3A_674], %swap3A_677 {add = true, strides = array<i32>} : memref<16x768xf32, #tpu.memory_space<vmem>>, vector<1x16xf32>,
        %mul3A_678 = arith.mulf %get3A_539, %sub3A_653 : vector<16xf32>
        %sub3A_679 = arith.subf %mul3A_678, %sub3A_627 : vector<16xf32>
        %swap3A_680 = arith.constant 5 : i32
        %swap3A_681 = arith.index_cast %swap3A_680 : i32 to index
        %swap3A_682 = arith.index_cast %mul3A_535 : i32 to index
        %swap3A_683 = tpu.vector_load %arg11[%swap3A_681, %swap3A_682] {strides = array<i32>} : memref<16x768xf32, #tpu.memory_space<vmem>>, vector<1x16xf32>,
        %swap3A_684 = vector.shape_cast %swap3A_683 : vector<1x16xf32> to vector<16xf32>
        %swap3A_685 = vector.shape_cast %sub3A_679 : vector<16xf32> to vector<1x16xf32>
        tpu.vector_store %arg11[%swap3A_681, %swap3A_682], %swap3A_685 {add = true, strides = array<i32>} : memref<16x768xf32, #tpu.memory_space<vmem>>, vector<1x16xf32>,
        %swap3A_686 = arith.constant 5 : i32
        %swap3A_687 = arith.index_cast %swap3A_686 : i32 to index
        %swap3A_688 = arith.index_cast %mul3A_535 : i32 to index
        %swap3A_689 = tpu.vector_load %arg12[%swap3A_687, %swap3A_688] {strides = array<i32>} : memref<16x768xf32, #tpu.memory_space<vmem>>, vector<1x16xf32>,
        %swap3A_690 = vector.shape_cast %swap3A_689 : vector<1x16xf32> to vector<16xf32>
        %swap3A_691 = vector.shape_cast %sub3A_679 : vector<16xf32> to vector<1x16xf32>
        tpu.vector_store %arg12[%swap3A_687, %swap3A_688], %swap3A_691 {add = true, strides = array<i32>} : memref<16x768xf32, #tpu.memory_space<vmem>>, vector<1x16xf32>,
        %swap3A_692 = arith.constant 5 : i32
        %swap3A_693 = arith.index_cast %swap3A_692 : i32 to index
        %swap3A_694 = arith.index_cast %mul3A_535 : i32 to index
        %swap3A_695 = tpu.vector_load %arg13[%swap3A_693, %swap3A_694] {strides = array<i32>} : memref<16x768xf32, #tpu.memory_space<vmem>>, vector<1x16xf32>,
        %swap3A_696 = vector.shape_cast %swap3A_695 : vector<1x16xf32> to vector<16xf32>
        %swap3A_697 = vector.shape_cast %sub3A_679 : vector<16xf32> to vector<1x16xf32>
        tpu.vector_store %arg13[%swap3A_693, %swap3A_694], %swap3A_697 {add = true, strides = array<i32>} : memref<16x768xf32, #tpu.memory_space<vmem>>, vector<1x16xf32>,
        %swap3A_698 = arith.constant 5 : i32
        %swap3A_699 = arith.index_cast %swap3A_698 : i32 to index
        %swap3A_700 = arith.index_cast %mul3A_535 : i32 to index
        %swap3A_701 = tpu.vector_load %arg14[%swap3A_699, %swap3A_700] {strides = array<i32>} : memref<16x768xf32, #tpu.memory_space<vmem>>, vector<1x16xf32>,
        %swap3A_702 = vector.shape_cast %swap3A_701 : vector<1x16xf32> to vector<16xf32>
        %swap3A_703 = vector.shape_cast %sub3A_679 : vector<16xf32> to vector<1x16xf32>
        tpu.vector_store %arg14[%swap3A_699, %swap3A_700], %swap3A_703 {add = true, strides = array<i32>} : memref<16x768xf32, #tpu.memory_space<vmem>>, vector<1x16xf32>,
        %mul3A_704 = arith.mulf %get3A_539, %sub3A_679 : vector<16xf32>
        %sub3A_705 = arith.subf %mul3A_704, %sub3A_653 : vector<16xf32>
        %swap3A_706 = arith.constant 6 : i32
        %swap3A_707 = arith.index_cast %swap3A_706 : i32 to index
        %swap3A_708 = arith.index_cast %mul3A_535 : i32 to index
        %swap3A_709 = tpu.vector_load %arg11[%swap3A_707, %swap3A_708] {strides = array<i32>} : memref<16x768xf32, #tpu.memory_space<vmem>>, vector<1x16xf32>,
        %swap3A_710 = vector.shape_cast %swap3A_709 : vector<1x16xf32> to vector<16xf32>
        %swap3A_711 = vector.shape_cast %sub3A_705 : vector<16xf32> to vector<1x16xf32>
        tpu.vector_store %arg11[%swap3A_707, %swap3A_708], %swap3A_711 {add = true, strides = array<i32>} : memref<16x768xf32, #tpu.memory_space<vmem>>, vector<1x16xf32>,
        %swap3A_712 = arith.constant 6 : i32
        %swap3A_713 = arith.index_cast %swap3A_712 : i32 to index
        %swap3A_714 = arith.index_cast %mul3A_535 : i32 to index
        %swap3A_715 = tpu.vector_load %arg12[%swap3A_713, %swap3A_714] {strides = array<i32>} : memref<16x768xf32, #tpu.memory_space<vmem>>, vector<1x16xf32>,
        %swap3A_716 = vector.shape_cast %swap3A_715 : vector<1x16xf32> to vector<16xf32>
        %swap3A_717 = vector.shape_cast %sub3A_705 : vector<16xf32> to vector<1x16xf32>
        tpu.vector_store %arg12[%swap3A_713, %swap3A_714], %swap3A_717 {add = true, strides = array<i32>} : memref<16x768xf32, #tpu.memory_space<vmem>>, vector<1x16xf32>,
        %swap3A_718 = arith.constant 6 : i32
        %swap3A_719 = arith.index_cast %swap3A_718 : i32 to index
        %swap3A_720 = arith.index_cast %mul3A_535 : i32 to index
        %swap3A_721 = tpu.vector_load %arg13[%swap3A_719, %swap3A_720] {strides = array<i32>} : memref<16x768xf32, #tpu.memory_space<vmem>>, vector<1x16xf32>,
        %swap3A_722 = vector.shape_cast %swap3A_721 : vector<1x16xf32> to vector<16xf32>
        %swap3A_723 = vector.shape_cast %sub3A_705 : vector<16xf32> to vector<1x16xf32>
        tpu.vector_store %arg13[%swap3A_719, %swap3A_720], %swap3A_723 {add = true, strides = array<i32>} : memref<16x768xf32, #tpu.memory_space<vmem>>, vector<1x16xf32>,
        %swap3A_724 = arith.constant 6 : i32
        %swap3A_725 = arith.index_cast %swap3A_724 : i32 to index
        %swap3A_726 = arith.index_cast %mul3A_535 : i32 to index
        %swap3A_727 = tpu.vector_load %arg14[%swap3A_725, %swap3A_726] {strides = array<i32>} : memref<16x768xf32, #tpu.memory_space<vmem>>, vector<1x16xf32>,
        %swap3A_728 = vector.shape_cast %swap3A_727 : vector<1x16xf32> to vector<16xf32>
        %swap3A_729 = vector.shape_cast %sub3A_705 : vector<16xf32> to vector<1x16xf32>
        tpu.vector_store %arg14[%swap3A_725, %swap3A_726], %swap3A_729 {add = true, strides = array<i32>} : memref<16x768xf32, #tpu.memory_space<vmem>>, vector<1x16xf32>,
        %mul3A_730 = arith.mulf %get3A_539, %sub3A_705 : vector<16xf32>
        %sub3A_731 = arith.subf %mul3A_730, %sub3A_679 : vector<16xf32>
        %swap3A_732 = arith.constant 7 : i32
        %swap3A_733 = arith.index_cast %swap3A_732 : i32 to index
        %swap3A_734 = arith.index_cast %mul3A_535 : i32 to index
        %swap3A_735 = tpu.vector_load %arg11[%swap3A_733, %swap3A_734] {strides = array<i32>} : memref<16x768xf32, #tpu.memory_space<vmem>>, vector<1x16xf32>,
        %swap3A_736 = vector.shape_cast %swap3A_735 : vector<1x16xf32> to vector<16xf32>
        %swap3A_737 = vector.shape_cast %sub3A_731 : vector<16xf32> to vector<1x16xf32>
        tpu.vector_store %arg11[%swap3A_733, %swap3A_734], %swap3A_737 {add = true, strides = array<i32>} : memref<16x768xf32, #tpu.memory_space<vmem>>, vector<1x16xf32>,
        %swap3A_738 = arith.constant 7 : i32
        %swap3A_739 = arith.index_cast %swap3A_738 : i32 to index
        %swap3A_740 = arith.index_cast %mul3A_535 : i32 to index
        %swap3A_741 = tpu.vector_load %arg12[%swap3A_739, %swap3A_740] {strides = array<i32>} : memref<16x768xf32, #tpu.memory_space<vmem>>, vector<1x16xf32>,
        %swap3A_742 = vector.shape_cast %swap3A_741 : vector<1x16xf32> to vector<16xf32>
        %swap3A_743 = vector.shape_cast %sub3A_731 : vector<16xf32> to vector<1x16xf32>
        tpu.vector_store %arg12[%swap3A_739, %swap3A_740], %swap3A_743 {add = true, strides = array<i32>} : memref<16x768xf32, #tpu.memory_space<vmem>>, vector<1x16xf32>,
        %swap3A_744 = arith.constant 7 : i32
        %swap3A_745 = arith.index_cast %swap3A_744 : i32 to index
        %swap3A_746 = arith.index_cast %mul3A_535 : i32 to index
        %swap3A_747 = tpu.vector_load %arg13[%swap3A_745, %swap3A_746] {strides = array<i32>} : memref<16x768xf32, #tpu.memory_space<vmem>>, vector<1x16xf32>,
        %swap3A_748 = vector.shape_cast %swap3A_747 : vector<1x16xf32> to vector<16xf32>
        %swap3A_749 = vector.shape_cast %sub3A_731 : vector<16xf32> to vector<1x16xf32>
        tpu.vector_store %arg13[%swap3A_745, %swap3A_746], %swap3A_749 {add = true, strides = array<i32>} : memref<16x768xf32, #tpu.memory_space<vmem>>, vector<1x16xf32>,
        %swap3A_750 = arith.constant 7 : i32
        %swap3A_751 = arith.index_cast %swap3A_750 : i32 to index
        %swap3A_752 = arith.index_cast %mul3A_535 : i32 to index
        %swap3A_753 = tpu.vector_load %arg14[%swap3A_751, %swap3A_752] {strides = array<i32>} : memref<16x768xf32, #tpu.memory_space<vmem>>, vector<1x16xf32>,
        %swap3A_754 = vector.shape_cast %swap3A_753 : vector<1x16xf32> to vector<16xf32>
        %swap3A_755 = vector.shape_cast %sub3A_731 : vector<16xf32> to vector<1x16xf32>
        tpu.vector_store %arg14[%swap3A_751, %swap3A_752], %swap3A_755 {add = true, strides = array<i32>} : memref<16x768xf32, #tpu.memory_space<vmem>>, vector<1x16xf32>,
        %mul3A_756 = arith.mulf %get3A_539, %sub3A_731 : vector<16xf32>
        %sub3A_757 = arith.subf %mul3A_756, %sub3A_705 : vector<16xf32>
        %swap3A_758 = arith.constant 8 : i32
        %swap3A_759 = arith.index_cast %swap3A_758 : i32 to index
        %swap3A_760 = arith.index_cast %mul3A_535 : i32 to index
        %swap3A_761 = tpu.vector_load %arg11[%swap3A_759, %swap3A_760] {strides = array<i32>} : memref<16x768xf32, #tpu.memory_space<vmem>>, vector<1x16xf32>,
        %swap3A_762 = vector.shape_cast %swap3A_761 : vector<1x16xf32> to vector<16xf32>
        %swap3A_763 = vector.shape_cast %sub3A_757 : vector<16xf32> to vector<1x16xf32>
        tpu.vector_store %arg11[%swap3A_759, %swap3A_760], %swap3A_763 {add = true, strides = array<i32>} : memref<16x768xf32, #tpu.memory_space<vmem>>, vector<1x16xf32>,
        %swap3A_764 = arith.constant 8 : i32
        %swap3A_765 = arith.index_cast %swap3A_764 : i32 to index
        %swap3A_766 = arith.index_cast %mul3A_535 : i32 to index
        %swap3A_767 = tpu.vector_load %arg12[%swap3A_765, %swap3A_766] {strides = array<i32>} : memref<16x768xf32, #tpu.memory_space<vmem>>, vector<1x16xf32>,
        %swap3A_768 = vector.shape_cast %swap3A_767 : vector<1x16xf32> to vector<16xf32>
        %swap3A_769 = vector.shape_cast %sub3A_757 : vector<16xf32> to vector<1x16xf32>
        tpu.vector_store %arg12[%swap3A_765, %swap3A_766], %swap3A_769 {add = true, strides = array<i32>} : memref<16x768xf32, #tpu.memory_space<vmem>>, vector<1x16xf32>,
        %swap3A_770 = arith.constant 8 : i32
        %swap3A_771 = arith.index_cast %swap3A_770 : i32 to index
        %swap3A_772 = arith.index_cast %mul3A_535 : i32 to index
        %swap3A_773 = tpu.vector_load %arg13[%swap3A_771, %swap3A_772] {strides = array<i32>} : memref<16x768xf32, #tpu.memory_space<vmem>>, vector<1x16xf32>,
        %swap3A_774 = vector.shape_cast %swap3A_773 : vector<1x16xf32> to vector<16xf32>
        %swap3A_775 = vector.shape_cast %sub3A_757 : vector<16xf32> to vector<1x16xf32>
        tpu.vector_store %arg13[%swap3A_771, %swap3A_772], %swap3A_775 {add = true, strides = array<i32>} : memref<16x768xf32, #tpu.memory_space<vmem>>, vector<1x16xf32>,
        %swap3A_776 = arith.constant 8 : i32
        %swap3A_777 = arith.index_cast %swap3A_776 : i32 to index
        %swap3A_778 = arith.index_cast %mul3A_535 : i32 to index
        %swap3A_779 = tpu.vector_load %arg14[%swap3A_777, %swap3A_778] {strides = array<i32>} : memref<16x768xf32, #tpu.memory_space<vmem>>, vector<1x16xf32>,
        %swap3A_780 = vector.shape_cast %swap3A_779 : vector<1x16xf32> to vector<16xf32>
        %swap3A_781 = vector.shape_cast %sub3A_757 : vector<16xf32> to vector<1x16xf32>
        tpu.vector_store %arg14[%swap3A_777, %swap3A_778], %swap3A_781 {add = true, strides = array<i32>} : memref<16x768xf32, #tpu.memory_space<vmem>>, vector<1x16xf32>,
        %mul3A_782 = arith.mulf %get3A_539, %sub3A_757 : vector<16xf32>
        %sub3A_783 = arith.subf %mul3A_782, %sub3A_731 : vector<16xf32>
        %swap3A_784 = arith.constant 9 : i32
        %swap3A_785 = arith.index_cast %swap3A_784 : i32 to index
        %swap3A_786 = arith.index_cast %mul3A_535 : i32 to index
        %swap3A_787 = tpu.vector_load %arg11[%swap3A_785, %swap3A_786] {strides = array<i32>} : memref<16x768xf32, #tpu.memory_space<vmem>>, vector<1x16xf32>,
        %swap3A_788 = vector.shape_cast %swap3A_787 : vector<1x16xf32> to vector<16xf32>
        %swap3A_789 = vector.shape_cast %sub3A_783 : vector<16xf32> to vector<1x16xf32>
        tpu.vector_store %arg11[%swap3A_785, %swap3A_786], %swap3A_789 {add = true, strides = array<i32>} : memref<16x768xf32, #tpu.memory_space<vmem>>, vector<1x16xf32>,
        %swap3A_790 = arith.constant 9 : i32
        %swap3A_791 = arith.index_cast %swap3A_790 : i32 to index
        %swap3A_792 = arith.index_cast %mul3A_535 : i32 to index
        %swap3A_793 = tpu.vector_load %arg12[%swap3A_791, %swap3A_792] {strides = array<i32>} : memref<16x768xf32, #tpu.memory_space<vmem>>, vector<1x16xf32>,
        %swap3A_794 = vector.shape_cast %swap3A_793 : vector<1x16xf32> to vector<16xf32>
        %swap3A_795 = vector.shape_cast %sub3A_783 : vector<16xf32> to vector<1x16xf32>
        tpu.vector_store %arg12[%swap3A_791, %swap3A_792], %swap3A_795 {add = true, strides = array<i32>} : memref<16x768xf32, #tpu.memory_space<vmem>>, vector<1x16xf32>,
        %swap3A_796 = arith.constant 9 : i32
        %swap3A_797 = arith.index_cast %swap3A_796 : i32 to index
        %swap3A_798 = arith.index_cast %mul3A_535 : i32 to index
        %swap3A_799 = tpu.vector_load %arg13[%swap3A_797, %swap3A_798] {strides = array<i32>} : memref<16x768xf32, #tpu.memory_space<vmem>>, vector<1x16xf32>,
        %swap3A_800 = vector.shape_cast %swap3A_799 : vector<1x16xf32> to vector<16xf32>
        %swap3A_801 = vector.shape_cast %sub3A_783 : vector<16xf32> to vector<1x16xf32>
        tpu.vector_store %arg13[%swap3A_797, %swap3A_798], %swap3A_801 {add = true, strides = array<i32>} : memref<16x768xf32, #tpu.memory_space<vmem>>, vector<1x16xf32>,
        %swap3A_802 = arith.constant 9 : i32
        %swap3A_803 = arith.index_cast %swap3A_802 : i32 to index
        %swap3A_804 = arith.index_cast %mul3A_535 : i32 to index
        %swap3A_805 = tpu.vector_load %arg14[%swap3A_803, %swap3A_804] {strides = array<i32>} : memref<16x768xf32, #tpu.memory_space<vmem>>, vector<1x16xf32>,
        %swap3A_806 = vector.shape_cast %swap3A_805 : vector<1x16xf32> to vector<16xf32>
        %swap3A_807 = vector.shape_cast %sub3A_783 : vector<16xf32> to vector<1x16xf32>
        tpu.vector_store %arg14[%swap3A_803, %swap3A_804], %swap3A_807 {add = true, strides = array<i32>} : memref<16x768xf32, #tpu.memory_space<vmem>>, vector<1x16xf32>,
        %mul3A_808 = arith.mulf %get3A_539, %sub3A_783 : vector<16xf32>
        %sub3A_809 = arith.subf %mul3A_808, %sub3A_757 : vector<16xf32>
        %swap3A_810 = arith.constant 10 : i32
        %swap3A_811 = arith.index_cast %swap3A_810 : i32 to index
        %swap3A_812 = arith.index_cast %mul3A_535 : i32 to index
        %swap3A_813 = tpu.vector_load %arg11[%swap3A_811, %swap3A_812] {strides = array<i32>} : memref<16x768xf32, #tpu.memory_space<vmem>>, vector<1x16xf32>,
        %swap3A_814 = vector.shape_cast %swap3A_813 : vector<1x16xf32> to vector<16xf32>
        %swap3A_815 = vector.shape_cast %sub3A_809 : vector<16xf32> to vector<1x16xf32>
        tpu.vector_store %arg11[%swap3A_811, %swap3A_812], %swap3A_815 {add = true, strides = array<i32>} : memref<16x768xf32, #tpu.memory_space<vmem>>, vector<1x16xf32>,
        %swap3A_816 = arith.constant 10 : i32
        %swap3A_817 = arith.index_cast %swap3A_816 : i32 to index
        %swap3A_818 = arith.index_cast %mul3A_535 : i32 to index
        %swap3A_819 = tpu.vector_load %arg12[%swap3A_817, %swap3A_818] {strides = array<i32>} : memref<16x768xf32, #tpu.memory_space<vmem>>, vector<1x16xf32>,
        %swap3A_820 = vector.shape_cast %swap3A_819 : vector<1x16xf32> to vector<16xf32>
        %swap3A_821 = vector.shape_cast %sub3A_809 : vector<16xf32> to vector<1x16xf32>
        tpu.vector_store %arg12[%swap3A_817, %swap3A_818], %swap3A_821 {add = true, strides = array<i32>} : memref<16x768xf32, #tpu.memory_space<vmem>>, vector<1x16xf32>,
        %swap3A_822 = arith.constant 10 : i32
        %swap3A_823 = arith.index_cast %swap3A_822 : i32 to index
        %swap3A_824 = arith.index_cast %mul3A_535 : i32 to index
        %swap3A_825 = tpu.vector_load %arg13[%swap3A_823, %swap3A_824] {strides = array<i32>} : memref<16x768xf32, #tpu.memory_space<vmem>>, vector<1x16xf32>,
        %swap3A_826 = vector.shape_cast %swap3A_825 : vector<1x16xf32> to vector<16xf32>
        %swap3A_827 = vector.shape_cast %sub3A_809 : vector<16xf32> to vector<1x16xf32>
        tpu.vector_store %arg13[%swap3A_823, %swap3A_824], %swap3A_827 {add = true, strides = array<i32>} : memref<16x768xf32, #tpu.memory_space<vmem>>, vector<1x16xf32>,
        %swap3A_828 = arith.constant 10 : i32
        %swap3A_829 = arith.index_cast %swap3A_828 : i32 to index
        %swap3A_830 = arith.index_cast %mul3A_535 : i32 to index
        %swap3A_831 = tpu.vector_load %arg14[%swap3A_829, %swap3A_830] {strides = array<i32>} : memref<16x768xf32, #tpu.memory_space<vmem>>, vector<1x16xf32>,
        %swap3A_832 = vector.shape_cast %swap3A_831 : vector<1x16xf32> to vector<16xf32>
        %swap3A_833 = vector.shape_cast %sub3A_809 : vector<16xf32> to vector<1x16xf32>
        tpu.vector_store %arg14[%swap3A_829, %swap3A_830], %swap3A_833 {add = true, strides = array<i32>} : memref<16x768xf32, #tpu.memory_space<vmem>>, vector<1x16xf32>,
        %mul3A_834 = arith.mulf %get3A_539, %sub3A_809 : vector<16xf32>
        %sub3A_835 = arith.subf %mul3A_834, %sub3A_783 : vector<16xf32>
        %swap3A_836 = arith.constant 11 : i32
        %swap3A_837 = arith.index_cast %swap3A_836 : i32 to index
        %swap3A_838 = arith.index_cast %mul3A_535 : i32 to index
        %swap3A_839 = tpu.vector_load %arg11[%swap3A_837, %swap3A_838] {strides = array<i32>} : memref<16x768xf32, #tpu.memory_space<vmem>>, vector<1x16xf32>,
        %swap3A_840 = vector.shape_cast %swap3A_839 : vector<1x16xf32> to vector<16xf32>
        %swap3A_841 = vector.shape_cast %sub3A_835 : vector<16xf32> to vector<1x16xf32>
        tpu.vector_store %arg11[%swap3A_837, %swap3A_838], %swap3A_841 {add = true, strides = array<i32>} : memref<16x768xf32, #tpu.memory_space<vmem>>, vector<1x16xf32>,
        %swap3A_842 = arith.constant 11 : i32
        %swap3A_843 = arith.index_cast %swap3A_842 : i32 to index
        %swap3A_844 = arith.index_cast %mul3A_535 : i32 to index
        %swap3A_845 = tpu.vector_load %arg12[%swap3A_843, %swap3A_844] {strides = array<i32>} : memref<16x768xf32, #tpu.memory_space<vmem>>, vector<1x16xf32>,
        %swap3A_846 = vector.shape_cast %swap3A_845 : vector<1x16xf32> to vector<16xf32>
        %swap3A_847 = vector.shape_cast %sub3A_835 : vector<16xf32> to vector<1x16xf32>
        tpu.vector_store %arg12[%swap3A_843, %swap3A_844], %swap3A_847 {add = true, strides = array<i32>} : memref<16x768xf32, #tpu.memory_space<vmem>>, vector<1x16xf32>,
        %swap3A_848 = arith.constant 11 : i32
        %swap3A_849 = arith.index_cast %swap3A_848 : i32 to index
        %swap3A_850 = arith.index_cast %mul3A_535 : i32 to index
        %swap3A_851 = tpu.vector_load %arg13[%swap3A_849, %swap3A_850] {strides = array<i32>} : memref<16x768xf32, #tpu.memory_space<vmem>>, vector<1x16xf32>,
        %swap3A_852 = vector.shape_cast %swap3A_851 : vector<1x16xf32> to vector<16xf32>
        %swap3A_853 = vector.shape_cast %sub3A_835 : vector<16xf32> to vector<1x16xf32>
        tpu.vector_store %arg13[%swap3A_849, %swap3A_850], %swap3A_853 {add = true, strides = array<i32>} : memref<16x768xf32, #tpu.memory_space<vmem>>, vector<1x16xf32>,
        %swap3A_854 = arith.constant 11 : i32
        %swap3A_855 = arith.index_cast %swap3A_854 : i32 to index
        %swap3A_856 = arith.index_cast %mul3A_535 : i32 to index
        %swap3A_857 = tpu.vector_load %arg14[%swap3A_855, %swap3A_856] {strides = array<i32>} : memref<16x768xf32, #tpu.memory_space<vmem>>, vector<1x16xf32>,
        %swap3A_858 = vector.shape_cast %swap3A_857 : vector<1x16xf32> to vector<16xf32>
        %swap3A_859 = vector.shape_cast %sub3A_835 : vector<16xf32> to vector<1x16xf32>
        tpu.vector_store %arg14[%swap3A_855, %swap3A_856], %swap3A_859 {add = true, strides = array<i32>} : memref<16x768xf32, #tpu.memory_space<vmem>>, vector<1x16xf32>,
        %mul3A_860 = arith.mulf %get3A_539, %sub3A_835 : vector<16xf32>
        %sub3A_861 = arith.subf %mul3A_860, %sub3A_809 : vector<16xf32>
        %swap3A_862 = arith.constant 12 : i32
        %swap3A_863 = arith.index_cast %swap3A_862 : i32 to index
        %swap3A_864 = arith.index_cast %mul3A_535 : i32 to index
        %swap3A_865 = tpu.vector_load %arg11[%swap3A_863, %swap3A_864] {strides = array<i32>} : memref<16x768xf32, #tpu.memory_space<vmem>>, vector<1x16xf32>,
        %swap3A_866 = vector.shape_cast %swap3A_865 : vector<1x16xf32> to vector<16xf32>
        %swap3A_867 = vector.shape_cast %sub3A_861 : vector<16xf32> to vector<1x16xf32>
        tpu.vector_store %arg11[%swap3A_863, %swap3A_864], %swap3A_867 {add = true, strides = array<i32>} : memref<16x768xf32, #tpu.memory_space<vmem>>, vector<1x16xf32>,
        %swap3A_868 = arith.constant 12 : i32
        %swap3A_869 = arith.index_cast %swap3A_868 : i32 to index
        %swap3A_870 = arith.index_cast %mul3A_535 : i32 to index
        %swap3A_871 = tpu.vector_load %arg12[%swap3A_869, %swap3A_870] {strides = array<i32>} : memref<16x768xf32, #tpu.memory_space<vmem>>, vector<1x16xf32>,
        %swap3A_872 = vector.shape_cast %swap3A_871 : vector<1x16xf32> to vector<16xf32>
        %swap3A_873 = vector.shape_cast %sub3A_861 : vector<16xf32> to vector<1x16xf32>
        tpu.vector_store %arg12[%swap3A_869, %swap3A_870], %swap3A_873 {add = true, strides = array<i32>} : memref<16x768xf32, #tpu.memory_space<vmem>>, vector<1x16xf32>,
        %swap3A_874 = arith.constant 12 : i32
        %swap3A_875 = arith.index_cast %swap3A_874 : i32 to index
        %swap3A_876 = arith.index_cast %mul3A_535 : i32 to index
        %swap3A_877 = tpu.vector_load %arg13[%swap3A_875, %swap3A_876] {strides = array<i32>} : memref<16x768xf32, #tpu.memory_space<vmem>>, vector<1x16xf32>,
        %swap3A_878 = vector.shape_cast %swap3A_877 : vector<1x16xf32> to vector<16xf32>
        %swap3A_879 = vector.shape_cast %sub3A_861 : vector<16xf32> to vector<1x16xf32>
        tpu.vector_store %arg13[%swap3A_875, %swap3A_876], %swap3A_879 {add = true, strides = array<i32>} : memref<16x768xf32, #tpu.memory_space<vmem>>, vector<1x16xf32>,
        %swap3A_880 = arith.constant 12 : i32
        %swap3A_881 = arith.index_cast %swap3A_880 : i32 to index
        %swap3A_882 = arith.index_cast %mul3A_535 : i32 to index
        %swap3A_883 = tpu.vector_load %arg14[%swap3A_881, %swap3A_882] {strides = array<i32>} : memref<16x768xf32, #tpu.memory_space<vmem>>, vector<1x16xf32>,
        %swap3A_884 = vector.shape_cast %swap3A_883 : vector<1x16xf32> to vector<16xf32>
        %swap3A_885 = vector.shape_cast %sub3A_861 : vector<16xf32> to vector<1x16xf32>
        tpu.vector_store %arg14[%swap3A_881, %swap3A_882], %swap3A_885 {add = true, strides = array<i32>} : memref<16x768xf32, #tpu.memory_space<vmem>>, vector<1x16xf32>,
        %mul3A_886 = arith.mulf %get3A_539, %sub3A_861 : vector<16xf32>
        %sub3A_887 = arith.subf %mul3A_886, %sub3A_835 : vector<16xf32>
        %swap3A_888 = arith.constant 13 : i32
        %swap3A_889 = arith.index_cast %swap3A_888 : i32 to index
        %swap3A_890 = arith.index_cast %mul3A_535 : i32 to index
        %swap3A_891 = tpu.vector_load %arg11[%swap3A_889, %swap3A_890] {strides = array<i32>} : memref<16x768xf32, #tpu.memory_space<vmem>>, vector<1x16xf32>,
        %swap3A_892 = vector.shape_cast %swap3A_891 : vector<1x16xf32> to vector<16xf32>
        %swap3A_893 = vector.shape_cast %sub3A_887 : vector<16xf32> to vector<1x16xf32>
        tpu.vector_store %arg11[%swap3A_889, %swap3A_890], %swap3A_893 {add = true, strides = array<i32>} : memref<16x768xf32, #tpu.memory_space<vmem>>, vector<1x16xf32>,
        %swap3A_894 = arith.constant 13 : i32
        %swap3A_895 = arith.index_cast %swap3A_894 : i32 to index
        %swap3A_896 = arith.index_cast %mul3A_535 : i32 to index
        %swap3A_897 = tpu.vector_load %arg12[%swap3A_895, %swap3A_896] {strides = array<i32>} : memref<16x768xf32, #tpu.memory_space<vmem>>, vector<1x16xf32>,
        %swap3A_898 = vector.shape_cast %swap3A_897 : vector<1x16xf32> to vector<16xf32>
        %swap3A_899 = vector.shape_cast %sub3A_887 : vector<16xf32> to vector<1x16xf32>
        tpu.vector_store %arg12[%swap3A_895, %swap3A_896], %swap3A_899 {add = true, strides = array<i32>} : memref<16x768xf32, #tpu.memory_space<vmem>>, vector<1x16xf32>,
        %swap3A_900 = arith.constant 13 : i32
        %swap3A_901 = arith.index_cast %swap3A_900 : i32 to index
        %swap3A_902 = arith.index_cast %mul3A_535 : i32 to index
        %swap3A_903 = tpu.vector_load %arg13[%swap3A_901, %swap3A_902] {strides = array<i32>} : memref<16x768xf32, #tpu.memory_space<vmem>>, vector<1x16xf32>,
        %swap3A_904 = vector.shape_cast %swap3A_903 : vector<1x16xf32> to vector<16xf32>
        %swap3A_905 = vector.shape_cast %sub3A_887 : vector<16xf32> to vector<1x16xf32>
        tpu.vector_store %arg13[%swap3A_901, %swap3A_902], %swap3A_905 {add = true, strides = array<i32>} : memref<16x768xf32, #tpu.memory_space<vmem>>, vector<1x16xf32>,
        %swap3A_906 = arith.constant 13 : i32
        %swap3A_907 = arith.index_cast %swap3A_906 : i32 to index
        %swap3A_908 = arith.index_cast %mul3A_535 : i32 to index
        %swap3A_909 = tpu.vector_load %arg14[%swap3A_907, %swap3A_908] {strides = array<i32>} : memref<16x768xf32, #tpu.memory_space<vmem>>, vector<1x16xf32>,
        %swap3A_910 = vector.shape_cast %swap3A_909 : vector<1x16xf32> to vector<16xf32>
        %swap3A_911 = vector.shape_cast %sub3A_887 : vector<16xf32> to vector<1x16xf32>
        tpu.vector_store %arg14[%swap3A_907, %swap3A_908], %swap3A_911 {add = true, strides = array<i32>} : memref<16x768xf32, #tpu.memory_space<vmem>>, vector<1x16xf32>,
        %mul3A_912 = arith.mulf %get3A_539, %sub3A_887 : vector<16xf32>
        %sub3A_913 = arith.subf %mul3A_912, %sub3A_861 : vector<16xf32>
        %swap3A_914 = arith.constant 14 : i32
        %swap3A_915 = arith.index_cast %swap3A_914 : i32 to index
        %swap3A_916 = arith.index_cast %mul3A_535 : i32 to index
        %swap3A_917 = tpu.vector_load %arg11[%swap3A_915, %swap3A_916] {strides = array<i32>} : memref<16x768xf32, #tpu.memory_space<vmem>>, vector<1x16xf32>,
        %swap3A_918 = vector.shape_cast %swap3A_917 : vector<1x16xf32> to vector<16xf32>
        %swap3A_919 = vector.shape_cast %sub3A_913 : vector<16xf32> to vector<1x16xf32>
        tpu.vector_store %arg11[%swap3A_915, %swap3A_916], %swap3A_919 {add = true, strides = array<i32>} : memref<16x768xf32, #tpu.memory_space<vmem>>, vector<1x16xf32>,
        %swap3A_920 = arith.constant 14 : i32
        %swap3A_921 = arith.index_cast %swap3A_920 : i32 to index
        %swap3A_922 = arith.index_cast %mul3A_535 : i32 to index
        %swap3A_923 = tpu.vector_load %arg12[%swap3A_921, %swap3A_922] {strides = array<i32>} : memref<16x768xf32, #tpu.memory_space<vmem>>, vector<1x16xf32>,
        %swap3A_924 = vector.shape_cast %swap3A_923 : vector<1x16xf32> to vector<16xf32>
        %swap3A_925 = vector.shape_cast %sub3A_913 : vector<16xf32> to vector<1x16xf32>
        tpu.vector_store %arg12[%swap3A_921, %swap3A_922], %swap3A_925 {add = true, strides = array<i32>} : memref<16x768xf32, #tpu.memory_space<vmem>>, vector<1x16xf32>,
        %swap3A_926 = arith.constant 14 : i32
        %swap3A_927 = arith.index_cast %swap3A_926 : i32 to index
        %swap3A_928 = arith.index_cast %mul3A_535 : i32 to index
        %swap3A_929 = tpu.vector_load %arg13[%swap3A_927, %swap3A_928] {strides = array<i32>} : memref<16x768xf32, #tpu.memory_space<vmem>>, vector<1x16xf32>,
        %swap3A_930 = vector.shape_cast %swap3A_929 : vector<1x16xf32> to vector<16xf32>
        %swap3A_931 = vector.shape_cast %sub3A_913 : vector<16xf32> to vector<1x16xf32>
        tpu.vector_store %arg13[%swap3A_927, %swap3A_928], %swap3A_931 {add = true, strides = array<i32>} : memref<16x768xf32, #tpu.memory_space<vmem>>, vector<1x16xf32>,
        %swap3A_932 = arith.constant 14 : i32
        %swap3A_933 = arith.index_cast %swap3A_932 : i32 to index
        %swap3A_934 = arith.index_cast %mul3A_535 : i32 to index
        %swap3A_935 = tpu.vector_load %arg14[%swap3A_933, %swap3A_934] {strides = array<i32>} : memref<16x768xf32, #tpu.memory_space<vmem>>, vector<1x16xf32>,
        %swap3A_936 = vector.shape_cast %swap3A_935 : vector<1x16xf32> to vector<16xf32>
        %swap3A_937 = vector.shape_cast %sub3A_913 : vector<16xf32> to vector<1x16xf32>
        tpu.vector_store %arg14[%swap3A_933, %swap3A_934], %swap3A_937 {add = true, strides = array<i32>} : memref<16x768xf32, #tpu.memory_space<vmem>>, vector<1x16xf32>,
        %mul3A_938 = arith.mulf %get3A_539, %sub3A_913 : vector<16xf32>
        %sub3A_939 = arith.subf %mul3A_938, %sub3A_887 : vector<16xf32>
        %swap3A_940 = arith.constant 15 : i32
        %swap3A_941 = arith.index_cast %swap3A_940 : i32 to index
        %swap3A_942 = arith.index_cast %mul3A_535 : i32 to index
        %swap3A_943 = tpu.vector_load %arg11[%swap3A_941, %swap3A_942] {strides = array<i32>} : memref<16x768xf32, #tpu.memory_space<vmem>>, vector<1x16xf32>,
        %swap3A_944 = vector.shape_cast %swap3A_943 : vector<1x16xf32> to vector<16xf32>
        %swap3A_945 = vector.shape_cast %sub3A_939 : vector<16xf32> to vector<1x16xf32>
        tpu.vector_store %arg11[%swap3A_941, %swap3A_942], %swap3A_945 {add = true, strides = array<i32>} : memref<16x768xf32, #tpu.memory_space<vmem>>, vector<1x16xf32>,
        %swap3A_946 = arith.constant 15 : i32
        %swap3A_947 = arith.index_cast %swap3A_946 : i32 to index
        %swap3A_948 = arith.index_cast %mul3A_535 : i32 to index
        %swap3A_949 = tpu.vector_load %arg12[%swap3A_947, %swap3A_948] {strides = array<i32>} : memref<16x768xf32, #tpu.memory_space<vmem>>, vector<1x16xf32>,
        %swap3A_950 = vector.shape_cast %swap3A_949 : vector<1x16xf32> to vector<16xf32>
        %swap3A_951 = vector.shape_cast %sub3A_939 : vector<16xf32> to vector<1x16xf32>
        tpu.vector_store %arg12[%swap3A_947, %swap3A_948], %swap3A_951 {add = true, strides = array<i32>} : memref<16x768xf32, #tpu.memory_space<vmem>>, vector<1x16xf32>,
        %swap3A_952 = arith.constant 15 : i32
        %swap3A_953 = arith.index_cast %swap3A_952 : i32 to index
        %swap3A_954 = arith.index_cast %mul3A_535 : i32 to index
        %swap3A_955 = tpu.vector_load %arg13[%swap3A_953, %swap3A_954] {strides = array<i32>} : memref<16x768xf32, #tpu.memory_space<vmem>>, vector<1x16xf32>,
        %swap3A_956 = vector.shape_cast %swap3A_955 : vector<1x16xf32> to vector<16xf32>
        %swap3A_957 = vector.shape_cast %sub3A_939 : vector<16xf32> to vector<1x16xf32>
        tpu.vector_store %arg13[%swap3A_953, %swap3A_954], %swap3A_957 {add = true, strides = array<i32>} : memref<16x768xf32, #tpu.memory_space<vmem>>, vector<1x16xf32>,
        %swap3A_958 = arith.constant 15 : i32
        %swap3A_959 = arith.index_cast %swap3A_958 : i32 to index
        %swap3A_960 = arith.index_cast %mul3A_535 : i32 to index
        %swap3A_961 = tpu.vector_load %arg14[%swap3A_959, %swap3A_960] {strides = array<i32>} : memref<16x768xf32, #tpu.memory_space<vmem>>, vector<1x16xf32>,
        %swap3A_962 = vector.shape_cast %swap3A_961 : vector<1x16xf32> to vector<16xf32>
        %swap3A_963 = vector.shape_cast %sub3A_939 : vector<16xf32> to vector<1x16xf32>
        tpu.vector_store %arg14[%swap3A_959, %swap3A_960], %swap3A_963 {add = true, strides = array<i32>} : memref<16x768xf32, #tpu.memory_space<vmem>>, vector<1x16xf32>,
        %mul3A_964 = arith.mulf %get3A_539, %sub3A_939 : vector<16xf32>
        %sub3A_965 = arith.subf %mul3A_964, %sub3A_913 : vector<16xf32>
        %mul3A_966 = arith.mulf %get3A_539, %sub3A_965 : vector<16xf32>
        %sub3A_967 = arith.subf %mul3A_966, %sub3A_939 : vector<16xf32>
        %swap3A_968 = arith.constant 0 : i32
        %swap3A_969 = arith.index_cast %swap3A_968 : i32 to index
        %swap3A_970 = arith.index_cast %mul3A_535 : i32 to index
        %swap3A_971 = tpu.vector_load %arg10[%swap3A_969, %swap3A_970] {strides = array<i32>} : memref<2x768xf32, #tpu.memory_space<vmem>>, vector<1x16xf32>,
        %swap3A_972 = vector.shape_cast %swap3A_971 : vector<1x16xf32> to vector<16xf32>
        %swap3A_973 = vector.shape_cast %sub3A_965 : vector<16xf32> to vector<1x16xf32>
        tpu.vector_store %arg10[%swap3A_969, %swap3A_970], %swap3A_973 {strides = array<i32>} : memref<2x768xf32, #tpu.memory_space<vmem>>, vector<1x16xf32>,
        %swap3A_974 = arith.constant 1 : i32
        %swap3A_975 = arith.index_cast %swap3A_974 : i32 to index
        %swap3A_976 = arith.index_cast %mul3A_535 : i32 to index
        %swap3A_977 = tpu.vector_load %arg10[%swap3A_975, %swap3A_976] {strides = array<i32>} : memref<2x768xf32, #tpu.memory_space<vmem>>, vector<1x16xf32>,
        %swap3A_978 = vector.shape_cast %swap3A_977 : vector<1x16xf32> to vector<16xf32>
        %swap3A_979 = vector.shape_cast %sub3A_967 : vector<16xf32> to vector<1x16xf32>
        tpu.vector_store %arg10[%swap3A_975, %swap3A_976], %swap3A_979 {strides = array<i32>} : memref<2x768xf32, #tpu.memory_space<vmem>>, vector<1x16xf32>,
      }
      %scan3A_240 = arith.constant 48 : i32
      %add3A_241 = arith.constant 0 : i32
      %add3A_242 = arith.addi %add3A_241, %mul3A_2 : i32
      %mul3A_243 = arith.constant 16 : i32
      %mul3A_244 = arith.muli %add3A_199, %mul3A_243 : i32
      %add3A_245 = arith.addi %add3A_242, %mul3A_244 : i32
      %dma_start3A_246 = arith.constant 0 : i32
      %dma_start3A_247 = tpu.memref_slice %arg6[%add3A_245, %dma_start3A_246] : memref<32768x768xf32, #tpu.memory_space<hbm>> -> memref<16x768xf32, #tpu.memory_space<hbm>>
      %dma_start3A_248 = arith.constant 0 : i32
      %dma_start3A_249 = tpu.memref_slice %arg6[%add3A_245, %dma_start3A_248] : memref<32768x768xf32, #tpu.memory_space<hbm>> -> memref<16x768xf32, #tpu.memory_space<hbm>>
      tpu.enqueue_dma source(%arg11 : memref<16x768xf32, #tpu.memory_space<vmem>>) target(%dma_start3A_249 : memref<16x768xf32, #tpu.memory_space<hbm>>) target_semaphore(%arg27 : memref<!tpu.dma_semaphore, #tpu.memory_space<semaphore_mem>>)
      %add3A_250 = arith.constant 8192 : i32
      %add3A_251 = arith.addi %add3A_250, %mul3A_2 : i32
      %mul3A_252 = arith.constant 16 : i32
      %mul3A_253 = arith.muli %add3A_199, %mul3A_252 : i32
      %add3A_254 = arith.addi %add3A_251, %mul3A_253 : i32
      %dma_start3A_255 = arith.constant 0 : i32
      %dma_start3A_256 = tpu.memref_slice %arg6[%add3A_254, %dma_start3A_255] : memref<32768x768xf32, #tpu.memory_space<hbm>> -> memref<16x768xf32, #tpu.memory_space<hbm>>
      %dma_start3A_257 = arith.constant 0 : i32
      %dma_start3A_258 = tpu.memref_slice %arg6[%add3A_254, %dma_start3A_257] : memref<32768x768xf32, #tpu.memory_space<hbm>> -> memref<16x768xf32, #tpu.memory_space<hbm>>
      tpu.enqueue_dma source(%arg12 : memref<16x768xf32, #tpu.memory_space<vmem>>) target(%dma_start3A_258 : memref<16x768xf32, #tpu.memory_space<hbm>>) target_semaphore(%arg28 : memref<!tpu.dma_semaphore, #tpu.memory_space<semaphore_mem>>)
      %add3A_259 = arith.constant 16384 : i32
      %add3A_260 = arith.addi %add3A_259, %mul3A_2 : i32
      %mul3A_261 = arith.constant 16 : i32
      %mul3A_262 = arith.muli %add3A_199, %mul3A_261 : i32
      %add3A_263 = arith.addi %add3A_260, %mul3A_262 : i32
      %dma_start3A_264 = arith.constant 0 : i32
      %dma_start3A_265 = tpu.memref_slice %arg6[%add3A_263, %dma_start3A_264] : memref<32768x768xf32, #tpu.memory_space<hbm>> -> memref<16x768xf32, #tpu.memory_space<hbm>>
      %dma_start3A_266 = arith.constant 0 : i32
      %dma_start3A_267 = tpu.memref_slice %arg6[%add3A_263, %dma_start3A_266] : memref<32768x768xf32, #tpu.memory_space<hbm>> -> memref<16x768xf32, #tpu.memory_space<hbm>>
      tpu.enqueue_dma source(%arg13 : memref<16x768xf32, #tpu.memory_space<vmem>>) target(%dma_start3A_267 : memref<16x768xf32, #tpu.memory_space<hbm>>) target_semaphore(%arg29 : memref<!tpu.dma_semaphore, #tpu.memory_space<semaphore_mem>>)
      %add3A_268 = arith.constant 24576 : i32
      %add3A_269 = arith.addi %add3A_268, %mul3A_2 : i32
      %mul3A_270 = arith.constant 16 : i32
      %mul3A_271 = arith.muli %add3A_199, %mul3A_270 : i32
      %add3A_272 = arith.addi %add3A_269, %mul3A_271 : i32
      %dma_start3A_273 = arith.constant 0 : i32
      %dma_start3A_274 = tpu.memref_slice %arg6[%add3A_272, %dma_start3A_273] : memref<32768x768xf32, #tpu.memory_space<hbm>> -> memref<16x768xf32, #tpu.memory_space<hbm>>
      %dma_start3A_275 = arith.constant 0 : i32
      %dma_start3A_276 = tpu.memref_slice %arg6[%add3A_272, %dma_start3A_275] : memref<32768x768xf32, #tpu.memory_space<hbm>> -> memref<16x768xf32, #tpu.memory_space<hbm>>
      tpu.enqueue_dma source(%arg14 : memref<16x768xf32, #tpu.memory_space<vmem>>) target(%dma_start3A_276 : memref<16x768xf32, #tpu.memory_space<hbm>>) target_semaphore(%arg30 : memref<!tpu.dma_semaphore, #tpu.memory_space<semaphore_mem>>)
      %mul3A_277 = arith.constant 4 : i32
      %mul3A_278 = arith.muli %add3A_195, %mul3A_277 : i32
      %add3A_279 = arith.constant 1 : i32
      %add3A_280 = arith.addi %mul3A_278, %add3A_279 : i32
      %add3A_281 = arith.constant 1 : i32
      %add3A_282 = arith.addi %add3A_280, %add3A_281 : i32
      %lt3A_283 = arith.constant 16 : i32
      %lt3A_284 = arith.cmpi slt, %add3A_282, %lt3A_283 : i32
      %convert_element_type3A_285 = arith.extui %lt3A_284 : i1 to i32
      %cond3A_286 = arith.constant 0 : i32
      %cond3A_287 = arith.cmpi ne, %convert_element_type3A_285, %cond3A_286 : i32
      scf.if %cond3A_287 {
        %dma_wait3A_529 = arith.constant 0 : i32
        %dma_wait3A_530 = arith.constant 0 : i32
        %dma_wait3A_531 = tpu.memref_slice %arg6[%dma_wait3A_529, %dma_wait3A_530] : memref<32768x768xf32, #tpu.memory_space<hbm>> -> memref<16x768xf32, #tpu.memory_space<hbm>>
        %dma_wait3A_532 = arith.constant 0 : i32
        %dma_wait3A_533 = arith.constant 0 : i32
        %dma_wait3A_534 = tpu.memref_slice %arg6[%dma_wait3A_532, %dma_wait3A_533] : memref<32768x768xf32, #tpu.memory_space<hbm>> -> memref<16x768xf32, #tpu.memory_space<hbm>>
        tpu.wait_dma2 semaphore(%arg27 : memref<!tpu.dma_semaphore, #tpu.memory_space<semaphore_mem>>) src(%arg11 : memref<16x768xf32, #tpu.memory_space<vmem>>) dst(%dma_wait3A_534 : memref<16x768xf32, #tpu.memory_space<hbm>>)
        %add3A_535 = arith.constant 1 : i32
        %add3A_536 = arith.addi %add3A_280, %add3A_535 : i32
        %mul3A_537 = arith.constant 16 : i32
        %mul3A_538 = arith.muli %add3A_536, %mul3A_537 : i32
        %dma_start3A_539 = arith.constant 0 : i32
        %dma_start3A_540 = tpu.memref_slice %arg7[%dma_start3A_539, %mul3A_538] : memref<4x256xi32, #tpu.memory_space<vmem>> -> memref<1x16xi32, #tpu.memory_space<vmem>>
        %dma_start3A_541 = tpu.memref_squeeze %dma_start3A_540 : memref<1x16xi32, #tpu.memory_space<vmem>> -> memref<16xi32, #tpu.memory_space<vmem>>
        %dma_start3A_542 = arith.constant 0 : i32
        %dma_start3A_543 = arith.constant 0 : i32
        %dma_start3A_544 = tpu.memref_slice %arg3[%dma_start3A_542, %dma_start3A_543] : memref<100000x768xf32, #tpu.memory_space<hbm>> -> memref<100000x768xf32, #tpu.memory_space<hbm>>
        tpu.enqueue_indirect_dma source(%dma_start3A_544 : memref<100000x768xf32, #tpu.memory_space<hbm>>) target(%arg11 : memref<16x768xf32, #tpu.memory_space<vmem>>) offsets(%dma_start3A_541 : memref<16xi32, #tpu.memory_space<vmem>>) semaphore(%arg19 : memref<!tpu.dma_semaphore, #tpu.memory_space<semaphore_mem>>)
        %dma_wait3A_545 = arith.constant 0 : i32
        %dma_wait3A_546 = arith.constant 0 : i32
        %dma_wait3A_547 = tpu.memref_slice %arg6[%dma_wait3A_545, %dma_wait3A_546] : memref<32768x768xf32, #tpu.memory_space<hbm>> -> memref<16x768xf32, #tpu.memory_space<hbm>>
        %dma_wait3A_548 = arith.constant 0 : i32
        %dma_wait3A_549 = arith.constant 0 : i32
        %dma_wait3A_550 = tpu.memref_slice %arg6[%dma_wait3A_548, %dma_wait3A_549] : memref<32768x768xf32, #tpu.memory_space<hbm>> -> memref<16x768xf32, #tpu.memory_space<hbm>>
        tpu.wait_dma2 semaphore(%arg28 : memref<!tpu.dma_semaphore, #tpu.memory_space<semaphore_mem>>) src(%arg12 : memref<16x768xf32, #tpu.memory_space<vmem>>) dst(%dma_wait3A_550 : memref<16x768xf32, #tpu.memory_space<hbm>>)
        %add3A_551 = arith.constant 1 : i32
        %add3A_552 = arith.addi %add3A_280, %add3A_551 : i32
        %mul3A_553 = arith.constant 16 : i32
        %mul3A_554 = arith.muli %add3A_552, %mul3A_553 : i32
        %dma_start3A_555 = arith.constant 1 : i32
        %dma_start3A_556 = tpu.memref_slice %arg7[%dma_start3A_555, %mul3A_554] : memref<4x256xi32, #tpu.memory_space<vmem>> -> memref<1x16xi32, #tpu.memory_space<vmem>>
        %dma_start3A_557 = tpu.memref_squeeze %dma_start3A_556 : memref<1x16xi32, #tpu.memory_space<vmem>> -> memref<16xi32, #tpu.memory_space<vmem>>
        %dma_start3A_558 = arith.constant 0 : i32
        %dma_start3A_559 = arith.constant 0 : i32
        %dma_start3A_560 = tpu.memref_slice %arg3[%dma_start3A_558, %dma_start3A_559] : memref<100000x768xf32, #tpu.memory_space<hbm>> -> memref<100000x768xf32, #tpu.memory_space<hbm>>
        tpu.enqueue_indirect_dma source(%dma_start3A_560 : memref<100000x768xf32, #tpu.memory_space<hbm>>) target(%arg12 : memref<16x768xf32, #tpu.memory_space<vmem>>) offsets(%dma_start3A_557 : memref<16xi32, #tpu.memory_space<vmem>>) semaphore(%arg20 : memref<!tpu.dma_semaphore, #tpu.memory_space<semaphore_mem>>)
        %dma_wait3A_561 = arith.constant 0 : i32
        %dma_wait3A_562 = arith.constant 0 : i32
        %dma_wait3A_563 = tpu.memref_slice %arg6[%dma_wait3A_561, %dma_wait3A_562] : memref<32768x768xf32, #tpu.memory_space<hbm>> -> memref<16x768xf32, #tpu.memory_space<hbm>>
        %dma_wait3A_564 = arith.constant 0 : i32
        %dma_wait3A_565 = arith.constant 0 : i32
        %dma_wait3A_566 = tpu.memref_slice %arg6[%dma_wait3A_564, %dma_wait3A_565] : memref<32768x768xf32, #tpu.memory_space<hbm>> -> memref<16x768xf32, #tpu.memory_space<hbm>>
        tpu.wait_dma2 semaphore(%arg29 : memref<!tpu.dma_semaphore, #tpu.memory_space<semaphore_mem>>) src(%arg13 : memref<16x768xf32, #tpu.memory_space<vmem>>) dst(%dma_wait3A_566 : memref<16x768xf32, #tpu.memory_space<hbm>>)
        %add3A_567 = arith.constant 1 : i32
        %add3A_568 = arith.addi %add3A_280, %add3A_567 : i32
        %mul3A_569 = arith.constant 16 : i32
        %mul3A_570 = arith.muli %add3A_568, %mul3A_569 : i32
        %dma_start3A_571 = arith.constant 2 : i32
        %dma_start3A_572 = tpu.memref_slice %arg7[%dma_start3A_571, %mul3A_570] : memref<4x256xi32, #tpu.memory_space<vmem>> -> memref<1x16xi32, #tpu.memory_space<vmem>>
        %dma_start3A_573 = tpu.memref_squeeze %dma_start3A_572 : memref<1x16xi32, #tpu.memory_space<vmem>> -> memref<16xi32, #tpu.memory_space<vmem>>
        %dma_start3A_574 = arith.constant 0 : i32
        %dma_start3A_575 = arith.constant 0 : i32
        %dma_start3A_576 = tpu.memref_slice %arg3[%dma_start3A_574, %dma_start3A_575] : memref<100000x768xf32, #tpu.memory_space<hbm>> -> memref<100000x768xf32, #tpu.memory_space<hbm>>
        tpu.enqueue_indirect_dma source(%dma_start3A_576 : memref<100000x768xf32, #tpu.memory_space<hbm>>) target(%arg13 : memref<16x768xf32, #tpu.memory_space<vmem>>) offsets(%dma_start3A_573 : memref<16xi32, #tpu.memory_space<vmem>>) semaphore(%arg21 : memref<!tpu.dma_semaphore, #tpu.memory_space<semaphore_mem>>)
        %dma_wait3A_577 = arith.constant 0 : i32
        %dma_wait3A_578 = arith.constant 0 : i32
        %dma_wait3A_579 = tpu.memref_slice %arg6[%dma_wait3A_577, %dma_wait3A_578] : memref<32768x768xf32, #tpu.memory_space<hbm>> -> memref<16x768xf32, #tpu.memory_space<hbm>>
        %dma_wait3A_580 = arith.constant 0 : i32
        %dma_wait3A_581 = arith.constant 0 : i32
        %dma_wait3A_582 = tpu.memref_slice %arg6[%dma_wait3A_580, %dma_wait3A_581] : memref<32768x768xf32, #tpu.memory_space<hbm>> -> memref<16x768xf32, #tpu.memory_space<hbm>>
        tpu.wait_dma2 semaphore(%arg30 : memref<!tpu.dma_semaphore, #tpu.memory_space<semaphore_mem>>) src(%arg14 : memref<16x768xf32, #tpu.memory_space<vmem>>) dst(%dma_wait3A_582 : memref<16x768xf32, #tpu.memory_space<hbm>>)
        %add3A_583 = arith.constant 1 : i32
        %add3A_584 = arith.addi %add3A_280, %add3A_583 : i32
        %mul3A_585 = arith.constant 16 : i32
        %mul3A_586 = arith.muli %add3A_584, %mul3A_585 : i32
        %dma_start3A_587 = arith.constant 3 : i32
        %dma_start3A_588 = tpu.memref_slice %arg7[%dma_start3A_587, %mul3A_586] : memref<4x256xi32, #tpu.memory_space<vmem>> -> memref<1x16xi32, #tpu.memory_space<vmem>>
        %dma_start3A_589 = tpu.memref_squeeze %dma_start3A_588 : memref<1x16xi32, #tpu.memory_space<vmem>> -> memref<16xi32, #tpu.memory_space<vmem>>
        %dma_start3A_590 = arith.constant 0 : i32
        %dma_start3A_591 = arith.constant 0 : i32
        %dma_start3A_592 = tpu.memref_slice %arg3[%dma_start3A_590, %dma_start3A_591] : memref<100000x768xf32, #tpu.memory_space<hbm>> -> memref<100000x768xf32, #tpu.memory_space<hbm>>
        tpu.enqueue_indirect_dma source(%dma_start3A_592 : memref<100000x768xf32, #tpu.memory_space<hbm>>) target(%arg14 : memref<16x768xf32, #tpu.memory_space<vmem>>) offsets(%dma_start3A_589 : memref<16xi32, #tpu.memory_space<vmem>>) semaphore(%arg22 : memref<!tpu.dma_semaphore, #tpu.memory_space<semaphore_mem>>)
      } else {
      }
      %mul3A_288 = arith.constant 16 : i32
      %mul3A_289 = arith.muli %add3A_280, %mul3A_288 : i32
      %dma_wait3A_290 = arith.constant 0 : i32
      %dma_wait3A_291 = tpu.memref_slice %arg7[%dma_wait3A_290, %mul3A_289] : memref<4x256xi32, #tpu.memory_space<vmem>> -> memref<1x16xi32, #tpu.memory_space<vmem>>
      %dma_wait3A_292 = tpu.memref_squeeze %dma_wait3A_291 : memref<1x16xi32, #tpu.memory_space<vmem>> -> memref<16xi32, #tpu.memory_space<vmem>>
      %dma_wait3A_293 = arith.constant 0 : i32
      %dma_wait3A_294 = arith.constant 0 : i32
      %dma_wait3A_295 = tpu.memref_slice %arg3[%dma_wait3A_293, %dma_wait3A_294] : memref<100000x768xf32, #tpu.memory_space<hbm>> -> memref<100000x768xf32, #tpu.memory_space<hbm>>
      tpu.wait_indirect_dma semaphore(%arg23 : memref<!tpu.dma_semaphore, #tpu.memory_space<semaphore_mem>>) src(%dma_wait3A_295 : memref<100000x768xf32, #tpu.memory_space<hbm>>) dst(%arg15 : memref<16x768xf32, #tpu.memory_space<vmem>>)
      %mul3A_296 = arith.constant 16 : i32
      %mul3A_297 = arith.muli %add3A_280, %mul3A_296 : i32
      %dma_wait3A_298 = arith.constant 1 : i32
      %dma_wait3A_299 = tpu.memref_slice %arg7[%dma_wait3A_298, %mul3A_297] : memref<4x256xi32, #tpu.memory_space<vmem>> -> memref<1x16xi32, #tpu.memory_space<vmem>>
      %dma_wait3A_300 = tpu.memref_squeeze %dma_wait3A_299 : memref<1x16xi32, #tpu.memory_space<vmem>> -> memref<16xi32, #tpu.memory_space<vmem>>
      %dma_wait3A_301 = arith.constant 0 : i32
      %dma_wait3A_302 = arith.constant 0 : i32
      %dma_wait3A_303 = tpu.memref_slice %arg3[%dma_wait3A_301, %dma_wait3A_302] : memref<100000x768xf32, #tpu.memory_space<hbm>> -> memref<100000x768xf32, #tpu.memory_space<hbm>>
      tpu.wait_indirect_dma semaphore(%arg24 : memref<!tpu.dma_semaphore, #tpu.memory_space<semaphore_mem>>) src(%dma_wait3A_303 : memref<100000x768xf32, #tpu.memory_space<hbm>>) dst(%arg16 : memref<16x768xf32, #tpu.memory_space<vmem>>)
      %mul3A_304 = arith.constant 16 : i32
      %mul3A_305 = arith.muli %add3A_280, %mul3A_304 : i32
      %dma_wait3A_306 = arith.constant 2 : i32
      %dma_wait3A_307 = tpu.memref_slice %arg7[%dma_wait3A_306, %mul3A_305] : memref<4x256xi32, #tpu.memory_space<vmem>> -> memref<1x16xi32, #tpu.memory_space<vmem>>
      %dma_wait3A_308 = tpu.memref_squeeze %dma_wait3A_307 : memref<1x16xi32, #tpu.memory_space<vmem>> -> memref<16xi32, #tpu.memory_space<vmem>>
      %dma_wait3A_309 = arith.constant 0 : i32
      %dma_wait3A_310 = arith.constant 0 : i32
      %dma_wait3A_311 = tpu.memref_slice %arg3[%dma_wait3A_309, %dma_wait3A_310] : memref<100000x768xf32, #tpu.memory_space<hbm>> -> memref<100000x768xf32, #tpu.memory_space<hbm>>
      tpu.wait_indirect_dma semaphore(%arg25 : memref<!tpu.dma_semaphore, #tpu.memory_space<semaphore_mem>>) src(%dma_wait3A_311 : memref<100000x768xf32, #tpu.memory_space<hbm>>) dst(%arg17 : memref<16x768xf32, #tpu.memory_space<vmem>>)
      %mul3A_312 = arith.constant 16 : i32
      %mul3A_313 = arith.muli %add3A_280, %mul3A_312 : i32
      %dma_wait3A_314 = arith.constant 3 : i32
      %dma_wait3A_315 = tpu.memref_slice %arg7[%dma_wait3A_314, %mul3A_313] : memref<4x256xi32, #tpu.memory_space<vmem>> -> memref<1x16xi32, #tpu.memory_space<vmem>>
      %dma_wait3A_316 = tpu.memref_squeeze %dma_wait3A_315 : memref<1x16xi32, #tpu.memory_space<vmem>> -> memref<16xi32, #tpu.memory_space<vmem>>
      %dma_wait3A_317 = arith.constant 0 : i32
      %dma_wait3A_318 = arith.constant 0 : i32
      %dma_wait3A_319 = tpu.memref_slice %arg3[%dma_wait3A_317, %dma_wait3A_318] : memref<100000x768xf32, #tpu.memory_space<hbm>> -> memref<100000x768xf32, #tpu.memory_space<hbm>>
      tpu.wait_indirect_dma semaphore(%arg26 : memref<!tpu.dma_semaphore, #tpu.memory_space<semaphore_mem>>) src(%dma_wait3A_319 : memref<100000x768xf32, #tpu.memory_space<hbm>>) dst(%arg18 : memref<16x768xf32, #tpu.memory_space<vmem>>)
      %scan3A_320 = arith.constant 0 : i32
      %scan3A_321 = arith.constant 48 : i32
      %scan3A_322 = arith.addi %scan3A_320, %scan3A_321 : i32
      %scan3A_323 = arith.constant 1 : i32
      scf.for %scan3A_529 = %scan3A_320 to %scan3A_322 step %scan3A_323  : i32 {
        %mul3A_530 = arith.constant 1 : i32
        %mul3A_531 = arith.muli %scan3A_529, %mul3A_530 : i32
        %add3A_532 = arith.constant 0 : i32
        %add3A_533 = arith.addi %add3A_532, %mul3A_531 : i32
        %mul3A_534 = arith.constant 16 : i32
        %mul3A_535 = arith.muli %add3A_533, %mul3A_534 : i32
        %get3A = arith.constant 0 : i32
        %get3A_536 = arith.index_cast %get3A : i32 to index
        %get3A_537 = arith.index_cast %mul3A_535 : i32 to index
        %get3A_538 = tpu.vector_load %arg9[%get3A_536, %get3A_537] {strides = array<i32>} : memref<1x768xf32, #tpu.memory_space<vmem>>, vector<1x16xf32>,
        %get3A_539 = vector.shape_cast %get3A_538 : vector<1x16xf32> to vector<16xf32>
        %get3A_540 = arith.constant 0 : i32
        %get3A_541 = arith.index_cast %get3A_540 : i32 to index
        %get3A_542 = arith.index_cast %mul3A_535 : i32 to index
        %get3A_543 = tpu.vector_load %arg10[%get3A_541, %get3A_542] {strides = array<i32>} : memref<2x768xf32, #tpu.memory_space<vmem>>, vector<1x16xf32>,
        %get3A_544 = vector.shape_cast %get3A_543 : vector<1x16xf32> to vector<16xf32>
        %get3A_545 = arith.constant 1 : i32
        %get3A_546 = arith.index_cast %get3A_545 : i32 to index
        %get3A_547 = arith.index_cast %mul3A_535 : i32 to index
        %get3A_548 = tpu.vector_load %arg10[%get3A_546, %get3A_547] {strides = array<i32>} : memref<2x768xf32, #tpu.memory_space<vmem>>, vector<1x16xf32>,
        %get3A_549 = vector.shape_cast %get3A_548 : vector<1x16xf32> to vector<16xf32>
        %swap3A = arith.constant 0 : i32
        %swap3A_550 = arith.index_cast %swap3A : i32 to index
        %swap3A_551 = arith.index_cast %mul3A_535 : i32 to index
        %swap3A_552 = tpu.vector_load %arg15[%swap3A_550, %swap3A_551] {strides = array<i32>} : memref<16x768xf32, #tpu.memory_space<vmem>>, vector<1x16xf32>,
        %swap3A_553 = vector.shape_cast %swap3A_552 : vector<1x16xf32> to vector<16xf32>
        %swap3A_554 = vector.shape_cast %get3A_544 : vector<16xf32> to vector<1x16xf32>
        tpu.vector_store %arg15[%swap3A_550, %swap3A_551], %swap3A_554 {add = true, strides = array<i32>} : memref<16x768xf32, #tpu.memory_space<vmem>>, vector<1x16xf32>,
        %swap3A_555 = arith.constant 0 : i32
        %swap3A_556 = arith.index_cast %swap3A_555 : i32 to index
        %swap3A_557 = arith.index_cast %mul3A_535 : i32 to index
        %swap3A_558 = tpu.vector_load %arg16[%swap3A_556, %swap3A_557] {strides = array<i32>} : memref<16x768xf32, #tpu.memory_space<vmem>>, vector<1x16xf32>,
        %swap3A_559 = vector.shape_cast %swap3A_558 : vector<1x16xf32> to vector<16xf32>
        %swap3A_560 = vector.shape_cast %get3A_544 : vector<16xf32> to vector<1x16xf32>
        tpu.vector_store %arg16[%swap3A_556, %swap3A_557], %swap3A_560 {add = true, strides = array<i32>} : memref<16x768xf32, #tpu.memory_space<vmem>>, vector<1x16xf32>,
        %swap3A_561 = arith.constant 0 : i32
        %swap3A_562 = arith.index_cast %swap3A_561 : i32 to index
        %swap3A_563 = arith.index_cast %mul3A_535 : i32 to index
        %swap3A_564 = tpu.vector_load %arg17[%swap3A_562, %swap3A_563] {strides = array<i32>} : memref<16x768xf32, #tpu.memory_space<vmem>>, vector<1x16xf32>,
        %swap3A_565 = vector.shape_cast %swap3A_564 : vector<1x16xf32> to vector<16xf32>
        %swap3A_566 = vector.shape_cast %get3A_544 : vector<16xf32> to vector<1x16xf32>
        tpu.vector_store %arg17[%swap3A_562, %swap3A_563], %swap3A_566 {add = true, strides = array<i32>} : memref<16x768xf32, #tpu.memory_space<vmem>>, vector<1x16xf32>,
        %swap3A_567 = arith.constant 0 : i32
        %swap3A_568 = arith.index_cast %swap3A_567 : i32 to index
        %swap3A_569 = arith.index_cast %mul3A_535 : i32 to index
        %swap3A_570 = tpu.vector_load %arg18[%swap3A_568, %swap3A_569] {strides = array<i32>} : memref<16x768xf32, #tpu.memory_space<vmem>>, vector<1x16xf32>,
        %swap3A_571 = vector.shape_cast %swap3A_570 : vector<1x16xf32> to vector<16xf32>
        %swap3A_572 = vector.shape_cast %get3A_544 : vector<16xf32> to vector<1x16xf32>
        tpu.vector_store %arg18[%swap3A_568, %swap3A_569], %swap3A_572 {add = true, strides = array<i32>} : memref<16x768xf32, #tpu.memory_space<vmem>>, vector<1x16xf32>,
        %swap3A_573 = arith.constant 1 : i32
        %swap3A_574 = arith.index_cast %swap3A_573 : i32 to index
        %swap3A_575 = arith.index_cast %mul3A_535 : i32 to index
        %swap3A_576 = tpu.vector_load %arg15[%swap3A_574, %swap3A_575] {strides = array<i32>} : memref<16x768xf32, #tpu.memory_space<vmem>>, vector<1x16xf32>,
        %swap3A_577 = vector.shape_cast %swap3A_576 : vector<1x16xf32> to vector<16xf32>
        %swap3A_578 = vector.shape_cast %get3A_549 : vector<16xf32> to vector<1x16xf32>
        tpu.vector_store %arg15[%swap3A_574, %swap3A_575], %swap3A_578 {add = true, strides = array<i32>} : memref<16x768xf32, #tpu.memory_space<vmem>>, vector<1x16xf32>,
        %swap3A_579 = arith.constant 1 : i32
        %swap3A_580 = arith.index_cast %swap3A_579 : i32 to index
        %swap3A_581 = arith.index_cast %mul3A_535 : i32 to index
        %swap3A_582 = tpu.vector_load %arg16[%swap3A_580, %swap3A_581] {strides = array<i32>} : memref<16x768xf32, #tpu.memory_space<vmem>>, vector<1x16xf32>,
        %swap3A_583 = vector.shape_cast %swap3A_582 : vector<1x16xf32> to vector<16xf32>
        %swap3A_584 = vector.shape_cast %get3A_549 : vector<16xf32> to vector<1x16xf32>
        tpu.vector_store %arg16[%swap3A_580, %swap3A_581], %swap3A_584 {add = true, strides = array<i32>} : memref<16x768xf32, #tpu.memory_space<vmem>>, vector<1x16xf32>,
        %swap3A_585 = arith.constant 1 : i32
        %swap3A_586 = arith.index_cast %swap3A_585 : i32 to index
        %swap3A_587 = arith.index_cast %mul3A_535 : i32 to index
        %swap3A_588 = tpu.vector_load %arg17[%swap3A_586, %swap3A_587] {strides = array<i32>} : memref<16x768xf32, #tpu.memory_space<vmem>>, vector<1x16xf32>,
        %swap3A_589 = vector.shape_cast %swap3A_588 : vector<1x16xf32> to vector<16xf32>
        %swap3A_590 = vector.shape_cast %get3A_549 : vector<16xf32> to vector<1x16xf32>
        tpu.vector_store %arg17[%swap3A_586, %swap3A_587], %swap3A_590 {add = true, strides = array<i32>} : memref<16x768xf32, #tpu.memory_space<vmem>>, vector<1x16xf32>,
        %swap3A_591 = arith.constant 1 : i32
        %swap3A_592 = arith.index_cast %swap3A_591 : i32 to index
        %swap3A_593 = arith.index_cast %mul3A_535 : i32 to index
        %swap3A_594 = tpu.vector_load %arg18[%swap3A_592, %swap3A_593] {strides = array<i32>} : memref<16x768xf32, #tpu.memory_space<vmem>>, vector<1x16xf32>,
        %swap3A_595 = vector.shape_cast %swap3A_594 : vector<1x16xf32> to vector<16xf32>
        %swap3A_596 = vector.shape_cast %get3A_549 : vector<16xf32> to vector<1x16xf32>
        tpu.vector_store %arg18[%swap3A_592, %swap3A_593], %swap3A_596 {add = true, strides = array<i32>} : memref<16x768xf32, #tpu.memory_space<vmem>>, vector<1x16xf32>,
        %mul3A_597 = arith.mulf %get3A_539, %get3A_549 : vector<16xf32>
        %sub3A = arith.subf %mul3A_597, %get3A_544 : vector<16xf32>
        %swap3A_598 = arith.constant 2 : i32
        %swap3A_599 = arith.index_cast %swap3A_598 : i32 to index
        %swap3A_600 = arith.index_cast %mul3A_535 : i32 to index
        %swap3A_601 = tpu.vector_load %arg15[%swap3A_599, %swap3A_600] {strides = array<i32>} : memref<16x768xf32, #tpu.memory_space<vmem>>, vector<1x16xf32>,
        %swap3A_602 = vector.shape_cast %swap3A_601 : vector<1x16xf32> to vector<16xf32>
        %swap3A_603 = vector.shape_cast %sub3A : vector<16xf32> to vector<1x16xf32>
        tpu.vector_store %arg15[%swap3A_599, %swap3A_600], %swap3A_603 {add = true, strides = array<i32>} : memref<16x768xf32, #tpu.memory_space<vmem>>, vector<1x16xf32>,
        %swap3A_604 = arith.constant 2 : i32
        %swap3A_605 = arith.index_cast %swap3A_604 : i32 to index
        %swap3A_606 = arith.index_cast %mul3A_535 : i32 to index
        %swap3A_607 = tpu.vector_load %arg16[%swap3A_605, %swap3A_606] {strides = array<i32>} : memref<16x768xf32, #tpu.memory_space<vmem>>, vector<1x16xf32>,
        %swap3A_608 = vector.shape_cast %swap3A_607 : vector<1x16xf32> to vector<16xf32>
        %swap3A_609 = vector.shape_cast %sub3A : vector<16xf32> to vector<1x16xf32>
        tpu.vector_store %arg16[%swap3A_605, %swap3A_606], %swap3A_609 {add = true, strides = array<i32>} : memref<16x768xf32, #tpu.memory_space<vmem>>, vector<1x16xf32>,
        %swap3A_610 = arith.constant 2 : i32
        %swap3A_611 = arith.index_cast %swap3A_610 : i32 to index
        %swap3A_612 = arith.index_cast %mul3A_535 : i32 to index
        %swap3A_613 = tpu.vector_load %arg17[%swap3A_611, %swap3A_612] {strides = array<i32>} : memref<16x768xf32, #tpu.memory_space<vmem>>, vector<1x16xf32>,
        %swap3A_614 = vector.shape_cast %swap3A_613 : vector<1x16xf32> to vector<16xf32>
        %swap3A_615 = vector.shape_cast %sub3A : vector<16xf32> to vector<1x16xf32>
        tpu.vector_store %arg17[%swap3A_611, %swap3A_612], %swap3A_615 {add = true, strides = array<i32>} : memref<16x768xf32, #tpu.memory_space<vmem>>, vector<1x16xf32>,
        %swap3A_616 = arith.constant 2 : i32
        %swap3A_617 = arith.index_cast %swap3A_616 : i32 to index
        %swap3A_618 = arith.index_cast %mul3A_535 : i32 to index
        %swap3A_619 = tpu.vector_load %arg18[%swap3A_617, %swap3A_618] {strides = array<i32>} : memref<16x768xf32, #tpu.memory_space<vmem>>, vector<1x16xf32>,
        %swap3A_620 = vector.shape_cast %swap3A_619 : vector<1x16xf32> to vector<16xf32>
        %swap3A_621 = vector.shape_cast %sub3A : vector<16xf32> to vector<1x16xf32>
        tpu.vector_store %arg18[%swap3A_617, %swap3A_618], %swap3A_621 {add = true, strides = array<i32>} : memref<16x768xf32, #tpu.memory_space<vmem>>, vector<1x16xf32>,
        %mul3A_622 = arith.mulf %get3A_539, %sub3A : vector<16xf32>
        %sub3A_623 = arith.subf %mul3A_622, %get3A_549 : vector<16xf32>
        %swap3A_624 = arith.constant 3 : i32
        %swap3A_625 = arith.index_cast %swap3A_624 : i32 to index
        %swap3A_626 = arith.index_cast %mul3A_535 : i32 to index
        %swap3A_627 = tpu.vector_load %arg15[%swap3A_625, %swap3A_626] {strides = array<i32>} : memref<16x768xf32, #tpu.memory_space<vmem>>, vector<1x16xf32>,
        %swap3A_628 = vector.shape_cast %swap3A_627 : vector<1x16xf32> to vector<16xf32>
        %swap3A_629 = vector.shape_cast %sub3A_623 : vector<16xf32> to vector<1x16xf32>
        tpu.vector_store %arg15[%swap3A_625, %swap3A_626], %swap3A_629 {add = true, strides = array<i32>} : memref<16x768xf32, #tpu.memory_space<vmem>>, vector<1x16xf32>,
        %swap3A_630 = arith.constant 3 : i32
        %swap3A_631 = arith.index_cast %swap3A_630 : i32 to index
        %swap3A_632 = arith.index_cast %mul3A_535 : i32 to index
        %swap3A_633 = tpu.vector_load %arg16[%swap3A_631, %swap3A_632] {strides = array<i32>} : memref<16x768xf32, #tpu.memory_space<vmem>>, vector<1x16xf32>,
        %swap3A_634 = vector.shape_cast %swap3A_633 : vector<1x16xf32> to vector<16xf32>
        %swap3A_635 = vector.shape_cast %sub3A_623 : vector<16xf32> to vector<1x16xf32>
        tpu.vector_store %arg16[%swap3A_631, %swap3A_632], %swap3A_635 {add = true, strides = array<i32>} : memref<16x768xf32, #tpu.memory_space<vmem>>, vector<1x16xf32>,
        %swap3A_636 = arith.constant 3 : i32
        %swap3A_637 = arith.index_cast %swap3A_636 : i32 to index
        %swap3A_638 = arith.index_cast %mul3A_535 : i32 to index
        %swap3A_639 = tpu.vector_load %arg17[%swap3A_637, %swap3A_638] {strides = array<i32>} : memref<16x768xf32, #tpu.memory_space<vmem>>, vector<1x16xf32>,
        %swap3A_640 = vector.shape_cast %swap3A_639 : vector<1x16xf32> to vector<16xf32>
        %swap3A_641 = vector.shape_cast %sub3A_623 : vector<16xf32> to vector<1x16xf32>
        tpu.vector_store %arg17[%swap3A_637, %swap3A_638], %swap3A_641 {add = true, strides = array<i32>} : memref<16x768xf32, #tpu.memory_space<vmem>>, vector<1x16xf32>,
        %swap3A_642 = arith.constant 3 : i32
        %swap3A_643 = arith.index_cast %swap3A_642 : i32 to index
        %swap3A_644 = arith.index_cast %mul3A_535 : i32 to index
        %swap3A_645 = tpu.vector_load %arg18[%swap3A_643, %swap3A_644] {strides = array<i32>} : memref<16x768xf32, #tpu.memory_space<vmem>>, vector<1x16xf32>,
        %swap3A_646 = vector.shape_cast %swap3A_645 : vector<1x16xf32> to vector<16xf32>
        %swap3A_647 = vector.shape_cast %sub3A_623 : vector<16xf32> to vector<1x16xf32>
        tpu.vector_store %arg18[%swap3A_643, %swap3A_644], %swap3A_647 {add = true, strides = array<i32>} : memref<16x768xf32, #tpu.memory_space<vmem>>, vector<1x16xf32>,
        %mul3A_648 = arith.mulf %get3A_539, %sub3A_623 : vector<16xf32>
        %sub3A_649 = arith.subf %mul3A_648, %sub3A : vector<16xf32>
        %swap3A_650 = arith.constant 4 : i32
        %swap3A_651 = arith.index_cast %swap3A_650 : i32 to index
        %swap3A_652 = arith.index_cast %mul3A_535 : i32 to index
        %swap3A_653 = tpu.vector_load %arg15[%swap3A_651, %swap3A_652] {strides = array<i32>} : memref<16x768xf32, #tpu.memory_space<vmem>>, vector<1x16xf32>,
        %swap3A_654 = vector.shape_cast %swap3A_653 : vector<1x16xf32> to vector<16xf32>
        %swap3A_655 = vector.shape_cast %sub3A_649 : vector<16xf32> to vector<1x16xf32>
        tpu.vector_store %arg15[%swap3A_651, %swap3A_652], %swap3A_655 {add = true, strides = array<i32>} : memref<16x768xf32, #tpu.memory_space<vmem>>, vector<1x16xf32>,
        %swap3A_656 = arith.constant 4 : i32
        %swap3A_657 = arith.index_cast %swap3A_656 : i32 to index
        %swap3A_658 = arith.index_cast %mul3A_535 : i32 to index
        %swap3A_659 = tpu.vector_load %arg16[%swap3A_657, %swap3A_658] {strides = array<i32>} : memref<16x768xf32, #tpu.memory_space<vmem>>, vector<1x16xf32>,
        %swap3A_660 = vector.shape_cast %swap3A_659 : vector<1x16xf32> to vector<16xf32>
        %swap3A_661 = vector.shape_cast %sub3A_649 : vector<16xf32> to vector<1x16xf32>
        tpu.vector_store %arg16[%swap3A_657, %swap3A_658], %swap3A_661 {add = true, strides = array<i32>} : memref<16x768xf32, #tpu.memory_space<vmem>>, vector<1x16xf32>,
        %swap3A_662 = arith.constant 4 : i32
        %swap3A_663 = arith.index_cast %swap3A_662 : i32 to index
        %swap3A_664 = arith.index_cast %mul3A_535 : i32 to index
        %swap3A_665 = tpu.vector_load %arg17[%swap3A_663, %swap3A_664] {strides = array<i32>} : memref<16x768xf32, #tpu.memory_space<vmem>>, vector<1x16xf32>,
        %swap3A_666 = vector.shape_cast %swap3A_665 : vector<1x16xf32> to vector<16xf32>
        %swap3A_667 = vector.shape_cast %sub3A_649 : vector<16xf32> to vector<1x16xf32>
        tpu.vector_store %arg17[%swap3A_663, %swap3A_664], %swap3A_667 {add = true, strides = array<i32>} : memref<16x768xf32, #tpu.memory_space<vmem>>, vector<1x16xf32>,
        %swap3A_668 = arith.constant 4 : i32
        %swap3A_669 = arith.index_cast %swap3A_668 : i32 to index
        %swap3A_670 = arith.index_cast %mul3A_535 : i32 to index
        %swap3A_671 = tpu.vector_load %arg18[%swap3A_669, %swap3A_670] {strides = array<i32>} : memref<16x768xf32, #tpu.memory_space<vmem>>, vector<1x16xf32>,
        %swap3A_672 = vector.shape_cast %swap3A_671 : vector<1x16xf32> to vector<16xf32>
        %swap3A_673 = vector.shape_cast %sub3A_649 : vector<16xf32> to vector<1x16xf32>
        tpu.vector_store %arg18[%swap3A_669, %swap3A_670], %swap3A_673 {add = true, strides = array<i32>} : memref<16x768xf32, #tpu.memory_space<vmem>>, vector<1x16xf32>,
        %mul3A_674 = arith.mulf %get3A_539, %sub3A_649 : vector<16xf32>
        %sub3A_675 = arith.subf %mul3A_674, %sub3A_623 : vector<16xf32>
        %swap3A_676 = arith.constant 5 : i32
        %swap3A_677 = arith.index_cast %swap3A_676 : i32 to index
        %swap3A_678 = arith.index_cast %mul3A_535 : i32 to index
        %swap3A_679 = tpu.vector_load %arg15[%swap3A_677, %swap3A_678] {strides = array<i32>} : memref<16x768xf32, #tpu.memory_space<vmem>>, vector<1x16xf32>,
        %swap3A_680 = vector.shape_cast %swap3A_679 : vector<1x16xf32> to vector<16xf32>
        %swap3A_681 = vector.shape_cast %sub3A_675 : vector<16xf32> to vector<1x16xf32>
        tpu.vector_store %arg15[%swap3A_677, %swap3A_678], %swap3A_681 {add = true, strides = array<i32>} : memref<16x768xf32, #tpu.memory_space<vmem>>, vector<1x16xf32>,
        %swap3A_682 = arith.constant 5 : i32
        %swap3A_683 = arith.index_cast %swap3A_682 : i32 to index
        %swap3A_684 = arith.index_cast %mul3A_535 : i32 to index
        %swap3A_685 = tpu.vector_load %arg16[%swap3A_683, %swap3A_684] {strides = array<i32>} : memref<16x768xf32, #tpu.memory_space<vmem>>, vector<1x16xf32>,
        %swap3A_686 = vector.shape_cast %swap3A_685 : vector<1x16xf32> to vector<16xf32>
        %swap3A_687 = vector.shape_cast %sub3A_675 : vector<16xf32> to vector<1x16xf32>
        tpu.vector_store %arg16[%swap3A_683, %swap3A_684], %swap3A_687 {add = true, strides = array<i32>} : memref<16x768xf32, #tpu.memory_space<vmem>>, vector<1x16xf32>,
        %swap3A_688 = arith.constant 5 : i32
        %swap3A_689 = arith.index_cast %swap3A_688 : i32 to index
        %swap3A_690 = arith.index_cast %mul3A_535 : i32 to index
        %swap3A_691 = tpu.vector_load %arg17[%swap3A_689, %swap3A_690] {strides = array<i32>} : memref<16x768xf32, #tpu.memory_space<vmem>>, vector<1x16xf32>,
        %swap3A_692 = vector.shape_cast %swap3A_691 : vector<1x16xf32> to vector<16xf32>
        %swap3A_693 = vector.shape_cast %sub3A_675 : vector<16xf32> to vector<1x16xf32>
        tpu.vector_store %arg17[%swap3A_689, %swap3A_690], %swap3A_693 {add = true, strides = array<i32>} : memref<16x768xf32, #tpu.memory_space<vmem>>, vector<1x16xf32>,
        %swap3A_694 = arith.constant 5 : i32
        %swap3A_695 = arith.index_cast %swap3A_694 : i32 to index
        %swap3A_696 = arith.index_cast %mul3A_535 : i32 to index
        %swap3A_697 = tpu.vector_load %arg18[%swap3A_695, %swap3A_696] {strides = array<i32>} : memref<16x768xf32, #tpu.memory_space<vmem>>, vector<1x16xf32>,
        %swap3A_698 = vector.shape_cast %swap3A_697 : vector<1x16xf32> to vector<16xf32>
        %swap3A_699 = vector.shape_cast %sub3A_675 : vector<16xf32> to vector<1x16xf32>
        tpu.vector_store %arg18[%swap3A_695, %swap3A_696], %swap3A_699 {add = true, strides = array<i32>} : memref<16x768xf32, #tpu.memory_space<vmem>>, vector<1x16xf32>,
        %mul3A_700 = arith.mulf %get3A_539, %sub3A_675 : vector<16xf32>
        %sub3A_701 = arith.subf %mul3A_700, %sub3A_649 : vector<16xf32>
        %swap3A_702 = arith.constant 6 : i32
        %swap3A_703 = arith.index_cast %swap3A_702 : i32 to index
        %swap3A_704 = arith.index_cast %mul3A_535 : i32 to index
        %swap3A_705 = tpu.vector_load %arg15[%swap3A_703, %swap3A_704] {strides = array<i32>} : memref<16x768xf32, #tpu.memory_space<vmem>>, vector<1x16xf32>,
        %swap3A_706 = vector.shape_cast %swap3A_705 : vector<1x16xf32> to vector<16xf32>
        %swap3A_707 = vector.shape_cast %sub3A_701 : vector<16xf32> to vector<1x16xf32>
        tpu.vector_store %arg15[%swap3A_703, %swap3A_704], %swap3A_707 {add = true, strides = array<i32>} : memref<16x768xf32, #tpu.memory_space<vmem>>, vector<1x16xf32>,
        %swap3A_708 = arith.constant 6 : i32
        %swap3A_709 = arith.index_cast %swap3A_708 : i32 to index
        %swap3A_710 = arith.index_cast %mul3A_535 : i32 to index
        %swap3A_711 = tpu.vector_load %arg16[%swap3A_709, %swap3A_710] {strides = array<i32>} : memref<16x768xf32, #tpu.memory_space<vmem>>, vector<1x16xf32>,
        %swap3A_712 = vector.shape_cast %swap3A_711 : vector<1x16xf32> to vector<16xf32>
        %swap3A_713 = vector.shape_cast %sub3A_701 : vector<16xf32> to vector<1x16xf32>
        tpu.vector_store %arg16[%swap3A_709, %swap3A_710], %swap3A_713 {add = true, strides = array<i32>} : memref<16x768xf32, #tpu.memory_space<vmem>>, vector<1x16xf32>,
        %swap3A_714 = arith.constant 6 : i32
        %swap3A_715 = arith.index_cast %swap3A_714 : i32 to index
        %swap3A_716 = arith.index_cast %mul3A_535 : i32 to index
        %swap3A_717 = tpu.vector_load %arg17[%swap3A_715, %swap3A_716] {strides = array<i32>} : memref<16x768xf32, #tpu.memory_space<vmem>>, vector<1x16xf32>,
        %swap3A_718 = vector.shape_cast %swap3A_717 : vector<1x16xf32> to vector<16xf32>
        %swap3A_719 = vector.shape_cast %sub3A_701 : vector<16xf32> to vector<1x16xf32>
        tpu.vector_store %arg17[%swap3A_715, %swap3A_716], %swap3A_719 {add = true, strides = array<i32>} : memref<16x768xf32, #tpu.memory_space<vmem>>, vector<1x16xf32>,
        %swap3A_720 = arith.constant 6 : i32
        %swap3A_721 = arith.index_cast %swap3A_720 : i32 to index
        %swap3A_722 = arith.index_cast %mul3A_535 : i32 to index
        %swap3A_723 = tpu.vector_load %arg18[%swap3A_721, %swap3A_722] {strides = array<i32>} : memref<16x768xf32, #tpu.memory_space<vmem>>, vector<1x16xf32>,
        %swap3A_724 = vector.shape_cast %swap3A_723 : vector<1x16xf32> to vector<16xf32>
        %swap3A_725 = vector.shape_cast %sub3A_701 : vector<16xf32> to vector<1x16xf32>
        tpu.vector_store %arg18[%swap3A_721, %swap3A_722], %swap3A_725 {add = true, strides = array<i32>} : memref<16x768xf32, #tpu.memory_space<vmem>>, vector<1x16xf32>,
        %mul3A_726 = arith.mulf %get3A_539, %sub3A_701 : vector<16xf32>
        %sub3A_727 = arith.subf %mul3A_726, %sub3A_675 : vector<16xf32>
        %swap3A_728 = arith.constant 7 : i32
        %swap3A_729 = arith.index_cast %swap3A_728 : i32 to index
        %swap3A_730 = arith.index_cast %mul3A_535 : i32 to index
        %swap3A_731 = tpu.vector_load %arg15[%swap3A_729, %swap3A_730] {strides = array<i32>} : memref<16x768xf32, #tpu.memory_space<vmem>>, vector<1x16xf32>,
        %swap3A_732 = vector.shape_cast %swap3A_731 : vector<1x16xf32> to vector<16xf32>
        %swap3A_733 = vector.shape_cast %sub3A_727 : vector<16xf32> to vector<1x16xf32>
        tpu.vector_store %arg15[%swap3A_729, %swap3A_730], %swap3A_733 {add = true, strides = array<i32>} : memref<16x768xf32, #tpu.memory_space<vmem>>, vector<1x16xf32>,
        %swap3A_734 = arith.constant 7 : i32
        %swap3A_735 = arith.index_cast %swap3A_734 : i32 to index
        %swap3A_736 = arith.index_cast %mul3A_535 : i32 to index
        %swap3A_737 = tpu.vector_load %arg16[%swap3A_735, %swap3A_736] {strides = array<i32>} : memref<16x768xf32, #tpu.memory_space<vmem>>, vector<1x16xf32>,
        %swap3A_738 = vector.shape_cast %swap3A_737 : vector<1x16xf32> to vector<16xf32>
        %swap3A_739 = vector.shape_cast %sub3A_727 : vector<16xf32> to vector<1x16xf32>
        tpu.vector_store %arg16[%swap3A_735, %swap3A_736], %swap3A_739 {add = true, strides = array<i32>} : memref<16x768xf32, #tpu.memory_space<vmem>>, vector<1x16xf32>,
        %swap3A_740 = arith.constant 7 : i32
        %swap3A_741 = arith.index_cast %swap3A_740 : i32 to index
        %swap3A_742 = arith.index_cast %mul3A_535 : i32 to index
        %swap3A_743 = tpu.vector_load %arg17[%swap3A_741, %swap3A_742] {strides = array<i32>} : memref<16x768xf32, #tpu.memory_space<vmem>>, vector<1x16xf32>,
        %swap3A_744 = vector.shape_cast %swap3A_743 : vector<1x16xf32> to vector<16xf32>
        %swap3A_745 = vector.shape_cast %sub3A_727 : vector<16xf32> to vector<1x16xf32>
        tpu.vector_store %arg17[%swap3A_741, %swap3A_742], %swap3A_745 {add = true, strides = array<i32>} : memref<16x768xf32, #tpu.memory_space<vmem>>, vector<1x16xf32>,
        %swap3A_746 = arith.constant 7 : i32
        %swap3A_747 = arith.index_cast %swap3A_746 : i32 to index
        %swap3A_748 = arith.index_cast %mul3A_535 : i32 to index
        %swap3A_749 = tpu.vector_load %arg18[%swap3A_747, %swap3A_748] {strides = array<i32>} : memref<16x768xf32, #tpu.memory_space<vmem>>, vector<1x16xf32>,
        %swap3A_750 = vector.shape_cast %swap3A_749 : vector<1x16xf32> to vector<16xf32>
        %swap3A_751 = vector.shape_cast %sub3A_727 : vector<16xf32> to vector<1x16xf32>
        tpu.vector_store %arg18[%swap3A_747, %swap3A_748], %swap3A_751 {add = true, strides = array<i32>} : memref<16x768xf32, #tpu.memory_space<vmem>>, vector<1x16xf32>,
        %mul3A_752 = arith.mulf %get3A_539, %sub3A_727 : vector<16xf32>
        %sub3A_753 = arith.subf %mul3A_752, %sub3A_701 : vector<16xf32>
        %swap3A_754 = arith.constant 8 : i32
        %swap3A_755 = arith.index_cast %swap3A_754 : i32 to index
        %swap3A_756 = arith.index_cast %mul3A_535 : i32 to index
        %swap3A_757 = tpu.vector_load %arg15[%swap3A_755, %swap3A_756] {strides = array<i32>} : memref<16x768xf32, #tpu.memory_space<vmem>>, vector<1x16xf32>,
        %swap3A_758 = vector.shape_cast %swap3A_757 : vector<1x16xf32> to vector<16xf32>
        %swap3A_759 = vector.shape_cast %sub3A_753 : vector<16xf32> to vector<1x16xf32>
        tpu.vector_store %arg15[%swap3A_755, %swap3A_756], %swap3A_759 {add = true, strides = array<i32>} : memref<16x768xf32, #tpu.memory_space<vmem>>, vector<1x16xf32>,
        %swap3A_760 = arith.constant 8 : i32
        %swap3A_761 = arith.index_cast %swap3A_760 : i32 to index
        %swap3A_762 = arith.index_cast %mul3A_535 : i32 to index
        %swap3A_763 = tpu.vector_load %arg16[%swap3A_761, %swap3A_762] {strides = array<i32>} : memref<16x768xf32, #tpu.memory_space<vmem>>, vector<1x16xf32>,
        %swap3A_764 = vector.shape_cast %swap3A_763 : vector<1x16xf32> to vector<16xf32>
        %swap3A_765 = vector.shape_cast %sub3A_753 : vector<16xf32> to vector<1x16xf32>
        tpu.vector_store %arg16[%swap3A_761, %swap3A_762], %swap3A_765 {add = true, strides = array<i32>} : memref<16x768xf32, #tpu.memory_space<vmem>>, vector<1x16xf32>,
        %swap3A_766 = arith.constant 8 : i32
        %swap3A_767 = arith.index_cast %swap3A_766 : i32 to index
        %swap3A_768 = arith.index_cast %mul3A_535 : i32 to index
        %swap3A_769 = tpu.vector_load %arg17[%swap3A_767, %swap3A_768] {strides = array<i32>} : memref<16x768xf32, #tpu.memory_space<vmem>>, vector<1x16xf32>,
        %swap3A_770 = vector.shape_cast %swap3A_769 : vector<1x16xf32> to vector<16xf32>
        %swap3A_771 = vector.shape_cast %sub3A_753 : vector<16xf32> to vector<1x16xf32>
        tpu.vector_store %arg17[%swap3A_767, %swap3A_768], %swap3A_771 {add = true, strides = array<i32>} : memref<16x768xf32, #tpu.memory_space<vmem>>, vector<1x16xf32>,
        %swap3A_772 = arith.constant 8 : i32
        %swap3A_773 = arith.index_cast %swap3A_772 : i32 to index
        %swap3A_774 = arith.index_cast %mul3A_535 : i32 to index
        %swap3A_775 = tpu.vector_load %arg18[%swap3A_773, %swap3A_774] {strides = array<i32>} : memref<16x768xf32, #tpu.memory_space<vmem>>, vector<1x16xf32>,
        %swap3A_776 = vector.shape_cast %swap3A_775 : vector<1x16xf32> to vector<16xf32>
        %swap3A_777 = vector.shape_cast %sub3A_753 : vector<16xf32> to vector<1x16xf32>
        tpu.vector_store %arg18[%swap3A_773, %swap3A_774], %swap3A_777 {add = true, strides = array<i32>} : memref<16x768xf32, #tpu.memory_space<vmem>>, vector<1x16xf32>,
        %mul3A_778 = arith.mulf %get3A_539, %sub3A_753 : vector<16xf32>
        %sub3A_779 = arith.subf %mul3A_778, %sub3A_727 : vector<16xf32>
        %swap3A_780 = arith.constant 9 : i32
        %swap3A_781 = arith.index_cast %swap3A_780 : i32 to index
        %swap3A_782 = arith.index_cast %mul3A_535 : i32 to index
        %swap3A_783 = tpu.vector_load %arg15[%swap3A_781, %swap3A_782] {strides = array<i32>} : memref<16x768xf32, #tpu.memory_space<vmem>>, vector<1x16xf32>,
        %swap3A_784 = vector.shape_cast %swap3A_783 : vector<1x16xf32> to vector<16xf32>
        %swap3A_785 = vector.shape_cast %sub3A_779 : vector<16xf32> to vector<1x16xf32>
        tpu.vector_store %arg15[%swap3A_781, %swap3A_782], %swap3A_785 {add = true, strides = array<i32>} : memref<16x768xf32, #tpu.memory_space<vmem>>, vector<1x16xf32>,
        %swap3A_786 = arith.constant 9 : i32
        %swap3A_787 = arith.index_cast %swap3A_786 : i32 to index
        %swap3A_788 = arith.index_cast %mul3A_535 : i32 to index
        %swap3A_789 = tpu.vector_load %arg16[%swap3A_787, %swap3A_788] {strides = array<i32>} : memref<16x768xf32, #tpu.memory_space<vmem>>, vector<1x16xf32>,
        %swap3A_790 = vector.shape_cast %swap3A_789 : vector<1x16xf32> to vector<16xf32>
        %swap3A_791 = vector.shape_cast %sub3A_779 : vector<16xf32> to vector<1x16xf32>
        tpu.vector_store %arg16[%swap3A_787, %swap3A_788], %swap3A_791 {add = true, strides = array<i32>} : memref<16x768xf32, #tpu.memory_space<vmem>>, vector<1x16xf32>,
        %swap3A_792 = arith.constant 9 : i32
        %swap3A_793 = arith.index_cast %swap3A_792 : i32 to index
        %swap3A_794 = arith.index_cast %mul3A_535 : i32 to index
        %swap3A_795 = tpu.vector_load %arg17[%swap3A_793, %swap3A_794] {strides = array<i32>} : memref<16x768xf32, #tpu.memory_space<vmem>>, vector<1x16xf32>,
        %swap3A_796 = vector.shape_cast %swap3A_795 : vector<1x16xf32> to vector<16xf32>
        %swap3A_797 = vector.shape_cast %sub3A_779 : vector<16xf32> to vector<1x16xf32>
        tpu.vector_store %arg17[%swap3A_793, %swap3A_794], %swap3A_797 {add = true, strides = array<i32>} : memref<16x768xf32, #tpu.memory_space<vmem>>, vector<1x16xf32>,
        %swap3A_798 = arith.constant 9 : i32
        %swap3A_799 = arith.index_cast %swap3A_798 : i32 to index
        %swap3A_800 = arith.index_cast %mul3A_535 : i32 to index
        %swap3A_801 = tpu.vector_load %arg18[%swap3A_799, %swap3A_800] {strides = array<i32>} : memref<16x768xf32, #tpu.memory_space<vmem>>, vector<1x16xf32>,
        %swap3A_802 = vector.shape_cast %swap3A_801 : vector<1x16xf32> to vector<16xf32>
        %swap3A_803 = vector.shape_cast %sub3A_779 : vector<16xf32> to vector<1x16xf32>
        tpu.vector_store %arg18[%swap3A_799, %swap3A_800], %swap3A_803 {add = true, strides = array<i32>} : memref<16x768xf32, #tpu.memory_space<vmem>>, vector<1x16xf32>,
        %mul3A_804 = arith.mulf %get3A_539, %sub3A_779 : vector<16xf32>
        %sub3A_805 = arith.subf %mul3A_804, %sub3A_753 : vector<16xf32>
        %swap3A_806 = arith.constant 10 : i32
        %swap3A_807 = arith.index_cast %swap3A_806 : i32 to index
        %swap3A_808 = arith.index_cast %mul3A_535 : i32 to index
        %swap3A_809 = tpu.vector_load %arg15[%swap3A_807, %swap3A_808] {strides = array<i32>} : memref<16x768xf32, #tpu.memory_space<vmem>>, vector<1x16xf32>,
        %swap3A_810 = vector.shape_cast %swap3A_809 : vector<1x16xf32> to vector<16xf32>
        %swap3A_811 = vector.shape_cast %sub3A_805 : vector<16xf32> to vector<1x16xf32>
        tpu.vector_store %arg15[%swap3A_807, %swap3A_808], %swap3A_811 {add = true, strides = array<i32>} : memref<16x768xf32, #tpu.memory_space<vmem>>, vector<1x16xf32>,
        %swap3A_812 = arith.constant 10 : i32
        %swap3A_813 = arith.index_cast %swap3A_812 : i32 to index
        %swap3A_814 = arith.index_cast %mul3A_535 : i32 to index
        %swap3A_815 = tpu.vector_load %arg16[%swap3A_813, %swap3A_814] {strides = array<i32>} : memref<16x768xf32, #tpu.memory_space<vmem>>, vector<1x16xf32>,
        %swap3A_816 = vector.shape_cast %swap3A_815 : vector<1x16xf32> to vector<16xf32>
        %swap3A_817 = vector.shape_cast %sub3A_805 : vector<16xf32> to vector<1x16xf32>
        tpu.vector_store %arg16[%swap3A_813, %swap3A_814], %swap3A_817 {add = true, strides = array<i32>} : memref<16x768xf32, #tpu.memory_space<vmem>>, vector<1x16xf32>,
        %swap3A_818 = arith.constant 10 : i32
        %swap3A_819 = arith.index_cast %swap3A_818 : i32 to index
        %swap3A_820 = arith.index_cast %mul3A_535 : i32 to index
        %swap3A_821 = tpu.vector_load %arg17[%swap3A_819, %swap3A_820] {strides = array<i32>} : memref<16x768xf32, #tpu.memory_space<vmem>>, vector<1x16xf32>,
        %swap3A_822 = vector.shape_cast %swap3A_821 : vector<1x16xf32> to vector<16xf32>
        %swap3A_823 = vector.shape_cast %sub3A_805 : vector<16xf32> to vector<1x16xf32>
        tpu.vector_store %arg17[%swap3A_819, %swap3A_820], %swap3A_823 {add = true, strides = array<i32>} : memref<16x768xf32, #tpu.memory_space<vmem>>, vector<1x16xf32>,
        %swap3A_824 = arith.constant 10 : i32
        %swap3A_825 = arith.index_cast %swap3A_824 : i32 to index
        %swap3A_826 = arith.index_cast %mul3A_535 : i32 to index
        %swap3A_827 = tpu.vector_load %arg18[%swap3A_825, %swap3A_826] {strides = array<i32>} : memref<16x768xf32, #tpu.memory_space<vmem>>, vector<1x16xf32>,
        %swap3A_828 = vector.shape_cast %swap3A_827 : vector<1x16xf32> to vector<16xf32>
        %swap3A_829 = vector.shape_cast %sub3A_805 : vector<16xf32> to vector<1x16xf32>
        tpu.vector_store %arg18[%swap3A_825, %swap3A_826], %swap3A_829 {add = true, strides = array<i32>} : memref<16x768xf32, #tpu.memory_space<vmem>>, vector<1x16xf32>,
        %mul3A_830 = arith.mulf %get3A_539, %sub3A_805 : vector<16xf32>
        %sub3A_831 = arith.subf %mul3A_830, %sub3A_779 : vector<16xf32>
        %swap3A_832 = arith.constant 11 : i32
        %swap3A_833 = arith.index_cast %swap3A_832 : i32 to index
        %swap3A_834 = arith.index_cast %mul3A_535 : i32 to index
        %swap3A_835 = tpu.vector_load %arg15[%swap3A_833, %swap3A_834] {strides = array<i32>} : memref<16x768xf32, #tpu.memory_space<vmem>>, vector<1x16xf32>,
        %swap3A_836 = vector.shape_cast %swap3A_835 : vector<1x16xf32> to vector<16xf32>
        %swap3A_837 = vector.shape_cast %sub3A_831 : vector<16xf32> to vector<1x16xf32>
        tpu.vector_store %arg15[%swap3A_833, %swap3A_834], %swap3A_837 {add = true, strides = array<i32>} : memref<16x768xf32, #tpu.memory_space<vmem>>, vector<1x16xf32>,
        %swap3A_838 = arith.constant 11 : i32
        %swap3A_839 = arith.index_cast %swap3A_838 : i32 to index
        %swap3A_840 = arith.index_cast %mul3A_535 : i32 to index
        %swap3A_841 = tpu.vector_load %arg16[%swap3A_839, %swap3A_840] {strides = array<i32>} : memref<16x768xf32, #tpu.memory_space<vmem>>, vector<1x16xf32>,
        %swap3A_842 = vector.shape_cast %swap3A_841 : vector<1x16xf32> to vector<16xf32>
        %swap3A_843 = vector.shape_cast %sub3A_831 : vector<16xf32> to vector<1x16xf32>
        tpu.vector_store %arg16[%swap3A_839, %swap3A_840], %swap3A_843 {add = true, strides = array<i32>} : memref<16x768xf32, #tpu.memory_space<vmem>>, vector<1x16xf32>,
        %swap3A_844 = arith.constant 11 : i32
        %swap3A_845 = arith.index_cast %swap3A_844 : i32 to index
        %swap3A_846 = arith.index_cast %mul3A_535 : i32 to index
        %swap3A_847 = tpu.vector_load %arg17[%swap3A_845, %swap3A_846] {strides = array<i32>} : memref<16x768xf32, #tpu.memory_space<vmem>>, vector<1x16xf32>,
        %swap3A_848 = vector.shape_cast %swap3A_847 : vector<1x16xf32> to vector<16xf32>
        %swap3A_849 = vector.shape_cast %sub3A_831 : vector<16xf32> to vector<1x16xf32>
        tpu.vector_store %arg17[%swap3A_845, %swap3A_846], %swap3A_849 {add = true, strides = array<i32>} : memref<16x768xf32, #tpu.memory_space<vmem>>, vector<1x16xf32>,
        %swap3A_850 = arith.constant 11 : i32
        %swap3A_851 = arith.index_cast %swap3A_850 : i32 to index
        %swap3A_852 = arith.index_cast %mul3A_535 : i32 to index
        %swap3A_853 = tpu.vector_load %arg18[%swap3A_851, %swap3A_852] {strides = array<i32>} : memref<16x768xf32, #tpu.memory_space<vmem>>, vector<1x16xf32>,
        %swap3A_854 = vector.shape_cast %swap3A_853 : vector<1x16xf32> to vector<16xf32>
        %swap3A_855 = vector.shape_cast %sub3A_831 : vector<16xf32> to vector<1x16xf32>
        tpu.vector_store %arg18[%swap3A_851, %swap3A_852], %swap3A_855 {add = true, strides = array<i32>} : memref<16x768xf32, #tpu.memory_space<vmem>>, vector<1x16xf32>,
        %mul3A_856 = arith.mulf %get3A_539, %sub3A_831 : vector<16xf32>
        %sub3A_857 = arith.subf %mul3A_856, %sub3A_805 : vector<16xf32>
        %swap3A_858 = arith.constant 12 : i32
        %swap3A_859 = arith.index_cast %swap3A_858 : i32 to index
        %swap3A_860 = arith.index_cast %mul3A_535 : i32 to index
        %swap3A_861 = tpu.vector_load %arg15[%swap3A_859, %swap3A_860] {strides = array<i32>} : memref<16x768xf32, #tpu.memory_space<vmem>>, vector<1x16xf32>,
        %swap3A_862 = vector.shape_cast %swap3A_861 : vector<1x16xf32> to vector<16xf32>
        %swap3A_863 = vector.shape_cast %sub3A_857 : vector<16xf32> to vector<1x16xf32>
        tpu.vector_store %arg15[%swap3A_859, %swap3A_860], %swap3A_863 {add = true, strides = array<i32>} : memref<16x768xf32, #tpu.memory_space<vmem>>, vector<1x16xf32>,
        %swap3A_864 = arith.constant 12 : i32
        %swap3A_865 = arith.index_cast %swap3A_864 : i32 to index
        %swap3A_866 = arith.index_cast %mul3A_535 : i32 to index
        %swap3A_867 = tpu.vector_load %arg16[%swap3A_865, %swap3A_866] {strides = array<i32>} : memref<16x768xf32, #tpu.memory_space<vmem>>, vector<1x16xf32>,
        %swap3A_868 = vector.shape_cast %swap3A_867 : vector<1x16xf32> to vector<16xf32>
        %swap3A_869 = vector.shape_cast %sub3A_857 : vector<16xf32> to vector<1x16xf32>
        tpu.vector_store %arg16[%swap3A_865, %swap3A_866], %swap3A_869 {add = true, strides = array<i32>} : memref<16x768xf32, #tpu.memory_space<vmem>>, vector<1x16xf32>,
        %swap3A_870 = arith.constant 12 : i32
        %swap3A_871 = arith.index_cast %swap3A_870 : i32 to index
        %swap3A_872 = arith.index_cast %mul3A_535 : i32 to index
        %swap3A_873 = tpu.vector_load %arg17[%swap3A_871, %swap3A_872] {strides = array<i32>} : memref<16x768xf32, #tpu.memory_space<vmem>>, vector<1x16xf32>,
        %swap3A_874 = vector.shape_cast %swap3A_873 : vector<1x16xf32> to vector<16xf32>
        %swap3A_875 = vector.shape_cast %sub3A_857 : vector<16xf32> to vector<1x16xf32>
        tpu.vector_store %arg17[%swap3A_871, %swap3A_872], %swap3A_875 {add = true, strides = array<i32>} : memref<16x768xf32, #tpu.memory_space<vmem>>, vector<1x16xf32>,
        %swap3A_876 = arith.constant 12 : i32
        %swap3A_877 = arith.index_cast %swap3A_876 : i32 to index
        %swap3A_878 = arith.index_cast %mul3A_535 : i32 to index
        %swap3A_879 = tpu.vector_load %arg18[%swap3A_877, %swap3A_878] {strides = array<i32>} : memref<16x768xf32, #tpu.memory_space<vmem>>, vector<1x16xf32>,
        %swap3A_880 = vector.shape_cast %swap3A_879 : vector<1x16xf32> to vector<16xf32>
        %swap3A_881 = vector.shape_cast %sub3A_857 : vector<16xf32> to vector<1x16xf32>
        tpu.vector_store %arg18[%swap3A_877, %swap3A_878], %swap3A_881 {add = true, strides = array<i32>} : memref<16x768xf32, #tpu.memory_space<vmem>>, vector<1x16xf32>,
        %mul3A_882 = arith.mulf %get3A_539, %sub3A_857 : vector<16xf32>
        %sub3A_883 = arith.subf %mul3A_882, %sub3A_831 : vector<16xf32>
        %swap3A_884 = arith.constant 13 : i32
        %swap3A_885 = arith.index_cast %swap3A_884 : i32 to index
        %swap3A_886 = arith.index_cast %mul3A_535 : i32 to index
        %swap3A_887 = tpu.vector_load %arg15[%swap3A_885, %swap3A_886] {strides = array<i32>} : memref<16x768xf32, #tpu.memory_space<vmem>>, vector<1x16xf32>,
        %swap3A_888 = vector.shape_cast %swap3A_887 : vector<1x16xf32> to vector<16xf32>
        %swap3A_889 = vector.shape_cast %sub3A_883 : vector<16xf32> to vector<1x16xf32>
        tpu.vector_store %arg15[%swap3A_885, %swap3A_886], %swap3A_889 {add = true, strides = array<i32>} : memref<16x768xf32, #tpu.memory_space<vmem>>, vector<1x16xf32>,
        %swap3A_890 = arith.constant 13 : i32
        %swap3A_891 = arith.index_cast %swap3A_890 : i32 to index
        %swap3A_892 = arith.index_cast %mul3A_535 : i32 to index
        %swap3A_893 = tpu.vector_load %arg16[%swap3A_891, %swap3A_892] {strides = array<i32>} : memref<16x768xf32, #tpu.memory_space<vmem>>, vector<1x16xf32>,
        %swap3A_894 = vector.shape_cast %swap3A_893 : vector<1x16xf32> to vector<16xf32>
        %swap3A_895 = vector.shape_cast %sub3A_883 : vector<16xf32> to vector<1x16xf32>
        tpu.vector_store %arg16[%swap3A_891, %swap3A_892], %swap3A_895 {add = true, strides = array<i32>} : memref<16x768xf32, #tpu.memory_space<vmem>>, vector<1x16xf32>,
        %swap3A_896 = arith.constant 13 : i32
        %swap3A_897 = arith.index_cast %swap3A_896 : i32 to index
        %swap3A_898 = arith.index_cast %mul3A_535 : i32 to index
        %swap3A_899 = tpu.vector_load %arg17[%swap3A_897, %swap3A_898] {strides = array<i32>} : memref<16x768xf32, #tpu.memory_space<vmem>>, vector<1x16xf32>,
        %swap3A_900 = vector.shape_cast %swap3A_899 : vector<1x16xf32> to vector<16xf32>
        %swap3A_901 = vector.shape_cast %sub3A_883 : vector<16xf32> to vector<1x16xf32>
        tpu.vector_store %arg17[%swap3A_897, %swap3A_898], %swap3A_901 {add = true, strides = array<i32>} : memref<16x768xf32, #tpu.memory_space<vmem>>, vector<1x16xf32>,
        %swap3A_902 = arith.constant 13 : i32
        %swap3A_903 = arith.index_cast %swap3A_902 : i32 to index
        %swap3A_904 = arith.index_cast %mul3A_535 : i32 to index
        %swap3A_905 = tpu.vector_load %arg18[%swap3A_903, %swap3A_904] {strides = array<i32>} : memref<16x768xf32, #tpu.memory_space<vmem>>, vector<1x16xf32>,
        %swap3A_906 = vector.shape_cast %swap3A_905 : vector<1x16xf32> to vector<16xf32>
        %swap3A_907 = vector.shape_cast %sub3A_883 : vector<16xf32> to vector<1x16xf32>
        tpu.vector_store %arg18[%swap3A_903, %swap3A_904], %swap3A_907 {add = true, strides = array<i32>} : memref<16x768xf32, #tpu.memory_space<vmem>>, vector<1x16xf32>,
        %mul3A_908 = arith.mulf %get3A_539, %sub3A_883 : vector<16xf32>
        %sub3A_909 = arith.subf %mul3A_908, %sub3A_857 : vector<16xf32>
        %swap3A_910 = arith.constant 14 : i32
        %swap3A_911 = arith.index_cast %swap3A_910 : i32 to index
        %swap3A_912 = arith.index_cast %mul3A_535 : i32 to index
        %swap3A_913 = tpu.vector_load %arg15[%swap3A_911, %swap3A_912] {strides = array<i32>} : memref<16x768xf32, #tpu.memory_space<vmem>>, vector<1x16xf32>,
        %swap3A_914 = vector.shape_cast %swap3A_913 : vector<1x16xf32> to vector<16xf32>
        %swap3A_915 = vector.shape_cast %sub3A_909 : vector<16xf32> to vector<1x16xf32>
        tpu.vector_store %arg15[%swap3A_911, %swap3A_912], %swap3A_915 {add = true, strides = array<i32>} : memref<16x768xf32, #tpu.memory_space<vmem>>, vector<1x16xf32>,
        %swap3A_916 = arith.constant 14 : i32
        %swap3A_917 = arith.index_cast %swap3A_916 : i32 to index
        %swap3A_918 = arith.index_cast %mul3A_535 : i32 to index
        %swap3A_919 = tpu.vector_load %arg16[%swap3A_917, %swap3A_918] {strides = array<i32>} : memref<16x768xf32, #tpu.memory_space<vmem>>, vector<1x16xf32>,
        %swap3A_920 = vector.shape_cast %swap3A_919 : vector<1x16xf32> to vector<16xf32>
        %swap3A_921 = vector.shape_cast %sub3A_909 : vector<16xf32> to vector<1x16xf32>
        tpu.vector_store %arg16[%swap3A_917, %swap3A_918], %swap3A_921 {add = true, strides = array<i32>} : memref<16x768xf32, #tpu.memory_space<vmem>>, vector<1x16xf32>,
        %swap3A_922 = arith.constant 14 : i32
        %swap3A_923 = arith.index_cast %swap3A_922 : i32 to index
        %swap3A_924 = arith.index_cast %mul3A_535 : i32 to index
        %swap3A_925 = tpu.vector_load %arg17[%swap3A_923, %swap3A_924] {strides = array<i32>} : memref<16x768xf32, #tpu.memory_space<vmem>>, vector<1x16xf32>,
        %swap3A_926 = vector.shape_cast %swap3A_925 : vector<1x16xf32> to vector<16xf32>
        %swap3A_927 = vector.shape_cast %sub3A_909 : vector<16xf32> to vector<1x16xf32>
        tpu.vector_store %arg17[%swap3A_923, %swap3A_924], %swap3A_927 {add = true, strides = array<i32>} : memref<16x768xf32, #tpu.memory_space<vmem>>, vector<1x16xf32>,
        %swap3A_928 = arith.constant 14 : i32
        %swap3A_929 = arith.index_cast %swap3A_928 : i32 to index
        %swap3A_930 = arith.index_cast %mul3A_535 : i32 to index
        %swap3A_931 = tpu.vector_load %arg18[%swap3A_929, %swap3A_930] {strides = array<i32>} : memref<16x768xf32, #tpu.memory_space<vmem>>, vector<1x16xf32>,
        %swap3A_932 = vector.shape_cast %swap3A_931 : vector<1x16xf32> to vector<16xf32>
        %swap3A_933 = vector.shape_cast %sub3A_909 : vector<16xf32> to vector<1x16xf32>
        tpu.vector_store %arg18[%swap3A_929, %swap3A_930], %swap3A_933 {add = true, strides = array<i32>} : memref<16x768xf32, #tpu.memory_space<vmem>>, vector<1x16xf32>,
        %mul3A_934 = arith.mulf %get3A_539, %sub3A_909 : vector<16xf32>
        %sub3A_935 = arith.subf %mul3A_934, %sub3A_883 : vector<16xf32>
        %swap3A_936 = arith.constant 15 : i32
        %swap3A_937 = arith.index_cast %swap3A_936 : i32 to index
        %swap3A_938 = arith.index_cast %mul3A_535 : i32 to index
        %swap3A_939 = tpu.vector_load %arg15[%swap3A_937, %swap3A_938] {strides = array<i32>} : memref<16x768xf32, #tpu.memory_space<vmem>>, vector<1x16xf32>,
        %swap3A_940 = vector.shape_cast %swap3A_939 : vector<1x16xf32> to vector<16xf32>
        %swap3A_941 = vector.shape_cast %sub3A_935 : vector<16xf32> to vector<1x16xf32>
        tpu.vector_store %arg15[%swap3A_937, %swap3A_938], %swap3A_941 {add = true, strides = array<i32>} : memref<16x768xf32, #tpu.memory_space<vmem>>, vector<1x16xf32>,
        %swap3A_942 = arith.constant 15 : i32
        %swap3A_943 = arith.index_cast %swap3A_942 : i32 to index
        %swap3A_944 = arith.index_cast %mul3A_535 : i32 to index
        %swap3A_945 = tpu.vector_load %arg16[%swap3A_943, %swap3A_944] {strides = array<i32>} : memref<16x768xf32, #tpu.memory_space<vmem>>, vector<1x16xf32>,
        %swap3A_946 = vector.shape_cast %swap3A_945 : vector<1x16xf32> to vector<16xf32>
        %swap3A_947 = vector.shape_cast %sub3A_935 : vector<16xf32> to vector<1x16xf32>
        tpu.vector_store %arg16[%swap3A_943, %swap3A_944], %swap3A_947 {add = true, strides = array<i32>} : memref<16x768xf32, #tpu.memory_space<vmem>>, vector<1x16xf32>,
        %swap3A_948 = arith.constant 15 : i32
        %swap3A_949 = arith.index_cast %swap3A_948 : i32 to index
        %swap3A_950 = arith.index_cast %mul3A_535 : i32 to index
        %swap3A_951 = tpu.vector_load %arg17[%swap3A_949, %swap3A_950] {strides = array<i32>} : memref<16x768xf32, #tpu.memory_space<vmem>>, vector<1x16xf32>,
        %swap3A_952 = vector.shape_cast %swap3A_951 : vector<1x16xf32> to vector<16xf32>
        %swap3A_953 = vector.shape_cast %sub3A_935 : vector<16xf32> to vector<1x16xf32>
        tpu.vector_store %arg17[%swap3A_949, %swap3A_950], %swap3A_953 {add = true, strides = array<i32>} : memref<16x768xf32, #tpu.memory_space<vmem>>, vector<1x16xf32>,
        %swap3A_954 = arith.constant 15 : i32
        %swap3A_955 = arith.index_cast %swap3A_954 : i32 to index
        %swap3A_956 = arith.index_cast %mul3A_535 : i32 to index
        %swap3A_957 = tpu.vector_load %arg18[%swap3A_955, %swap3A_956] {strides = array<i32>} : memref<16x768xf32, #tpu.memory_space<vmem>>, vector<1x16xf32>,
        %swap3A_958 = vector.shape_cast %swap3A_957 : vector<1x16xf32> to vector<16xf32>
        %swap3A_959 = vector.shape_cast %sub3A_935 : vector<16xf32> to vector<1x16xf32>
        tpu.vector_store %arg18[%swap3A_955, %swap3A_956], %swap3A_959 {add = true, strides = array<i32>} : memref<16x768xf32, #tpu.memory_space<vmem>>, vector<1x16xf32>,
        %mul3A_960 = arith.mulf %get3A_539, %sub3A_935 : vector<16xf32>
        %sub3A_961 = arith.subf %mul3A_960, %sub3A_909 : vector<16xf32>
        %mul3A_962 = arith.mulf %get3A_539, %sub3A_961 : vector<16xf32>
        %sub3A_963 = arith.subf %mul3A_962, %sub3A_935 : vector<16xf32>
        %swap3A_964 = arith.constant 0 : i32
        %swap3A_965 = arith.index_cast %swap3A_964 : i32 to index
        %swap3A_966 = arith.index_cast %mul3A_535 : i32 to index
        %swap3A_967 = tpu.vector_load %arg10[%swap3A_965, %swap3A_966] {strides = array<i32>} : memref<2x768xf32, #tpu.memory_space<vmem>>, vector<1x16xf32>,
        %swap3A_968 = vector.shape_cast %swap3A_967 : vector<1x16xf32> to vector<16xf32>
        %swap3A_969 = vector.shape_cast %sub3A_961 : vector<16xf32> to vector<1x16xf32>
        tpu.vector_store %arg10[%swap3A_965, %swap3A_966], %swap3A_969 {strides = array<i32>} : memref<2x768xf32, #tpu.memory_space<vmem>>, vector<1x16xf32>,
        %swap3A_970 = arith.constant 1 : i32
        %swap3A_971 = arith.index_cast %swap3A_970 : i32 to index
        %swap3A_972 = arith.index_cast %mul3A_535 : i32 to index
        %swap3A_973 = tpu.vector_load %arg10[%swap3A_971, %swap3A_972] {strides = array<i32>} : memref<2x768xf32, #tpu.memory_space<vmem>>, vector<1x16xf32>,
        %swap3A_974 = vector.shape_cast %swap3A_973 : vector<1x16xf32> to vector<16xf32>
        %swap3A_975 = vector.shape_cast %sub3A_963 : vector<16xf32> to vector<1x16xf32>
        tpu.vector_store %arg10[%swap3A_971, %swap3A_972], %swap3A_975 {strides = array<i32>} : memref<2x768xf32, #tpu.memory_space<vmem>>, vector<1x16xf32>,
      }
      %scan3A_324 = arith.constant 48 : i32
      %add3A_325 = arith.constant 0 : i32
      %add3A_326 = arith.addi %add3A_325, %mul3A_2 : i32
      %mul3A_327 = arith.constant 16 : i32
      %mul3A_328 = arith.muli %add3A_280, %mul3A_327 : i32
      %add3A_329 = arith.addi %add3A_326, %mul3A_328 : i32
      %dma_start3A_330 = arith.constant 0 : i32
      %dma_start3A_331 = tpu.memref_slice %arg6[%add3A_329, %dma_start3A_330] : memref<32768x768xf32, #tpu.memory_space<hbm>> -> memref<16x768xf32, #tpu.memory_space<hbm>>
      %dma_start3A_332 = arith.constant 0 : i32
      %dma_start3A_333 = tpu.memref_slice %arg6[%add3A_329, %dma_start3A_332] : memref<32768x768xf32, #tpu.memory_space<hbm>> -> memref<16x768xf32, #tpu.memory_space<hbm>>
      tpu.enqueue_dma source(%arg15 : memref<16x768xf32, #tpu.memory_space<vmem>>) target(%dma_start3A_333 : memref<16x768xf32, #tpu.memory_space<hbm>>) target_semaphore(%arg31 : memref<!tpu.dma_semaphore, #tpu.memory_space<semaphore_mem>>)
      %add3A_334 = arith.constant 8192 : i32
      %add3A_335 = arith.addi %add3A_334, %mul3A_2 : i32
      %mul3A_336 = arith.constant 16 : i32
      %mul3A_337 = arith.muli %add3A_280, %mul3A_336 : i32
      %add3A_338 = arith.addi %add3A_335, %mul3A_337 : i32
      %dma_start3A_339 = arith.constant 0 : i32
      %dma_start3A_340 = tpu.memref_slice %arg6[%add3A_338, %dma_start3A_339] : memref<32768x768xf32, #tpu.memory_space<hbm>> -> memref<16x768xf32, #tpu.memory_space<hbm>>
      %dma_start3A_341 = arith.constant 0 : i32
      %dma_start3A_342 = tpu.memref_slice %arg6[%add3A_338, %dma_start3A_341] : memref<32768x768xf32, #tpu.memory_space<hbm>> -> memref<16x768xf32, #tpu.memory_space<hbm>>
      tpu.enqueue_dma source(%arg16 : memref<16x768xf32, #tpu.memory_space<vmem>>) target(%dma_start3A_342 : memref<16x768xf32, #tpu.memory_space<hbm>>) target_semaphore(%arg32 : memref<!tpu.dma_semaphore, #tpu.memory_space<semaphore_mem>>)
      %add3A_343 = arith.constant 16384 : i32
      %add3A_344 = arith.addi %add3A_343, %mul3A_2 : i32
      %mul3A_345 = arith.constant 16 : i32
      %mul3A_346 = arith.muli %add3A_280, %mul3A_345 : i32
      %add3A_347 = arith.addi %add3A_344, %mul3A_346 : i32
      %dma_start3A_348 = arith.constant 0 : i32
      %dma_start3A_349 = tpu.memref_slice %arg6[%add3A_347, %dma_start3A_348] : memref<32768x768xf32, #tpu.memory_space<hbm>> -> memref<16x768xf32, #tpu.memory_space<hbm>>
      %dma_start3A_350 = arith.constant 0 : i32
      %dma_start3A_351 = tpu.memref_slice %arg6[%add3A_347, %dma_start3A_350] : memref<32768x768xf32, #tpu.memory_space<hbm>> -> memref<16x768xf32, #tpu.memory_space<hbm>>
      tpu.enqueue_dma source(%arg17 : memref<16x768xf32, #tpu.memory_space<vmem>>) target(%dma_start3A_351 : memref<16x768xf32, #tpu.memory_space<hbm>>) target_semaphore(%arg33 : memref<!tpu.dma_semaphore, #tpu.memory_space<semaphore_mem>>)
      %add3A_352 = arith.constant 24576 : i32
      %add3A_353 = arith.addi %add3A_352, %mul3A_2 : i32
      %mul3A_354 = arith.constant 16 : i32
      %mul3A_355 = arith.muli %add3A_280, %mul3A_354 : i32
      %add3A_356 = arith.addi %add3A_353, %mul3A_355 : i32
      %dma_start3A_357 = arith.constant 0 : i32
      %dma_start3A_358 = tpu.memref_slice %arg6[%add3A_356, %dma_start3A_357] : memref<32768x768xf32, #tpu.memory_space<hbm>> -> memref<16x768xf32, #tpu.memory_space<hbm>>
      %dma_start3A_359 = arith.constant 0 : i32
      %dma_start3A_360 = tpu.memref_slice %arg6[%add3A_356, %dma_start3A_359] : memref<32768x768xf32, #tpu.memory_space<hbm>> -> memref<16x768xf32, #tpu.memory_space<hbm>>
      tpu.enqueue_dma source(%arg18 : memref<16x768xf32, #tpu.memory_space<vmem>>) target(%dma_start3A_360 : memref<16x768xf32, #tpu.memory_space<hbm>>) target_semaphore(%arg34 : memref<!tpu.dma_semaphore, #tpu.memory_space<semaphore_mem>>)
      %mul3A_361 = arith.constant 4 : i32
      %mul3A_362 = arith.muli %add3A_195, %mul3A_361 : i32
      %add3A_363 = arith.constant 2 : i32
      %add3A_364 = arith.addi %mul3A_362, %add3A_363 : i32
      %add3A_365 = arith.constant 1 : i32
      %add3A_366 = arith.addi %add3A_364, %add3A_365 : i32
      %lt3A_367 = arith.constant 16 : i32
      %lt3A_368 = arith.cmpi slt, %add3A_366, %lt3A_367 : i32
      %convert_element_type3A_369 = arith.extui %lt3A_368 : i1 to i32
      %cond3A_370 = arith.constant 0 : i32
      %cond3A_371 = arith.cmpi ne, %convert_element_type3A_369, %cond3A_370 : i32
      scf.if %cond3A_371 {
        %dma_wait3A_529 = arith.constant 0 : i32
        %dma_wait3A_530 = arith.constant 0 : i32
        %dma_wait3A_531 = tpu.memref_slice %arg6[%dma_wait3A_529, %dma_wait3A_530] : memref<32768x768xf32, #tpu.memory_space<hbm>> -> memref<16x768xf32, #tpu.memory_space<hbm>>
        %dma_wait3A_532 = arith.constant 0 : i32
        %dma_wait3A_533 = arith.constant 0 : i32
        %dma_wait3A_534 = tpu.memref_slice %arg6[%dma_wait3A_532, %dma_wait3A_533] : memref<32768x768xf32, #tpu.memory_space<hbm>> -> memref<16x768xf32, #tpu.memory_space<hbm>>
        tpu.wait_dma2 semaphore(%arg31 : memref<!tpu.dma_semaphore, #tpu.memory_space<semaphore_mem>>) src(%arg15 : memref<16x768xf32, #tpu.memory_space<vmem>>) dst(%dma_wait3A_534 : memref<16x768xf32, #tpu.memory_space<hbm>>)
        %add3A_535 = arith.constant 1 : i32
        %add3A_536 = arith.addi %add3A_364, %add3A_535 : i32
        %mul3A_537 = arith.constant 16 : i32
        %mul3A_538 = arith.muli %add3A_536, %mul3A_537 : i32
        %dma_start3A_539 = arith.constant 0 : i32
        %dma_start3A_540 = tpu.memref_slice %arg7[%dma_start3A_539, %mul3A_538] : memref<4x256xi32, #tpu.memory_space<vmem>> -> memref<1x16xi32, #tpu.memory_space<vmem>>
        %dma_start3A_541 = tpu.memref_squeeze %dma_start3A_540 : memref<1x16xi32, #tpu.memory_space<vmem>> -> memref<16xi32, #tpu.memory_space<vmem>>
        %dma_start3A_542 = arith.constant 0 : i32
        %dma_start3A_543 = arith.constant 0 : i32
        %dma_start3A_544 = tpu.memref_slice %arg3[%dma_start3A_542, %dma_start3A_543] : memref<100000x768xf32, #tpu.memory_space<hbm>> -> memref<100000x768xf32, #tpu.memory_space<hbm>>
        tpu.enqueue_indirect_dma source(%dma_start3A_544 : memref<100000x768xf32, #tpu.memory_space<hbm>>) target(%arg15 : memref<16x768xf32, #tpu.memory_space<vmem>>) offsets(%dma_start3A_541 : memref<16xi32, #tpu.memory_space<vmem>>) semaphore(%arg23 : memref<!tpu.dma_semaphore, #tpu.memory_space<semaphore_mem>>)
        %dma_wait3A_545 = arith.constant 0 : i32
        %dma_wait3A_546 = arith.constant 0 : i32
        %dma_wait3A_547 = tpu.memref_slice %arg6[%dma_wait3A_545, %dma_wait3A_546] : memref<32768x768xf32, #tpu.memory_space<hbm>> -> memref<16x768xf32, #tpu.memory_space<hbm>>
        %dma_wait3A_548 = arith.constant 0 : i32
        %dma_wait3A_549 = arith.constant 0 : i32
        %dma_wait3A_550 = tpu.memref_slice %arg6[%dma_wait3A_548, %dma_wait3A_549] : memref<32768x768xf32, #tpu.memory_space<hbm>> -> memref<16x768xf32, #tpu.memory_space<hbm>>
        tpu.wait_dma2 semaphore(%arg32 : memref<!tpu.dma_semaphore, #tpu.memory_space<semaphore_mem>>) src(%arg16 : memref<16x768xf32, #tpu.memory_space<vmem>>) dst(%dma_wait3A_550 : memref<16x768xf32, #tpu.memory_space<hbm>>)
        %add3A_551 = arith.constant 1 : i32
        %add3A_552 = arith.addi %add3A_364, %add3A_551 : i32
        %mul3A_553 = arith.constant 16 : i32
        %mul3A_554 = arith.muli %add3A_552, %mul3A_553 : i32
        %dma_start3A_555 = arith.constant 1 : i32
        %dma_start3A_556 = tpu.memref_slice %arg7[%dma_start3A_555, %mul3A_554] : memref<4x256xi32, #tpu.memory_space<vmem>> -> memref<1x16xi32, #tpu.memory_space<vmem>>
        %dma_start3A_557 = tpu.memref_squeeze %dma_start3A_556 : memref<1x16xi32, #tpu.memory_space<vmem>> -> memref<16xi32, #tpu.memory_space<vmem>>
        %dma_start3A_558 = arith.constant 0 : i32
        %dma_start3A_559 = arith.constant 0 : i32
        %dma_start3A_560 = tpu.memref_slice %arg3[%dma_start3A_558, %dma_start3A_559] : memref<100000x768xf32, #tpu.memory_space<hbm>> -> memref<100000x768xf32, #tpu.memory_space<hbm>>
        tpu.enqueue_indirect_dma source(%dma_start3A_560 : memref<100000x768xf32, #tpu.memory_space<hbm>>) target(%arg16 : memref<16x768xf32, #tpu.memory_space<vmem>>) offsets(%dma_start3A_557 : memref<16xi32, #tpu.memory_space<vmem>>) semaphore(%arg24 : memref<!tpu.dma_semaphore, #tpu.memory_space<semaphore_mem>>)
        %dma_wait3A_561 = arith.constant 0 : i32
        %dma_wait3A_562 = arith.constant 0 : i32
        %dma_wait3A_563 = tpu.memref_slice %arg6[%dma_wait3A_561, %dma_wait3A_562] : memref<32768x768xf32, #tpu.memory_space<hbm>> -> memref<16x768xf32, #tpu.memory_space<hbm>>
        %dma_wait3A_564 = arith.constant 0 : i32
        %dma_wait3A_565 = arith.constant 0 : i32
        %dma_wait3A_566 = tpu.memref_slice %arg6[%dma_wait3A_564, %dma_wait3A_565] : memref<32768x768xf32, #tpu.memory_space<hbm>> -> memref<16x768xf32, #tpu.memory_space<hbm>>
        tpu.wait_dma2 semaphore(%arg33 : memref<!tpu.dma_semaphore, #tpu.memory_space<semaphore_mem>>) src(%arg17 : memref<16x768xf32, #tpu.memory_space<vmem>>) dst(%dma_wait3A_566 : memref<16x768xf32, #tpu.memory_space<hbm>>)
        %add3A_567 = arith.constant 1 : i32
        %add3A_568 = arith.addi %add3A_364, %add3A_567 : i32
        %mul3A_569 = arith.constant 16 : i32
        %mul3A_570 = arith.muli %add3A_568, %mul3A_569 : i32
        %dma_start3A_571 = arith.constant 2 : i32
        %dma_start3A_572 = tpu.memref_slice %arg7[%dma_start3A_571, %mul3A_570] : memref<4x256xi32, #tpu.memory_space<vmem>> -> memref<1x16xi32, #tpu.memory_space<vmem>>
        %dma_start3A_573 = tpu.memref_squeeze %dma_start3A_572 : memref<1x16xi32, #tpu.memory_space<vmem>> -> memref<16xi32, #tpu.memory_space<vmem>>
        %dma_start3A_574 = arith.constant 0 : i32
        %dma_start3A_575 = arith.constant 0 : i32
        %dma_start3A_576 = tpu.memref_slice %arg3[%dma_start3A_574, %dma_start3A_575] : memref<100000x768xf32, #tpu.memory_space<hbm>> -> memref<100000x768xf32, #tpu.memory_space<hbm>>
        tpu.enqueue_indirect_dma source(%dma_start3A_576 : memref<100000x768xf32, #tpu.memory_space<hbm>>) target(%arg17 : memref<16x768xf32, #tpu.memory_space<vmem>>) offsets(%dma_start3A_573 : memref<16xi32, #tpu.memory_space<vmem>>) semaphore(%arg25 : memref<!tpu.dma_semaphore, #tpu.memory_space<semaphore_mem>>)
        %dma_wait3A_577 = arith.constant 0 : i32
        %dma_wait3A_578 = arith.constant 0 : i32
        %dma_wait3A_579 = tpu.memref_slice %arg6[%dma_wait3A_577, %dma_wait3A_578] : memref<32768x768xf32, #tpu.memory_space<hbm>> -> memref<16x768xf32, #tpu.memory_space<hbm>>
        %dma_wait3A_580 = arith.constant 0 : i32
        %dma_wait3A_581 = arith.constant 0 : i32
        %dma_wait3A_582 = tpu.memref_slice %arg6[%dma_wait3A_580, %dma_wait3A_581] : memref<32768x768xf32, #tpu.memory_space<hbm>> -> memref<16x768xf32, #tpu.memory_space<hbm>>
        tpu.wait_dma2 semaphore(%arg34 : memref<!tpu.dma_semaphore, #tpu.memory_space<semaphore_mem>>) src(%arg18 : memref<16x768xf32, #tpu.memory_space<vmem>>) dst(%dma_wait3A_582 : memref<16x768xf32, #tpu.memory_space<hbm>>)
        %add3A_583 = arith.constant 1 : i32
        %add3A_584 = arith.addi %add3A_364, %add3A_583 : i32
        %mul3A_585 = arith.constant 16 : i32
        %mul3A_586 = arith.muli %add3A_584, %mul3A_585 : i32
        %dma_start3A_587 = arith.constant 3 : i32
        %dma_start3A_588 = tpu.memref_slice %arg7[%dma_start3A_587, %mul3A_586] : memref<4x256xi32, #tpu.memory_space<vmem>> -> memref<1x16xi32, #tpu.memory_space<vmem>>
        %dma_start3A_589 = tpu.memref_squeeze %dma_start3A_588 : memref<1x16xi32, #tpu.memory_space<vmem>> -> memref<16xi32, #tpu.memory_space<vmem>>
        %dma_start3A_590 = arith.constant 0 : i32
        %dma_start3A_591 = arith.constant 0 : i32
        %dma_start3A_592 = tpu.memref_slice %arg3[%dma_start3A_590, %dma_start3A_591] : memref<100000x768xf32, #tpu.memory_space<hbm>> -> memref<100000x768xf32, #tpu.memory_space<hbm>>
        tpu.enqueue_indirect_dma source(%dma_start3A_592 : memref<100000x768xf32, #tpu.memory_space<hbm>>) target(%arg18 : memref<16x768xf32, #tpu.memory_space<vmem>>) offsets(%dma_start3A_589 : memref<16xi32, #tpu.memory_space<vmem>>) semaphore(%arg26 : memref<!tpu.dma_semaphore, #tpu.memory_space<semaphore_mem>>)
      } else {
      }
      %mul3A_372 = arith.constant 16 : i32
      %mul3A_373 = arith.muli %add3A_364, %mul3A_372 : i32
      %dma_wait3A_374 = arith.constant 0 : i32
      %dma_wait3A_375 = tpu.memref_slice %arg7[%dma_wait3A_374, %mul3A_373] : memref<4x256xi32, #tpu.memory_space<vmem>> -> memref<1x16xi32, #tpu.memory_space<vmem>>
      %dma_wait3A_376 = tpu.memref_squeeze %dma_wait3A_375 : memref<1x16xi32, #tpu.memory_space<vmem>> -> memref<16xi32, #tpu.memory_space<vmem>>
      %dma_wait3A_377 = arith.constant 0 : i32
      %dma_wait3A_378 = arith.constant 0 : i32
      %dma_wait3A_379 = tpu.memref_slice %arg3[%dma_wait3A_377, %dma_wait3A_378] : memref<100000x768xf32, #tpu.memory_space<hbm>> -> memref<100000x768xf32, #tpu.memory_space<hbm>>
      tpu.wait_indirect_dma semaphore(%arg19 : memref<!tpu.dma_semaphore, #tpu.memory_space<semaphore_mem>>) src(%dma_wait3A_379 : memref<100000x768xf32, #tpu.memory_space<hbm>>) dst(%arg11 : memref<16x768xf32, #tpu.memory_space<vmem>>)
      %mul3A_380 = arith.constant 16 : i32
      %mul3A_381 = arith.muli %add3A_364, %mul3A_380 : i32
      %dma_wait3A_382 = arith.constant 1 : i32
      %dma_wait3A_383 = tpu.memref_slice %arg7[%dma_wait3A_382, %mul3A_381] : memref<4x256xi32, #tpu.memory_space<vmem>> -> memref<1x16xi32, #tpu.memory_space<vmem>>
      %dma_wait3A_384 = tpu.memref_squeeze %dma_wait3A_383 : memref<1x16xi32, #tpu.memory_space<vmem>> -> memref<16xi32, #tpu.memory_space<vmem>>
      %dma_wait3A_385 = arith.constant 0 : i32
      %dma_wait3A_386 = arith.constant 0 : i32
      %dma_wait3A_387 = tpu.memref_slice %arg3[%dma_wait3A_385, %dma_wait3A_386] : memref<100000x768xf32, #tpu.memory_space<hbm>> -> memref<100000x768xf32, #tpu.memory_space<hbm>>
      tpu.wait_indirect_dma semaphore(%arg20 : memref<!tpu.dma_semaphore, #tpu.memory_space<semaphore_mem>>) src(%dma_wait3A_387 : memref<100000x768xf32, #tpu.memory_space<hbm>>) dst(%arg12 : memref<16x768xf32, #tpu.memory_space<vmem>>)
      %mul3A_388 = arith.constant 16 : i32
      %mul3A_389 = arith.muli %add3A_364, %mul3A_388 : i32
      %dma_wait3A_390 = arith.constant 2 : i32
      %dma_wait3A_391 = tpu.memref_slice %arg7[%dma_wait3A_390, %mul3A_389] : memref<4x256xi32, #tpu.memory_space<vmem>> -> memref<1x16xi32, #tpu.memory_space<vmem>>
      %dma_wait3A_392 = tpu.memref_squeeze %dma_wait3A_391 : memref<1x16xi32, #tpu.memory_space<vmem>> -> memref<16xi32, #tpu.memory_space<vmem>>
      %dma_wait3A_393 = arith.constant 0 : i32
      %dma_wait3A_394 = arith.constant 0 : i32
      %dma_wait3A_395 = tpu.memref_slice %arg3[%dma_wait3A_393, %dma_wait3A_394] : memref<100000x768xf32, #tpu.memory_space<hbm>> -> memref<100000x768xf32, #tpu.memory_space<hbm>>
      tpu.wait_indirect_dma semaphore(%arg21 : memref<!tpu.dma_semaphore, #tpu.memory_space<semaphore_mem>>) src(%dma_wait3A_395 : memref<100000x768xf32, #tpu.memory_space<hbm>>) dst(%arg13 : memref<16x768xf32, #tpu.memory_space<vmem>>)
      %mul3A_396 = arith.constant 16 : i32
      %mul3A_397 = arith.muli %add3A_364, %mul3A_396 : i32
      %dma_wait3A_398 = arith.constant 3 : i32
      %dma_wait3A_399 = tpu.memref_slice %arg7[%dma_wait3A_398, %mul3A_397] : memref<4x256xi32, #tpu.memory_space<vmem>> -> memref<1x16xi32, #tpu.memory_space<vmem>>
      %dma_wait3A_400 = tpu.memref_squeeze %dma_wait3A_399 : memref<1x16xi32, #tpu.memory_space<vmem>> -> memref<16xi32, #tpu.memory_space<vmem>>
      %dma_wait3A_401 = arith.constant 0 : i32
      %dma_wait3A_402 = arith.constant 0 : i32
      %dma_wait3A_403 = tpu.memref_slice %arg3[%dma_wait3A_401, %dma_wait3A_402] : memref<100000x768xf32, #tpu.memory_space<hbm>> -> memref<100000x768xf32, #tpu.memory_space<hbm>>
      tpu.wait_indirect_dma semaphore(%arg22 : memref<!tpu.dma_semaphore, #tpu.memory_space<semaphore_mem>>) src(%dma_wait3A_403 : memref<100000x768xf32, #tpu.memory_space<hbm>>) dst(%arg14 : memref<16x768xf32, #tpu.memory_space<vmem>>)
      %scan3A_404 = arith.constant 0 : i32
      %scan3A_405 = arith.constant 48 : i32
      %scan3A_406 = arith.addi %scan3A_404, %scan3A_405 : i32
      %scan3A_407 = arith.constant 1 : i32
      scf.for %scan3A_529 = %scan3A_404 to %scan3A_406 step %scan3A_407  : i32 {
        %mul3A_530 = arith.constant 1 : i32
        %mul3A_531 = arith.muli %scan3A_529, %mul3A_530 : i32
        %add3A_532 = arith.constant 0 : i32
        %add3A_533 = arith.addi %add3A_532, %mul3A_531 : i32
        %mul3A_534 = arith.constant 16 : i32
        %mul3A_535 = arith.muli %add3A_533, %mul3A_534 : i32
        %get3A = arith.constant 0 : i32
        %get3A_536 = arith.index_cast %get3A : i32 to index
        %get3A_537 = arith.index_cast %mul3A_535 : i32 to index
        %get3A_538 = tpu.vector_load %arg9[%get3A_536, %get3A_537] {strides = array<i32>} : memref<1x768xf32, #tpu.memory_space<vmem>>, vector<1x16xf32>,
        %get3A_539 = vector.shape_cast %get3A_538 : vector<1x16xf32> to vector<16xf32>
        %get3A_540 = arith.constant 0 : i32
        %get3A_541 = arith.index_cast %get3A_540 : i32 to index
        %get3A_542 = arith.index_cast %mul3A_535 : i32 to index
        %get3A_543 = tpu.vector_load %arg10[%get3A_541, %get3A_542] {strides = array<i32>} : memref<2x768xf32, #tpu.memory_space<vmem>>, vector<1x16xf32>,
        %get3A_544 = vector.shape_cast %get3A_543 : vector<1x16xf32> to vector<16xf32>
        %get3A_545 = arith.constant 1 : i32
        %get3A_546 = arith.index_cast %get3A_545 : i32 to index
        %get3A_547 = arith.index_cast %mul3A_535 : i32 to index
        %get3A_548 = tpu.vector_load %arg10[%get3A_546, %get3A_547] {strides = array<i32>} : memref<2x768xf32, #tpu.memory_space<vmem>>, vector<1x16xf32>,
        %get3A_549 = vector.shape_cast %get3A_548 : vector<1x16xf32> to vector<16xf32>
        %swap3A = arith.constant 0 : i32
        %swap3A_550 = arith.index_cast %swap3A : i32 to index
        %swap3A_551 = arith.index_cast %mul3A_535 : i32 to index
        %swap3A_552 = tpu.vector_load %arg11[%swap3A_550, %swap3A_551] {strides = array<i32>} : memref<16x768xf32, #tpu.memory_space<vmem>>, vector<1x16xf32>,
        %swap3A_553 = vector.shape_cast %swap3A_552 : vector<1x16xf32> to vector<16xf32>
        %swap3A_554 = vector.shape_cast %get3A_544 : vector<16xf32> to vector<1x16xf32>
        tpu.vector_store %arg11[%swap3A_550, %swap3A_551], %swap3A_554 {add = true, strides = array<i32>} : memref<16x768xf32, #tpu.memory_space<vmem>>, vector<1x16xf32>,
        %swap3A_555 = arith.constant 0 : i32
        %swap3A_556 = arith.index_cast %swap3A_555 : i32 to index
        %swap3A_557 = arith.index_cast %mul3A_535 : i32 to index
        %swap3A_558 = tpu.vector_load %arg12[%swap3A_556, %swap3A_557] {strides = array<i32>} : memref<16x768xf32, #tpu.memory_space<vmem>>, vector<1x16xf32>,
        %swap3A_559 = vector.shape_cast %swap3A_558 : vector<1x16xf32> to vector<16xf32>
        %swap3A_560 = vector.shape_cast %get3A_544 : vector<16xf32> to vector<1x16xf32>
        tpu.vector_store %arg12[%swap3A_556, %swap3A_557], %swap3A_560 {add = true, strides = array<i32>} : memref<16x768xf32, #tpu.memory_space<vmem>>, vector<1x16xf32>,
        %swap3A_561 = arith.constant 0 : i32
        %swap3A_562 = arith.index_cast %swap3A_561 : i32 to index
        %swap3A_563 = arith.index_cast %mul3A_535 : i32 to index
        %swap3A_564 = tpu.vector_load %arg13[%swap3A_562, %swap3A_563] {strides = array<i32>} : memref<16x768xf32, #tpu.memory_space<vmem>>, vector<1x16xf32>,
        %swap3A_565 = vector.shape_cast %swap3A_564 : vector<1x16xf32> to vector<16xf32>
        %swap3A_566 = vector.shape_cast %get3A_544 : vector<16xf32> to vector<1x16xf32>
        tpu.vector_store %arg13[%swap3A_562, %swap3A_563], %swap3A_566 {add = true, strides = array<i32>} : memref<16x768xf32, #tpu.memory_space<vmem>>, vector<1x16xf32>,
        %swap3A_567 = arith.constant 0 : i32
        %swap3A_568 = arith.index_cast %swap3A_567 : i32 to index
        %swap3A_569 = arith.index_cast %mul3A_535 : i32 to index
        %swap3A_570 = tpu.vector_load %arg14[%swap3A_568, %swap3A_569] {strides = array<i32>} : memref<16x768xf32, #tpu.memory_space<vmem>>, vector<1x16xf32>,
        %swap3A_571 = vector.shape_cast %swap3A_570 : vector<1x16xf32> to vector<16xf32>
        %swap3A_572 = vector.shape_cast %get3A_544 : vector<16xf32> to vector<1x16xf32>
        tpu.vector_store %arg14[%swap3A_568, %swap3A_569], %swap3A_572 {add = true, strides = array<i32>} : memref<16x768xf32, #tpu.memory_space<vmem>>, vector<1x16xf32>,
        %swap3A_573 = arith.constant 1 : i32
        %swap3A_574 = arith.index_cast %swap3A_573 : i32 to index
        %swap3A_575 = arith.index_cast %mul3A_535 : i32 to index
        %swap3A_576 = tpu.vector_load %arg11[%swap3A_574, %swap3A_575] {strides = array<i32>} : memref<16x768xf32, #tpu.memory_space<vmem>>, vector<1x16xf32>,
        %swap3A_577 = vector.shape_cast %swap3A_576 : vector<1x16xf32> to vector<16xf32>
        %swap3A_578 = vector.shape_cast %get3A_549 : vector<16xf32> to vector<1x16xf32>
        tpu.vector_store %arg11[%swap3A_574, %swap3A_575], %swap3A_578 {add = true, strides = array<i32>} : memref<16x768xf32, #tpu.memory_space<vmem>>, vector<1x16xf32>,
        %swap3A_579 = arith.constant 1 : i32
        %swap3A_580 = arith.index_cast %swap3A_579 : i32 to index
        %swap3A_581 = arith.index_cast %mul3A_535 : i32 to index
        %swap3A_582 = tpu.vector_load %arg12[%swap3A_580, %swap3A_581] {strides = array<i32>} : memref<16x768xf32, #tpu.memory_space<vmem>>, vector<1x16xf32>,
        %swap3A_583 = vector.shape_cast %swap3A_582 : vector<1x16xf32> to vector<16xf32>
        %swap3A_584 = vector.shape_cast %get3A_549 : vector<16xf32> to vector<1x16xf32>
        tpu.vector_store %arg12[%swap3A_580, %swap3A_581], %swap3A_584 {add = true, strides = array<i32>} : memref<16x768xf32, #tpu.memory_space<vmem>>, vector<1x16xf32>,
        %swap3A_585 = arith.constant 1 : i32
        %swap3A_586 = arith.index_cast %swap3A_585 : i32 to index
        %swap3A_587 = arith.index_cast %mul3A_535 : i32 to index
        %swap3A_588 = tpu.vector_load %arg13[%swap3A_586, %swap3A_587] {strides = array<i32>} : memref<16x768xf32, #tpu.memory_space<vmem>>, vector<1x16xf32>,
        %swap3A_589 = vector.shape_cast %swap3A_588 : vector<1x16xf32> to vector<16xf32>
        %swap3A_590 = vector.shape_cast %get3A_549 : vector<16xf32> to vector<1x16xf32>
        tpu.vector_store %arg13[%swap3A_586, %swap3A_587], %swap3A_590 {add = true, strides = array<i32>} : memref<16x768xf32, #tpu.memory_space<vmem>>, vector<1x16xf32>,
        %swap3A_591 = arith.constant 1 : i32
        %swap3A_592 = arith.index_cast %swap3A_591 : i32 to index
        %swap3A_593 = arith.index_cast %mul3A_535 : i32 to index
        %swap3A_594 = tpu.vector_load %arg14[%swap3A_592, %swap3A_593] {strides = array<i32>} : memref<16x768xf32, #tpu.memory_space<vmem>>, vector<1x16xf32>,
        %swap3A_595 = vector.shape_cast %swap3A_594 : vector<1x16xf32> to vector<16xf32>
        %swap3A_596 = vector.shape_cast %get3A_549 : vector<16xf32> to vector<1x16xf32>
        tpu.vector_store %arg14[%swap3A_592, %swap3A_593], %swap3A_596 {add = true, strides = array<i32>} : memref<16x768xf32, #tpu.memory_space<vmem>>, vector<1x16xf32>,
        %mul3A_597 = arith.mulf %get3A_539, %get3A_549 : vector<16xf32>
        %sub3A = arith.subf %mul3A_597, %get3A_544 : vector<16xf32>
        %swap3A_598 = arith.constant 2 : i32
        %swap3A_599 = arith.index_cast %swap3A_598 : i32 to index
        %swap3A_600 = arith.index_cast %mul3A_535 : i32 to index
        %swap3A_601 = tpu.vector_load %arg11[%swap3A_599, %swap3A_600] {strides = array<i32>} : memref<16x768xf32, #tpu.memory_space<vmem>>, vector<1x16xf32>,
        %swap3A_602 = vector.shape_cast %swap3A_601 : vector<1x16xf32> to vector<16xf32>
        %swap3A_603 = vector.shape_cast %sub3A : vector<16xf32> to vector<1x16xf32>
        tpu.vector_store %arg11[%swap3A_599, %swap3A_600], %swap3A_603 {add = true, strides = array<i32>} : memref<16x768xf32, #tpu.memory_space<vmem>>, vector<1x16xf32>,
        %swap3A_604 = arith.constant 2 : i32
        %swap3A_605 = arith.index_cast %swap3A_604 : i32 to index
        %swap3A_606 = arith.index_cast %mul3A_535 : i32 to index
        %swap3A_607 = tpu.vector_load %arg12[%swap3A_605, %swap3A_606] {strides = array<i32>} : memref<16x768xf32, #tpu.memory_space<vmem>>, vector<1x16xf32>,
        %swap3A_608 = vector.shape_cast %swap3A_607 : vector<1x16xf32> to vector<16xf32>
        %swap3A_609 = vector.shape_cast %sub3A : vector<16xf32> to vector<1x16xf32>
        tpu.vector_store %arg12[%swap3A_605, %swap3A_606], %swap3A_609 {add = true, strides = array<i32>} : memref<16x768xf32, #tpu.memory_space<vmem>>, vector<1x16xf32>,
        %swap3A_610 = arith.constant 2 : i32
        %swap3A_611 = arith.index_cast %swap3A_610 : i32 to index
        %swap3A_612 = arith.index_cast %mul3A_535 : i32 to index
        %swap3A_613 = tpu.vector_load %arg13[%swap3A_611, %swap3A_612] {strides = array<i32>} : memref<16x768xf32, #tpu.memory_space<vmem>>, vector<1x16xf32>,
        %swap3A_614 = vector.shape_cast %swap3A_613 : vector<1x16xf32> to vector<16xf32>
        %swap3A_615 = vector.shape_cast %sub3A : vector<16xf32> to vector<1x16xf32>
        tpu.vector_store %arg13[%swap3A_611, %swap3A_612], %swap3A_615 {add = true, strides = array<i32>} : memref<16x768xf32, #tpu.memory_space<vmem>>, vector<1x16xf32>,
        %swap3A_616 = arith.constant 2 : i32
        %swap3A_617 = arith.index_cast %swap3A_616 : i32 to index
        %swap3A_618 = arith.index_cast %mul3A_535 : i32 to index
        %swap3A_619 = tpu.vector_load %arg14[%swap3A_617, %swap3A_618] {strides = array<i32>} : memref<16x768xf32, #tpu.memory_space<vmem>>, vector<1x16xf32>,
        %swap3A_620 = vector.shape_cast %swap3A_619 : vector<1x16xf32> to vector<16xf32>
        %swap3A_621 = vector.shape_cast %sub3A : vector<16xf32> to vector<1x16xf32>
        tpu.vector_store %arg14[%swap3A_617, %swap3A_618], %swap3A_621 {add = true, strides = array<i32>} : memref<16x768xf32, #tpu.memory_space<vmem>>, vector<1x16xf32>,
        %mul3A_622 = arith.mulf %get3A_539, %sub3A : vector<16xf32>
        %sub3A_623 = arith.subf %mul3A_622, %get3A_549 : vector<16xf32>
        %swap3A_624 = arith.constant 3 : i32
        %swap3A_625 = arith.index_cast %swap3A_624 : i32 to index
        %swap3A_626 = arith.index_cast %mul3A_535 : i32 to index
        %swap3A_627 = tpu.vector_load %arg11[%swap3A_625, %swap3A_626] {strides = array<i32>} : memref<16x768xf32, #tpu.memory_space<vmem>>, vector<1x16xf32>,
        %swap3A_628 = vector.shape_cast %swap3A_627 : vector<1x16xf32> to vector<16xf32>
        %swap3A_629 = vector.shape_cast %sub3A_623 : vector<16xf32> to vector<1x16xf32>
        tpu.vector_store %arg11[%swap3A_625, %swap3A_626], %swap3A_629 {add = true, strides = array<i32>} : memref<16x768xf32, #tpu.memory_space<vmem>>, vector<1x16xf32>,
        %swap3A_630 = arith.constant 3 : i32
        %swap3A_631 = arith.index_cast %swap3A_630 : i32 to index
        %swap3A_632 = arith.index_cast %mul3A_535 : i32 to index
        %swap3A_633 = tpu.vector_load %arg12[%swap3A_631, %swap3A_632] {strides = array<i32>} : memref<16x768xf32, #tpu.memory_space<vmem>>, vector<1x16xf32>,
        %swap3A_634 = vector.shape_cast %swap3A_633 : vector<1x16xf32> to vector<16xf32>
        %swap3A_635 = vector.shape_cast %sub3A_623 : vector<16xf32> to vector<1x16xf32>
        tpu.vector_store %arg12[%swap3A_631, %swap3A_632], %swap3A_635 {add = true, strides = array<i32>} : memref<16x768xf32, #tpu.memory_space<vmem>>, vector<1x16xf32>,
        %swap3A_636 = arith.constant 3 : i32
        %swap3A_637 = arith.index_cast %swap3A_636 : i32 to index
        %swap3A_638 = arith.index_cast %mul3A_535 : i32 to index
        %swap3A_639 = tpu.vector_load %arg13[%swap3A_637, %swap3A_638] {strides = array<i32>} : memref<16x768xf32, #tpu.memory_space<vmem>>, vector<1x16xf32>,
        %swap3A_640 = vector.shape_cast %swap3A_639 : vector<1x16xf32> to vector<16xf32>
        %swap3A_641 = vector.shape_cast %sub3A_623 : vector<16xf32> to vector<1x16xf32>
        tpu.vector_store %arg13[%swap3A_637, %swap3A_638], %swap3A_641 {add = true, strides = array<i32>} : memref<16x768xf32, #tpu.memory_space<vmem>>, vector<1x16xf32>,
        %swap3A_642 = arith.constant 3 : i32
        %swap3A_643 = arith.index_cast %swap3A_642 : i32 to index
        %swap3A_644 = arith.index_cast %mul3A_535 : i32 to index
        %swap3A_645 = tpu.vector_load %arg14[%swap3A_643, %swap3A_644] {strides = array<i32>} : memref<16x768xf32, #tpu.memory_space<vmem>>, vector<1x16xf32>,
        %swap3A_646 = vector.shape_cast %swap3A_645 : vector<1x16xf32> to vector<16xf32>
        %swap3A_647 = vector.shape_cast %sub3A_623 : vector<16xf32> to vector<1x16xf32>
        tpu.vector_store %arg14[%swap3A_643, %swap3A_644], %swap3A_647 {add = true, strides = array<i32>} : memref<16x768xf32, #tpu.memory_space<vmem>>, vector<1x16xf32>,
        %mul3A_648 = arith.mulf %get3A_539, %sub3A_623 : vector<16xf32>
        %sub3A_649 = arith.subf %mul3A_648, %sub3A : vector<16xf32>
        %swap3A_650 = arith.constant 4 : i32
        %swap3A_651 = arith.index_cast %swap3A_650 : i32 to index
        %swap3A_652 = arith.index_cast %mul3A_535 : i32 to index
        %swap3A_653 = tpu.vector_load %arg11[%swap3A_651, %swap3A_652] {strides = array<i32>} : memref<16x768xf32, #tpu.memory_space<vmem>>, vector<1x16xf32>,
        %swap3A_654 = vector.shape_cast %swap3A_653 : vector<1x16xf32> to vector<16xf32>
        %swap3A_655 = vector.shape_cast %sub3A_649 : vector<16xf32> to vector<1x16xf32>
        tpu.vector_store %arg11[%swap3A_651, %swap3A_652], %swap3A_655 {add = true, strides = array<i32>} : memref<16x768xf32, #tpu.memory_space<vmem>>, vector<1x16xf32>,
        %swap3A_656 = arith.constant 4 : i32
        %swap3A_657 = arith.index_cast %swap3A_656 : i32 to index
        %swap3A_658 = arith.index_cast %mul3A_535 : i32 to index
        %swap3A_659 = tpu.vector_load %arg12[%swap3A_657, %swap3A_658] {strides = array<i32>} : memref<16x768xf32, #tpu.memory_space<vmem>>, vector<1x16xf32>,
        %swap3A_660 = vector.shape_cast %swap3A_659 : vector<1x16xf32> to vector<16xf32>
        %swap3A_661 = vector.shape_cast %sub3A_649 : vector<16xf32> to vector<1x16xf32>
        tpu.vector_store %arg12[%swap3A_657, %swap3A_658], %swap3A_661 {add = true, strides = array<i32>} : memref<16x768xf32, #tpu.memory_space<vmem>>, vector<1x16xf32>,
        %swap3A_662 = arith.constant 4 : i32
        %swap3A_663 = arith.index_cast %swap3A_662 : i32 to index
        %swap3A_664 = arith.index_cast %mul3A_535 : i32 to index
        %swap3A_665 = tpu.vector_load %arg13[%swap3A_663, %swap3A_664] {strides = array<i32>} : memref<16x768xf32, #tpu.memory_space<vmem>>, vector<1x16xf32>,
        %swap3A_666 = vector.shape_cast %swap3A_665 : vector<1x16xf32> to vector<16xf32>
        %swap3A_667 = vector.shape_cast %sub3A_649 : vector<16xf32> to vector<1x16xf32>
        tpu.vector_store %arg13[%swap3A_663, %swap3A_664], %swap3A_667 {add = true, strides = array<i32>} : memref<16x768xf32, #tpu.memory_space<vmem>>, vector<1x16xf32>,
        %swap3A_668 = arith.constant 4 : i32
        %swap3A_669 = arith.index_cast %swap3A_668 : i32 to index
        %swap3A_670 = arith.index_cast %mul3A_535 : i32 to index
        %swap3A_671 = tpu.vector_load %arg14[%swap3A_669, %swap3A_670] {strides = array<i32>} : memref<16x768xf32, #tpu.memory_space<vmem>>, vector<1x16xf32>,
        %swap3A_672 = vector.shape_cast %swap3A_671 : vector<1x16xf32> to vector<16xf32>
        %swap3A_673 = vector.shape_cast %sub3A_649 : vector<16xf32> to vector<1x16xf32>
        tpu.vector_store %arg14[%swap3A_669, %swap3A_670], %swap3A_673 {add = true, strides = array<i32>} : memref<16x768xf32, #tpu.memory_space<vmem>>, vector<1x16xf32>,
        %mul3A_674 = arith.mulf %get3A_539, %sub3A_649 : vector<16xf32>
        %sub3A_675 = arith.subf %mul3A_674, %sub3A_623 : vector<16xf32>
        %swap3A_676 = arith.constant 5 : i32
        %swap3A_677 = arith.index_cast %swap3A_676 : i32 to index
        %swap3A_678 = arith.index_cast %mul3A_535 : i32 to index
        %swap3A_679 = tpu.vector_load %arg11[%swap3A_677, %swap3A_678] {strides = array<i32>} : memref<16x768xf32, #tpu.memory_space<vmem>>, vector<1x16xf32>,
        %swap3A_680 = vector.shape_cast %swap3A_679 : vector<1x16xf32> to vector<16xf32>
        %swap3A_681 = vector.shape_cast %sub3A_675 : vector<16xf32> to vector<1x16xf32>
        tpu.vector_store %arg11[%swap3A_677, %swap3A_678], %swap3A_681 {add = true, strides = array<i32>} : memref<16x768xf32, #tpu.memory_space<vmem>>, vector<1x16xf32>,
        %swap3A_682 = arith.constant 5 : i32
        %swap3A_683 = arith.index_cast %swap3A_682 : i32 to index
        %swap3A_684 = arith.index_cast %mul3A_535 : i32 to index
        %swap3A_685 = tpu.vector_load %arg12[%swap3A_683, %swap3A_684] {strides = array<i32>} : memref<16x768xf32, #tpu.memory_space<vmem>>, vector<1x16xf32>,
        %swap3A_686 = vector.shape_cast %swap3A_685 : vector<1x16xf32> to vector<16xf32>
        %swap3A_687 = vector.shape_cast %sub3A_675 : vector<16xf32> to vector<1x16xf32>
        tpu.vector_store %arg12[%swap3A_683, %swap3A_684], %swap3A_687 {add = true, strides = array<i32>} : memref<16x768xf32, #tpu.memory_space<vmem>>, vector<1x16xf32>,
        %swap3A_688 = arith.constant 5 : i32
        %swap3A_689 = arith.index_cast %swap3A_688 : i32 to index
        %swap3A_690 = arith.index_cast %mul3A_535 : i32 to index
        %swap3A_691 = tpu.vector_load %arg13[%swap3A_689, %swap3A_690] {strides = array<i32>} : memref<16x768xf32, #tpu.memory_space<vmem>>, vector<1x16xf32>,
        %swap3A_692 = vector.shape_cast %swap3A_691 : vector<1x16xf32> to vector<16xf32>
        %swap3A_693 = vector.shape_cast %sub3A_675 : vector<16xf32> to vector<1x16xf32>
        tpu.vector_store %arg13[%swap3A_689, %swap3A_690], %swap3A_693 {add = true, strides = array<i32>} : memref<16x768xf32, #tpu.memory_space<vmem>>, vector<1x16xf32>,
        %swap3A_694 = arith.constant 5 : i32
        %swap3A_695 = arith.index_cast %swap3A_694 : i32 to index
        %swap3A_696 = arith.index_cast %mul3A_535 : i32 to index
        %swap3A_697 = tpu.vector_load %arg14[%swap3A_695, %swap3A_696] {strides = array<i32>} : memref<16x768xf32, #tpu.memory_space<vmem>>, vector<1x16xf32>,
        %swap3A_698 = vector.shape_cast %swap3A_697 : vector<1x16xf32> to vector<16xf32>
        %swap3A_699 = vector.shape_cast %sub3A_675 : vector<16xf32> to vector<1x16xf32>
        tpu.vector_store %arg14[%swap3A_695, %swap3A_696], %swap3A_699 {add = true, strides = array<i32>} : memref<16x768xf32, #tpu.memory_space<vmem>>, vector<1x16xf32>,
        %mul3A_700 = arith.mulf %get3A_539, %sub3A_675 : vector<16xf32>
        %sub3A_701 = arith.subf %mul3A_700, %sub3A_649 : vector<16xf32>
        %swap3A_702 = arith.constant 6 : i32
        %swap3A_703 = arith.index_cast %swap3A_702 : i32 to index
        %swap3A_704 = arith.index_cast %mul3A_535 : i32 to index
        %swap3A_705 = tpu.vector_load %arg11[%swap3A_703, %swap3A_704] {strides = array<i32>} : memref<16x768xf32, #tpu.memory_space<vmem>>, vector<1x16xf32>,
        %swap3A_706 = vector.shape_cast %swap3A_705 : vector<1x16xf32> to vector<16xf32>
        %swap3A_707 = vector.shape_cast %sub3A_701 : vector<16xf32> to vector<1x16xf32>
        tpu.vector_store %arg11[%swap3A_703, %swap3A_704], %swap3A_707 {add = true, strides = array<i32>} : memref<16x768xf32, #tpu.memory_space<vmem>>, vector<1x16xf32>,
        %swap3A_708 = arith.constant 6 : i32
        %swap3A_709 = arith.index_cast %swap3A_708 : i32 to index
        %swap3A_710 = arith.index_cast %mul3A_535 : i32 to index
        %swap3A_711 = tpu.vector_load %arg12[%swap3A_709, %swap3A_710] {strides = array<i32>} : memref<16x768xf32, #tpu.memory_space<vmem>>, vector<1x16xf32>,
        %swap3A_712 = vector.shape_cast %swap3A_711 : vector<1x16xf32> to vector<16xf32>
        %swap3A_713 = vector.shape_cast %sub3A_701 : vector<16xf32> to vector<1x16xf32>
        tpu.vector_store %arg12[%swap3A_709, %swap3A_710], %swap3A_713 {add = true, strides = array<i32>} : memref<16x768xf32, #tpu.memory_space<vmem>>, vector<1x16xf32>,
        %swap3A_714 = arith.constant 6 : i32
        %swap3A_715 = arith.index_cast %swap3A_714 : i32 to index
        %swap3A_716 = arith.index_cast %mul3A_535 : i32 to index
        %swap3A_717 = tpu.vector_load %arg13[%swap3A_715, %swap3A_716] {strides = array<i32>} : memref<16x768xf32, #tpu.memory_space<vmem>>, vector<1x16xf32>,
        %swap3A_718 = vector.shape_cast %swap3A_717 : vector<1x16xf32> to vector<16xf32>
        %swap3A_719 = vector.shape_cast %sub3A_701 : vector<16xf32> to vector<1x16xf32>
        tpu.vector_store %arg13[%swap3A_715, %swap3A_716], %swap3A_719 {add = true, strides = array<i32>} : memref<16x768xf32, #tpu.memory_space<vmem>>, vector<1x16xf32>,
        %swap3A_720 = arith.constant 6 : i32
        %swap3A_721 = arith.index_cast %swap3A_720 : i32 to index
        %swap3A_722 = arith.index_cast %mul3A_535 : i32 to index
        %swap3A_723 = tpu.vector_load %arg14[%swap3A_721, %swap3A_722] {strides = array<i32>} : memref<16x768xf32, #tpu.memory_space<vmem>>, vector<1x16xf32>,
        %swap3A_724 = vector.shape_cast %swap3A_723 : vector<1x16xf32> to vector<16xf32>
        %swap3A_725 = vector.shape_cast %sub3A_701 : vector<16xf32> to vector<1x16xf32>
        tpu.vector_store %arg14[%swap3A_721, %swap3A_722], %swap3A_725 {add = true, strides = array<i32>} : memref<16x768xf32, #tpu.memory_space<vmem>>, vector<1x16xf32>,
        %mul3A_726 = arith.mulf %get3A_539, %sub3A_701 : vector<16xf32>
        %sub3A_727 = arith.subf %mul3A_726, %sub3A_675 : vector<16xf32>
        %swap3A_728 = arith.constant 7 : i32
        %swap3A_729 = arith.index_cast %swap3A_728 : i32 to index
        %swap3A_730 = arith.index_cast %mul3A_535 : i32 to index
        %swap3A_731 = tpu.vector_load %arg11[%swap3A_729, %swap3A_730] {strides = array<i32>} : memref<16x768xf32, #tpu.memory_space<vmem>>, vector<1x16xf32>,
        %swap3A_732 = vector.shape_cast %swap3A_731 : vector<1x16xf32> to vector<16xf32>
        %swap3A_733 = vector.shape_cast %sub3A_727 : vector<16xf32> to vector<1x16xf32>
        tpu.vector_store %arg11[%swap3A_729, %swap3A_730], %swap3A_733 {add = true, strides = array<i32>} : memref<16x768xf32, #tpu.memory_space<vmem>>, vector<1x16xf32>,
        %swap3A_734 = arith.constant 7 : i32
        %swap3A_735 = arith.index_cast %swap3A_734 : i32 to index
        %swap3A_736 = arith.index_cast %mul3A_535 : i32 to index
        %swap3A_737 = tpu.vector_load %arg12[%swap3A_735, %swap3A_736] {strides = array<i32>} : memref<16x768xf32, #tpu.memory_space<vmem>>, vector<1x16xf32>,
        %swap3A_738 = vector.shape_cast %swap3A_737 : vector<1x16xf32> to vector<16xf32>
        %swap3A_739 = vector.shape_cast %sub3A_727 : vector<16xf32> to vector<1x16xf32>
        tpu.vector_store %arg12[%swap3A_735, %swap3A_736], %swap3A_739 {add = true, strides = array<i32>} : memref<16x768xf32, #tpu.memory_space<vmem>>, vector<1x16xf32>,
        %swap3A_740 = arith.constant 7 : i32
        %swap3A_741 = arith.index_cast %swap3A_740 : i32 to index
        %swap3A_742 = arith.index_cast %mul3A_535 : i32 to index
        %swap3A_743 = tpu.vector_load %arg13[%swap3A_741, %swap3A_742] {strides = array<i32>} : memref<16x768xf32, #tpu.memory_space<vmem>>, vector<1x16xf32>,
        %swap3A_744 = vector.shape_cast %swap3A_743 : vector<1x16xf32> to vector<16xf32>
        %swap3A_745 = vector.shape_cast %sub3A_727 : vector<16xf32> to vector<1x16xf32>
        tpu.vector_store %arg13[%swap3A_741, %swap3A_742], %swap3A_745 {add = true, strides = array<i32>} : memref<16x768xf32, #tpu.memory_space<vmem>>, vector<1x16xf32>,
        %swap3A_746 = arith.constant 7 : i32
        %swap3A_747 = arith.index_cast %swap3A_746 : i32 to index
        %swap3A_748 = arith.index_cast %mul3A_535 : i32 to index
        %swap3A_749 = tpu.vector_load %arg14[%swap3A_747, %swap3A_748] {strides = array<i32>} : memref<16x768xf32, #tpu.memory_space<vmem>>, vector<1x16xf32>,
        %swap3A_750 = vector.shape_cast %swap3A_749 : vector<1x16xf32> to vector<16xf32>
        %swap3A_751 = vector.shape_cast %sub3A_727 : vector<16xf32> to vector<1x16xf32>
        tpu.vector_store %arg14[%swap3A_747, %swap3A_748], %swap3A_751 {add = true, strides = array<i32>} : memref<16x768xf32, #tpu.memory_space<vmem>>, vector<1x16xf32>,
        %mul3A_752 = arith.mulf %get3A_539, %sub3A_727 : vector<16xf32>
        %sub3A_753 = arith.subf %mul3A_752, %sub3A_701 : vector<16xf32>
        %swap3A_754 = arith.constant 8 : i32
        %swap3A_755 = arith.index_cast %swap3A_754 : i32 to index
        %swap3A_756 = arith.index_cast %mul3A_535 : i32 to index
        %swap3A_757 = tpu.vector_load %arg11[%swap3A_755, %swap3A_756] {strides = array<i32>} : memref<16x768xf32, #tpu.memory_space<vmem>>, vector<1x16xf32>,
        %swap3A_758 = vector.shape_cast %swap3A_757 : vector<1x16xf32> to vector<16xf32>
        %swap3A_759 = vector.shape_cast %sub3A_753 : vector<16xf32> to vector<1x16xf32>
        tpu.vector_store %arg11[%swap3A_755, %swap3A_756], %swap3A_759 {add = true, strides = array<i32>} : memref<16x768xf32, #tpu.memory_space<vmem>>, vector<1x16xf32>,
        %swap3A_760 = arith.constant 8 : i32
        %swap3A_761 = arith.index_cast %swap3A_760 : i32 to index
        %swap3A_762 = arith.index_cast %mul3A_535 : i32 to index
        %swap3A_763 = tpu.vector_load %arg12[%swap3A_761, %swap3A_762] {strides = array<i32>} : memref<16x768xf32, #tpu.memory_space<vmem>>, vector<1x16xf32>,
        %swap3A_764 = vector.shape_cast %swap3A_763 : vector<1x16xf32> to vector<16xf32>
        %swap3A_765 = vector.shape_cast %sub3A_753 : vector<16xf32> to vector<1x16xf32>
        tpu.vector_store %arg12[%swap3A_761, %swap3A_762], %swap3A_765 {add = true, strides = array<i32>} : memref<16x768xf32, #tpu.memory_space<vmem>>, vector<1x16xf32>,
        %swap3A_766 = arith.constant 8 : i32
        %swap3A_767 = arith.index_cast %swap3A_766 : i32 to index
        %swap3A_768 = arith.index_cast %mul3A_535 : i32 to index
        %swap3A_769 = tpu.vector_load %arg13[%swap3A_767, %swap3A_768] {strides = array<i32>} : memref<16x768xf32, #tpu.memory_space<vmem>>, vector<1x16xf32>,
        %swap3A_770 = vector.shape_cast %swap3A_769 : vector<1x16xf32> to vector<16xf32>
        %swap3A_771 = vector.shape_cast %sub3A_753 : vector<16xf32> to vector<1x16xf32>
        tpu.vector_store %arg13[%swap3A_767, %swap3A_768], %swap3A_771 {add = true, strides = array<i32>} : memref<16x768xf32, #tpu.memory_space<vmem>>, vector<1x16xf32>,
        %swap3A_772 = arith.constant 8 : i32
        %swap3A_773 = arith.index_cast %swap3A_772 : i32 to index
        %swap3A_774 = arith.index_cast %mul3A_535 : i32 to index
        %swap3A_775 = tpu.vector_load %arg14[%swap3A_773, %swap3A_774] {strides = array<i32>} : memref<16x768xf32, #tpu.memory_space<vmem>>, vector<1x16xf32>,
        %swap3A_776 = vector.shape_cast %swap3A_775 : vector<1x16xf32> to vector<16xf32>
        %swap3A_777 = vector.shape_cast %sub3A_753 : vector<16xf32> to vector<1x16xf32>
        tpu.vector_store %arg14[%swap3A_773, %swap3A_774], %swap3A_777 {add = true, strides = array<i32>} : memref<16x768xf32, #tpu.memory_space<vmem>>, vector<1x16xf32>,
        %mul3A_778 = arith.mulf %get3A_539, %sub3A_753 : vector<16xf32>
        %sub3A_779 = arith.subf %mul3A_778, %sub3A_727 : vector<16xf32>
        %swap3A_780 = arith.constant 9 : i32
        %swap3A_781 = arith.index_cast %swap3A_780 : i32 to index
        %swap3A_782 = arith.index_cast %mul3A_535 : i32 to index
        %swap3A_783 = tpu.vector_load %arg11[%swap3A_781, %swap3A_782] {strides = array<i32>} : memref<16x768xf32, #tpu.memory_space<vmem>>, vector<1x16xf32>,
        %swap3A_784 = vector.shape_cast %swap3A_783 : vector<1x16xf32> to vector<16xf32>
        %swap3A_785 = vector.shape_cast %sub3A_779 : vector<16xf32> to vector<1x16xf32>
        tpu.vector_store %arg11[%swap3A_781, %swap3A_782], %swap3A_785 {add = true, strides = array<i32>} : memref<16x768xf32, #tpu.memory_space<vmem>>, vector<1x16xf32>,
        %swap3A_786 = arith.constant 9 : i32
        %swap3A_787 = arith.index_cast %swap3A_786 : i32 to index
        %swap3A_788 = arith.index_cast %mul3A_535 : i32 to index
        %swap3A_789 = tpu.vector_load %arg12[%swap3A_787, %swap3A_788] {strides = array<i32>} : memref<16x768xf32, #tpu.memory_space<vmem>>, vector<1x16xf32>,
        %swap3A_790 = vector.shape_cast %swap3A_789 : vector<1x16xf32> to vector<16xf32>
        %swap3A_791 = vector.shape_cast %sub3A_779 : vector<16xf32> to vector<1x16xf32>
        tpu.vector_store %arg12[%swap3A_787, %swap3A_788], %swap3A_791 {add = true, strides = array<i32>} : memref<16x768xf32, #tpu.memory_space<vmem>>, vector<1x16xf32>,
        %swap3A_792 = arith.constant 9 : i32
        %swap3A_793 = arith.index_cast %swap3A_792 : i32 to index
        %swap3A_794 = arith.index_cast %mul3A_535 : i32 to index
        %swap3A_795 = tpu.vector_load %arg13[%swap3A_793, %swap3A_794] {strides = array<i32>} : memref<16x768xf32, #tpu.memory_space<vmem>>, vector<1x16xf32>,
        %swap3A_796 = vector.shape_cast %swap3A_795 : vector<1x16xf32> to vector<16xf32>
        %swap3A_797 = vector.shape_cast %sub3A_779 : vector<16xf32> to vector<1x16xf32>
        tpu.vector_store %arg13[%swap3A_793, %swap3A_794], %swap3A_797 {add = true, strides = array<i32>} : memref<16x768xf32, #tpu.memory_space<vmem>>, vector<1x16xf32>,
        %swap3A_798 = arith.constant 9 : i32
        %swap3A_799 = arith.index_cast %swap3A_798 : i32 to index
        %swap3A_800 = arith.index_cast %mul3A_535 : i32 to index
        %swap3A_801 = tpu.vector_load %arg14[%swap3A_799, %swap3A_800] {strides = array<i32>} : memref<16x768xf32, #tpu.memory_space<vmem>>, vector<1x16xf32>,
        %swap3A_802 = vector.shape_cast %swap3A_801 : vector<1x16xf32> to vector<16xf32>
        %swap3A_803 = vector.shape_cast %sub3A_779 : vector<16xf32> to vector<1x16xf32>
        tpu.vector_store %arg14[%swap3A_799, %swap3A_800], %swap3A_803 {add = true, strides = array<i32>} : memref<16x768xf32, #tpu.memory_space<vmem>>, vector<1x16xf32>,
        %mul3A_804 = arith.mulf %get3A_539, %sub3A_779 : vector<16xf32>
        %sub3A_805 = arith.subf %mul3A_804, %sub3A_753 : vector<16xf32>
        %swap3A_806 = arith.constant 10 : i32
        %swap3A_807 = arith.index_cast %swap3A_806 : i32 to index
        %swap3A_808 = arith.index_cast %mul3A_535 : i32 to index
        %swap3A_809 = tpu.vector_load %arg11[%swap3A_807, %swap3A_808] {strides = array<i32>} : memref<16x768xf32, #tpu.memory_space<vmem>>, vector<1x16xf32>,
        %swap3A_810 = vector.shape_cast %swap3A_809 : vector<1x16xf32> to vector<16xf32>
        %swap3A_811 = vector.shape_cast %sub3A_805 : vector<16xf32> to vector<1x16xf32>
        tpu.vector_store %arg11[%swap3A_807, %swap3A_808], %swap3A_811 {add = true, strides = array<i32>} : memref<16x768xf32, #tpu.memory_space<vmem>>, vector<1x16xf32>,
        %swap3A_812 = arith.constant 10 : i32
        %swap3A_813 = arith.index_cast %swap3A_812 : i32 to index
        %swap3A_814 = arith.index_cast %mul3A_535 : i32 to index
        %swap3A_815 = tpu.vector_load %arg12[%swap3A_813, %swap3A_814] {strides = array<i32>} : memref<16x768xf32, #tpu.memory_space<vmem>>, vector<1x16xf32>,
        %swap3A_816 = vector.shape_cast %swap3A_815 : vector<1x16xf32> to vector<16xf32>
        %swap3A_817 = vector.shape_cast %sub3A_805 : vector<16xf32> to vector<1x16xf32>
        tpu.vector_store %arg12[%swap3A_813, %swap3A_814], %swap3A_817 {add = true, strides = array<i32>} : memref<16x768xf32, #tpu.memory_space<vmem>>, vector<1x16xf32>,
        %swap3A_818 = arith.constant 10 : i32
        %swap3A_819 = arith.index_cast %swap3A_818 : i32 to index
        %swap3A_820 = arith.index_cast %mul3A_535 : i32 to index
        %swap3A_821 = tpu.vector_load %arg13[%swap3A_819, %swap3A_820] {strides = array<i32>} : memref<16x768xf32, #tpu.memory_space<vmem>>, vector<1x16xf32>,
        %swap3A_822 = vector.shape_cast %swap3A_821 : vector<1x16xf32> to vector<16xf32>
        %swap3A_823 = vector.shape_cast %sub3A_805 : vector<16xf32> to vector<1x16xf32>
        tpu.vector_store %arg13[%swap3A_819, %swap3A_820], %swap3A_823 {add = true, strides = array<i32>} : memref<16x768xf32, #tpu.memory_space<vmem>>, vector<1x16xf32>,
        %swap3A_824 = arith.constant 10 : i32
        %swap3A_825 = arith.index_cast %swap3A_824 : i32 to index
        %swap3A_826 = arith.index_cast %mul3A_535 : i32 to index
        %swap3A_827 = tpu.vector_load %arg14[%swap3A_825, %swap3A_826] {strides = array<i32>} : memref<16x768xf32, #tpu.memory_space<vmem>>, vector<1x16xf32>,
        %swap3A_828 = vector.shape_cast %swap3A_827 : vector<1x16xf32> to vector<16xf32>
        %swap3A_829 = vector.shape_cast %sub3A_805 : vector<16xf32> to vector<1x16xf32>
        tpu.vector_store %arg14[%swap3A_825, %swap3A_826], %swap3A_829 {add = true, strides = array<i32>} : memref<16x768xf32, #tpu.memory_space<vmem>>, vector<1x16xf32>,
        %mul3A_830 = arith.mulf %get3A_539, %sub3A_805 : vector<16xf32>
        %sub3A_831 = arith.subf %mul3A_830, %sub3A_779 : vector<16xf32>
        %swap3A_832 = arith.constant 11 : i32
        %swap3A_833 = arith.index_cast %swap3A_832 : i32 to index
        %swap3A_834 = arith.index_cast %mul3A_535 : i32 to index
        %swap3A_835 = tpu.vector_load %arg11[%swap3A_833, %swap3A_834] {strides = array<i32>} : memref<16x768xf32, #tpu.memory_space<vmem>>, vector<1x16xf32>,
        %swap3A_836 = vector.shape_cast %swap3A_835 : vector<1x16xf32> to vector<16xf32>
        %swap3A_837 = vector.shape_cast %sub3A_831 : vector<16xf32> to vector<1x16xf32>
        tpu.vector_store %arg11[%swap3A_833, %swap3A_834], %swap3A_837 {add = true, strides = array<i32>} : memref<16x768xf32, #tpu.memory_space<vmem>>, vector<1x16xf32>,
        %swap3A_838 = arith.constant 11 : i32
        %swap3A_839 = arith.index_cast %swap3A_838 : i32 to index
        %swap3A_840 = arith.index_cast %mul3A_535 : i32 to index
        %swap3A_841 = tpu.vector_load %arg12[%swap3A_839, %swap3A_840] {strides = array<i32>} : memref<16x768xf32, #tpu.memory_space<vmem>>, vector<1x16xf32>,
        %swap3A_842 = vector.shape_cast %swap3A_841 : vector<1x16xf32> to vector<16xf32>
        %swap3A_843 = vector.shape_cast %sub3A_831 : vector<16xf32> to vector<1x16xf32>
        tpu.vector_store %arg12[%swap3A_839, %swap3A_840], %swap3A_843 {add = true, strides = array<i32>} : memref<16x768xf32, #tpu.memory_space<vmem>>, vector<1x16xf32>,
        %swap3A_844 = arith.constant 11 : i32
        %swap3A_845 = arith.index_cast %swap3A_844 : i32 to index
        %swap3A_846 = arith.index_cast %mul3A_535 : i32 to index
        %swap3A_847 = tpu.vector_load %arg13[%swap3A_845, %swap3A_846] {strides = array<i32>} : memref<16x768xf32, #tpu.memory_space<vmem>>, vector<1x16xf32>,
        %swap3A_848 = vector.shape_cast %swap3A_847 : vector<1x16xf32> to vector<16xf32>
        %swap3A_849 = vector.shape_cast %sub3A_831 : vector<16xf32> to vector<1x16xf32>
        tpu.vector_store %arg13[%swap3A_845, %swap3A_846], %swap3A_849 {add = true, strides = array<i32>} : memref<16x768xf32, #tpu.memory_space<vmem>>, vector<1x16xf32>,
        %swap3A_850 = arith.constant 11 : i32
        %swap3A_851 = arith.index_cast %swap3A_850 : i32 to index
        %swap3A_852 = arith.index_cast %mul3A_535 : i32 to index
        %swap3A_853 = tpu.vector_load %arg14[%swap3A_851, %swap3A_852] {strides = array<i32>} : memref<16x768xf32, #tpu.memory_space<vmem>>, vector<1x16xf32>,
        %swap3A_854 = vector.shape_cast %swap3A_853 : vector<1x16xf32> to vector<16xf32>
        %swap3A_855 = vector.shape_cast %sub3A_831 : vector<16xf32> to vector<1x16xf32>
        tpu.vector_store %arg14[%swap3A_851, %swap3A_852], %swap3A_855 {add = true, strides = array<i32>} : memref<16x768xf32, #tpu.memory_space<vmem>>, vector<1x16xf32>,
        %mul3A_856 = arith.mulf %get3A_539, %sub3A_831 : vector<16xf32>
        %sub3A_857 = arith.subf %mul3A_856, %sub3A_805 : vector<16xf32>
        %swap3A_858 = arith.constant 12 : i32
        %swap3A_859 = arith.index_cast %swap3A_858 : i32 to index
        %swap3A_860 = arith.index_cast %mul3A_535 : i32 to index
        %swap3A_861 = tpu.vector_load %arg11[%swap3A_859, %swap3A_860] {strides = array<i32>} : memref<16x768xf32, #tpu.memory_space<vmem>>, vector<1x16xf32>,
        %swap3A_862 = vector.shape_cast %swap3A_861 : vector<1x16xf32> to vector<16xf32>
        %swap3A_863 = vector.shape_cast %sub3A_857 : vector<16xf32> to vector<1x16xf32>
        tpu.vector_store %arg11[%swap3A_859, %swap3A_860], %swap3A_863 {add = true, strides = array<i32>} : memref<16x768xf32, #tpu.memory_space<vmem>>, vector<1x16xf32>,
        %swap3A_864 = arith.constant 12 : i32
        %swap3A_865 = arith.index_cast %swap3A_864 : i32 to index
        %swap3A_866 = arith.index_cast %mul3A_535 : i32 to index
        %swap3A_867 = tpu.vector_load %arg12[%swap3A_865, %swap3A_866] {strides = array<i32>} : memref<16x768xf32, #tpu.memory_space<vmem>>, vector<1x16xf32>,
        %swap3A_868 = vector.shape_cast %swap3A_867 : vector<1x16xf32> to vector<16xf32>
        %swap3A_869 = vector.shape_cast %sub3A_857 : vector<16xf32> to vector<1x16xf32>
        tpu.vector_store %arg12[%swap3A_865, %swap3A_866], %swap3A_869 {add = true, strides = array<i32>} : memref<16x768xf32, #tpu.memory_space<vmem>>, vector<1x16xf32>,
        %swap3A_870 = arith.constant 12 : i32
        %swap3A_871 = arith.index_cast %swap3A_870 : i32 to index
        %swap3A_872 = arith.index_cast %mul3A_535 : i32 to index
        %swap3A_873 = tpu.vector_load %arg13[%swap3A_871, %swap3A_872] {strides = array<i32>} : memref<16x768xf32, #tpu.memory_space<vmem>>, vector<1x16xf32>,
        %swap3A_874 = vector.shape_cast %swap3A_873 : vector<1x16xf32> to vector<16xf32>
        %swap3A_875 = vector.shape_cast %sub3A_857 : vector<16xf32> to vector<1x16xf32>
        tpu.vector_store %arg13[%swap3A_871, %swap3A_872], %swap3A_875 {add = true, strides = array<i32>} : memref<16x768xf32, #tpu.memory_space<vmem>>, vector<1x16xf32>,
        %swap3A_876 = arith.constant 12 : i32
        %swap3A_877 = arith.index_cast %swap3A_876 : i32 to index
        %swap3A_878 = arith.index_cast %mul3A_535 : i32 to index
        %swap3A_879 = tpu.vector_load %arg14[%swap3A_877, %swap3A_878] {strides = array<i32>} : memref<16x768xf32, #tpu.memory_space<vmem>>, vector<1x16xf32>,
        %swap3A_880 = vector.shape_cast %swap3A_879 : vector<1x16xf32> to vector<16xf32>
        %swap3A_881 = vector.shape_cast %sub3A_857 : vector<16xf32> to vector<1x16xf32>
        tpu.vector_store %arg14[%swap3A_877, %swap3A_878], %swap3A_881 {add = true, strides = array<i32>} : memref<16x768xf32, #tpu.memory_space<vmem>>, vector<1x16xf32>,
        %mul3A_882 = arith.mulf %get3A_539, %sub3A_857 : vector<16xf32>
        %sub3A_883 = arith.subf %mul3A_882, %sub3A_831 : vector<16xf32>
        %swap3A_884 = arith.constant 13 : i32
        %swap3A_885 = arith.index_cast %swap3A_884 : i32 to index
        %swap3A_886 = arith.index_cast %mul3A_535 : i32 to index
        %swap3A_887 = tpu.vector_load %arg11[%swap3A_885, %swap3A_886] {strides = array<i32>} : memref<16x768xf32, #tpu.memory_space<vmem>>, vector<1x16xf32>,
        %swap3A_888 = vector.shape_cast %swap3A_887 : vector<1x16xf32> to vector<16xf32>
        %swap3A_889 = vector.shape_cast %sub3A_883 : vector<16xf32> to vector<1x16xf32>
        tpu.vector_store %arg11[%swap3A_885, %swap3A_886], %swap3A_889 {add = true, strides = array<i32>} : memref<16x768xf32, #tpu.memory_space<vmem>>, vector<1x16xf32>,
        %swap3A_890 = arith.constant 13 : i32
        %swap3A_891 = arith.index_cast %swap3A_890 : i32 to index
        %swap3A_892 = arith.index_cast %mul3A_535 : i32 to index
        %swap3A_893 = tpu.vector_load %arg12[%swap3A_891, %swap3A_892] {strides = array<i32>} : memref<16x768xf32, #tpu.memory_space<vmem>>, vector<1x16xf32>,
        %swap3A_894 = vector.shape_cast %swap3A_893 : vector<1x16xf32> to vector<16xf32>
        %swap3A_895 = vector.shape_cast %sub3A_883 : vector<16xf32> to vector<1x16xf32>
        tpu.vector_store %arg12[%swap3A_891, %swap3A_892], %swap3A_895 {add = true, strides = array<i32>} : memref<16x768xf32, #tpu.memory_space<vmem>>, vector<1x16xf32>,
        %swap3A_896 = arith.constant 13 : i32
        %swap3A_897 = arith.index_cast %swap3A_896 : i32 to index
        %swap3A_898 = arith.index_cast %mul3A_535 : i32 to index
        %swap3A_899 = tpu.vector_load %arg13[%swap3A_897, %swap3A_898] {strides = array<i32>} : memref<16x768xf32, #tpu.memory_space<vmem>>, vector<1x16xf32>,
        %swap3A_900 = vector.shape_cast %swap3A_899 : vector<1x16xf32> to vector<16xf32>
        %swap3A_901 = vector.shape_cast %sub3A_883 : vector<16xf32> to vector<1x16xf32>
        tpu.vector_store %arg13[%swap3A_897, %swap3A_898], %swap3A_901 {add = true, strides = array<i32>} : memref<16x768xf32, #tpu.memory_space<vmem>>, vector<1x16xf32>,
        %swap3A_902 = arith.constant 13 : i32
        %swap3A_903 = arith.index_cast %swap3A_902 : i32 to index
        %swap3A_904 = arith.index_cast %mul3A_535 : i32 to index
        %swap3A_905 = tpu.vector_load %arg14[%swap3A_903, %swap3A_904] {strides = array<i32>} : memref<16x768xf32, #tpu.memory_space<vmem>>, vector<1x16xf32>,
        %swap3A_906 = vector.shape_cast %swap3A_905 : vector<1x16xf32> to vector<16xf32>
        %swap3A_907 = vector.shape_cast %sub3A_883 : vector<16xf32> to vector<1x16xf32>
        tpu.vector_store %arg14[%swap3A_903, %swap3A_904], %swap3A_907 {add = true, strides = array<i32>} : memref<16x768xf32, #tpu.memory_space<vmem>>, vector<1x16xf32>,
        %mul3A_908 = arith.mulf %get3A_539, %sub3A_883 : vector<16xf32>
        %sub3A_909 = arith.subf %mul3A_908, %sub3A_857 : vector<16xf32>
        %swap3A_910 = arith.constant 14 : i32
        %swap3A_911 = arith.index_cast %swap3A_910 : i32 to index
        %swap3A_912 = arith.index_cast %mul3A_535 : i32 to index
        %swap3A_913 = tpu.vector_load %arg11[%swap3A_911, %swap3A_912] {strides = array<i32>} : memref<16x768xf32, #tpu.memory_space<vmem>>, vector<1x16xf32>,
        %swap3A_914 = vector.shape_cast %swap3A_913 : vector<1x16xf32> to vector<16xf32>
        %swap3A_915 = vector.shape_cast %sub3A_909 : vector<16xf32> to vector<1x16xf32>
        tpu.vector_store %arg11[%swap3A_911, %swap3A_912], %swap3A_915 {add = true, strides = array<i32>} : memref<16x768xf32, #tpu.memory_space<vmem>>, vector<1x16xf32>,
        %swap3A_916 = arith.constant 14 : i32
        %swap3A_917 = arith.index_cast %swap3A_916 : i32 to index
        %swap3A_918 = arith.index_cast %mul3A_535 : i32 to index
        %swap3A_919 = tpu.vector_load %arg12[%swap3A_917, %swap3A_918] {strides = array<i32>} : memref<16x768xf32, #tpu.memory_space<vmem>>, vector<1x16xf32>,
        %swap3A_920 = vector.shape_cast %swap3A_919 : vector<1x16xf32> to vector<16xf32>
        %swap3A_921 = vector.shape_cast %sub3A_909 : vector<16xf32> to vector<1x16xf32>
        tpu.vector_store %arg12[%swap3A_917, %swap3A_918], %swap3A_921 {add = true, strides = array<i32>} : memref<16x768xf32, #tpu.memory_space<vmem>>, vector<1x16xf32>,
        %swap3A_922 = arith.constant 14 : i32
        %swap3A_923 = arith.index_cast %swap3A_922 : i32 to index
        %swap3A_924 = arith.index_cast %mul3A_535 : i32 to index
        %swap3A_925 = tpu.vector_load %arg13[%swap3A_923, %swap3A_924] {strides = array<i32>} : memref<16x768xf32, #tpu.memory_space<vmem>>, vector<1x16xf32>,
        %swap3A_926 = vector.shape_cast %swap3A_925 : vector<1x16xf32> to vector<16xf32>
        %swap3A_927 = vector.shape_cast %sub3A_909 : vector<16xf32> to vector<1x16xf32>
        tpu.vector_store %arg13[%swap3A_923, %swap3A_924], %swap3A_927 {add = true, strides = array<i32>} : memref<16x768xf32, #tpu.memory_space<vmem>>, vector<1x16xf32>,
        %swap3A_928 = arith.constant 14 : i32
        %swap3A_929 = arith.index_cast %swap3A_928 : i32 to index
        %swap3A_930 = arith.index_cast %mul3A_535 : i32 to index
        %swap3A_931 = tpu.vector_load %arg14[%swap3A_929, %swap3A_930] {strides = array<i32>} : memref<16x768xf32, #tpu.memory_space<vmem>>, vector<1x16xf32>,
        %swap3A_932 = vector.shape_cast %swap3A_931 : vector<1x16xf32> to vector<16xf32>
        %swap3A_933 = vector.shape_cast %sub3A_909 : vector<16xf32> to vector<1x16xf32>
        tpu.vector_store %arg14[%swap3A_929, %swap3A_930], %swap3A_933 {add = true, strides = array<i32>} : memref<16x768xf32, #tpu.memory_space<vmem>>, vector<1x16xf32>,
        %mul3A_934 = arith.mulf %get3A_539, %sub3A_909 : vector<16xf32>
        %sub3A_935 = arith.subf %mul3A_934, %sub3A_883 : vector<16xf32>
        %swap3A_936 = arith.constant 15 : i32
        %swap3A_937 = arith.index_cast %swap3A_936 : i32 to index
        %swap3A_938 = arith.index_cast %mul3A_535 : i32 to index
        %swap3A_939 = tpu.vector_load %arg11[%swap3A_937, %swap3A_938] {strides = array<i32>} : memref<16x768xf32, #tpu.memory_space<vmem>>, vector<1x16xf32>,
        %swap3A_940 = vector.shape_cast %swap3A_939 : vector<1x16xf32> to vector<16xf32>
        %swap3A_941 = vector.shape_cast %sub3A_935 : vector<16xf32> to vector<1x16xf32>
        tpu.vector_store %arg11[%swap3A_937, %swap3A_938], %swap3A_941 {add = true, strides = array<i32>} : memref<16x768xf32, #tpu.memory_space<vmem>>, vector<1x16xf32>,
        %swap3A_942 = arith.constant 15 : i32
        %swap3A_943 = arith.index_cast %swap3A_942 : i32 to index
        %swap3A_944 = arith.index_cast %mul3A_535 : i32 to index
        %swap3A_945 = tpu.vector_load %arg12[%swap3A_943, %swap3A_944] {strides = array<i32>} : memref<16x768xf32, #tpu.memory_space<vmem>>, vector<1x16xf32>,
        %swap3A_946 = vector.shape_cast %swap3A_945 : vector<1x16xf32> to vector<16xf32>
        %swap3A_947 = vector.shape_cast %sub3A_935 : vector<16xf32> to vector<1x16xf32>
        tpu.vector_store %arg12[%swap3A_943, %swap3A_944], %swap3A_947 {add = true, strides = array<i32>} : memref<16x768xf32, #tpu.memory_space<vmem>>, vector<1x16xf32>,
        %swap3A_948 = arith.constant 15 : i32
        %swap3A_949 = arith.index_cast %swap3A_948 : i32 to index
        %swap3A_950 = arith.index_cast %mul3A_535 : i32 to index
        %swap3A_951 = tpu.vector_load %arg13[%swap3A_949, %swap3A_950] {strides = array<i32>} : memref<16x768xf32, #tpu.memory_space<vmem>>, vector<1x16xf32>,
        %swap3A_952 = vector.shape_cast %swap3A_951 : vector<1x16xf32> to vector<16xf32>
        %swap3A_953 = vector.shape_cast %sub3A_935 : vector<16xf32> to vector<1x16xf32>
        tpu.vector_store %arg13[%swap3A_949, %swap3A_950], %swap3A_953 {add = true, strides = array<i32>} : memref<16x768xf32, #tpu.memory_space<vmem>>, vector<1x16xf32>,
        %swap3A_954 = arith.constant 15 : i32
        %swap3A_955 = arith.index_cast %swap3A_954 : i32 to index
        %swap3A_956 = arith.index_cast %mul3A_535 : i32 to index
        %swap3A_957 = tpu.vector_load %arg14[%swap3A_955, %swap3A_956] {strides = array<i32>} : memref<16x768xf32, #tpu.memory_space<vmem>>, vector<1x16xf32>,
        %swap3A_958 = vector.shape_cast %swap3A_957 : vector<1x16xf32> to vector<16xf32>
        %swap3A_959 = vector.shape_cast %sub3A_935 : vector<16xf32> to vector<1x16xf32>
        tpu.vector_store %arg14[%swap3A_955, %swap3A_956], %swap3A_959 {add = true, strides = array<i32>} : memref<16x768xf32, #tpu.memory_space<vmem>>, vector<1x16xf32>,
        %mul3A_960 = arith.mulf %get3A_539, %sub3A_935 : vector<16xf32>
        %sub3A_961 = arith.subf %mul3A_960, %sub3A_909 : vector<16xf32>
        %mul3A_962 = arith.mulf %get3A_539, %sub3A_961 : vector<16xf32>
        %sub3A_963 = arith.subf %mul3A_962, %sub3A_935 : vector<16xf32>
        %swap3A_964 = arith.constant 0 : i32
        %swap3A_965 = arith.index_cast %swap3A_964 : i32 to index
        %swap3A_966 = arith.index_cast %mul3A_535 : i32 to index
        %swap3A_967 = tpu.vector_load %arg10[%swap3A_965, %swap3A_966] {strides = array<i32>} : memref<2x768xf32, #tpu.memory_space<vmem>>, vector<1x16xf32>,
        %swap3A_968 = vector.shape_cast %swap3A_967 : vector<1x16xf32> to vector<16xf32>
        %swap3A_969 = vector.shape_cast %sub3A_961 : vector<16xf32> to vector<1x16xf32>
        tpu.vector_store %arg10[%swap3A_965, %swap3A_966], %swap3A_969 {strides = array<i32>} : memref<2x768xf32, #tpu.memory_space<vmem>>, vector<1x16xf32>,
        %swap3A_970 = arith.constant 1 : i32
        %swap3A_971 = arith.index_cast %swap3A_970 : i32 to index
        %swap3A_972 = arith.index_cast %mul3A_535 : i32 to index
        %swap3A_973 = tpu.vector_load %arg10[%swap3A_971, %swap3A_972] {strides = array<i32>} : memref<2x768xf32, #tpu.memory_space<vmem>>, vector<1x16xf32>,
        %swap3A_974 = vector.shape_cast %swap3A_973 : vector<1x16xf32> to vector<16xf32>
        %swap3A_975 = vector.shape_cast %sub3A_963 : vector<16xf32> to vector<1x16xf32>
        tpu.vector_store %arg10[%swap3A_971, %swap3A_972], %swap3A_975 {strides = array<i32>} : memref<2x768xf32, #tpu.memory_space<vmem>>, vector<1x16xf32>,
      }
      %scan3A_408 = arith.constant 48 : i32
      %add3A_409 = arith.constant 0 : i32
      %add3A_410 = arith.addi %add3A_409, %mul3A_2 : i32
      %mul3A_411 = arith.constant 16 : i32
      %mul3A_412 = arith.muli %add3A_364, %mul3A_411 : i32
      %add3A_413 = arith.addi %add3A_410, %mul3A_412 : i32
      %dma_start3A_414 = arith.constant 0 : i32
      %dma_start3A_415 = tpu.memref_slice %arg6[%add3A_413, %dma_start3A_414] : memref<32768x768xf32, #tpu.memory_space<hbm>> -> memref<16x768xf32, #tpu.memory_space<hbm>>
      %dma_start3A_416 = arith.constant 0 : i32
      %dma_start3A_417 = tpu.memref_slice %arg6[%add3A_413, %dma_start3A_416] : memref<32768x768xf32, #tpu.memory_space<hbm>> -> memref<16x768xf32, #tpu.memory_space<hbm>>
      tpu.enqueue_dma source(%arg11 : memref<16x768xf32, #tpu.memory_space<vmem>>) target(%dma_start3A_417 : memref<16x768xf32, #tpu.memory_space<hbm>>) target_semaphore(%arg27 : memref<!tpu.dma_semaphore, #tpu.memory_space<semaphore_mem>>)
      %add3A_418 = arith.constant 8192 : i32
      %add3A_419 = arith.addi %add3A_418, %mul3A_2 : i32
      %mul3A_420 = arith.constant 16 : i32
      %mul3A_421 = arith.muli %add3A_364, %mul3A_420 : i32
      %add3A_422 = arith.addi %add3A_419, %mul3A_421 : i32
      %dma_start3A_423 = arith.constant 0 : i32
      %dma_start3A_424 = tpu.memref_slice %arg6[%add3A_422, %dma_start3A_423] : memref<32768x768xf32, #tpu.memory_space<hbm>> -> memref<16x768xf32, #tpu.memory_space<hbm>>
      %dma_start3A_425 = arith.constant 0 : i32
      %dma_start3A_426 = tpu.memref_slice %arg6[%add3A_422, %dma_start3A_425] : memref<32768x768xf32, #tpu.memory_space<hbm>> -> memref<16x768xf32, #tpu.memory_space<hbm>>
      tpu.enqueue_dma source(%arg12 : memref<16x768xf32, #tpu.memory_space<vmem>>) target(%dma_start3A_426 : memref<16x768xf32, #tpu.memory_space<hbm>>) target_semaphore(%arg28 : memref<!tpu.dma_semaphore, #tpu.memory_space<semaphore_mem>>)
      %add3A_427 = arith.constant 16384 : i32
      %add3A_428 = arith.addi %add3A_427, %mul3A_2 : i32
      %mul3A_429 = arith.constant 16 : i32
      %mul3A_430 = arith.muli %add3A_364, %mul3A_429 : i32
      %add3A_431 = arith.addi %add3A_428, %mul3A_430 : i32
      %dma_start3A_432 = arith.constant 0 : i32
      %dma_start3A_433 = tpu.memref_slice %arg6[%add3A_431, %dma_start3A_432] : memref<32768x768xf32, #tpu.memory_space<hbm>> -> memref<16x768xf32, #tpu.memory_space<hbm>>
      %dma_start3A_434 = arith.constant 0 : i32
      %dma_start3A_435 = tpu.memref_slice %arg6[%add3A_431, %dma_start3A_434] : memref<32768x768xf32, #tpu.memory_space<hbm>> -> memref<16x768xf32, #tpu.memory_space<hbm>>
      tpu.enqueue_dma source(%arg13 : memref<16x768xf32, #tpu.memory_space<vmem>>) target(%dma_start3A_435 : memref<16x768xf32, #tpu.memory_space<hbm>>) target_semaphore(%arg29 : memref<!tpu.dma_semaphore, #tpu.memory_space<semaphore_mem>>)
      %add3A_436 = arith.constant 24576 : i32
      %add3A_437 = arith.addi %add3A_436, %mul3A_2 : i32
      %mul3A_438 = arith.constant 16 : i32
      %mul3A_439 = arith.muli %add3A_364, %mul3A_438 : i32
      %add3A_440 = arith.addi %add3A_437, %mul3A_439 : i32
      %dma_start3A_441 = arith.constant 0 : i32
      %dma_start3A_442 = tpu.memref_slice %arg6[%add3A_440, %dma_start3A_441] : memref<32768x768xf32, #tpu.memory_space<hbm>> -> memref<16x768xf32, #tpu.memory_space<hbm>>
      %dma_start3A_443 = arith.constant 0 : i32
      %dma_start3A_444 = tpu.memref_slice %arg6[%add3A_440, %dma_start3A_443] : memref<32768x768xf32, #tpu.memory_space<hbm>> -> memref<16x768xf32, #tpu.memory_space<hbm>>
      tpu.enqueue_dma source(%arg14 : memref<16x768xf32, #tpu.memory_space<vmem>>) target(%dma_start3A_444 : memref<16x768xf32, #tpu.memory_space<hbm>>) target_semaphore(%arg30 : memref<!tpu.dma_semaphore, #tpu.memory_space<semaphore_mem>>)
      %mul3A_445 = arith.constant 4 : i32
      %mul3A_446 = arith.muli %add3A_195, %mul3A_445 : i32
      %add3A_447 = arith.constant 3 : i32
      %add3A_448 = arith.addi %mul3A_446, %add3A_447 : i32
      %add3A_449 = arith.constant 1 : i32
      %add3A_450 = arith.addi %add3A_448, %add3A_449 : i32
      %lt3A_451 = arith.constant 16 : i32
      %lt3A_452 = arith.cmpi slt, %add3A_450, %lt3A_451 : i32
      %convert_element_type3A_453 = arith.extui %lt3A_452 : i1 to i32
      %cond3A_454 = arith.constant 0 : i32
      %cond3A_455 = arith.cmpi ne, %convert_element_type3A_453, %cond3A_454 : i32
      scf.if %cond3A_455 {
        %dma_wait3A_529 = arith.constant 0 : i32
        %dma_wait3A_530 = arith.constant 0 : i32
        %dma_wait3A_531 = tpu.memref_slice %arg6[%dma_wait3A_529, %dma_wait3A_530] : memref<32768x768xf32, #tpu.memory_space<hbm>> -> memref<16x768xf32, #tpu.memory_space<hbm>>
        %dma_wait3A_532 = arith.constant 0 : i32
        %dma_wait3A_533 = arith.constant 0 : i32
        %dma_wait3A_534 = tpu.memref_slice %arg6[%dma_wait3A_532, %dma_wait3A_533] : memref<32768x768xf32, #tpu.memory_space<hbm>> -> memref<16x768xf32, #tpu.memory_space<hbm>>
        tpu.wait_dma2 semaphore(%arg27 : memref<!tpu.dma_semaphore, #tpu.memory_space<semaphore_mem>>) src(%arg11 : memref<16x768xf32, #tpu.memory_space<vmem>>) dst(%dma_wait3A_534 : memref<16x768xf32, #tpu.memory_space<hbm>>)
        %add3A_535 = arith.constant 1 : i32
        %add3A_536 = arith.addi %add3A_448, %add3A_535 : i32
        %mul3A_537 = arith.constant 16 : i32
        %mul3A_538 = arith.muli %add3A_536, %mul3A_537 : i32
        %dma_start3A_539 = arith.constant 0 : i32
        %dma_start3A_540 = tpu.memref_slice %arg7[%dma_start3A_539, %mul3A_538] : memref<4x256xi32, #tpu.memory_space<vmem>> -> memref<1x16xi32, #tpu.memory_space<vmem>>
        %dma_start3A_541 = tpu.memref_squeeze %dma_start3A_540 : memref<1x16xi32, #tpu.memory_space<vmem>> -> memref<16xi32, #tpu.memory_space<vmem>>
        %dma_start3A_542 = arith.constant 0 : i32
        %dma_start3A_543 = arith.constant 0 : i32
        %dma_start3A_544 = tpu.memref_slice %arg3[%dma_start3A_542, %dma_start3A_543] : memref<100000x768xf32, #tpu.memory_space<hbm>> -> memref<100000x768xf32, #tpu.memory_space<hbm>>
        tpu.enqueue_indirect_dma source(%dma_start3A_544 : memref<100000x768xf32, #tpu.memory_space<hbm>>) target(%arg11 : memref<16x768xf32, #tpu.memory_space<vmem>>) offsets(%dma_start3A_541 : memref<16xi32, #tpu.memory_space<vmem>>) semaphore(%arg19 : memref<!tpu.dma_semaphore, #tpu.memory_space<semaphore_mem>>)
        %dma_wait3A_545 = arith.constant 0 : i32
        %dma_wait3A_546 = arith.constant 0 : i32
        %dma_wait3A_547 = tpu.memref_slice %arg6[%dma_wait3A_545, %dma_wait3A_546] : memref<32768x768xf32, #tpu.memory_space<hbm>> -> memref<16x768xf32, #tpu.memory_space<hbm>>
        %dma_wait3A_548 = arith.constant 0 : i32
        %dma_wait3A_549 = arith.constant 0 : i32
        %dma_wait3A_550 = tpu.memref_slice %arg6[%dma_wait3A_548, %dma_wait3A_549] : memref<32768x768xf32, #tpu.memory_space<hbm>> -> memref<16x768xf32, #tpu.memory_space<hbm>>
        tpu.wait_dma2 semaphore(%arg28 : memref<!tpu.dma_semaphore, #tpu.memory_space<semaphore_mem>>) src(%arg12 : memref<16x768xf32, #tpu.memory_space<vmem>>) dst(%dma_wait3A_550 : memref<16x768xf32, #tpu.memory_space<hbm>>)
        %add3A_551 = arith.constant 1 : i32
        %add3A_552 = arith.addi %add3A_448, %add3A_551 : i32
        %mul3A_553 = arith.constant 16 : i32
        %mul3A_554 = arith.muli %add3A_552, %mul3A_553 : i32
        %dma_start3A_555 = arith.constant 1 : i32
        %dma_start3A_556 = tpu.memref_slice %arg7[%dma_start3A_555, %mul3A_554] : memref<4x256xi32, #tpu.memory_space<vmem>> -> memref<1x16xi32, #tpu.memory_space<vmem>>
        %dma_start3A_557 = tpu.memref_squeeze %dma_start3A_556 : memref<1x16xi32, #tpu.memory_space<vmem>> -> memref<16xi32, #tpu.memory_space<vmem>>
        %dma_start3A_558 = arith.constant 0 : i32
        %dma_start3A_559 = arith.constant 0 : i32
        %dma_start3A_560 = tpu.memref_slice %arg3[%dma_start3A_558, %dma_start3A_559] : memref<100000x768xf32, #tpu.memory_space<hbm>> -> memref<100000x768xf32, #tpu.memory_space<hbm>>
        tpu.enqueue_indirect_dma source(%dma_start3A_560 : memref<100000x768xf32, #tpu.memory_space<hbm>>) target(%arg12 : memref<16x768xf32, #tpu.memory_space<vmem>>) offsets(%dma_start3A_557 : memref<16xi32, #tpu.memory_space<vmem>>) semaphore(%arg20 : memref<!tpu.dma_semaphore, #tpu.memory_space<semaphore_mem>>)
        %dma_wait3A_561 = arith.constant 0 : i32
        %dma_wait3A_562 = arith.constant 0 : i32
        %dma_wait3A_563 = tpu.memref_slice %arg6[%dma_wait3A_561, %dma_wait3A_562] : memref<32768x768xf32, #tpu.memory_space<hbm>> -> memref<16x768xf32, #tpu.memory_space<hbm>>
        %dma_wait3A_564 = arith.constant 0 : i32
        %dma_wait3A_565 = arith.constant 0 : i32
        %dma_wait3A_566 = tpu.memref_slice %arg6[%dma_wait3A_564, %dma_wait3A_565] : memref<32768x768xf32, #tpu.memory_space<hbm>> -> memref<16x768xf32, #tpu.memory_space<hbm>>
        tpu.wait_dma2 semaphore(%arg29 : memref<!tpu.dma_semaphore, #tpu.memory_space<semaphore_mem>>) src(%arg13 : memref<16x768xf32, #tpu.memory_space<vmem>>) dst(%dma_wait3A_566 : memref<16x768xf32, #tpu.memory_space<hbm>>)
        %add3A_567 = arith.constant 1 : i32
        %add3A_568 = arith.addi %add3A_448, %add3A_567 : i32
        %mul3A_569 = arith.constant 16 : i32
        %mul3A_570 = arith.muli %add3A_568, %mul3A_569 : i32
        %dma_start3A_571 = arith.constant 2 : i32
        %dma_start3A_572 = tpu.memref_slice %arg7[%dma_start3A_571, %mul3A_570] : memref<4x256xi32, #tpu.memory_space<vmem>> -> memref<1x16xi32, #tpu.memory_space<vmem>>
        %dma_start3A_573 = tpu.memref_squeeze %dma_start3A_572 : memref<1x16xi32, #tpu.memory_space<vmem>> -> memref<16xi32, #tpu.memory_space<vmem>>
        %dma_start3A_574 = arith.constant 0 : i32
        %dma_start3A_575 = arith.constant 0 : i32
        %dma_start3A_576 = tpu.memref_slice %arg3[%dma_start3A_574, %dma_start3A_575] : memref<100000x768xf32, #tpu.memory_space<hbm>> -> memref<100000x768xf32, #tpu.memory_space<hbm>>
        tpu.enqueue_indirect_dma source(%dma_start3A_576 : memref<100000x768xf32, #tpu.memory_space<hbm>>) target(%arg13 : memref<16x768xf32, #tpu.memory_space<vmem>>) offsets(%dma_start3A_573 : memref<16xi32, #tpu.memory_space<vmem>>) semaphore(%arg21 : memref<!tpu.dma_semaphore, #tpu.memory_space<semaphore_mem>>)
        %dma_wait3A_577 = arith.constant 0 : i32
        %dma_wait3A_578 = arith.constant 0 : i32
        %dma_wait3A_579 = tpu.memref_slice %arg6[%dma_wait3A_577, %dma_wait3A_578] : memref<32768x768xf32, #tpu.memory_space<hbm>> -> memref<16x768xf32, #tpu.memory_space<hbm>>
        %dma_wait3A_580 = arith.constant 0 : i32
        %dma_wait3A_581 = arith.constant 0 : i32
        %dma_wait3A_582 = tpu.memref_slice %arg6[%dma_wait3A_580, %dma_wait3A_581] : memref<32768x768xf32, #tpu.memory_space<hbm>> -> memref<16x768xf32, #tpu.memory_space<hbm>>
        tpu.wait_dma2 semaphore(%arg30 : memref<!tpu.dma_semaphore, #tpu.memory_space<semaphore_mem>>) src(%arg14 : memref<16x768xf32, #tpu.memory_space<vmem>>) dst(%dma_wait3A_582 : memref<16x768xf32, #tpu.memory_space<hbm>>)
        %add3A_583 = arith.constant 1 : i32
        %add3A_584 = arith.addi %add3A_448, %add3A_583 : i32
        %mul3A_585 = arith.constant 16 : i32
        %mul3A_586 = arith.muli %add3A_584, %mul3A_585 : i32
        %dma_start3A_587 = arith.constant 3 : i32
        %dma_start3A_588 = tpu.memref_slice %arg7[%dma_start3A_587, %mul3A_586] : memref<4x256xi32, #tpu.memory_space<vmem>> -> memref<1x16xi32, #tpu.memory_space<vmem>>
        %dma_start3A_589 = tpu.memref_squeeze %dma_start3A_588 : memref<1x16xi32, #tpu.memory_space<vmem>> -> memref<16xi32, #tpu.memory_space<vmem>>
        %dma_start3A_590 = arith.constant 0 : i32
        %dma_start3A_591 = arith.constant 0 : i32
        %dma_start3A_592 = tpu.memref_slice %arg3[%dma_start3A_590, %dma_start3A_591] : memref<100000x768xf32, #tpu.memory_space<hbm>> -> memref<100000x768xf32, #tpu.memory_space<hbm>>
        tpu.enqueue_indirect_dma source(%dma_start3A_592 : memref<100000x768xf32, #tpu.memory_space<hbm>>) target(%arg14 : memref<16x768xf32, #tpu.memory_space<vmem>>) offsets(%dma_start3A_589 : memref<16xi32, #tpu.memory_space<vmem>>) semaphore(%arg22 : memref<!tpu.dma_semaphore, #tpu.memory_space<semaphore_mem>>)
      } else {
      }
      %mul3A_456 = arith.constant 16 : i32
      %mul3A_457 = arith.muli %add3A_448, %mul3A_456 : i32
      %dma_wait3A_458 = arith.constant 0 : i32
      %dma_wait3A_459 = tpu.memref_slice %arg7[%dma_wait3A_458, %mul3A_457] : memref<4x256xi32, #tpu.memory_space<vmem>> -> memref<1x16xi32, #tpu.memory_space<vmem>>
      %dma_wait3A_460 = tpu.memref_squeeze %dma_wait3A_459 : memref<1x16xi32, #tpu.memory_space<vmem>> -> memref<16xi32, #tpu.memory_space<vmem>>
      %dma_wait3A_461 = arith.constant 0 : i32
      %dma_wait3A_462 = arith.constant 0 : i32
      %dma_wait3A_463 = tpu.memref_slice %arg3[%dma_wait3A_461, %dma_wait3A_462] : memref<100000x768xf32, #tpu.memory_space<hbm>> -> memref<100000x768xf32, #tpu.memory_space<hbm>>
      tpu.wait_indirect_dma semaphore(%arg23 : memref<!tpu.dma_semaphore, #tpu.memory_space<semaphore_mem>>) src(%dma_wait3A_463 : memref<100000x768xf32, #tpu.memory_space<hbm>>) dst(%arg15 : memref<16x768xf32, #tpu.memory_space<vmem>>)
      %mul3A_464 = arith.constant 16 : i32
      %mul3A_465 = arith.muli %add3A_448, %mul3A_464 : i32
      %dma_wait3A_466 = arith.constant 1 : i32
      %dma_wait3A_467 = tpu.memref_slice %arg7[%dma_wait3A_466, %mul3A_465] : memref<4x256xi32, #tpu.memory_space<vmem>> -> memref<1x16xi32, #tpu.memory_space<vmem>>
      %dma_wait3A_468 = tpu.memref_squeeze %dma_wait3A_467 : memref<1x16xi32, #tpu.memory_space<vmem>> -> memref<16xi32, #tpu.memory_space<vmem>>
      %dma_wait3A_469 = arith.constant 0 : i32
      %dma_wait3A_470 = arith.constant 0 : i32
      %dma_wait3A_471 = tpu.memref_slice %arg3[%dma_wait3A_469, %dma_wait3A_470] : memref<100000x768xf32, #tpu.memory_space<hbm>> -> memref<100000x768xf32, #tpu.memory_space<hbm>>
      tpu.wait_indirect_dma semaphore(%arg24 : memref<!tpu.dma_semaphore, #tpu.memory_space<semaphore_mem>>) src(%dma_wait3A_471 : memref<100000x768xf32, #tpu.memory_space<hbm>>) dst(%arg16 : memref<16x768xf32, #tpu.memory_space<vmem>>)
      %mul3A_472 = arith.constant 16 : i32
      %mul3A_473 = arith.muli %add3A_448, %mul3A_472 : i32
      %dma_wait3A_474 = arith.constant 2 : i32
      %dma_wait3A_475 = tpu.memref_slice %arg7[%dma_wait3A_474, %mul3A_473] : memref<4x256xi32, #tpu.memory_space<vmem>> -> memref<1x16xi32, #tpu.memory_space<vmem>>
      %dma_wait3A_476 = tpu.memref_squeeze %dma_wait3A_475 : memref<1x16xi32, #tpu.memory_space<vmem>> -> memref<16xi32, #tpu.memory_space<vmem>>
      %dma_wait3A_477 = arith.constant 0 : i32
      %dma_wait3A_478 = arith.constant 0 : i32
      %dma_wait3A_479 = tpu.memref_slice %arg3[%dma_wait3A_477, %dma_wait3A_478] : memref<100000x768xf32, #tpu.memory_space<hbm>> -> memref<100000x768xf32, #tpu.memory_space<hbm>>
      tpu.wait_indirect_dma semaphore(%arg25 : memref<!tpu.dma_semaphore, #tpu.memory_space<semaphore_mem>>) src(%dma_wait3A_479 : memref<100000x768xf32, #tpu.memory_space<hbm>>) dst(%arg17 : memref<16x768xf32, #tpu.memory_space<vmem>>)
      %mul3A_480 = arith.constant 16 : i32
      %mul3A_481 = arith.muli %add3A_448, %mul3A_480 : i32
      %dma_wait3A_482 = arith.constant 3 : i32
      %dma_wait3A_483 = tpu.memref_slice %arg7[%dma_wait3A_482, %mul3A_481] : memref<4x256xi32, #tpu.memory_space<vmem>> -> memref<1x16xi32, #tpu.memory_space<vmem>>
      %dma_wait3A_484 = tpu.memref_squeeze %dma_wait3A_483 : memref<1x16xi32, #tpu.memory_space<vmem>> -> memref<16xi32, #tpu.memory_space<vmem>>
      %dma_wait3A_485 = arith.constant 0 : i32
      %dma_wait3A_486 = arith.constant 0 : i32
      %dma_wait3A_487 = tpu.memref_slice %arg3[%dma_wait3A_485, %dma_wait3A_486] : memref<100000x768xf32, #tpu.memory_space<hbm>> -> memref<100000x768xf32, #tpu.memory_space<hbm>>
      tpu.wait_indirect_dma semaphore(%arg26 : memref<!tpu.dma_semaphore, #tpu.memory_space<semaphore_mem>>) src(%dma_wait3A_487 : memref<100000x768xf32, #tpu.memory_space<hbm>>) dst(%arg18 : memref<16x768xf32, #tpu.memory_space<vmem>>)
      %scan3A_488 = arith.constant 0 : i32
      %scan3A_489 = arith.constant 48 : i32
      %scan3A_490 = arith.addi %scan3A_488, %scan3A_489 : i32
      %scan3A_491 = arith.constant 1 : i32
      scf.for %scan3A_529 = %scan3A_488 to %scan3A_490 step %scan3A_491  : i32 {
        %mul3A_530 = arith.constant 1 : i32
        %mul3A_531 = arith.muli %scan3A_529, %mul3A_530 : i32
        %add3A_532 = arith.constant 0 : i32
        %add3A_533 = arith.addi %add3A_532, %mul3A_531 : i32
        %mul3A_534 = arith.constant 16 : i32
        %mul3A_535 = arith.muli %add3A_533, %mul3A_534 : i32
        %get3A = arith.constant 0 : i32
        %get3A_536 = arith.index_cast %get3A : i32 to index
        %get3A_537 = arith.index_cast %mul3A_535 : i32 to index
        %get3A_538 = tpu.vector_load %arg9[%get3A_536, %get3A_537] {strides = array<i32>} : memref<1x768xf32, #tpu.memory_space<vmem>>, vector<1x16xf32>,
        %get3A_539 = vector.shape_cast %get3A_538 : vector<1x16xf32> to vector<16xf32>
        %get3A_540 = arith.constant 0 : i32
        %get3A_541 = arith.index_cast %get3A_540 : i32 to index
        %get3A_542 = arith.index_cast %mul3A_535 : i32 to index
        %get3A_543 = tpu.vector_load %arg10[%get3A_541, %get3A_542] {strides = array<i32>} : memref<2x768xf32, #tpu.memory_space<vmem>>, vector<1x16xf32>,
        %get3A_544 = vector.shape_cast %get3A_543 : vector<1x16xf32> to vector<16xf32>
        %get3A_545 = arith.constant 1 : i32
        %get3A_546 = arith.index_cast %get3A_545 : i32 to index
        %get3A_547 = arith.index_cast %mul3A_535 : i32 to index
        %get3A_548 = tpu.vector_load %arg10[%get3A_546, %get3A_547] {strides = array<i32>} : memref<2x768xf32, #tpu.memory_space<vmem>>, vector<1x16xf32>,
        %get3A_549 = vector.shape_cast %get3A_548 : vector<1x16xf32> to vector<16xf32>
        %swap3A = arith.constant 0 : i32
        %swap3A_550 = arith.index_cast %swap3A : i32 to index
        %swap3A_551 = arith.index_cast %mul3A_535 : i32 to index
        %swap3A_552 = tpu.vector_load %arg15[%swap3A_550, %swap3A_551] {strides = array<i32>} : memref<16x768xf32, #tpu.memory_space<vmem>>, vector<1x16xf32>,
        %swap3A_553 = vector.shape_cast %swap3A_552 : vector<1x16xf32> to vector<16xf32>
        %swap3A_554 = vector.shape_cast %get3A_544 : vector<16xf32> to vector<1x16xf32>
        tpu.vector_store %arg15[%swap3A_550, %swap3A_551], %swap3A_554 {add = true, strides = array<i32>} : memref<16x768xf32, #tpu.memory_space<vmem>>, vector<1x16xf32>,
        %swap3A_555 = arith.constant 0 : i32
        %swap3A_556 = arith.index_cast %swap3A_555 : i32 to index
        %swap3A_557 = arith.index_cast %mul3A_535 : i32 to index
        %swap3A_558 = tpu.vector_load %arg16[%swap3A_556, %swap3A_557] {strides = array<i32>} : memref<16x768xf32, #tpu.memory_space<vmem>>, vector<1x16xf32>,
        %swap3A_559 = vector.shape_cast %swap3A_558 : vector<1x16xf32> to vector<16xf32>
        %swap3A_560 = vector.shape_cast %get3A_544 : vector<16xf32> to vector<1x16xf32>
        tpu.vector_store %arg16[%swap3A_556, %swap3A_557], %swap3A_560 {add = true, strides = array<i32>} : memref<16x768xf32, #tpu.memory_space<vmem>>, vector<1x16xf32>,
        %swap3A_561 = arith.constant 0 : i32
        %swap3A_562 = arith.index_cast %swap3A_561 : i32 to index
        %swap3A_563 = arith.index_cast %mul3A_535 : i32 to index
        %swap3A_564 = tpu.vector_load %arg17[%swap3A_562, %swap3A_563] {strides = array<i32>} : memref<16x768xf32, #tpu.memory_space<vmem>>, vector<1x16xf32>,
        %swap3A_565 = vector.shape_cast %swap3A_564 : vector<1x16xf32> to vector<16xf32>
        %swap3A_566 = vector.shape_cast %get3A_544 : vector<16xf32> to vector<1x16xf32>
        tpu.vector_store %arg17[%swap3A_562, %swap3A_563], %swap3A_566 {add = true, strides = array<i32>} : memref<16x768xf32, #tpu.memory_space<vmem>>, vector<1x16xf32>,
        %swap3A_567 = arith.constant 0 : i32
        %swap3A_568 = arith.index_cast %swap3A_567 : i32 to index
        %swap3A_569 = arith.index_cast %mul3A_535 : i32 to index
        %swap3A_570 = tpu.vector_load %arg18[%swap3A_568, %swap3A_569] {strides = array<i32>} : memref<16x768xf32, #tpu.memory_space<vmem>>, vector<1x16xf32>,
        %swap3A_571 = vector.shape_cast %swap3A_570 : vector<1x16xf32> to vector<16xf32>
        %swap3A_572 = vector.shape_cast %get3A_544 : vector<16xf32> to vector<1x16xf32>
        tpu.vector_store %arg18[%swap3A_568, %swap3A_569], %swap3A_572 {add = true, strides = array<i32>} : memref<16x768xf32, #tpu.memory_space<vmem>>, vector<1x16xf32>,
        %swap3A_573 = arith.constant 1 : i32
        %swap3A_574 = arith.index_cast %swap3A_573 : i32 to index
        %swap3A_575 = arith.index_cast %mul3A_535 : i32 to index
        %swap3A_576 = tpu.vector_load %arg15[%swap3A_574, %swap3A_575] {strides = array<i32>} : memref<16x768xf32, #tpu.memory_space<vmem>>, vector<1x16xf32>,
        %swap3A_577 = vector.shape_cast %swap3A_576 : vector<1x16xf32> to vector<16xf32>
        %swap3A_578 = vector.shape_cast %get3A_549 : vector<16xf32> to vector<1x16xf32>
        tpu.vector_store %arg15[%swap3A_574, %swap3A_575], %swap3A_578 {add = true, strides = array<i32>} : memref<16x768xf32, #tpu.memory_space<vmem>>, vector<1x16xf32>,
        %swap3A_579 = arith.constant 1 : i32
        %swap3A_580 = arith.index_cast %swap3A_579 : i32 to index
        %swap3A_581 = arith.index_cast %mul3A_535 : i32 to index
        %swap3A_582 = tpu.vector_load %arg16[%swap3A_580, %swap3A_581] {strides = array<i32>} : memref<16x768xf32, #tpu.memory_space<vmem>>, vector<1x16xf32>,
        %swap3A_583 = vector.shape_cast %swap3A_582 : vector<1x16xf32> to vector<16xf32>
        %swap3A_584 = vector.shape_cast %get3A_549 : vector<16xf32> to vector<1x16xf32>
        tpu.vector_store %arg16[%swap3A_580, %swap3A_581], %swap3A_584 {add = true, strides = array<i32>} : memref<16x768xf32, #tpu.memory_space<vmem>>, vector<1x16xf32>,
        %swap3A_585 = arith.constant 1 : i32
        %swap3A_586 = arith.index_cast %swap3A_585 : i32 to index
        %swap3A_587 = arith.index_cast %mul3A_535 : i32 to index
        %swap3A_588 = tpu.vector_load %arg17[%swap3A_586, %swap3A_587] {strides = array<i32>} : memref<16x768xf32, #tpu.memory_space<vmem>>, vector<1x16xf32>,
        %swap3A_589 = vector.shape_cast %swap3A_588 : vector<1x16xf32> to vector<16xf32>
        %swap3A_590 = vector.shape_cast %get3A_549 : vector<16xf32> to vector<1x16xf32>
        tpu.vector_store %arg17[%swap3A_586, %swap3A_587], %swap3A_590 {add = true, strides = array<i32>} : memref<16x768xf32, #tpu.memory_space<vmem>>, vector<1x16xf32>,
        %swap3A_591 = arith.constant 1 : i32
        %swap3A_592 = arith.index_cast %swap3A_591 : i32 to index
        %swap3A_593 = arith.index_cast %mul3A_535 : i32 to index
        %swap3A_594 = tpu.vector_load %arg18[%swap3A_592, %swap3A_593] {strides = array<i32>} : memref<16x768xf32, #tpu.memory_space<vmem>>, vector<1x16xf32>,
        %swap3A_595 = vector.shape_cast %swap3A_594 : vector<1x16xf32> to vector<16xf32>
        %swap3A_596 = vector.shape_cast %get3A_549 : vector<16xf32> to vector<1x16xf32>
        tpu.vector_store %arg18[%swap3A_592, %swap3A_593], %swap3A_596 {add = true, strides = array<i32>} : memref<16x768xf32, #tpu.memory_space<vmem>>, vector<1x16xf32>,
        %mul3A_597 = arith.mulf %get3A_539, %get3A_549 : vector<16xf32>
        %sub3A = arith.subf %mul3A_597, %get3A_544 : vector<16xf32>
        %swap3A_598 = arith.constant 2 : i32
        %swap3A_599 = arith.index_cast %swap3A_598 : i32 to index
        %swap3A_600 = arith.index_cast %mul3A_535 : i32 to index
        %swap3A_601 = tpu.vector_load %arg15[%swap3A_599, %swap3A_600] {strides = array<i32>} : memref<16x768xf32, #tpu.memory_space<vmem>>, vector<1x16xf32>,
        %swap3A_602 = vector.shape_cast %swap3A_601 : vector<1x16xf32> to vector<16xf32>
        %swap3A_603 = vector.shape_cast %sub3A : vector<16xf32> to vector<1x16xf32>
        tpu.vector_store %arg15[%swap3A_599, %swap3A_600], %swap3A_603 {add = true, strides = array<i32>} : memref<16x768xf32, #tpu.memory_space<vmem>>, vector<1x16xf32>,
        %swap3A_604 = arith.constant 2 : i32
        %swap3A_605 = arith.index_cast %swap3A_604 : i32 to index
        %swap3A_606 = arith.index_cast %mul3A_535 : i32 to index
        %swap3A_607 = tpu.vector_load %arg16[%swap3A_605, %swap3A_606] {strides = array<i32>} : memref<16x768xf32, #tpu.memory_space<vmem>>, vector<1x16xf32>,
        %swap3A_608 = vector.shape_cast %swap3A_607 : vector<1x16xf32> to vector<16xf32>
        %swap3A_609 = vector.shape_cast %sub3A : vector<16xf32> to vector<1x16xf32>
        tpu.vector_store %arg16[%swap3A_605, %swap3A_606], %swap3A_609 {add = true, strides = array<i32>} : memref<16x768xf32, #tpu.memory_space<vmem>>, vector<1x16xf32>,
        %swap3A_610 = arith.constant 2 : i32
        %swap3A_611 = arith.index_cast %swap3A_610 : i32 to index
        %swap3A_612 = arith.index_cast %mul3A_535 : i32 to index
        %swap3A_613 = tpu.vector_load %arg17[%swap3A_611, %swap3A_612] {strides = array<i32>} : memref<16x768xf32, #tpu.memory_space<vmem>>, vector<1x16xf32>,
        %swap3A_614 = vector.shape_cast %swap3A_613 : vector<1x16xf32> to vector<16xf32>
        %swap3A_615 = vector.shape_cast %sub3A : vector<16xf32> to vector<1x16xf32>
        tpu.vector_store %arg17[%swap3A_611, %swap3A_612], %swap3A_615 {add = true, strides = array<i32>} : memref<16x768xf32, #tpu.memory_space<vmem>>, vector<1x16xf32>,
        %swap3A_616 = arith.constant 2 : i32
        %swap3A_617 = arith.index_cast %swap3A_616 : i32 to index
        %swap3A_618 = arith.index_cast %mul3A_535 : i32 to index
        %swap3A_619 = tpu.vector_load %arg18[%swap3A_617, %swap3A_618] {strides = array<i32>} : memref<16x768xf32, #tpu.memory_space<vmem>>, vector<1x16xf32>,
        %swap3A_620 = vector.shape_cast %swap3A_619 : vector<1x16xf32> to vector<16xf32>
        %swap3A_621 = vector.shape_cast %sub3A : vector<16xf32> to vector<1x16xf32>
        tpu.vector_store %arg18[%swap3A_617, %swap3A_618], %swap3A_621 {add = true, strides = array<i32>} : memref<16x768xf32, #tpu.memory_space<vmem>>, vector<1x16xf32>,
        %mul3A_622 = arith.mulf %get3A_539, %sub3A : vector<16xf32>
        %sub3A_623 = arith.subf %mul3A_622, %get3A_549 : vector<16xf32>
        %swap3A_624 = arith.constant 3 : i32
        %swap3A_625 = arith.index_cast %swap3A_624 : i32 to index
        %swap3A_626 = arith.index_cast %mul3A_535 : i32 to index
        %swap3A_627 = tpu.vector_load %arg15[%swap3A_625, %swap3A_626] {strides = array<i32>} : memref<16x768xf32, #tpu.memory_space<vmem>>, vector<1x16xf32>,
        %swap3A_628 = vector.shape_cast %swap3A_627 : vector<1x16xf32> to vector<16xf32>
        %swap3A_629 = vector.shape_cast %sub3A_623 : vector<16xf32> to vector<1x16xf32>
        tpu.vector_store %arg15[%swap3A_625, %swap3A_626], %swap3A_629 {add = true, strides = array<i32>} : memref<16x768xf32, #tpu.memory_space<vmem>>, vector<1x16xf32>,
        %swap3A_630 = arith.constant 3 : i32
        %swap3A_631 = arith.index_cast %swap3A_630 : i32 to index
        %swap3A_632 = arith.index_cast %mul3A_535 : i32 to index
        %swap3A_633 = tpu.vector_load %arg16[%swap3A_631, %swap3A_632] {strides = array<i32>} : memref<16x768xf32, #tpu.memory_space<vmem>>, vector<1x16xf32>,
        %swap3A_634 = vector.shape_cast %swap3A_633 : vector<1x16xf32> to vector<16xf32>
        %swap3A_635 = vector.shape_cast %sub3A_623 : vector<16xf32> to vector<1x16xf32>
        tpu.vector_store %arg16[%swap3A_631, %swap3A_632], %swap3A_635 {add = true, strides = array<i32>} : memref<16x768xf32, #tpu.memory_space<vmem>>, vector<1x16xf32>,
        %swap3A_636 = arith.constant 3 : i32
        %swap3A_637 = arith.index_cast %swap3A_636 : i32 to index
        %swap3A_638 = arith.index_cast %mul3A_535 : i32 to index
        %swap3A_639 = tpu.vector_load %arg17[%swap3A_637, %swap3A_638] {strides = array<i32>} : memref<16x768xf32, #tpu.memory_space<vmem>>, vector<1x16xf32>,
        %swap3A_640 = vector.shape_cast %swap3A_639 : vector<1x16xf32> to vector<16xf32>
        %swap3A_641 = vector.shape_cast %sub3A_623 : vector<16xf32> to vector<1x16xf32>
        tpu.vector_store %arg17[%swap3A_637, %swap3A_638], %swap3A_641 {add = true, strides = array<i32>} : memref<16x768xf32, #tpu.memory_space<vmem>>, vector<1x16xf32>,
        %swap3A_642 = arith.constant 3 : i32
        %swap3A_643 = arith.index_cast %swap3A_642 : i32 to index
        %swap3A_644 = arith.index_cast %mul3A_535 : i32 to index
        %swap3A_645 = tpu.vector_load %arg18[%swap3A_643, %swap3A_644] {strides = array<i32>} : memref<16x768xf32, #tpu.memory_space<vmem>>, vector<1x16xf32>,
        %swap3A_646 = vector.shape_cast %swap3A_645 : vector<1x16xf32> to vector<16xf32>
        %swap3A_647 = vector.shape_cast %sub3A_623 : vector<16xf32> to vector<1x16xf32>
        tpu.vector_store %arg18[%swap3A_643, %swap3A_644], %swap3A_647 {add = true, strides = array<i32>} : memref<16x768xf32, #tpu.memory_space<vmem>>, vector<1x16xf32>,
        %mul3A_648 = arith.mulf %get3A_539, %sub3A_623 : vector<16xf32>
        %sub3A_649 = arith.subf %mul3A_648, %sub3A : vector<16xf32>
        %swap3A_650 = arith.constant 4 : i32
        %swap3A_651 = arith.index_cast %swap3A_650 : i32 to index
        %swap3A_652 = arith.index_cast %mul3A_535 : i32 to index
        %swap3A_653 = tpu.vector_load %arg15[%swap3A_651, %swap3A_652] {strides = array<i32>} : memref<16x768xf32, #tpu.memory_space<vmem>>, vector<1x16xf32>,
        %swap3A_654 = vector.shape_cast %swap3A_653 : vector<1x16xf32> to vector<16xf32>
        %swap3A_655 = vector.shape_cast %sub3A_649 : vector<16xf32> to vector<1x16xf32>
        tpu.vector_store %arg15[%swap3A_651, %swap3A_652], %swap3A_655 {add = true, strides = array<i32>} : memref<16x768xf32, #tpu.memory_space<vmem>>, vector<1x16xf32>,
        %swap3A_656 = arith.constant 4 : i32
        %swap3A_657 = arith.index_cast %swap3A_656 : i32 to index
        %swap3A_658 = arith.index_cast %mul3A_535 : i32 to index
        %swap3A_659 = tpu.vector_load %arg16[%swap3A_657, %swap3A_658] {strides = array<i32>} : memref<16x768xf32, #tpu.memory_space<vmem>>, vector<1x16xf32>,
        %swap3A_660 = vector.shape_cast %swap3A_659 : vector<1x16xf32> to vector<16xf32>
        %swap3A_661 = vector.shape_cast %sub3A_649 : vector<16xf32> to vector<1x16xf32>
        tpu.vector_store %arg16[%swap3A_657, %swap3A_658], %swap3A_661 {add = true, strides = array<i32>} : memref<16x768xf32, #tpu.memory_space<vmem>>, vector<1x16xf32>,
        %swap3A_662 = arith.constant 4 : i32
        %swap3A_663 = arith.index_cast %swap3A_662 : i32 to index
        %swap3A_664 = arith.index_cast %mul3A_535 : i32 to index
        %swap3A_665 = tpu.vector_load %arg17[%swap3A_663, %swap3A_664] {strides = array<i32>} : memref<16x768xf32, #tpu.memory_space<vmem>>, vector<1x16xf32>,
        %swap3A_666 = vector.shape_cast %swap3A_665 : vector<1x16xf32> to vector<16xf32>
        %swap3A_667 = vector.shape_cast %sub3A_649 : vector<16xf32> to vector<1x16xf32>
        tpu.vector_store %arg17[%swap3A_663, %swap3A_664], %swap3A_667 {add = true, strides = array<i32>} : memref<16x768xf32, #tpu.memory_space<vmem>>, vector<1x16xf32>,
        %swap3A_668 = arith.constant 4 : i32
        %swap3A_669 = arith.index_cast %swap3A_668 : i32 to index
        %swap3A_670 = arith.index_cast %mul3A_535 : i32 to index
        %swap3A_671 = tpu.vector_load %arg18[%swap3A_669, %swap3A_670] {strides = array<i32>} : memref<16x768xf32, #tpu.memory_space<vmem>>, vector<1x16xf32>,
        %swap3A_672 = vector.shape_cast %swap3A_671 : vector<1x16xf32> to vector<16xf32>
        %swap3A_673 = vector.shape_cast %sub3A_649 : vector<16xf32> to vector<1x16xf32>
        tpu.vector_store %arg18[%swap3A_669, %swap3A_670], %swap3A_673 {add = true, strides = array<i32>} : memref<16x768xf32, #tpu.memory_space<vmem>>, vector<1x16xf32>,
        %mul3A_674 = arith.mulf %get3A_539, %sub3A_649 : vector<16xf32>
        %sub3A_675 = arith.subf %mul3A_674, %sub3A_623 : vector<16xf32>
        %swap3A_676 = arith.constant 5 : i32
        %swap3A_677 = arith.index_cast %swap3A_676 : i32 to index
        %swap3A_678 = arith.index_cast %mul3A_535 : i32 to index
        %swap3A_679 = tpu.vector_load %arg15[%swap3A_677, %swap3A_678] {strides = array<i32>} : memref<16x768xf32, #tpu.memory_space<vmem>>, vector<1x16xf32>,
        %swap3A_680 = vector.shape_cast %swap3A_679 : vector<1x16xf32> to vector<16xf32>
        %swap3A_681 = vector.shape_cast %sub3A_675 : vector<16xf32> to vector<1x16xf32>
        tpu.vector_store %arg15[%swap3A_677, %swap3A_678], %swap3A_681 {add = true, strides = array<i32>} : memref<16x768xf32, #tpu.memory_space<vmem>>, vector<1x16xf32>,
        %swap3A_682 = arith.constant 5 : i32
        %swap3A_683 = arith.index_cast %swap3A_682 : i32 to index
        %swap3A_684 = arith.index_cast %mul3A_535 : i32 to index
        %swap3A_685 = tpu.vector_load %arg16[%swap3A_683, %swap3A_684] {strides = array<i32>} : memref<16x768xf32, #tpu.memory_space<vmem>>, vector<1x16xf32>,
        %swap3A_686 = vector.shape_cast %swap3A_685 : vector<1x16xf32> to vector<16xf32>
        %swap3A_687 = vector.shape_cast %sub3A_675 : vector<16xf32> to vector<1x16xf32>
        tpu.vector_store %arg16[%swap3A_683, %swap3A_684], %swap3A_687 {add = true, strides = array<i32>} : memref<16x768xf32, #tpu.memory_space<vmem>>, vector<1x16xf32>,
        %swap3A_688 = arith.constant 5 : i32
        %swap3A_689 = arith.index_cast %swap3A_688 : i32 to index
        %swap3A_690 = arith.index_cast %mul3A_535 : i32 to index
        %swap3A_691 = tpu.vector_load %arg17[%swap3A_689, %swap3A_690] {strides = array<i32>} : memref<16x768xf32, #tpu.memory_space<vmem>>, vector<1x16xf32>,
        %swap3A_692 = vector.shape_cast %swap3A_691 : vector<1x16xf32> to vector<16xf32>
        %swap3A_693 = vector.shape_cast %sub3A_675 : vector<16xf32> to vector<1x16xf32>
        tpu.vector_store %arg17[%swap3A_689, %swap3A_690], %swap3A_693 {add = true, strides = array<i32>} : memref<16x768xf32, #tpu.memory_space<vmem>>, vector<1x16xf32>,
        %swap3A_694 = arith.constant 5 : i32
        %swap3A_695 = arith.index_cast %swap3A_694 : i32 to index
        %swap3A_696 = arith.index_cast %mul3A_535 : i32 to index
        %swap3A_697 = tpu.vector_load %arg18[%swap3A_695, %swap3A_696] {strides = array<i32>} : memref<16x768xf32, #tpu.memory_space<vmem>>, vector<1x16xf32>,
        %swap3A_698 = vector.shape_cast %swap3A_697 : vector<1x16xf32> to vector<16xf32>
        %swap3A_699 = vector.shape_cast %sub3A_675 : vector<16xf32> to vector<1x16xf32>
        tpu.vector_store %arg18[%swap3A_695, %swap3A_696], %swap3A_699 {add = true, strides = array<i32>} : memref<16x768xf32, #tpu.memory_space<vmem>>, vector<1x16xf32>,
        %mul3A_700 = arith.mulf %get3A_539, %sub3A_675 : vector<16xf32>
        %sub3A_701 = arith.subf %mul3A_700, %sub3A_649 : vector<16xf32>
        %swap3A_702 = arith.constant 6 : i32
        %swap3A_703 = arith.index_cast %swap3A_702 : i32 to index
        %swap3A_704 = arith.index_cast %mul3A_535 : i32 to index
        %swap3A_705 = tpu.vector_load %arg15[%swap3A_703, %swap3A_704] {strides = array<i32>} : memref<16x768xf32, #tpu.memory_space<vmem>>, vector<1x16xf32>,
        %swap3A_706 = vector.shape_cast %swap3A_705 : vector<1x16xf32> to vector<16xf32>
        %swap3A_707 = vector.shape_cast %sub3A_701 : vector<16xf32> to vector<1x16xf32>
        tpu.vector_store %arg15[%swap3A_703, %swap3A_704], %swap3A_707 {add = true, strides = array<i32>} : memref<16x768xf32, #tpu.memory_space<vmem>>, vector<1x16xf32>,
        %swap3A_708 = arith.constant 6 : i32
        %swap3A_709 = arith.index_cast %swap3A_708 : i32 to index
        %swap3A_710 = arith.index_cast %mul3A_535 : i32 to index
        %swap3A_711 = tpu.vector_load %arg16[%swap3A_709, %swap3A_710] {strides = array<i32>} : memref<16x768xf32, #tpu.memory_space<vmem>>, vector<1x16xf32>,
        %swap3A_712 = vector.shape_cast %swap3A_711 : vector<1x16xf32> to vector<16xf32>
        %swap3A_713 = vector.shape_cast %sub3A_701 : vector<16xf32> to vector<1x16xf32>
        tpu.vector_store %arg16[%swap3A_709, %swap3A_710], %swap3A_713 {add = true, strides = array<i32>} : memref<16x768xf32, #tpu.memory_space<vmem>>, vector<1x16xf32>,
        %swap3A_714 = arith.constant 6 : i32
        %swap3A_715 = arith.index_cast %swap3A_714 : i32 to index
        %swap3A_716 = arith.index_cast %mul3A_535 : i32 to index
        %swap3A_717 = tpu.vector_load %arg17[%swap3A_715, %swap3A_716] {strides = array<i32>} : memref<16x768xf32, #tpu.memory_space<vmem>>, vector<1x16xf32>,
        %swap3A_718 = vector.shape_cast %swap3A_717 : vector<1x16xf32> to vector<16xf32>
        %swap3A_719 = vector.shape_cast %sub3A_701 : vector<16xf32> to vector<1x16xf32>
        tpu.vector_store %arg17[%swap3A_715, %swap3A_716], %swap3A_719 {add = true, strides = array<i32>} : memref<16x768xf32, #tpu.memory_space<vmem>>, vector<1x16xf32>,
        %swap3A_720 = arith.constant 6 : i32
        %swap3A_721 = arith.index_cast %swap3A_720 : i32 to index
        %swap3A_722 = arith.index_cast %mul3A_535 : i32 to index
        %swap3A_723 = tpu.vector_load %arg18[%swap3A_721, %swap3A_722] {strides = array<i32>} : memref<16x768xf32, #tpu.memory_space<vmem>>, vector<1x16xf32>,
        %swap3A_724 = vector.shape_cast %swap3A_723 : vector<1x16xf32> to vector<16xf32>
        %swap3A_725 = vector.shape_cast %sub3A_701 : vector<16xf32> to vector<1x16xf32>
        tpu.vector_store %arg18[%swap3A_721, %swap3A_722], %swap3A_725 {add = true, strides = array<i32>} : memref<16x768xf32, #tpu.memory_space<vmem>>, vector<1x16xf32>,
        %mul3A_726 = arith.mulf %get3A_539, %sub3A_701 : vector<16xf32>
        %sub3A_727 = arith.subf %mul3A_726, %sub3A_675 : vector<16xf32>
        %swap3A_728 = arith.constant 7 : i32
        %swap3A_729 = arith.index_cast %swap3A_728 : i32 to index
        %swap3A_730 = arith.index_cast %mul3A_535 : i32 to index
        %swap3A_731 = tpu.vector_load %arg15[%swap3A_729, %swap3A_730] {strides = array<i32>} : memref<16x768xf32, #tpu.memory_space<vmem>>, vector<1x16xf32>,
        %swap3A_732 = vector.shape_cast %swap3A_731 : vector<1x16xf32> to vector<16xf32>
        %swap3A_733 = vector.shape_cast %sub3A_727 : vector<16xf32> to vector<1x16xf32>
        tpu.vector_store %arg15[%swap3A_729, %swap3A_730], %swap3A_733 {add = true, strides = array<i32>} : memref<16x768xf32, #tpu.memory_space<vmem>>, vector<1x16xf32>,
        %swap3A_734 = arith.constant 7 : i32
        %swap3A_735 = arith.index_cast %swap3A_734 : i32 to index
        %swap3A_736 = arith.index_cast %mul3A_535 : i32 to index
        %swap3A_737 = tpu.vector_load %arg16[%swap3A_735, %swap3A_736] {strides = array<i32>} : memref<16x768xf32, #tpu.memory_space<vmem>>, vector<1x16xf32>,
        %swap3A_738 = vector.shape_cast %swap3A_737 : vector<1x16xf32> to vector<16xf32>
        %swap3A_739 = vector.shape_cast %sub3A_727 : vector<16xf32> to vector<1x16xf32>
        tpu.vector_store %arg16[%swap3A_735, %swap3A_736], %swap3A_739 {add = true, strides = array<i32>} : memref<16x768xf32, #tpu.memory_space<vmem>>, vector<1x16xf32>,
        %swap3A_740 = arith.constant 7 : i32
        %swap3A_741 = arith.index_cast %swap3A_740 : i32 to index
        %swap3A_742 = arith.index_cast %mul3A_535 : i32 to index
        %swap3A_743 = tpu.vector_load %arg17[%swap3A_741, %swap3A_742] {strides = array<i32>} : memref<16x768xf32, #tpu.memory_space<vmem>>, vector<1x16xf32>,
        %swap3A_744 = vector.shape_cast %swap3A_743 : vector<1x16xf32> to vector<16xf32>
        %swap3A_745 = vector.shape_cast %sub3A_727 : vector<16xf32> to vector<1x16xf32>
        tpu.vector_store %arg17[%swap3A_741, %swap3A_742], %swap3A_745 {add = true, strides = array<i32>} : memref<16x768xf32, #tpu.memory_space<vmem>>, vector<1x16xf32>,
        %swap3A_746 = arith.constant 7 : i32
        %swap3A_747 = arith.index_cast %swap3A_746 : i32 to index
        %swap3A_748 = arith.index_cast %mul3A_535 : i32 to index
        %swap3A_749 = tpu.vector_load %arg18[%swap3A_747, %swap3A_748] {strides = array<i32>} : memref<16x768xf32, #tpu.memory_space<vmem>>, vector<1x16xf32>,
        %swap3A_750 = vector.shape_cast %swap3A_749 : vector<1x16xf32> to vector<16xf32>
        %swap3A_751 = vector.shape_cast %sub3A_727 : vector<16xf32> to vector<1x16xf32>
        tpu.vector_store %arg18[%swap3A_747, %swap3A_748], %swap3A_751 {add = true, strides = array<i32>} : memref<16x768xf32, #tpu.memory_space<vmem>>, vector<1x16xf32>,
        %mul3A_752 = arith.mulf %get3A_539, %sub3A_727 : vector<16xf32>
        %sub3A_753 = arith.subf %mul3A_752, %sub3A_701 : vector<16xf32>
        %swap3A_754 = arith.constant 8 : i32
        %swap3A_755 = arith.index_cast %swap3A_754 : i32 to index
        %swap3A_756 = arith.index_cast %mul3A_535 : i32 to index
        %swap3A_757 = tpu.vector_load %arg15[%swap3A_755, %swap3A_756] {strides = array<i32>} : memref<16x768xf32, #tpu.memory_space<vmem>>, vector<1x16xf32>,
        %swap3A_758 = vector.shape_cast %swap3A_757 : vector<1x16xf32> to vector<16xf32>
        %swap3A_759 = vector.shape_cast %sub3A_753 : vector<16xf32> to vector<1x16xf32>
        tpu.vector_store %arg15[%swap3A_755, %swap3A_756], %swap3A_759 {add = true, strides = array<i32>} : memref<16x768xf32, #tpu.memory_space<vmem>>, vector<1x16xf32>,
        %swap3A_760 = arith.constant 8 : i32
        %swap3A_761 = arith.index_cast %swap3A_760 : i32 to index
        %swap3A_762 = arith.index_cast %mul3A_535 : i32 to index
        %swap3A_763 = tpu.vector_load %arg16[%swap3A_761, %swap3A_762] {strides = array<i32>} : memref<16x768xf32, #tpu.memory_space<vmem>>, vector<1x16xf32>,
        %swap3A_764 = vector.shape_cast %swap3A_763 : vector<1x16xf32> to vector<16xf32>
        %swap3A_765 = vector.shape_cast %sub3A_753 : vector<16xf32> to vector<1x16xf32>
        tpu.vector_store %arg16[%swap3A_761, %swap3A_762], %swap3A_765 {add = true, strides = array<i32>} : memref<16x768xf32, #tpu.memory_space<vmem>>, vector<1x16xf32>,
        %swap3A_766 = arith.constant 8 : i32
        %swap3A_767 = arith.index_cast %swap3A_766 : i32 to index
        %swap3A_768 = arith.index_cast %mul3A_535 : i32 to index
        %swap3A_769 = tpu.vector_load %arg17[%swap3A_767, %swap3A_768] {strides = array<i32>} : memref<16x768xf32, #tpu.memory_space<vmem>>, vector<1x16xf32>,
        %swap3A_770 = vector.shape_cast %swap3A_769 : vector<1x16xf32> to vector<16xf32>
        %swap3A_771 = vector.shape_cast %sub3A_753 : vector<16xf32> to vector<1x16xf32>
        tpu.vector_store %arg17[%swap3A_767, %swap3A_768], %swap3A_771 {add = true, strides = array<i32>} : memref<16x768xf32, #tpu.memory_space<vmem>>, vector<1x16xf32>,
        %swap3A_772 = arith.constant 8 : i32
        %swap3A_773 = arith.index_cast %swap3A_772 : i32 to index
        %swap3A_774 = arith.index_cast %mul3A_535 : i32 to index
        %swap3A_775 = tpu.vector_load %arg18[%swap3A_773, %swap3A_774] {strides = array<i32>} : memref<16x768xf32, #tpu.memory_space<vmem>>, vector<1x16xf32>,
        %swap3A_776 = vector.shape_cast %swap3A_775 : vector<1x16xf32> to vector<16xf32>
        %swap3A_777 = vector.shape_cast %sub3A_753 : vector<16xf32> to vector<1x16xf32>
        tpu.vector_store %arg18[%swap3A_773, %swap3A_774], %swap3A_777 {add = true, strides = array<i32>} : memref<16x768xf32, #tpu.memory_space<vmem>>, vector<1x16xf32>,
        %mul3A_778 = arith.mulf %get3A_539, %sub3A_753 : vector<16xf32>
        %sub3A_779 = arith.subf %mul3A_778, %sub3A_727 : vector<16xf32>
        %swap3A_780 = arith.constant 9 : i32
        %swap3A_781 = arith.index_cast %swap3A_780 : i32 to index
        %swap3A_782 = arith.index_cast %mul3A_535 : i32 to index
        %swap3A_783 = tpu.vector_load %arg15[%swap3A_781, %swap3A_782] {strides = array<i32>} : memref<16x768xf32, #tpu.memory_space<vmem>>, vector<1x16xf32>,
        %swap3A_784 = vector.shape_cast %swap3A_783 : vector<1x16xf32> to vector<16xf32>
        %swap3A_785 = vector.shape_cast %sub3A_779 : vector<16xf32> to vector<1x16xf32>
        tpu.vector_store %arg15[%swap3A_781, %swap3A_782], %swap3A_785 {add = true, strides = array<i32>} : memref<16x768xf32, #tpu.memory_space<vmem>>, vector<1x16xf32>,
        %swap3A_786 = arith.constant 9 : i32
        %swap3A_787 = arith.index_cast %swap3A_786 : i32 to index
        %swap3A_788 = arith.index_cast %mul3A_535 : i32 to index
        %swap3A_789 = tpu.vector_load %arg16[%swap3A_787, %swap3A_788] {strides = array<i32>} : memref<16x768xf32, #tpu.memory_space<vmem>>, vector<1x16xf32>,
        %swap3A_790 = vector.shape_cast %swap3A_789 : vector<1x16xf32> to vector<16xf32>
        %swap3A_791 = vector.shape_cast %sub3A_779 : vector<16xf32> to vector<1x16xf32>
        tpu.vector_store %arg16[%swap3A_787, %swap3A_788], %swap3A_791 {add = true, strides = array<i32>} : memref<16x768xf32, #tpu.memory_space<vmem>>, vector<1x16xf32>,
        %swap3A_792 = arith.constant 9 : i32
        %swap3A_793 = arith.index_cast %swap3A_792 : i32 to index
        %swap3A_794 = arith.index_cast %mul3A_535 : i32 to index
        %swap3A_795 = tpu.vector_load %arg17[%swap3A_793, %swap3A_794] {strides = array<i32>} : memref<16x768xf32, #tpu.memory_space<vmem>>, vector<1x16xf32>,
        %swap3A_796 = vector.shape_cast %swap3A_795 : vector<1x16xf32> to vector<16xf32>
        %swap3A_797 = vector.shape_cast %sub3A_779 : vector<16xf32> to vector<1x16xf32>
        tpu.vector_store %arg17[%swap3A_793, %swap3A_794], %swap3A_797 {add = true, strides = array<i32>} : memref<16x768xf32, #tpu.memory_space<vmem>>, vector<1x16xf32>,
        %swap3A_798 = arith.constant 9 : i32
        %swap3A_799 = arith.index_cast %swap3A_798 : i32 to index
        %swap3A_800 = arith.index_cast %mul3A_535 : i32 to index
        %swap3A_801 = tpu.vector_load %arg18[%swap3A_799, %swap3A_800] {strides = array<i32>} : memref<16x768xf32, #tpu.memory_space<vmem>>, vector<1x16xf32>,
        %swap3A_802 = vector.shape_cast %swap3A_801 : vector<1x16xf32> to vector<16xf32>
        %swap3A_803 = vector.shape_cast %sub3A_779 : vector<16xf32> to vector<1x16xf32>
        tpu.vector_store %arg18[%swap3A_799, %swap3A_800], %swap3A_803 {add = true, strides = array<i32>} : memref<16x768xf32, #tpu.memory_space<vmem>>, vector<1x16xf32>,
        %mul3A_804 = arith.mulf %get3A_539, %sub3A_779 : vector<16xf32>
        %sub3A_805 = arith.subf %mul3A_804, %sub3A_753 : vector<16xf32>
        %swap3A_806 = arith.constant 10 : i32
        %swap3A_807 = arith.index_cast %swap3A_806 : i32 to index
        %swap3A_808 = arith.index_cast %mul3A_535 : i32 to index
        %swap3A_809 = tpu.vector_load %arg15[%swap3A_807, %swap3A_808] {strides = array<i32>} : memref<16x768xf32, #tpu.memory_space<vmem>>, vector<1x16xf32>,
        %swap3A_810 = vector.shape_cast %swap3A_809 : vector<1x16xf32> to vector<16xf32>
        %swap3A_811 = vector.shape_cast %sub3A_805 : vector<16xf32> to vector<1x16xf32>
        tpu.vector_store %arg15[%swap3A_807, %swap3A_808], %swap3A_811 {add = true, strides = array<i32>} : memref<16x768xf32, #tpu.memory_space<vmem>>, vector<1x16xf32>,
        %swap3A_812 = arith.constant 10 : i32
        %swap3A_813 = arith.index_cast %swap3A_812 : i32 to index
        %swap3A_814 = arith.index_cast %mul3A_535 : i32 to index
        %swap3A_815 = tpu.vector_load %arg16[%swap3A_813, %swap3A_814] {strides = array<i32>} : memref<16x768xf32, #tpu.memory_space<vmem>>, vector<1x16xf32>,
        %swap3A_816 = vector.shape_cast %swap3A_815 : vector<1x16xf32> to vector<16xf32>
        %swap3A_817 = vector.shape_cast %sub3A_805 : vector<16xf32> to vector<1x16xf32>
        tpu.vector_store %arg16[%swap3A_813, %swap3A_814], %swap3A_817 {add = true, strides = array<i32>} : memref<16x768xf32, #tpu.memory_space<vmem>>, vector<1x16xf32>,
        %swap3A_818 = arith.constant 10 : i32
        %swap3A_819 = arith.index_cast %swap3A_818 : i32 to index
        %swap3A_820 = arith.index_cast %mul3A_535 : i32 to index
        %swap3A_821 = tpu.vector_load %arg17[%swap3A_819, %swap3A_820] {strides = array<i32>} : memref<16x768xf32, #tpu.memory_space<vmem>>, vector<1x16xf32>,
        %swap3A_822 = vector.shape_cast %swap3A_821 : vector<1x16xf32> to vector<16xf32>
        %swap3A_823 = vector.shape_cast %sub3A_805 : vector<16xf32> to vector<1x16xf32>
        tpu.vector_store %arg17[%swap3A_819, %swap3A_820], %swap3A_823 {add = true, strides = array<i32>} : memref<16x768xf32, #tpu.memory_space<vmem>>, vector<1x16xf32>,
        %swap3A_824 = arith.constant 10 : i32
        %swap3A_825 = arith.index_cast %swap3A_824 : i32 to index
        %swap3A_826 = arith.index_cast %mul3A_535 : i32 to index
        %swap3A_827 = tpu.vector_load %arg18[%swap3A_825, %swap3A_826] {strides = array<i32>} : memref<16x768xf32, #tpu.memory_space<vmem>>, vector<1x16xf32>,
        %swap3A_828 = vector.shape_cast %swap3A_827 : vector<1x16xf32> to vector<16xf32>
        %swap3A_829 = vector.shape_cast %sub3A_805 : vector<16xf32> to vector<1x16xf32>
        tpu.vector_store %arg18[%swap3A_825, %swap3A_826], %swap3A_829 {add = true, strides = array<i32>} : memref<16x768xf32, #tpu.memory_space<vmem>>, vector<1x16xf32>,
        %mul3A_830 = arith.mulf %get3A_539, %sub3A_805 : vector<16xf32>
        %sub3A_831 = arith.subf %mul3A_830, %sub3A_779 : vector<16xf32>
        %swap3A_832 = arith.constant 11 : i32
        %swap3A_833 = arith.index_cast %swap3A_832 : i32 to index
        %swap3A_834 = arith.index_cast %mul3A_535 : i32 to index
        %swap3A_835 = tpu.vector_load %arg15[%swap3A_833, %swap3A_834] {strides = array<i32>} : memref<16x768xf32, #tpu.memory_space<vmem>>, vector<1x16xf32>,
        %swap3A_836 = vector.shape_cast %swap3A_835 : vector<1x16xf32> to vector<16xf32>
        %swap3A_837 = vector.shape_cast %sub3A_831 : vector<16xf32> to vector<1x16xf32>
        tpu.vector_store %arg15[%swap3A_833, %swap3A_834], %swap3A_837 {add = true, strides = array<i32>} : memref<16x768xf32, #tpu.memory_space<vmem>>, vector<1x16xf32>,
        %swap3A_838 = arith.constant 11 : i32
        %swap3A_839 = arith.index_cast %swap3A_838 : i32 to index
        %swap3A_840 = arith.index_cast %mul3A_535 : i32 to index
        %swap3A_841 = tpu.vector_load %arg16[%swap3A_839, %swap3A_840] {strides = array<i32>} : memref<16x768xf32, #tpu.memory_space<vmem>>, vector<1x16xf32>,
        %swap3A_842 = vector.shape_cast %swap3A_841 : vector<1x16xf32> to vector<16xf32>
        %swap3A_843 = vector.shape_cast %sub3A_831 : vector<16xf32> to vector<1x16xf32>
        tpu.vector_store %arg16[%swap3A_839, %swap3A_840], %swap3A_843 {add = true, strides = array<i32>} : memref<16x768xf32, #tpu.memory_space<vmem>>, vector<1x16xf32>,
        %swap3A_844 = arith.constant 11 : i32
        %swap3A_845 = arith.index_cast %swap3A_844 : i32 to index
        %swap3A_846 = arith.index_cast %mul3A_535 : i32 to index
        %swap3A_847 = tpu.vector_load %arg17[%swap3A_845, %swap3A_846] {strides = array<i32>} : memref<16x768xf32, #tpu.memory_space<vmem>>, vector<1x16xf32>,
        %swap3A_848 = vector.shape_cast %swap3A_847 : vector<1x16xf32> to vector<16xf32>
        %swap3A_849 = vector.shape_cast %sub3A_831 : vector<16xf32> to vector<1x16xf32>
        tpu.vector_store %arg17[%swap3A_845, %swap3A_846], %swap3A_849 {add = true, strides = array<i32>} : memref<16x768xf32, #tpu.memory_space<vmem>>, vector<1x16xf32>,
        %swap3A_850 = arith.constant 11 : i32
        %swap3A_851 = arith.index_cast %swap3A_850 : i32 to index
        %swap3A_852 = arith.index_cast %mul3A_535 : i32 to index
        %swap3A_853 = tpu.vector_load %arg18[%swap3A_851, %swap3A_852] {strides = array<i32>} : memref<16x768xf32, #tpu.memory_space<vmem>>, vector<1x16xf32>,
        %swap3A_854 = vector.shape_cast %swap3A_853 : vector<1x16xf32> to vector<16xf32>
        %swap3A_855 = vector.shape_cast %sub3A_831 : vector<16xf32> to vector<1x16xf32>
        tpu.vector_store %arg18[%swap3A_851, %swap3A_852], %swap3A_855 {add = true, strides = array<i32>} : memref<16x768xf32, #tpu.memory_space<vmem>>, vector<1x16xf32>,
        %mul3A_856 = arith.mulf %get3A_539, %sub3A_831 : vector<16xf32>
        %sub3A_857 = arith.subf %mul3A_856, %sub3A_805 : vector<16xf32>
        %swap3A_858 = arith.constant 12 : i32
        %swap3A_859 = arith.index_cast %swap3A_858 : i32 to index
        %swap3A_860 = arith.index_cast %mul3A_535 : i32 to index
        %swap3A_861 = tpu.vector_load %arg15[%swap3A_859, %swap3A_860] {strides = array<i32>} : memref<16x768xf32, #tpu.memory_space<vmem>>, vector<1x16xf32>,
        %swap3A_862 = vector.shape_cast %swap3A_861 : vector<1x16xf32> to vector<16xf32>
        %swap3A_863 = vector.shape_cast %sub3A_857 : vector<16xf32> to vector<1x16xf32>
        tpu.vector_store %arg15[%swap3A_859, %swap3A_860], %swap3A_863 {add = true, strides = array<i32>} : memref<16x768xf32, #tpu.memory_space<vmem>>, vector<1x16xf32>,
        %swap3A_864 = arith.constant 12 : i32
        %swap3A_865 = arith.index_cast %swap3A_864 : i32 to index
        %swap3A_866 = arith.index_cast %mul3A_535 : i32 to index
        %swap3A_867 = tpu.vector_load %arg16[%swap3A_865, %swap3A_866] {strides = array<i32>} : memref<16x768xf32, #tpu.memory_space<vmem>>, vector<1x16xf32>,
        %swap3A_868 = vector.shape_cast %swap3A_867 : vector<1x16xf32> to vector<16xf32>
        %swap3A_869 = vector.shape_cast %sub3A_857 : vector<16xf32> to vector<1x16xf32>
        tpu.vector_store %arg16[%swap3A_865, %swap3A_866], %swap3A_869 {add = true, strides = array<i32>} : memref<16x768xf32, #tpu.memory_space<vmem>>, vector<1x16xf32>,
        %swap3A_870 = arith.constant 12 : i32
        %swap3A_871 = arith.index_cast %swap3A_870 : i32 to index
        %swap3A_872 = arith.index_cast %mul3A_535 : i32 to index
        %swap3A_873 = tpu.vector_load %arg17[%swap3A_871, %swap3A_872] {strides = array<i32>} : memref<16x768xf32, #tpu.memory_space<vmem>>, vector<1x16xf32>,
        %swap3A_874 = vector.shape_cast %swap3A_873 : vector<1x16xf32> to vector<16xf32>
        %swap3A_875 = vector.shape_cast %sub3A_857 : vector<16xf32> to vector<1x16xf32>
        tpu.vector_store %arg17[%swap3A_871, %swap3A_872], %swap3A_875 {add = true, strides = array<i32>} : memref<16x768xf32, #tpu.memory_space<vmem>>, vector<1x16xf32>,
        %swap3A_876 = arith.constant 12 : i32
        %swap3A_877 = arith.index_cast %swap3A_876 : i32 to index
        %swap3A_878 = arith.index_cast %mul3A_535 : i32 to index
        %swap3A_879 = tpu.vector_load %arg18[%swap3A_877, %swap3A_878] {strides = array<i32>} : memref<16x768xf32, #tpu.memory_space<vmem>>, vector<1x16xf32>,
        %swap3A_880 = vector.shape_cast %swap3A_879 : vector<1x16xf32> to vector<16xf32>
        %swap3A_881 = vector.shape_cast %sub3A_857 : vector<16xf32> to vector<1x16xf32>
        tpu.vector_store %arg18[%swap3A_877, %swap3A_878], %swap3A_881 {add = true, strides = array<i32>} : memref<16x768xf32, #tpu.memory_space<vmem>>, vector<1x16xf32>,
        %mul3A_882 = arith.mulf %get3A_539, %sub3A_857 : vector<16xf32>
        %sub3A_883 = arith.subf %mul3A_882, %sub3A_831 : vector<16xf32>
        %swap3A_884 = arith.constant 13 : i32
        %swap3A_885 = arith.index_cast %swap3A_884 : i32 to index
        %swap3A_886 = arith.index_cast %mul3A_535 : i32 to index
        %swap3A_887 = tpu.vector_load %arg15[%swap3A_885, %swap3A_886] {strides = array<i32>} : memref<16x768xf32, #tpu.memory_space<vmem>>, vector<1x16xf32>,
        %swap3A_888 = vector.shape_cast %swap3A_887 : vector<1x16xf32> to vector<16xf32>
        %swap3A_889 = vector.shape_cast %sub3A_883 : vector<16xf32> to vector<1x16xf32>
        tpu.vector_store %arg15[%swap3A_885, %swap3A_886], %swap3A_889 {add = true, strides = array<i32>} : memref<16x768xf32, #tpu.memory_space<vmem>>, vector<1x16xf32>,
        %swap3A_890 = arith.constant 13 : i32
        %swap3A_891 = arith.index_cast %swap3A_890 : i32 to index
        %swap3A_892 = arith.index_cast %mul3A_535 : i32 to index
        %swap3A_893 = tpu.vector_load %arg16[%swap3A_891, %swap3A_892] {strides = array<i32>} : memref<16x768xf32, #tpu.memory_space<vmem>>, vector<1x16xf32>,
        %swap3A_894 = vector.shape_cast %swap3A_893 : vector<1x16xf32> to vector<16xf32>
        %swap3A_895 = vector.shape_cast %sub3A_883 : vector<16xf32> to vector<1x16xf32>
        tpu.vector_store %arg16[%swap3A_891, %swap3A_892], %swap3A_895 {add = true, strides = array<i32>} : memref<16x768xf32, #tpu.memory_space<vmem>>, vector<1x16xf32>,
        %swap3A_896 = arith.constant 13 : i32
        %swap3A_897 = arith.index_cast %swap3A_896 : i32 to index
        %swap3A_898 = arith.index_cast %mul3A_535 : i32 to index
        %swap3A_899 = tpu.vector_load %arg17[%swap3A_897, %swap3A_898] {strides = array<i32>} : memref<16x768xf32, #tpu.memory_space<vmem>>, vector<1x16xf32>,
        %swap3A_900 = vector.shape_cast %swap3A_899 : vector<1x16xf32> to vector<16xf32>
        %swap3A_901 = vector.shape_cast %sub3A_883 : vector<16xf32> to vector<1x16xf32>
        tpu.vector_store %arg17[%swap3A_897, %swap3A_898], %swap3A_901 {add = true, strides = array<i32>} : memref<16x768xf32, #tpu.memory_space<vmem>>, vector<1x16xf32>,
        %swap3A_902 = arith.constant 13 : i32
        %swap3A_903 = arith.index_cast %swap3A_902 : i32 to index
        %swap3A_904 = arith.index_cast %mul3A_535 : i32 to index
        %swap3A_905 = tpu.vector_load %arg18[%swap3A_903, %swap3A_904] {strides = array<i32>} : memref<16x768xf32, #tpu.memory_space<vmem>>, vector<1x16xf32>,
        %swap3A_906 = vector.shape_cast %swap3A_905 : vector<1x16xf32> to vector<16xf32>
        %swap3A_907 = vector.shape_cast %sub3A_883 : vector<16xf32> to vector<1x16xf32>
        tpu.vector_store %arg18[%swap3A_903, %swap3A_904], %swap3A_907 {add = true, strides = array<i32>} : memref<16x768xf32, #tpu.memory_space<vmem>>, vector<1x16xf32>,
        %mul3A_908 = arith.mulf %get3A_539, %sub3A_883 : vector<16xf32>
        %sub3A_909 = arith.subf %mul3A_908, %sub3A_857 : vector<16xf32>
        %swap3A_910 = arith.constant 14 : i32
        %swap3A_911 = arith.index_cast %swap3A_910 : i32 to index
        %swap3A_912 = arith.index_cast %mul3A_535 : i32 to index
        %swap3A_913 = tpu.vector_load %arg15[%swap3A_911, %swap3A_912] {strides = array<i32>} : memref<16x768xf32, #tpu.memory_space<vmem>>, vector<1x16xf32>,
        %swap3A_914 = vector.shape_cast %swap3A_913 : vector<1x16xf32> to vector<16xf32>
        %swap3A_915 = vector.shape_cast %sub3A_909 : vector<16xf32> to vector<1x16xf32>
        tpu.vector_store %arg15[%swap3A_911, %swap3A_912], %swap3A_915 {add = true, strides = array<i32>} : memref<16x768xf32, #tpu.memory_space<vmem>>, vector<1x16xf32>,
        %swap3A_916 = arith.constant 14 : i32
        %swap3A_917 = arith.index_cast %swap3A_916 : i32 to index
        %swap3A_918 = arith.index_cast %mul3A_535 : i32 to index
        %swap3A_919 = tpu.vector_load %arg16[%swap3A_917, %swap3A_918] {strides = array<i32>} : memref<16x768xf32, #tpu.memory_space<vmem>>, vector<1x16xf32>,
        %swap3A_920 = vector.shape_cast %swap3A_919 : vector<1x16xf32> to vector<16xf32>
        %swap3A_921 = vector.shape_cast %sub3A_909 : vector<16xf32> to vector<1x16xf32>
        tpu.vector_store %arg16[%swap3A_917, %swap3A_918], %swap3A_921 {add = true, strides = array<i32>} : memref<16x768xf32, #tpu.memory_space<vmem>>, vector<1x16xf32>,
        %swap3A_922 = arith.constant 14 : i32
        %swap3A_923 = arith.index_cast %swap3A_922 : i32 to index
        %swap3A_924 = arith.index_cast %mul3A_535 : i32 to index
        %swap3A_925 = tpu.vector_load %arg17[%swap3A_923, %swap3A_924] {strides = array<i32>} : memref<16x768xf32, #tpu.memory_space<vmem>>, vector<1x16xf32>,
        %swap3A_926 = vector.shape_cast %swap3A_925 : vector<1x16xf32> to vector<16xf32>
        %swap3A_927 = vector.shape_cast %sub3A_909 : vector<16xf32> to vector<1x16xf32>
        tpu.vector_store %arg17[%swap3A_923, %swap3A_924], %swap3A_927 {add = true, strides = array<i32>} : memref<16x768xf32, #tpu.memory_space<vmem>>, vector<1x16xf32>,
        %swap3A_928 = arith.constant 14 : i32
        %swap3A_929 = arith.index_cast %swap3A_928 : i32 to index
        %swap3A_930 = arith.index_cast %mul3A_535 : i32 to index
        %swap3A_931 = tpu.vector_load %arg18[%swap3A_929, %swap3A_930] {strides = array<i32>} : memref<16x768xf32, #tpu.memory_space<vmem>>, vector<1x16xf32>,
        %swap3A_932 = vector.shape_cast %swap3A_931 : vector<1x16xf32> to vector<16xf32>
        %swap3A_933 = vector.shape_cast %sub3A_909 : vector<16xf32> to vector<1x16xf32>
        tpu.vector_store %arg18[%swap3A_929, %swap3A_930], %swap3A_933 {add = true, strides = array<i32>} : memref<16x768xf32, #tpu.memory_space<vmem>>, vector<1x16xf32>,
        %mul3A_934 = arith.mulf %get3A_539, %sub3A_909 : vector<16xf32>
        %sub3A_935 = arith.subf %mul3A_934, %sub3A_883 : vector<16xf32>
        %swap3A_936 = arith.constant 15 : i32
        %swap3A_937 = arith.index_cast %swap3A_936 : i32 to index
        %swap3A_938 = arith.index_cast %mul3A_535 : i32 to index
        %swap3A_939 = tpu.vector_load %arg15[%swap3A_937, %swap3A_938] {strides = array<i32>} : memref<16x768xf32, #tpu.memory_space<vmem>>, vector<1x16xf32>,
        %swap3A_940 = vector.shape_cast %swap3A_939 : vector<1x16xf32> to vector<16xf32>
        %swap3A_941 = vector.shape_cast %sub3A_935 : vector<16xf32> to vector<1x16xf32>
        tpu.vector_store %arg15[%swap3A_937, %swap3A_938], %swap3A_941 {add = true, strides = array<i32>} : memref<16x768xf32, #tpu.memory_space<vmem>>, vector<1x16xf32>,
        %swap3A_942 = arith.constant 15 : i32
        %swap3A_943 = arith.index_cast %swap3A_942 : i32 to index
        %swap3A_944 = arith.index_cast %mul3A_535 : i32 to index
        %swap3A_945 = tpu.vector_load %arg16[%swap3A_943, %swap3A_944] {strides = array<i32>} : memref<16x768xf32, #tpu.memory_space<vmem>>, vector<1x16xf32>,
        %swap3A_946 = vector.shape_cast %swap3A_945 : vector<1x16xf32> to vector<16xf32>
        %swap3A_947 = vector.shape_cast %sub3A_935 : vector<16xf32> to vector<1x16xf32>
        tpu.vector_store %arg16[%swap3A_943, %swap3A_944], %swap3A_947 {add = true, strides = array<i32>} : memref<16x768xf32, #tpu.memory_space<vmem>>, vector<1x16xf32>,
        %swap3A_948 = arith.constant 15 : i32
        %swap3A_949 = arith.index_cast %swap3A_948 : i32 to index
        %swap3A_950 = arith.index_cast %mul3A_535 : i32 to index
        %swap3A_951 = tpu.vector_load %arg17[%swap3A_949, %swap3A_950] {strides = array<i32>} : memref<16x768xf32, #tpu.memory_space<vmem>>, vector<1x16xf32>,
        %swap3A_952 = vector.shape_cast %swap3A_951 : vector<1x16xf32> to vector<16xf32>
        %swap3A_953 = vector.shape_cast %sub3A_935 : vector<16xf32> to vector<1x16xf32>
        tpu.vector_store %arg17[%swap3A_949, %swap3A_950], %swap3A_953 {add = true, strides = array<i32>} : memref<16x768xf32, #tpu.memory_space<vmem>>, vector<1x16xf32>,
        %swap3A_954 = arith.constant 15 : i32
        %swap3A_955 = arith.index_cast %swap3A_954 : i32 to index
        %swap3A_956 = arith.index_cast %mul3A_535 : i32 to index
        %swap3A_957 = tpu.vector_load %arg18[%swap3A_955, %swap3A_956] {strides = array<i32>} : memref<16x768xf32, #tpu.memory_space<vmem>>, vector<1x16xf32>,
        %swap3A_958 = vector.shape_cast %swap3A_957 : vector<1x16xf32> to vector<16xf32>
        %swap3A_959 = vector.shape_cast %sub3A_935 : vector<16xf32> to vector<1x16xf32>
        tpu.vector_store %arg18[%swap3A_955, %swap3A_956], %swap3A_959 {add = true, strides = array<i32>} : memref<16x768xf32, #tpu.memory_space<vmem>>, vector<1x16xf32>,
      }
      %scan3A_492 = arith.constant 48 : i32
      %add3A_493 = arith.constant 0 : i32
      %add3A_494 = arith.addi %add3A_493, %mul3A_2 : i32
      %mul3A_495 = arith.constant 16 : i32
      %mul3A_496 = arith.muli %add3A_448, %mul3A_495 : i32
      %add3A_497 = arith.addi %add3A_494, %mul3A_496 : i32
      %dma_start3A_498 = arith.constant 0 : i32
      %dma_start3A_499 = tpu.memref_slice %arg6[%add3A_497, %dma_start3A_498] : memref<32768x768xf32, #tpu.memory_space<hbm>> -> memref<16x768xf32, #tpu.memory_space<hbm>>
      %dma_start3A_500 = arith.constant 0 : i32
      %dma_start3A_501 = tpu.memref_slice %arg6[%add3A_497, %dma_start3A_500] : memref<32768x768xf32, #tpu.memory_space<hbm>> -> memref<16x768xf32, #tpu.memory_space<hbm>>
      tpu.enqueue_dma source(%arg15 : memref<16x768xf32, #tpu.memory_space<vmem>>) target(%dma_start3A_501 : memref<16x768xf32, #tpu.memory_space<hbm>>) target_semaphore(%arg31 : memref<!tpu.dma_semaphore, #tpu.memory_space<semaphore_mem>>)
      %add3A_502 = arith.constant 8192 : i32
      %add3A_503 = arith.addi %add3A_502, %mul3A_2 : i32
      %mul3A_504 = arith.constant 16 : i32
      %mul3A_505 = arith.muli %add3A_448, %mul3A_504 : i32
      %add3A_506 = arith.addi %add3A_503, %mul3A_505 : i32
      %dma_start3A_507 = arith.constant 0 : i32
      %dma_start3A_508 = tpu.memref_slice %arg6[%add3A_506, %dma_start3A_507] : memref<32768x768xf32, #tpu.memory_space<hbm>> -> memref<16x768xf32, #tpu.memory_space<hbm>>
      %dma_start3A_509 = arith.constant 0 : i32
      %dma_start3A_510 = tpu.memref_slice %arg6[%add3A_506, %dma_start3A_509] : memref<32768x768xf32, #tpu.memory_space<hbm>> -> memref<16x768xf32, #tpu.memory_space<hbm>>
      tpu.enqueue_dma source(%arg16 : memref<16x768xf32, #tpu.memory_space<vmem>>) target(%dma_start3A_510 : memref<16x768xf32, #tpu.memory_space<hbm>>) target_semaphore(%arg32 : memref<!tpu.dma_semaphore, #tpu.memory_space<semaphore_mem>>)
      %add3A_511 = arith.constant 16384 : i32
      %add3A_512 = arith.addi %add3A_511, %mul3A_2 : i32
      %mul3A_513 = arith.constant 16 : i32
      %mul3A_514 = arith.muli %add3A_448, %mul3A_513 : i32
      %add3A_515 = arith.addi %add3A_512, %mul3A_514 : i32
      %dma_start3A_516 = arith.constant 0 : i32
      %dma_start3A_517 = tpu.memref_slice %arg6[%add3A_515, %dma_start3A_516] : memref<32768x768xf32, #tpu.memory_space<hbm>> -> memref<16x768xf32, #tpu.memory_space<hbm>>
      %dma_start3A_518 = arith.constant 0 : i32
      %dma_start3A_519 = tpu.memref_slice %arg6[%add3A_515, %dma_start3A_518] : memref<32768x768xf32, #tpu.memory_space<hbm>> -> memref<16x768xf32, #tpu.memory_space<hbm>>
      tpu.enqueue_dma source(%arg17 : memref<16x768xf32, #tpu.memory_space<vmem>>) target(%dma_start3A_519 : memref<16x768xf32, #tpu.memory_space<hbm>>) target_semaphore(%arg33 : memref<!tpu.dma_semaphore, #tpu.memory_space<semaphore_mem>>)
      %add3A_520 = arith.constant 24576 : i32
      %add3A_521 = arith.addi %add3A_520, %mul3A_2 : i32
      %mul3A_522 = arith.constant 16 : i32
      %mul3A_523 = arith.muli %add3A_448, %mul3A_522 : i32
      %add3A_524 = arith.addi %add3A_521, %mul3A_523 : i32
      %dma_start3A_525 = arith.constant 0 : i32
      %dma_start3A_526 = tpu.memref_slice %arg6[%add3A_524, %dma_start3A_525] : memref<32768x768xf32, #tpu.memory_space<hbm>> -> memref<16x768xf32, #tpu.memory_space<hbm>>
      %dma_start3A_527 = arith.constant 0 : i32
      %dma_start3A_528 = tpu.memref_slice %arg6[%add3A_524, %dma_start3A_527] : memref<32768x768xf32, #tpu.memory_space<hbm>> -> memref<16x768xf32, #tpu.memory_space<hbm>>
      tpu.enqueue_dma source(%arg18 : memref<16x768xf32, #tpu.memory_space<vmem>>) target(%dma_start3A_528 : memref<16x768xf32, #tpu.memory_space<hbm>>) target_semaphore(%arg34 : memref<!tpu.dma_semaphore, #tpu.memory_space<semaphore_mem>>)
    }
    %scan3A_142 = arith.constant 4 : i32
    %dma_wait3A_143 = arith.constant 0 : i32
    %dma_wait3A_144 = arith.constant 0 : i32
    %dma_wait3A_145 = tpu.memref_slice %arg6[%dma_wait3A_143, %dma_wait3A_144] : memref<32768x768xf32, #tpu.memory_space<hbm>> -> memref<16x768xf32, #tpu.memory_space<hbm>>
    %dma_wait3A_146 = arith.constant 0 : i32
    %dma_wait3A_147 = arith.constant 0 : i32
    %dma_wait3A_148 = tpu.memref_slice %arg6[%dma_wait3A_146, %dma_wait3A_147] : memref<32768x768xf32, #tpu.memory_space<hbm>> -> memref<16x768xf32, #tpu.memory_space<hbm>>
    tpu.wait_dma2 semaphore(%arg27 : memref<!tpu.dma_semaphore, #tpu.memory_space<semaphore_mem>>) src(%arg11 : memref<16x768xf32, #tpu.memory_space<vmem>>) dst(%dma_wait3A_148 : memref<16x768xf32, #tpu.memory_space<hbm>>)
    %dma_wait3A_149 = arith.constant 0 : i32
    %dma_wait3A_150 = arith.constant 0 : i32
    %dma_wait3A_151 = tpu.memref_slice %arg6[%dma_wait3A_149, %dma_wait3A_150] : memref<32768x768xf32, #tpu.memory_space<hbm>> -> memref<16x768xf32, #tpu.memory_space<hbm>>
    %dma_wait3A_152 = arith.constant 0 : i32
    %dma_wait3A_153 = arith.constant 0 : i32
    %dma_wait3A_154 = tpu.memref_slice %arg6[%dma_wait3A_152, %dma_wait3A_153] : memref<32768x768xf32, #tpu.memory_space<hbm>> -> memref<16x768xf32, #tpu.memory_space<hbm>>
    tpu.wait_dma2 semaphore(%arg28 : memref<!tpu.dma_semaphore, #tpu.memory_space<semaphore_mem>>) src(%arg12 : memref<16x768xf32, #tpu.memory_space<vmem>>) dst(%dma_wait3A_154 : memref<16x768xf32, #tpu.memory_space<hbm>>)
    %dma_wait3A_155 = arith.constant 0 : i32
    %dma_wait3A_156 = arith.constant 0 : i32
    %dma_wait3A_157 = tpu.memref_slice %arg6[%dma_wait3A_155, %dma_wait3A_156] : memref<32768x768xf32, #tpu.memory_space<hbm>> -> memref<16x768xf32, #tpu.memory_space<hbm>>
    %dma_wait3A_158 = arith.constant 0 : i32
    %dma_wait3A_159 = arith.constant 0 : i32
    %dma_wait3A_160 = tpu.memref_slice %arg6[%dma_wait3A_158, %dma_wait3A_159] : memref<32768x768xf32, #tpu.memory_space<hbm>> -> memref<16x768xf32, #tpu.memory_space<hbm>>
    tpu.wait_dma2 semaphore(%arg29 : memref<!tpu.dma_semaphore, #tpu.memory_space<semaphore_mem>>) src(%arg13 : memref<16x768xf32, #tpu.memory_space<vmem>>) dst(%dma_wait3A_160 : memref<16x768xf32, #tpu.memory_space<hbm>>)
    %dma_wait3A_161 = arith.constant 0 : i32
    %dma_wait3A_162 = arith.constant 0 : i32
    %dma_wait3A_163 = tpu.memref_slice %arg6[%dma_wait3A_161, %dma_wait3A_162] : memref<32768x768xf32, #tpu.memory_space<hbm>> -> memref<16x768xf32, #tpu.memory_space<hbm>>
    %dma_wait3A_164 = arith.constant 0 : i32
    %dma_wait3A_165 = arith.constant 0 : i32
    %dma_wait3A_166 = tpu.memref_slice %arg6[%dma_wait3A_164, %dma_wait3A_165] : memref<32768x768xf32, #tpu.memory_space<hbm>> -> memref<16x768xf32, #tpu.memory_space<hbm>>
    tpu.wait_dma2 semaphore(%arg30 : memref<!tpu.dma_semaphore, #tpu.memory_space<semaphore_mem>>) src(%arg14 : memref<16x768xf32, #tpu.memory_space<vmem>>) dst(%dma_wait3A_166 : memref<16x768xf32, #tpu.memory_space<hbm>>)
    %dma_wait3A_167 = arith.constant 0 : i32
    %dma_wait3A_168 = arith.constant 0 : i32
    %dma_wait3A_169 = tpu.memref_slice %arg6[%dma_wait3A_167, %dma_wait3A_168] : memref<32768x768xf32, #tpu.memory_space<hbm>> -> memref<16x768xf32, #tpu.memory_space<hbm>>
    %dma_wait3A_170 = arith.constant 0 : i32
    %dma_wait3A_171 = arith.constant 0 : i32
    %dma_wait3A_172 = tpu.memref_slice %arg6[%dma_wait3A_170, %dma_wait3A_171] : memref<32768x768xf32, #tpu.memory_space<hbm>> -> memref<16x768xf32, #tpu.memory_space<hbm>>
    tpu.wait_dma2 semaphore(%arg31 : memref<!tpu.dma_semaphore, #tpu.memory_space<semaphore_mem>>) src(%arg15 : memref<16x768xf32, #tpu.memory_space<vmem>>) dst(%dma_wait3A_172 : memref<16x768xf32, #tpu.memory_space<hbm>>)
    %dma_wait3A_173 = arith.constant 0 : i32
    %dma_wait3A_174 = arith.constant 0 : i32
    %dma_wait3A_175 = tpu.memref_slice %arg6[%dma_wait3A_173, %dma_wait3A_174] : memref<32768x768xf32, #tpu.memory_space<hbm>> -> memref<16x768xf32, #tpu.memory_space<hbm>>
    %dma_wait3A_176 = arith.constant 0 : i32
    %dma_wait3A_177 = arith.constant 0 : i32
    %dma_wait3A_178 = tpu.memref_slice %arg6[%dma_wait3A_176, %dma_wait3A_177] : memref<32768x768xf32, #tpu.memory_space<hbm>> -> memref<16x768xf32, #tpu.memory_space<hbm>>
    tpu.wait_dma2 semaphore(%arg32 : memref<!tpu.dma_semaphore, #tpu.memory_space<semaphore_mem>>) src(%arg16 : memref<16x768xf32, #tpu.memory_space<vmem>>) dst(%dma_wait3A_178 : memref<16x768xf32, #tpu.memory_space<hbm>>)
    %dma_wait3A_179 = arith.constant 0 : i32
    %dma_wait3A_180 = arith.constant 0 : i32
    %dma_wait3A_181 = tpu.memref_slice %arg6[%dma_wait3A_179, %dma_wait3A_180] : memref<32768x768xf32, #tpu.memory_space<hbm>> -> memref<16x768xf32, #tpu.memory_space<hbm>>
    %dma_wait3A_182 = arith.constant 0 : i32
    %dma_wait3A_183 = arith.constant 0 : i32
    %dma_wait3A_184 = tpu.memref_slice %arg6[%dma_wait3A_182, %dma_wait3A_183] : memref<32768x768xf32, #tpu.memory_space<hbm>> -> memref<16x768xf32, #tpu.memory_space<hbm>>
    tpu.wait_dma2 semaphore(%arg33 : memref<!tpu.dma_semaphore, #tpu.memory_space<semaphore_mem>>) src(%arg17 : memref<16x768xf32, #tpu.memory_space<vmem>>) dst(%dma_wait3A_184 : memref<16x768xf32, #tpu.memory_space<hbm>>)
    %dma_wait3A_185 = arith.constant 0 : i32
    %dma_wait3A_186 = arith.constant 0 : i32
    %dma_wait3A_187 = tpu.memref_slice %arg6[%dma_wait3A_185, %dma_wait3A_186] : memref<32768x768xf32, #tpu.memory_space<hbm>> -> memref<16x768xf32, #tpu.memory_space<hbm>>
    %dma_wait3A_188 = arith.constant 0 : i32
    %dma_wait3A_189 = arith.constant 0 : i32
    %dma_wait3A_190 = tpu.memref_slice %arg6[%dma_wait3A_188, %dma_wait3A_189] : memref<32768x768xf32, #tpu.memory_space<hbm>> -> memref<16x768xf32, #tpu.memory_space<hbm>>
    tpu.wait_dma2 semaphore(%arg34 : memref<!tpu.dma_semaphore, #tpu.memory_space<semaphore_mem>>) src(%arg18 : memref<16x768xf32, #tpu.memory_space<vmem>>) dst(%dma_wait3A_190 : memref<16x768xf32, #tpu.memory_space<hbm>>)
    return
  }
}

</mosaic_0001>

<sc_bundles>
// kernel: _run.3.cloned.1.call-start
scs
__scs_entry_jumppad:
0x0: {  	(pc) =	sbr.rel $0x88, $3  }
0x1: {  	(tag) =	ssettag $0x0;
	lr =	simm.s32 $0x1  }
0x2: {  	[smem:$0x3F9D] =	sst lr;
	_ =	strace $0xD0000000  }
0x3: {  	_ = 	snop  }
0x4: {  	_ = 	snop  }
0x5: {  	_ = 	snop  }
0x6: {  	_ = 	snop  }
0x7: {  	_ = 	snop  }
__scs_overlays_trampoline_lowered:
0x8: {  	[smem:$0x3FAC] =	sst s0  }
0x9: {  	[smem:$0x3FAD] =	sst s1  }
0xa: {  	[smem:$0x3FAE] =	sst s2  }
0xb: {  	[smem:$0x3FAF] =	sst s3  }
0xc: {  	[smem:$0x3FB0] =	sst s4  }
0xd: {  	[smem:$0x3FB1] =	sst s5  }
0xe: {  	[smem:$0x3FB2] =	sst s6  }
0xf: {  	[smem:$0x3FB3] =	sst s7  }
0x10: {  	[smem:$0x3FB4] =	sst s8  }
0x11: {  	[smem:$0x3FB5] =	sst s9;
	s0 =	simm.s32 @!p0 $0x0  }
0x12: {  	s1 =	sld [smem:$0x3F9B];
	s0 =	simm.s32 @p0 $0x1  }
0x13: {  	[smem:$0x3FB6] =	sst s0;
	s0 =	simm.s32 @!p1 $0x0  }
0x14: {  	s2 =	sld [smem:$0x3F9A];
	s0 =	simm.s32 @p1 $0x1  }
0x15: {  	[smem:$0x3FB7] =	sst s0;
	s0 =	simm.s32 @!p2 $0x0  }
0x16: {  	s3 =	sld [smem:$0x3FDB];
	s0 =	simm.s32 @p2 $0x1  }
0x17: {  	s4 =	simm.s32 $0x1BF5;
	[smem:$0x3FB9] =	sst s0  }
0x18: {  	s0 =	sld [smem:$0x3F9C];
	_ =	swait.ge [sflag:s4], $0x0  }
0x19: {  	s7 =	sld [smem:$0x3F9D]  }
0x1a: {  	s8 =	sadd.s32 $0xFFFFE003, lr  }
0x1b: {  	s9 =	sadd.s32 $0xFFFFFEF7, lr;
	s5 =	simm.s32 $0xFFFFFFFF;
	p2 =	slt.u32 s8, $0xFFFFF086  }
0x1c: {  	p1 =	slt.u32 s9, $0xF7A;
	s5 =	simm.s32 @!p2 $0x0  }
0x1d: {  	s5 =	simm.s32 @p1 $0x1;
	p0 =	seq.s32 s7, s2  }
0x1e: {  	s7 =	smul.u32 @!p0 $0xF7A, s2;
	p2 =	seq.s32 @!p0 s5, $0x0  }
0x1f: {  	s9 =	smul.u32 $0xF7A, s1;
	s8 =	simm.s32 @!p0 $0x1BF5;
	p2 =	por !p2, p0  }
0x20: {  	[sflag:s8] =	ssyncset.s32 @!p0 $0xFFFFF086;
	s6 =	sadd.s32 @!p0 s3, s7;
	s7 =	simm.s32 @!p0 $0x108  }
0x21: {  	s3 =	sadd.s32 s3, s9;
	s6 =	sadd.s32 @!p0 $0x88, s6;
	s7 =	simm.s32 @p2 $0x1082  }
0x22: {  	[simem:s7], [sflag:s8] =	dma.local @!p0 [hbm:s6], $0xF7A  }
0x23: {  	s9 =	sor.u32 $0xD0000000, s2;
	s6 =	simm.s32 $0x108;
	_ =	swait.ge @!p0 [sflag:s8], $0x0  }
0x24: {  	s3 =	sadd.s32 $0x88, s3;
	s6 =	simm.s32 @!p1 $0x1082;
	[sflag:s4] =	ssyncset.s32 $0xFFFFF086  }
0x25: {  	[simem:s6], [sflag:s4] =	dma.local [hbm:s3], $0xF7A  }
0x26: {  	[smem:$0x3F9D] =	sst s1;
	(tag) =	ssettag s2;
	_ =	strace s9  }
0x27: {  	s1 =	sld [smem:$0x3FAD]  }
0x28: {  	s2 =	sld [smem:$0x3FAE]  }
0x29: {  	s4 =	sld [smem:$0x3FB0]  }
0x2a: {  	p0 =	seq.s32 s5, $0x0;
	s5 =	sld [smem:$0x3FB1]  }
0x2b: {  	s6 =	sld [smem:$0x3FB2]  }
0x2c: {  	s7 =	sld [smem:$0x3FB3]  }
0x2d: {  	s3 =	simm.s32 $0x108;
	s8 =	sld [smem:$0x3FB4]  }
0x2e: {  	s3 =	simm.s32 @!p0 $0x1082;
	s9 =	sld [smem:$0x3FB5]  }
0x2f: {  	lr =	sadd.s32 s0, s3;
	s0 =	sld [smem:$0x3FAC]  }
0x30: {  	s3 =	sld [smem:$0x3FAF]  }
0x31: {  	[smem:$0x3FB8] =	sst s10  }
0x32: {  	s10 =	sld [smem:$0x3FB6];
	_ =	sdelay $0x3  }
0x33: {  	p0 =	seq.s32 s10, $0x1;
	s10 =	sld [smem:$0x3FB8];
	_ =	sdelay $0x3  }
0x34: {  	[smem:$0x3FB8] =	sst s10  }
0x35: {  	s10 =	sld [smem:$0x3FB7];
	_ =	sdelay $0x3  }
0x36: {  	p1 =	seq.s32 s10, $0x1;
	s10 =	sld [smem:$0x3FB8];
	_ =	sdelay $0x3  }
0x37: {  	[smem:$0x3FB8] =	sst s10  }
0x38: {  	s10 =	sld [smem:$0x3FB9]  }
0x39: {  	_ = 	snop;
	(pc) =	sbr.ind lr, $3  }
0x3a: {  	_ = 	snop  }
0x3b: {  	_ = 	snop  }
0x3c: {  	p2 =	seq.s32 s10, $0x1;
	s10 =	sld [smem:$0x3FB8]  }
0x3d: {  	_ =	shalt  }
0x3e: {  	_ =	shalt  }
0x3f: {  	_ =	shalt  }
0x40: {  	_ =	shalt  }
0x41: {  	_ =	shalt  }
0x42: {  	_ =	shalt  }
0x43: {  	_ =	shalt  }
0x44: {  	_ =	shalt  }
0x45: {  	_ =	shalt  }
0x46: {  	_ =	shalt  }
0x47: {  	_ =	shalt  }
0x48: {  	_ =	shalt  }
0x49: {  	_ =	shalt  }
0x4a: {  	_ =	shalt  }
0x4b: {  	_ =	shalt  }
0x4c: {  	_ =	shalt  }
0x4d: {  	_ =	shalt  }
0x4e: {  	_ =	shalt  }
0x4f: {  	_ =	shalt  }
0x50: {  	_ =	shalt  }
0x51: {  	_ =	shalt  }
0x52: {  	_ =	shalt  }
0x53: {  	_ =	shalt  }
0x54: {  	_ =	shalt  }
0x55: {  	_ =	shalt  }
0x56: {  	_ =	shalt  }
0x57: {  	_ =	shalt  }
0x58: {  	_ =	shalt  }
0x59: {  	_ =	shalt  }
0x5a: {  	_ =	shalt  }
0x5b: {  	_ =	shalt  }
0x5c: {  	_ =	shalt  }
0x5d: {  	_ =	shalt  }
0x5e: {  	_ =	shalt  }
0x5f: {  	_ =	shalt  }
0x60: {  	_ =	shalt  }
0x61: {  	_ =	shalt  }
0x62: {  	_ =	shalt  }
0x63: {  	_ =	shalt  }
0x64: {  	_ =	shalt  }
0x65: {  	_ =	shalt  }
0x66: {  	_ =	shalt  }
0x67: {  	_ =	shalt  }
0x68: {  	_ =	shalt  }
0x69: {  	_ =	shalt  }
0x6a: {  	_ =	shalt  }
0x6b: {  	_ =	shalt  }
0x6c: {  	_ =	shalt  }
0x6d: {  	_ =	shalt  }
0x6e: {  	_ =	shalt  }
0x6f: {  	_ =	shalt  }
0x70: {  	_ =	shalt  }
0x71: {  	_ =	shalt  }
0x72: {  	_ =	shalt  }
0x73: {  	_ =	shalt  }
0x74: {  	_ =	shalt  }
0x75: {  	_ =	shalt  }
0x76: {  	_ =	shalt  }
0x77: {  	_ =	shalt  }
0x78: {  	_ =	shalt  }
0x79: {  	_ =	shalt  }
0x7a: {  	_ =	shalt  }
0x7b: {  	_ =	shalt  }
0x7c: {  	_ =	shalt  }
0x7d: {  	_ =	shalt  }
0x7e: {  	_ =	shalt  }
0x7f: {  	_ =	shalt  }
0x80: {  	_ =	shalt  }
0x81: {  	_ =	shalt  }
0x82: {  	_ =	shalt  }
0x83: {  	_ =	shalt  }
0x84: {  	_ =	shalt  }
0x85: {  	_ =	shalt  }
0x86: {  	_ =	shalt  }
0x87: {  	_ =	shalt  }
.Lfunc_end0:
.L_simem_size_0:
called_computation_lowered:
.L_overlay_start_0:
0x88: {  	s2 =	sld [smem:$0x3FD9]  }
0x89: {  	s3 =	sld [smem:$0x3FFE];
	_ =	sdelay $0x1  }
0x8a: {  	s1 =	srdreg.scid  }
0x8b: {  	s0 =	sand.u32 $0x1, s1  }
0x8c: {  	s18 =	sshll.u32 s0, $0xA;
	s2 =	sadd.s32 s3, s2  }
0x8d: {  	s2 =	sadd.s32 s2, s18  }
0x8e: {  	[smem:$0x3FC4] =	sst s2  }
0x8f: {  	_ = 	snop  }
0x90: {  	s2 =	sld [smem:$0x3FC9]  }
0x91: {  	s19 =	sld [smem:$0x3FC8]  }
0x92: {  	s4 =	sld [smem:$0x3FC7]  }
0x93: {  	s5 =	sld [smem:$0x3FC6]  }
0x94: {  	s6 =	sld [smem:$0x3FD0];
	(tm) =	ssettm $0x1  }
0x95: {  	s7 =	sld [smem:$0x3FFB];
	_ =	sdelay $0x3  }
0x96: {  	_ =	strace s7  }
0x97: {  	s7 =	sld [smem:$0x3FFC];
	_ =	sdelay $0x3  }
0x98: {  	_ =	strace s7  }
0x99: {  	s7 =	sld [smem:$0x3FFD];
	_ =	sdelay $0x3  }
0x9a: {  	_ =	strace s7  }
0x9b: {  	_ =	strace $0x8FFFFFFF  }
0x9c: {  	s20 =	sld [smem:$0x3FDB];
	_ =	sdelay $0x1  }
0x9d: {  	s8 =	simm.s32 $_scs_section_size  }
0x9e: {  	s9 =	simm.s32 $_size__tile_overlayer_lowered;
	s10 =	simm.s32 $_tile_overlayer_lowered  }
0x9f: {  	s23 =	simm.s32 $0x1BFF;
	s22 =	sshll.u32 s10, $0x1;
	s7 =	sadd.s32 s8, s20  }
0xa0: {  	s11 =	simm.s32 $0x0;
	s21 =	sshll.u32 s9, $0x1;
	s9 =	sadd.s32 s22, s7  }
0xa1: {  	[timem:s11], [sflag:s23] =	dma.local [hbm:s9], s21  }
0xa2: {  	_ =	swait.ge [sflag:s23], s21  }
0xa3: {  	s8 =	ssub.s32 $0x0, s21;
	[sflag:s23] =	ssyncset.done $0x0  }
0xa4: {  	[sflag:s23] =	ssyncadd.s32 s8;
	_ =	sdelay $0x1  }
0xa5: {  	s24 =	simm.s32 $0x1B8B  }
0xa6: {  	_ =	swait.ge [sflag:s24], $0x1  }
0xa7: {  	[sflag:s24] =	ssyncset.done $0x0  }
0xa8: {  	s25 =	simm.s32 $0x1B8E;
	[sflag:s24] =	ssyncadd.s32 $0xFFFFFFFF  }
0xa9: {  	s26 =	simm.s32 $execute0_lowered;
	[smem:$0x3FD2] =	sst s25  }
0xaa: {  	s8 =	sshll.u32 s26, $0x1;
	_ =	strace $0x80000046;
	[dreg:$0x1] =	wrdreg $0xFFFFFFFF  }
0xab: {  	s28 =	simm.s32 $_size_execute0_lowered;
	s7 =	sadd.s32 s7, s8;
	[dreg:$0x0] =	wrdreg $0x0  }
0xac: {  	s8 =	sshll.u32 s28, $0x1;
	[dreg:$0x2] =	wrdreg s7  }
0xad: {  	[dreg:$0x3] =	wrdreg s8  }
0xae: {  	[dreg:$0x4] =	wrdreg $0xC0  }
0xaf: {  	_ =	task [dreg:s11], $0x5FFFF  }
0xb0: {  	[dreg:$0x1] =	wrdreg $0xFFFFFFFF  }
0xb1: {  	[dreg:$0x0] =	wrdreg $0x60  }
0xb2: {  	[dreg:$0x2] =	wrdreg s2  }
0xb3: {  	[dreg:$0x3] =	wrdreg s19  }
0xb4: {  	[dreg:$0x4] =	wrdreg s4  }
0xb5: {  	[dreg:$0x5] =	wrdreg s5  }
0xb6: {  	[dreg:$0x6] =	wrdreg s6  }
0xb7: {  	[dreg:$0x7] =	wrdreg $0x9  }
0xb8: {  	_ =	task.clear_ibuf [dreg:s11], $0x8FFFF;
	_ =	strace $0x90000046  }
0xb9: {  	s29 =	simm.s32 $0x9;
	_ =	strace $0x80000048  }
0xba: {  	_ =	swait.ge [sflag:s29], $0x1  }
0xbb: {  	[sflag:s29] =	ssyncadd.s32 $0xFFFFFFFF  }
0xbc: {  	_ =	strace $0x90000048  }
0xbd: {  	_ =	sfence  }
0xbe: {  	s30 =	sld [smem:$0x0];
	_ =	sdelay $0x2  }
0xbf: {  	s31 =	sshll.u32 s1, $0xD;
	s1 =	sshrl.u32 s1, $0x2  }
0xc0: {  	s3 =	sand.u32 $0x4000, s31;
	s1 =	sadd.s32 s1, s30  }
0xc1: {  	s0 =	sor.u32 s3, s0;
	s1 =	sshll.u32 s1, $0x11  }
0xc2: {  	s0 =	sor.u32 s1, s0  }
0xc3: {  	s0 =	sadd.s32 $0x8F2B, s0  }
0xc4: {  	[sflag:s0] =	ssyncadd.remote.s32 $0x1  }
0xc5: {  	_ =	sfence.sel $0xFFFF  }
0xc6: {  	[dreg:$0x0] =	wrdreg $0xFFFFFFFF;
	(pc) =	sbr.abs _section_cstart, $3  }
0xc7: {  	[dreg:$0x1] =	wrdreg $0xFFFFFFFF  }
0xc8: {  	_ =	task.clear_ibuf [dreg:s11], $0x2FFFF;
	_ =	strace $0x9FFFFFFF  }
0xc9: {  	(tm) =	ssettm $0x7FFFFFFF  }
tec
execute0_lowered:
.L_overlay_start_1:
0x0: {  	(tag) =	ssettag $0x1  }
0x1: {  	s0 =	rddreg [dreg:$0x0]  }
0x2: {  	s1 =	rddreg [dreg:$0x1]  }
0x3: {  	s2 =	rddreg [dreg:$0x2]  }
0x4: {  	s4 =	rddreg [dreg:$0x4]  }
0x5: {  	s3 =	srdreg.scid;
	s6 =	stileid.u32;
	s5 =	simm.s32 $0x0  }
0x6: {  	s29 =	simm.s32 $0x9;
	s9 =	simm.s32 $0xC;
	s13 =	simm.s32 $0x2500  }
0x7: {  	s18 =	simm.s32 $0x5500;
	s30 =	simm.s32 $0xE500;
	s31 =	simm.s32 $0xED00  }
0x8: {  	s10 =	simm.s32 $0x11500;
	s17 =	simm.s32 $0x0;
	s3 =	sand.u32 $0x1, s3  }
0x9: {  	s6 =	sshll.u32 s6, $0x1;
	[smem:$0x7FF] =	sst s5;
	s11 =	sadd.s32 $0x100, s1  }
0xa: {  	s12 =	sadd.s32 $0x200, s1;
	s7 =	ssub.s32 $0x2, s3;
	s3 =	sor.u32 s3, s6  }
0xb: {  	_ =	strace $0x80000047;
	s19 =	sshrl.u32 s7, $0x1;
	s8 =	sshll.u32 s3, $0x7  }
0xc: {  	s6 =	sshll.u32 s3, $0x8;
	s21 =	smul.u32 $0x300, s3;
	s8 =	sadd.s32 s0, s8  }
0xd: {  	s3 =	simm.s32 $0xA;
	s0 =	sadd.s32 $0x10, s8;
	[dreg:$0x6] =	wrdreg s8  }
0xe: {  	s7 =	ssub.s32 s7, s19;
	s20 =	sadd.s32 $0x20, s8;
	[dreg:$0x7] =	wrdreg s0  }
0xf: {  	s14 =	sor.u32 $0x2000, s6;
	s22 =	sadd.s32 $0x30, s8;
	[dreg:$0x8] =	wrdreg s20  }
0x10: {  	s15 =	sor.u32 $0x4000, s6;
	s23 =	smax.u32 s7, $0x1;
	[dreg:$0x9] =	wrdreg s22  }
0x11: {  	s16 =	sor.u32 $0x6000, s6;
	s24 =	sadd.s32 $0x40, s8;
	[dreg:$0xb] =	wrdreg s23  }
0x12: {  	s19 =	simm.s32 $0x14500;
	s25 =	sadd.s32 $0x50, s8;
	[dreg:$0xc] =	wrdreg s24  }
0x13: {  	s26 =	sadd.s32 $0x60, s8;
	s28 =	sadd.s32 $0x70, s8;
	[dreg:$0xd] =	wrdreg s25  }
0x14: {  	v2 =	vlaneseq.u32;
	s8 =	simm.s32 $0xB;
	s7 =	simm.s32 $0xB500;
	[dreg:$0xe] =	wrdreg s26  }
0x15: {  	vm0 =	vmmov $0xffff;
	v1 =	vshrl.u32 v2, $0x3;
	s0 =	sadd.s32 s2, s21;
	[dreg:$0xf] =	wrdreg s28;
	s21 =	simm.s32 $0x8500  }
0x16: {  	v0 =	vand.u32 $0x7, v2;
	v2 =	vor.u32 $0x8, v2;
	v1 =	vmul.u32 $0x8, v1;
	s25 =	simm.s32 $0x17500;
	s23 =	simm.s32 $0x8;
	[dreg:$0xa] =	wrdreg s0  }
.LBB2_1:
0x17: {  	[dreg:$0x10] =	wrdreg s17  }
0x18: {  	s0 =	rddreg [dreg:$0x6]  }
0x19: {  	[tilespmem:s5], [sflag:$0x9] =	stream.linear.gather [hbm4b:s0+s5], $0x80, $0x38;
	[tilespmem:$0x1A500] =	vst v63  }
0x1a: {  	s28 =	rddreg [dreg:$0xc];
	s2 =	simm.s32 $0x200  }
0x1b: {  	[tilespmem:s2], [sflag:$0x9] =	stream.linear.gather [hbm4b:s28+s5], $0x80, $0x38;
	[tilespmem:$0x1A500] =	vst v63  }
0x1c: {  	s17 =	rddreg [dreg:$0x7];
	s20 =	simm.s32 $0x80  }
0x1d: {  	[tilespmem:s20], [sflag:$0xA] =	stream.linear.gather [hbm4b:s17+s5], $0x80, $0x38;
	[tilespmem:$0x1A500] =	vst v63  }
0x1e: {  	s22 =	rddreg [dreg:$0xd];
	s24 =	simm.s32 $0x280  }
0x1f: {  	[tilespmem:s24], [sflag:$0xA] =	stream.linear.gather [hbm4b:s22+s5], $0x80, $0x38;
	[tilespmem:$0x1A500] =	vst v63  }
0x20: {  	s26 =	rddreg [dreg:$0x8];
	s28 =	simm.s32 $0x100  }
0x21: {  	[tilespmem:s28], [sflag:$0xB] =	stream.linear.gather [hbm4b:s26+s5], $0x80, $0x38;
	[tilespmem:$0x1A500] =	vst v63  }
0x22: {  	s17 =	rddreg [dreg:$0xe];
	s20 =	simm.s32 $0x300  }
0x23: {  	[tilespmem:s20], [sflag:$0xB] =	stream.linear.gather [hbm4b:s17+s5], $0x80, $0x38;
	[tilespmem:$0x1A500] =	vst v63  }
0x24: {  	s22 =	rddreg [dreg:$0x9];
	s24 =	simm.s32 $0x180  }
0x25: {  	[tilespmem:s24], [sflag:$0xC] =	stream.linear.gather [hbm4b:s22+s5], $0x80, $0x38;
	[tilespmem:$0x1A500] =	vst v63  }
0x26: {  	s26 =	rddreg [dreg:$0xf];
	s28 =	simm.s32 $0x380  }
0x27: {  	[tilespmem:s28], [sflag:$0xC] =	stream.linear.gather [hbm4b:s26+s5], $0x80, $0x38;
	[tilespmem:$0x1A500] =	vst v63  }
0x28: {  	_ =	swait.ge [sflag:s29], $0x100  }
0x29: {  	[sflag:s29] =	ssyncset.done $0x0  }
0x2a: {  	[sflag:s29] =	ssyncadd.s32 $0xFFFFFF00  }
0x2b: {  	_ =	swait.ge [sflag:s3], $0x100  }
0x2c: {  	[sflag:s3] =	ssyncset.done $0x0  }
0x2d: {  	[sflag:s3] =	ssyncadd.s32 $0xFFFFFF00  }
0x2e: {  	_ =	swait.ge [sflag:s8], $0x100  }
0x2f: {  	[sflag:s8] =	ssyncset.done $0x0  }
0x30: {  	[sflag:s8] =	ssyncadd.s32 $0xFFFFFF00  }
0x31: {  	_ =	swait.ge [sflag:s9], $0x100  }
0x32: {  	[sflag:s9] =	ssyncset.done $0x0  }
0x33: {  	[sflag:s9] =	ssyncadd.s32 $0xFFFFFF00  }
0x34: {  	v3 =	vld [tilespmem:$0x0];
	_ =	sdelay $0x4  }
0x35: {  	v4 =	vshrl.u32 v3, $0x3  }
0x36: {  	v4 =	vmul.u32 $0x30, v4  }
0x37: {  	v3 =	vand.u32 $0x7, v3  }
0x38: {  	v3 =	vor.u32 v3, v4  }
0x39: {  	v4 =	vperm.xlane v3, v0;
	_ =	sdelay $0x1  }
0x3a: {  	v4 =	vadd.s32 v1, v4;
	_ =	sdelay $0x3  }
0x3b: {  	v3 =	vperm.xlane v3, v2  }
0x3c: {  	[tilespmem:s13], [sflag:$0x1] =	stream.indirect_vreg.gather [hbm4b:s1+s5], $0x80, v4, vm0, $0xb8;
	[tilespmem:$0x1A500] =	vst v63  }
0x3d: {  	s3 =	simm.s32 $0x2D00;
	v3 =	vadd.s32 v1, v3  }
0x3e: {  	[tilespmem:s3], [sflag:$0x1] =	stream.indirect_vreg.gather [hbm4b:s11+s5], $0x80, v4, vm0, $0xb8;
	[tilespmem:$0x1A500] =	vst v63  }
0x3f: {  	s8 =	simm.s32 $0x3500  }
0x40: {  	[tilespmem:s8], [sflag:$0x1] =	stream.indirect_vreg.gather [hbm4b:s12+s5], $0x80, v4, vm0, $0xb8;
	[tilespmem:$0x1A500] =	vst v63  }
0x41: {  	s9 =	simm.s32 $0x3D00  }
0x42: {  	[tilespmem:s9], [sflag:$0x1] =	stream.indirect_vreg.gather [hbm4b:s1+s5], $0x80, v3, vm0, $0xb8;
	[tilespmem:$0x1A500] =	vst v63  }
0x43: {  	s13 =	simm.s32 $0x4500  }
0x44: {  	[tilespmem:s13], [sflag:$0x1] =	stream.indirect_vreg.gather [hbm4b:s11+s5], $0x80, v3, vm0, $0xb8;
	[tilespmem:$0x1A500] =	vst v63  }
0x45: {  	s17 =	simm.s32 $0x4D00  }
0x46: {  	[tilespmem:s17], [sflag:$0x1] =	stream.indirect_vreg.gather [hbm4b:s12+s5], $0x80, v3, vm0, $0xb8;
	[tilespmem:$0x1A500] =	vst v63  }
0x47: {  	v3 =	vld [tilespmem:$0x80];
	_ =	sdelay $0x4  }
0x48: {  	v61 =	vshrl.u32 v3, $0x3  }
0x49: {  	v4 =	vmul.u32 $0x30, v61  }
0x4a: {  	v3 =	vand.u32 $0x7, v3  }
0x4b: {  	v3 =	vor.u32 v3, v4  }
0x4c: {  	v4 =	vperm.xlane v3, v0;
	_ =	sdelay $0x1  }
0x4d: {  	v4 =	vadd.s32 v1, v4;
	_ =	sdelay $0x3  }
0x4e: {  	v3 =	vperm.xlane v3, v2  }
0x4f: {  	[tilespmem:s18], [sflag:$0x2] =	stream.indirect_vreg.gather [hbm4b:s1+s5], $0x80, v4, vm0, $0xb8;
	[tilespmem:$0x1A500] =	vst v63  }
0x50: {  	s20 =	simm.s32 $0x5D00;
	v3 =	vadd.s32 v1, v3  }
0x51: {  	[tilespmem:s20], [sflag:$0x2] =	stream.indirect_vreg.gather [hbm4b:s11+s5], $0x80, v4, vm0, $0xb8;
	[tilespmem:$0x1A500] =	vst v63  }
0x52: {  	s22 =	simm.s32 $0x6500  }
0x53: {  	[tilespmem:s22], [sflag:$0x2] =	stream.indirect_vreg.gather [hbm4b:s12+s5], $0x80, v4, vm0, $0xb8;
	[tilespmem:$0x1A500] =	vst v63  }
0x54: {  	s24 =	simm.s32 $0x6D00  }
0x55: {  	[tilespmem:s24], [sflag:$0x2] =	stream.indirect_vreg.gather [hbm4b:s1+s5], $0x80, v3, vm0, $0xb8;
	[tilespmem:$0x1A500] =	vst v63  }
0x56: {  	s26 =	simm.s32 $0x7500  }
0x57: {  	[tilespmem:s26], [sflag:$0x2] =	stream.indirect_vreg.gather [hbm4b:s11+s5], $0x80, v3, vm0, $0xb8;
	[tilespmem:$0x1A500] =	vst v63  }
0x58: {  	s28 =	simm.s32 $0x7D00  }
0x59: {  	[tilespmem:s28], [sflag:$0x2] =	stream.indirect_vreg.gather [hbm4b:s12+s5], $0x80, v3, vm0, $0xb8;
	[tilespmem:$0x1A500] =	vst v63  }
0x5a: {  	v3 =	vld [tilespmem:$0x100];
	_ =	sdelay $0x4  }
0x5b: {  	v62 =	vshrl.u32 v3, $0x3  }
0x5c: {  	v4 =	vmul.u32 $0x30, v62  }
0x5d: {  	v3 =	vand.u32 $0x7, v3  }
0x5e: {  	v3 =	vor.u32 v3, v4  }
0x5f: {  	v4 =	vperm.xlane v3, v0;
	_ =	sdelay $0x1  }
0x60: {  	v4 =	vadd.s32 v1, v4;
	_ =	sdelay $0x3  }
0x61: {  	v3 =	vperm.xlane v3, v2  }
0x62: {  	[tilespmem:s21], [sflag:$0x3] =	stream.indirect_vreg.gather [hbm4b:s1+s5], $0x80, v4, vm0, $0xb8;
	[tilespmem:$0x1A500] =	vst v63  }
0x63: {  	s29 =	simm.s32 $0x8D00;
	v3 =	vadd.s32 v1, v3  }
0x64: {  	[tilespmem:s29], [sflag:$0x3] =	stream.indirect_vreg.gather [hbm4b:s11+s5], $0x80, v4, vm0, $0xb8;
	[tilespmem:$0x1A500] =	vst v63  }
0x65: {  	s2 =	simm.s32 $0x9500  }
0x66: {  	[tilespmem:s2], [sflag:$0x3] =	stream.indirect_vreg.gather [hbm4b:s12+s5], $0x80, v4, vm0, $0xb8;
	[tilespmem:$0x1A500] =	vst v63  }
0x67: {  	s3 =	simm.s32 $0x9D00  }
0x68: {  	[tilespmem:s3], [sflag:$0x3] =	stream.indirect_vreg.gather [hbm4b:s1+s5], $0x80, v3, vm0, $0xb8;
	[tilespmem:$0x1A500] =	vst v63  }
0x69: {  	s8 =	simm.s32 $0xA500  }
0x6a: {  	[tilespmem:s8], [sflag:$0x3] =	stream.indirect_vreg.gather [hbm4b:s11+s5], $0x80, v3, vm0, $0xb8;
	[tilespmem:$0x1A500] =	vst v63  }
0x6b: {  	s9 =	simm.s32 $0xAD00  }
0x6c: {  	[tilespmem:s9], [sflag:$0x3] =	stream.indirect_vreg.gather [hbm4b:s12+s5], $0x80, v3, vm0, $0xb8;
	[tilespmem:$0x1A500] =	vst v63  }
0x6d: {  	v3 =	vld [tilespmem:$0x180];
	_ =	sdelay $0x4  }
0x6e: {  	v63 =	vshrl.u32 v3, $0x3  }
0x6f: {  	v4 =	vmul.u32 $0x30, v63  }
0x70: {  	v3 =	vand.u32 $0x7, v3  }
0x71: {  	v3 =	vor.u32 v3, v4  }
0x72: {  	v4 =	vperm.xlane v3, v0;
	_ =	sdelay $0x1  }
0x73: {  	v4 =	vadd.s32 v1, v4;
	_ =	sdelay $0x3  }
0x74: {  	v3 =	vperm.xlane v3, v2  }
0x75: {  	[tilespmem:s7], [sflag:$0x4] =	stream.indirect_vreg.gather [hbm4b:s1+s5], $0x80, v4, vm0, $0xb8;
	[tilespmem:$0x1A500] =	vst v63  }
0x76: {  	s13 =	simm.s32 $0xBD00;
	v3 =	vadd.s32 v1, v3  }
0x77: {  	[tilespmem:s13], [sflag:$0x4] =	stream.indirect_vreg.gather [hbm4b:s11+s5], $0x80, v4, vm0, $0xb8;
	[tilespmem:$0x1A500] =	vst v63  }
0x78: {  	s17 =	simm.s32 $0xC500  }
0x79: {  	[tilespmem:s17], [sflag:$0x4] =	stream.indirect_vreg.gather [hbm4b:s12+s5], $0x80, v4, vm0, $0xb8;
	[tilespmem:$0x1A500] =	vst v63  }
0x7a: {  	s18 =	simm.s32 $0xCD00  }
0x7b: {  	[tilespmem:s18], [sflag:$0x4] =	stream.indirect_vreg.gather [hbm4b:s1+s5], $0x80, v3, vm0, $0xb8;
	[tilespmem:$0x1A500] =	vst v63  }
0x7c: {  	s20 =	simm.s32 $0xD500  }
0x7d: {  	[tilespmem:s20], [sflag:$0x4] =	stream.indirect_vreg.gather [hbm4b:s11+s5], $0x80, v3, vm0, $0xb8;
	[tilespmem:$0x1A500] =	vst v63  }
0x7e: {  	s21 =	simm.s32 $0xDD00  }
0x7f: {  	[tilespmem:s21], [sflag:$0x4] =	stream.indirect_vreg.gather [hbm4b:s12+s5], $0x80, v3, vm0, $0xb8;
	[tilespmem:$0x1A500] =	vst v63  }
0x80: {  	s22 =	rddreg [dreg:$0xa];
	s24 =	simm.s32 $0x400  }
0x81: {  	[tilespmem:s24], [sflag:$0x11] =	stream.linear.gather [hbm4b:s22+s5], $0x1800, $0x38;
	[tilespmem:$0x1A500] =	vst v63  }
0x82: {  	s26 =	rddreg [dreg:$0x3];
	s28 =	simm.s32 $0x1C00;
	s29 =	simm.s32 $0x11  }
0x83: {  	[tilespmem:s28], [sflag:$0x11] =	stream.linear.gather [hbm4b:s26+s5], $0x300, $0x38;
	[tilespmem:$0x1A500] =	vst v63  }
0x84: {  	_ =	swait.ge [sflag:s29], $0x1800  }
0x85: {  	[sflag:s29] =	ssyncset.done $0x0  }
0x86: {  	[sflag:s29] =	ssyncadd.s32 $0xFFFFE800  }
0x87: {  	_ =	swait.ge [sflag:s29], $0x300  }
0x88: {  	[sflag:s29] =	ssyncset.done $0x0  }
0x89: {  	s24 =	simm.s32 $0x0;
	[sflag:s29] =	ssyncadd.s32 $0xFFFFFD00  }
.LBB2_2:
0x8a: {  	p0 =	seq.s32 s24, $0x0  }
0x8b: {  	s28 =	sshll.u32 s24, $0x6;
	s0 =	simm.s32 @!p0 $0xD  }
0x8c: {  	s3 =	sshll.u32 s24, $0x8;
	s22 =	sor.u32 $0x10, s28;
	_ =	swait.ge @!p0 [sflag:s0], $0x3000  }
0x8d: {  	s17 =	sand.u32 $0x200, s3;
	s2 =	sand.u32 $0x50, s22;
	[sflag:s0] =	ssyncset.done @!p0 $0x0  }
0x8e: {  	s26 =	sor.u32 s2, s17;
	[sflag:s0] =	ssyncadd.s32 @!p0 $0xFFFFD000  }
0x8f: {  	v3 =	vld [tilespmem:s26+$0x0];
	_ =	sdelay $0x4  }
0x90: {  	v4 =	vshrl.u32 v3, $0x3  }
0x91: {  	v4 =	vmul.u32 $0x30, v4  }
0x92: {  	v3 =	vand.u32 $0x7, v3  }
0x93: {  	v3 =	vor.u32 v3, v4  }
0x94: {  	v4 =	vperm.xlane v3, v0;
	_ =	sdelay $0x1  }
0x95: {  	v4 =	vadd.s32 v1, v4;
	_ =	sdelay $0x3  }
0x96: {  	v3 =	vperm.xlane v3, v2  }
0x97: {  	[tilespmem:s30], [sflag:$0x5] =	stream.indirect_vreg.gather [hbm4b:s1+s5], $0x80, v4, vm0, $0xb8;
	[tilespmem:$0x1A500] =	vst v63  }
0x98: {  	v3 =	vadd.s32 v1, v3  }
0x99: {  	[tilespmem:s31], [sflag:$0x5] =	stream.indirect_vreg.gather [hbm4b:s11+s5], $0x80, v4, vm0, $0xb8;
	[tilespmem:$0x1A500] =	vst v63  }
0x9a: {  	s7 =	simm.s32 $0xF500  }
0x9b: {  	[tilespmem:s7], [sflag:$0x5] =	stream.indirect_vreg.gather [hbm4b:s12+s5], $0x80, v4, vm0, $0xb8;
	[tilespmem:$0x1A500] =	vst v63  }
0x9c: {  	s29 =	simm.s32 $0xFD00  }
0x9d: {  	[tilespmem:s29], [sflag:$0x5] =	stream.indirect_vreg.gather [hbm4b:s1+s5], $0x80, v3, vm0, $0xb8;
	[tilespmem:$0x1A500] =	vst v63  }
0x9e: {  	s8 =	simm.s32 $0x10500  }
0x9f: {  	[tilespmem:s8], [sflag:$0x5] =	stream.indirect_vreg.gather [hbm4b:s11+s5], $0x80, v3, vm0, $0xb8;
	[tilespmem:$0x1A500] =	vst v63  }
0xa0: {  	s9 =	simm.s32 $0x10D00;
	s8 =	simm.s32 @!p0 $0xE  }
0xa1: {  	[tilespmem:s9], [sflag:$0x5] =	stream.indirect_vreg.gather [hbm4b:s12+s5], $0x80, v3, vm0, $0xb8;
	[tilespmem:$0x1A500] =	vst v63  }
0xa2: {  	_ =	swait.ge @!p0 [sflag:s8], $0x3000  }
0xa3: {  	[sflag:s8] =	ssyncset.done @!p0 $0x0  }
0xa4: {  	[sflag:s8] =	ssyncadd.s32 @!p0 $0xFFFFD000  }
0xa5: {  	v3 =	vld [tilespmem:s26+$0x80];
	_ =	sdelay $0x4  }
0xa6: {  	v4 =	vshrl.u32 v3, $0x3  }
0xa7: {  	v4 =	vmul.u32 $0x30, v4  }
0xa8: {  	v3 =	vand.u32 $0x7, v3  }
0xa9: {  	v3 =	vor.u32 v3, v4  }
0xaa: {  	v4 =	vperm.xlane v3, v0;
	_ =	sdelay $0x1  }
0xab: {  	v4 =	vadd.s32 v1, v4;
	_ =	sdelay $0x3  }
0xac: {  	v3 =	vperm.xlane v3, v2  }
0xad: {  	[tilespmem:s10], [sflag:$0x6] =	stream.indirect_vreg.gather [hbm4b:s1+s5], $0x80, v4, vm0, $0xb8;
	[tilespmem:$0x1A500] =	vst v63  }
0xae: {  	s13 =	simm.s32 $0x11D00;
	v3 =	vadd.s32 v1, v3  }
0xaf: {  	[tilespmem:s13], [sflag:$0x6] =	stream.indirect_vreg.gather [hbm4b:s11+s5], $0x80, v4, vm0, $0xb8;
	[tilespmem:$0x1A500] =	vst v63  }
0xb0: {  	s18 =	simm.s32 $0x12500  }
0xb1: {  	[tilespmem:s18], [sflag:$0x6] =	stream.indirect_vreg.gather [hbm4b:s12+s5], $0x80, v4, vm0, $0xb8;
	[tilespmem:$0x1A500] =	vst v63  }
0xb2: {  	s20 =	simm.s32 $0x12D00  }
0xb3: {  	[tilespmem:s20], [sflag:$0x6] =	stream.indirect_vreg.gather [hbm4b:s1+s5], $0x80, v3, vm0, $0xb8;
	[tilespmem:$0x1A500] =	vst v63  }
0xb4: {  	s21 =	simm.s32 $0x13500  }
0xb5: {  	[tilespmem:s21], [sflag:$0x6] =	stream.indirect_vreg.gather [hbm4b:s11+s5], $0x80, v3, vm0, $0xb8;
	[tilespmem:$0x1A500] =	vst v63  }
0xb6: {  	s0 =	simm.s32 @!p0 $0xF;
	s26 =	simm.s32 $0x13D00  }
0xb7: {  	[tilespmem:s26], [sflag:$0x6] =	stream.indirect_vreg.gather [hbm4b:s12+s5], $0x80, v3, vm0, $0xb8;
	[tilespmem:$0x1A500] =	vst v63  }
0xb8: {  	_ =	swait.ge @!p0 [sflag:s0], $0x3000  }
0xb9: {  	s2 =	sor.u32 s3, s2;
	[sflag:s0] =	ssyncset.done @!p0 $0x0  }
0xba: {  	s29 =	sor.u32 $0x100, s2;
	[sflag:s0] =	ssyncadd.s32 @!p0 $0xFFFFD000  }
0xbb: {  	v3 =	vld [tilespmem:s29+$0x0];
	_ =	sdelay $0x4  }
0xbc: {  	v4 =	vshrl.u32 v3, $0x3  }
0xbd: {  	v4 =	vmul.u32 $0x30, v4  }
0xbe: {  	v3 =	vand.u32 $0x7, v3  }
0xbf: {  	v3 =	vor.u32 v3, v4  }
0xc0: {  	v4 =	vperm.xlane v3, v0;
	_ =	sdelay $0x1  }
0xc1: {  	v4 =	vadd.s32 v1, v4;
	_ =	sdelay $0x3  }
0xc2: {  	v3 =	vperm.xlane v3, v2  }
0xc3: {  	[tilespmem:s19], [sflag:$0x7] =	stream.indirect_vreg.gather [hbm4b:s1+s5], $0x80, v4, vm0, $0xb8;
	[tilespmem:$0x1A500] =	vst v63  }
0xc4: {  	s7 =	simm.s32 $0x14D00;
	v3 =	vadd.s32 v1, v3  }
0xc5: {  	[tilespmem:s7], [sflag:$0x7] =	stream.indirect_vreg.gather [hbm4b:s11+s5], $0x80, v4, vm0, $0xb8;
	[tilespmem:$0x1A500] =	vst v63  }
0xc6: {  	s8 =	simm.s32 $0x15500  }
0xc7: {  	[tilespmem:s8], [sflag:$0x7] =	stream.indirect_vreg.gather [hbm4b:s12+s5], $0x80, v4, vm0, $0xb8;
	[tilespmem:$0x1A500] =	vst v63  }
0xc8: {  	s9 =	simm.s32 $0x15D00  }
0xc9: {  	[tilespmem:s9], [sflag:$0x7] =	stream.indirect_vreg.gather [hbm4b:s1+s5], $0x80, v3, vm0, $0xb8;
	[tilespmem:$0x1A500] =	vst v63  }
0xca: {  	s10 =	simm.s32 $0x16500  }
0xcb: {  	[tilespmem:s10], [sflag:$0x7] =	stream.indirect_vreg.gather [hbm4b:s11+s5], $0x80, v3, vm0, $0xb8;
	[tilespmem:$0x1A500] =	vst v63  }
0xcc: {  	s13 =	simm.s32 $0x16D00;
	s0 =	simm.s32 @!p0 $0x10  }
0xcd: {  	[tilespmem:s13], [sflag:$0x7] =	stream.indirect_vreg.gather [hbm4b:s12+s5], $0x80, v3, vm0, $0xb8;
	[tilespmem:$0x1A500] =	vst v63  }
0xce: {  	_ =	swait.ge @!p0 [sflag:s0], $0x3000  }
0xcf: {  	[sflag:s0] =	ssyncset.done @!p0 $0x0  }
0xd0: {  	s18 =	sor.u32 $0x180, s2;
	[sflag:s0] =	ssyncadd.s32 @!p0 $0xFFFFD000  }
0xd1: {  	v3 =	vld [tilespmem:s18+$0x0];
	_ =	sdelay $0x4  }
0xd2: {  	v4 =	vshrl.u32 v3, $0x3  }
0xd3: {  	v4 =	vmul.u32 $0x30, v4  }
0xd4: {  	v3 =	vand.u32 $0x7, v3  }
0xd5: {  	v3 =	vor.u32 v3, v4  }
0xd6: {  	v4 =	vperm.xlane v3, v0;
	_ =	sdelay $0x1  }
0xd7: {  	v4 =	vadd.s32 v1, v4;
	_ =	sdelay $0x3  }
0xd8: {  	s20 =	simm.s32 $0x0;
	v3 =	vperm.xlane v3, v2  }
0xd9: {  	[tilespmem:s25], [sflag:$0x8] =	stream.indirect_vreg.gather [hbm4b:s1+s20], $0x80, v4, vm0, $0xb8;
	[tilespmem:$0x1A500] =	vst v63  }
0xda: {  	s19 =	simm.s32 $0x17D00;
	v3 =	vadd.s32 v1, v3  }
0xdb: {  	[tilespmem:s19], [sflag:$0x8] =	stream.indirect_vreg.gather [hbm4b:s11+s20], $0x80, v4, vm0, $0xb8;
	[tilespmem:$0x1A500] =	vst v63  }
0xdc: {  	s21 =	simm.s32 $0x18500  }
0xdd: {  	[tilespmem:s21], [sflag:$0x8] =	stream.indirect_vreg.gather [hbm4b:s12+s20], $0x80, v4, vm0, $0xb8;
	[tilespmem:$0x1A500] =	vst v63  }
0xde: {  	s25 =	simm.s32 $0x18D00  }
0xdf: {  	[tilespmem:s25], [sflag:$0x8] =	stream.indirect_vreg.gather [hbm4b:s1+s20], $0x80, v3, vm0, $0xb8;
	[tilespmem:$0x1A500] =	vst v63  }
0xe0: {  	s26 =	simm.s32 $0x19500  }
0xe1: {  	[tilespmem:s26], [sflag:$0x8] =	stream.indirect_vreg.gather [hbm4b:s11+s20], $0x80, v3, vm0, $0xb8;
	[tilespmem:$0x1A500] =	vst v63  }
0xe2: {  	s2 =	simm.s32 $0x1;
	s29 =	simm.s32 $0x19D00  }
0xe3: {  	[tilespmem:s29], [sflag:$0x8] =	stream.indirect_vreg.gather [hbm4b:s12+s20], $0x80, v3, vm0, $0xb8;
	[tilespmem:$0x1A500] =	vst v63  }
0xe4: {  	_ =	swait.ge [sflag:s2], $0x3000  }
0xe5: {  	[sflag:s2] =	ssyncset.done $0x0  }
0xe6: {  	s7 =	simm.s32 $0x2;
	[sflag:s2] =	ssyncadd.s32 $0xFFFFD000  }
0xe7: {  	_ =	swait.ge [sflag:s7], $0x3000  }
0xe8: {  	[sflag:s7] =	ssyncset.done $0x0  }
0xe9: {  	s8 =	simm.s32 $0x3;
	[sflag:s7] =	ssyncadd.s32 $0xFFFFD000  }
0xea: {  	_ =	swait.ge [sflag:s8], $0x3000  }
0xeb: {  	[sflag:s8] =	ssyncset.done $0x0  }
0xec: {  	s9 =	simm.s32 $0x4;
	s10 =	sand.u32 $0x3FFFFF00, s3;
	[sflag:s8] =	ssyncadd.s32 $0xFFFFD000  }
0xed: {  	s13 =	sand.u32 $0x7FFFFC00, s20;
	_ =	swait.ge [sflag:s9], $0x3000  }
0xee: {  	s18 =	simm.s32 $0x1C00;
	s19 =	sadd.s32 $0x400, s10;
	[sflag:s9] =	ssyncset.done $0x0  }
0xef: {  	s21 =	sadd.s32 s13, s19;
	s8 =	sand.u32 $0x70, s20;
	[sflag:s9] =	ssyncadd.s32 $0xFFFFD000  }
0xf0: {  	s25 =	sadd.s32 s8, s21;
	v3 =	vld [tilespmem:s18+$0x0]  }
0xf1: {  	v4 =	vld [tilespmem:s25+$0x80];
	_ =	sdelay $0x1  }
0xf2: {  	v5 =	vld [tilespmem:s25+$0x0];
	_ =	sdelay $0x1  }
0xf3: {  	s26 =	sor.u32 s8, s13  }
0xf4: {  	[tilespmem:s26+$0xB580] =	vst.add.f32.msk $0xffff, v4;
	v6 =	vmul.f32 v4, v3  }
0xf5: {  	[tilespmem:s26+$0x8580] =	vst.add.f32.msk $0xffff, v4  }
0xf6: {  	[tilespmem:s26+$0x5580] =	vst.add.f32.msk $0xffff, v4;
	v6 =	vsub.f32 v6, v5  }
0xf7: {  	[tilespmem:s26+$0x2580] =	vst.add.f32.msk $0xffff, v4  }
0xf8: {  	[tilespmem:s26+$0x2500] =	vst.add.f32.msk $0xffff, v5;
	v7 =	vmul.f32 v6, v3  }
0xf9: {  	[tilespmem:s26+$0x5500] =	vst.add.f32.msk $0xffff, v5  }
0xfa: {  	[tilespmem:s26+$0x8500] =	vst.add.f32.msk $0xffff, v5;
	v4 =	vsub.f32 v7, v4  }
0xfb: {  	[tilespmem:s26+$0x2600] =	vst.add.f32.msk $0xffff, v6  }
0xfc: {  	[tilespmem:s26+$0x5600] =	vst.add.f32.msk $0xffff, v6;
	v7 =	vmul.f32 v4, v3  }
0xfd: {  	[tilespmem:s26+$0x8600] =	vst.add.f32.msk $0xffff, v6  }
0xfe: {  	[tilespmem:s26+$0xB600] =	vst.add.f32.msk $0xffff, v6;
	v6 =	vsub.f32 v7, v6  }
0xff: {  	[tilespmem:s26+$0x2680] =	vst.add.f32.msk $0xffff, v4  }
0x100: {  	[tilespmem:s26+$0x5680] =	vst.add.f32.msk $0xffff, v4;
	v7 =	vmul.f32 v6, v3  }
0x101: {  	[tilespmem:s26+$0x8680] =	vst.add.f32.msk $0xffff, v4  }
0x102: {  	[tilespmem:s26+$0xB680] =	vst.add.f32.msk $0xffff, v4;
	v4 =	vsub.f32 v7, v4  }
0x103: {  	[tilespmem:s26+$0x5700] =	vst.add.f32.msk $0xffff, v6  }
0x104: {  	[tilespmem:s26+$0x8700] =	vst.add.f32.msk $0xffff, v6;
	v7 =	vmul.f32 v4, v3  }
0x105: {  	[tilespmem:s26+$0xB700] =	vst.add.f32.msk $0xffff, v6  }
0x106: {  	[tilespmem:s26+$0x2700] =	vst.add.f32.msk $0xffff, v6;
	v6 =	vsub.f32 v7, v6  }
0x107: {  	[tilespmem:s26+$0xB500] =	vst.add.f32.msk $0xffff, v5  }
0x108: {  	[tilespmem:s26+$0xB780] =	vst.add.f32.msk $0xffff, v4;
	v5 =	vmul.f32 v6, v3  }
0x109: {  	[tilespmem:s26+$0x2780] =	vst.add.f32.msk $0xffff, v4  }
0x10a: {  	[tilespmem:s26+$0x5780] =	vst.add.f32.msk $0xffff, v4;
	v7 =	vsub.f32 v5, v4  }
0x10b: {  	[tilespmem:s26+$0x8780] =	vst.add.f32.msk $0xffff, v4  }
0x10c: {  	[tilespmem:s26+$0xB800] =	vst.add.f32.msk $0xffff, v6;
	v4 =	vmul.f32 v7, v3  }
0x10d: {  	[tilespmem:s26+$0x8800] =	vst.add.f32.msk $0xffff, v6  }
0x10e: {  	s25 =	sor.u32 s20, s20;
	[tilespmem:s26+$0x2800] =	vst.add.f32.msk $0xffff, v6;
	v4 =	vsub.f32 v4, v6  }
0x10f: {  	s0 =	sor.u32 $0x380, s25;
	[tilespmem:s26+$0x5800] =	vst.add.f32.msk $0xffff, v6  }
0x110: {  	[tilespmem:s0+$0xB500] =	vst.add.f32.msk $0xffff, v7;
	v5 =	vmul.f32 v4, v3  }
0x111: {  	[tilespmem:s0+$0x8500] =	vst.add.f32.msk $0xffff, v7  }
0x112: {  	[tilespmem:s0+$0x5500] =	vst.add.f32.msk $0xffff, v7;
	v5 =	vsub.f32 v5, v7  }
0x113: {  	[tilespmem:s0+$0x2500] =	vst.add.f32.msk $0xffff, v7  }
0x114: {  	[tilespmem:s26+$0x3D00] =	vst.add.f32.msk $0xffff, v4;
	v6 =	vmul.f32 v5, v3  }
0x115: {  	[tilespmem:s26+$0x6D00] =	vst.add.f32.msk $0xffff, v4  }
0x116: {  	[tilespmem:s26+$0x3D80] =	vst.add.f32.msk $0xffff, v5;
	v7 =	vsub.f32 v6, v4  }
0x117: {  	[tilespmem:s26+$0x6D80] =	vst.add.f32.msk $0xffff, v5  }
0x118: {  	[tilespmem:s26+$0x3E00] =	vst.add.f32.msk $0xffff, v7;
	v6 =	vmul.f32 v7, v3  }
0x119: {  	[tilespmem:s26+$0x6E00] =	vst.add.f32.msk $0xffff, v7  }
0x11a: {  	[tilespmem:s26+$0x9E00] =	vst.add.f32.msk $0xffff, v7;
	v6 =	vsub.f32 v6, v5  }
0x11b: {  	[tilespmem:s26+$0xCE00] =	vst.add.f32.msk $0xffff, v7  }
0x11c: {  	[tilespmem:s26+$0xCE80] =	vst.add.f32.msk $0xffff, v6;
	v8 =	vmul.f32 v6, v3  }
0x11d: {  	s31 =	simm.s32 $0x1C10;
	s29 =	sshll.u32 s24, $0x2;
	[tilespmem:s26+$0x6E80] =	vst.add.f32.msk $0xffff, v6  }
0x11e: {  	s30 =	sshrl.u32 s13, $0x2;
	[dreg:$0x11] =	wrdreg s29;
	s0 =	simm.s32 $0x80;
	[tilespmem:s26+$0x9E80] =	vst.add.f32.msk $0xffff, v6;
	v7 =	vsub.f32 v8, v7  }
.LBB2_3:
0x11f: {  	s25 =	sand.u32 $0x7FFFFC00, s0  }
0x120: {  	[tilespmem:s26+$0x3E80] =	vst.add.f32.msk $0xffff, v6;
	s20 =	sadd.s32 $0x10, s20;
	s2 =	smov.u32 s0;
	s29 =	sadd.s32 $0x80, s0  }
0x121: {  	p0 =	sne.s32 s0, $0x1780;
	s9 =	sand.u32 $0x70, s20;
	s10 =	sadd.s32 s25, s19;
	[tilespmem:s26+$0xCD80] =	vst.add.f32.msk $0xffff, v5;
	v8 =	vmul.f32 v7, v3  }
0x122: {  	s0 =	sadd.s32 s9, s10;
	s10 =	sshrl.u32 s25, $0x2;
	[tilespmem:s26+$0x9D80] =	vst.add.f32.msk $0xffff, v5  }
0x123: {  	[tilespmem:s26+$0x9F00] =	vst.add.f32.msk $0xffff, v7;
	v5 =	vsub.f32 v8, v6  }
0x124: {  	[tilespmem:s26+$0x6F00] =	vst.add.f32.msk $0xffff, v7  }
0x125: {  	[tilespmem:s26+$0xCD00] =	vst.add.f32.msk $0xffff, v4;
	v6 =	vmul.f32 v5, v3  }
0x126: {  	[tilespmem:s26+$0x3F00] =	vst.add.f32.msk $0xffff, v7  }
0x127: {  	[tilespmem:s26+$0xCF00] =	vst.add.f32.msk $0xffff, v7;
	v6 =	vsub.f32 v6, v7  }
0x128: {  	[tilespmem:s26+$0xCF80] =	vst.add.f32.msk $0xffff, v5  }
0x129: {  	[tilespmem:s26+$0x9F80] =	vst.add.f32.msk $0xffff, v5;
	v7 =	vmul.f32 v6, v3  }
0x12a: {  	[tilespmem:s26+$0x6F80] =	vst.add.f32.msk $0xffff, v5  }
0x12b: {  	[tilespmem:s26+$0x3F80] =	vst.add.f32.msk $0xffff, v5;
	v5 =	vsub.f32 v7, v5  }
0x12c: {  	[tilespmem:s26+$0xD000] =	vst.add.f32.msk $0xffff, v6  }
0x12d: {  	[tilespmem:s26+$0xA000] =	vst.add.f32.msk $0xffff, v6;
	v7 =	vmul.f32 v5, v3  }
0x12e: {  	[tilespmem:s26+$0x7000] =	vst.add.f32.msk $0xffff, v6  }
0x12f: {  	[tilespmem:s26+$0x4000] =	vst.add.f32.msk $0xffff, v6;
	v6 =	vsub.f32 v7, v6  }
0x130: {  	[tilespmem:s26+$0xD080] =	vst.add.f32.msk $0xffff, v5  }
0x131: {  	[tilespmem:s26+$0xA080] =	vst.add.f32.msk $0xffff, v5;
	v3 =	vmul.f32 v6, v3  }
0x132: {  	[tilespmem:s26+$0x7080] =	vst.add.f32.msk $0xffff, v5  }
0x133: {  	[tilespmem:s26+$0x4080] =	vst.add.f32.msk $0xffff, v5;
	v3 =	vsub.f32 v3, v5  }
0x134: {  	[tilespmem:s26+$0x9D00] =	vst.add.f32.msk $0xffff, v4;
	s26 =	sor.u32 s8, s30;
	s8 =	smov.u32 s9;
	s30 =	smov.u32 s10  }
0x135: {  	[tilespmem:s26+$0x1F00] =	vst v6  }
0x136: {  	[tilespmem:s26+$0x1F80] =	vst v3;
	_ =	sdelay $0x2  }
0x137: {  	v3 =	vld [tilespmem:s31+$0x0]  }
0x138: {  	v4 =	vld [tilespmem:s0+$0x80]  }
0x139: {  	v5 =	vld [tilespmem:s0+$0x0];
	_ =	sdelay $0x2  }
0x13a: {  	s26 =	sor.u32 s8, s25  }
0x13b: {  	[tilespmem:s26+$0xB580] =	vst.add.f32.msk $0xffff, v4;
	v6 =	vmul.f32 v4, v3  }
0x13c: {  	[tilespmem:s26+$0x8580] =	vst.add.f32.msk $0xffff, v4  }
0x13d: {  	[tilespmem:s26+$0x5580] =	vst.add.f32.msk $0xffff, v4;
	v6 =	vsub.f32 v6, v5  }
0x13e: {  	[tilespmem:s26+$0x2580] =	vst.add.f32.msk $0xffff, v4  }
0x13f: {  	[tilespmem:s26+$0x2500] =	vst.add.f32.msk $0xffff, v5;
	v7 =	vmul.f32 v6, v3  }
0x140: {  	[tilespmem:s26+$0x5500] =	vst.add.f32.msk $0xffff, v5  }
0x141: {  	[tilespmem:s26+$0x8500] =	vst.add.f32.msk $0xffff, v5;
	v4 =	vsub.f32 v7, v4  }
0x142: {  	[tilespmem:s26+$0x2600] =	vst.add.f32.msk $0xffff, v6  }
0x143: {  	[tilespmem:s26+$0x5600] =	vst.add.f32.msk $0xffff, v6;
	v7 =	vmul.f32 v4, v3  }
0x144: {  	[tilespmem:s26+$0x8600] =	vst.add.f32.msk $0xffff, v6  }
0x145: {  	[tilespmem:s26+$0xB600] =	vst.add.f32.msk $0xffff, v6;
	v6 =	vsub.f32 v7, v6  }
0x146: {  	[tilespmem:s26+$0x2680] =	vst.add.f32.msk $0xffff, v4  }
0x147: {  	[tilespmem:s26+$0x5680] =	vst.add.f32.msk $0xffff, v4;
	v7 =	vmul.f32 v6, v3  }
0x148: {  	[tilespmem:s26+$0x8680] =	vst.add.f32.msk $0xffff, v4  }
0x149: {  	[tilespmem:s26+$0xB680] =	vst.add.f32.msk $0xffff, v4;
	v4 =	vsub.f32 v7, v4  }
0x14a: {  	[tilespmem:s26+$0x5700] =	vst.add.f32.msk $0xffff, v6  }
0x14b: {  	[tilespmem:s26+$0x8700] =	vst.add.f32.msk $0xffff, v6;
	v7 =	vmul.f32 v4, v3  }
0x14c: {  	[tilespmem:s26+$0xB700] =	vst.add.f32.msk $0xffff, v6  }
0x14d: {  	[tilespmem:s26+$0x2700] =	vst.add.f32.msk $0xffff, v6;
	v6 =	vsub.f32 v7, v6  }
0x14e: {  	[tilespmem:s26+$0xB500] =	vst.add.f32.msk $0xffff, v5  }
0x14f: {  	[tilespmem:s26+$0xB780] =	vst.add.f32.msk $0xffff, v4;
	v5 =	vmul.f32 v6, v3  }
0x150: {  	[tilespmem:s26+$0x2780] =	vst.add.f32.msk $0xffff, v4  }
0x151: {  	[tilespmem:s26+$0x5780] =	vst.add.f32.msk $0xffff, v4;
	v7 =	vsub.f32 v5, v4  }
0x152: {  	[tilespmem:s26+$0x8780] =	vst.add.f32.msk $0xffff, v4  }
0x153: {  	[tilespmem:s26+$0xB800] =	vst.add.f32.msk $0xffff, v6;
	v4 =	vmul.f32 v7, v3  }
0x154: {  	[tilespmem:s26+$0x8800] =	vst.add.f32.msk $0xffff, v6  }
0x155: {  	s0 =	sor.u32 s2, s20;
	[tilespmem:s26+$0x2800] =	vst.add.f32.msk $0xffff, v6;
	v4 =	vsub.f32 v4, v6  }
0x156: {  	s0 =	sor.u32 $0x380, s0;
	[tilespmem:s26+$0x5800] =	vst.add.f32.msk $0xffff, v6  }
0x157: {  	[tilespmem:s0+$0xB500] =	vst.add.f32.msk $0xffff, v7;
	v5 =	vmul.f32 v4, v3  }
0x158: {  	[tilespmem:s0+$0x8500] =	vst.add.f32.msk $0xffff, v7  }
0x159: {  	[tilespmem:s0+$0x5500] =	vst.add.f32.msk $0xffff, v7;
	v5 =	vsub.f32 v5, v7  }
0x15a: {  	[tilespmem:s0+$0x2500] =	vst.add.f32.msk $0xffff, v7  }
0x15b: {  	[tilespmem:s26+$0x3D80] =	vst.add.f32.msk $0xffff, v5;
	v6 =	vmul.f32 v5, v3  }
0x15c: {  	[tilespmem:s26+$0x6D80] =	vst.add.f32.msk $0xffff, v5  }
0x15d: {  	[tilespmem:s26+$0x3D00] =	vst.add.f32.msk $0xffff, v4;
	v7 =	vsub.f32 v6, v4  }
0x15e: {  	[tilespmem:s26+$0x6D00] =	vst.add.f32.msk $0xffff, v4  }
0x15f: {  	[tilespmem:s26+$0x3E00] =	vst.add.f32.msk $0xffff, v7;
	v6 =	vmul.f32 v7, v3  }
0x160: {  	[tilespmem:s26+$0x6E00] =	vst.add.f32.msk $0xffff, v7  }
.Ltmp0:
0x161: {  	[tilespmem:s26+$0x9E00] =	vst.add.f32.msk $0xffff, v7;
	v6 =	vsub.f32 v6, v5;
	(pc) =	sbr.rel @p0 .LBB2_3-.Ltmp0, $4  }
0x162: {  	[tilespmem:s26+$0xCE00] =	vst.add.f32.msk $0xffff, v7  }
0x163: {  	[tilespmem:s26+$0xCE80] =	vst.add.f32.msk $0xffff, v6;
	v8 =	vmul.f32 v6, v3  }
0x164: {  	[tilespmem:s26+$0x6E80] =	vst.add.f32.msk $0xffff, v6  }
0x165: {  	s31 =	sadd.s32 $0x10, s31;
	s0 =	smov.u32 s29;
	[tilespmem:s26+$0x9E80] =	vst.add.f32.msk $0xffff, v6;
	v7 =	vsub.f32 v8, v7  }
0x166: {  	[tilespmem:s26+$0x3E80] =	vst.add.f32.msk $0xffff, v6  }
0x167: {  	[tilespmem:s26+$0xCD80] =	vst.add.f32.msk $0xffff, v5  }
0x168: {  	[tilespmem:s26+$0x9D80] =	vst.add.f32.msk $0xffff, v5;
	v8 =	vmul.f32 v7, v3  }
0x169: {  	[tilespmem:s26+$0xCD00] =	vst.add.f32.msk $0xffff, v4  }
0x16a: {  	[tilespmem:s26+$0x9D00] =	vst.add.f32.msk $0xffff, v4;
	v5 =	vsub.f32 v8, v6  }
0x16b: {  	[tilespmem:s26+$0x9F00] =	vst.add.f32.msk $0xffff, v7  }
0x16c: {  	[tilespmem:s26+$0x6F00] =	vst.add.f32.msk $0xffff, v7;
	v6 =	vmul.f32 v5, v3  }
0x16d: {  	[tilespmem:s26+$0x3F00] =	vst.add.f32.msk $0xffff, v7  }
0x16e: {  	[tilespmem:s26+$0xCF00] =	vst.add.f32.msk $0xffff, v7;
	v6 =	vsub.f32 v6, v7  }
0x16f: {  	[tilespmem:s26+$0xCF80] =	vst.add.f32.msk $0xffff, v5  }
0x170: {  	[tilespmem:s26+$0x9F80] =	vst.add.f32.msk $0xffff, v5;
	v7 =	vmul.f32 v6, v3  }
0x171: {  	[tilespmem:s26+$0x6F80] =	vst.add.f32.msk $0xffff, v5  }
0x172: {  	[tilespmem:s26+$0x3F80] =	vst.add.f32.msk $0xffff, v5;
	v5 =	vsub.f32 v7, v5  }
0x173: {  	[tilespmem:s26+$0xD000] =	vst.add.f32.msk $0xffff, v6  }
0x174: {  	[tilespmem:s26+$0xA000] =	vst.add.f32.msk $0xffff, v6;
	v7 =	vmul.f32 v5, v3  }
0x175: {  	[tilespmem:s26+$0x7000] =	vst.add.f32.msk $0xffff, v6  }
0x176: {  	[tilespmem:s26+$0x4000] =	vst.add.f32.msk $0xffff, v6;
	v6 =	vsub.f32 v7, v6  }
0x177: {  	[tilespmem:s26+$0xD080] =	vst.add.f32.msk $0xffff, v5  }
0x178: {  	s0 =	sor.u32 s6, s28;
	[tilespmem:s26+$0xA080] =	vst.add.f32.msk $0xffff, v5;
	v3 =	vmul.f32 v6, v3  }
0x179: {  	s0 =	sshrl.u32 s0, $0x3;
	[tilespmem:s26+$0x7080] =	vst.add.f32.msk $0xffff, v5  }
0x17a: {  	s2 =	sor.u32 s8, s30;
	s18 =	sor.u32 s14, s28;
	s0 =	smul.u32 $0x300, s0;
	[tilespmem:s26+$0x4080] =	vst.add.f32.msk $0xffff, v5;
	v3 =	vsub.f32 v3, v5  }
0x17b: {  	s20 =	simm.s32 $0x0;
	s9 =	simm.s32 $0x2500;
	s8 =	sshrl.u32 s18, $0x3;
	[tilespmem:s2+$0x1F00] =	vst v6  }
0x17c: {  	s25 =	sor.u32 s15, s28;
	s19 =	smul.u32 $0x300, s8;
	s0 =	sadd.s32 s4, s0;
	[tilespmem:s2+$0x1F80] =	vst v3  }
0x17d: {  	[hbm4b:s0+s20] =	stream.linear.scatter [tilespmem:s9], [sflag:$0x9], $0x3000, $0x38;
	[tilespmem:$0x1A500] =	vst v63  }
0x17e: {  	s21 =	sadd.s32 s4, s19;
	s26 =	sor.u32 s16, s28;
	s0 =	sshrl.u32 s25, $0x3  }
0x17f: {  	s19 =	simm.s32 $0x5500;
	s2 =	sshrl.u32 s26, $0x3;
	s0 =	smul.u32 $0x300, s0  }
0x180: {  	[hbm4b:s21+s20] =	stream.linear.scatter [tilespmem:s19], [sflag:$0xA], $0x3000, $0x38;
	[tilespmem:$0x1A500] =	vst v63  }
0x181: {  	s2 =	smul.u32 $0x300, s2;
	s25 =	simm.s32 $0x8500;
	s0 =	sadd.s32 s4, s0  }
0x182: {  	[hbm4b:s0+s20] =	stream.linear.scatter [tilespmem:s25], [sflag:$0xB], $0x3000, $0x38;
	[tilespmem:$0x1A500] =	vst v63  }
0x183: {  	s29 =	simm.s32 $0x9;
	s26 =	simm.s32 $0xB500;
	s2 =	sadd.s32 s4, s2  }
0x184: {  	[hbm4b:s2+s20] =	stream.linear.scatter [tilespmem:s26], [sflag:$0xC], $0x3000, $0x38;
	[tilespmem:$0x1A500] =	vst v63  }
0x185: {  	s8 =	sor.u32 $0x20, s28;
	_ =	swait.ge [sflag:s29], $0x3000  }
0x186: {  	s0 =	sand.u32 $0x60, s8;
	[sflag:s29] =	ssyncset.done $0x0  }
0x187: {  	s2 =	sadd.s32 s0, s17;
	[sflag:s29] =	ssyncadd.s32 $0xFFFFD000  }
0x188: {  	v3 =	vld [tilespmem:s2+$0x0];
	_ =	sdelay $0x4  }
0x189: {  	v4 =	vshrl.u32 v3, $0x3  }
0x18a: {  	v4 =	vmul.u32 $0x30, v4  }
0x18b: {  	v3 =	vand.u32 $0x7, v3  }
0x18c: {  	v3 =	vor.u32 v3, v4  }
0x18d: {  	v4 =	vperm.xlane v3, v0;
	_ =	sdelay $0x1  }
0x18e: {  	v4 =	vadd.s32 v1, v4;
	_ =	sdelay $0x3  }
0x18f: {  	v3 =	vperm.xlane v3, v2  }
0x190: {  	[tilespmem:s9], [sflag:$0x1] =	stream.indirect_vreg.gather [hbm4b:s1+s20], $0x80, v4, vm0, $0xb8;
	[tilespmem:$0x1A500] =	vst v63  }
0x191: {  	s7 =	simm.s32 $0x2D00;
	v3 =	vadd.s32 v1, v3  }
0x192: {  	[tilespmem:s7], [sflag:$0x1] =	stream.indirect_vreg.gather [hbm4b:s11+s20], $0x80, v4, vm0, $0xb8;
	[tilespmem:$0x1A500] =	vst v63  }
0x193: {  	s10 =	simm.s32 $0x3500  }
0x194: {  	[tilespmem:s10], [sflag:$0x1] =	stream.indirect_vreg.gather [hbm4b:s12+s20], $0x80, v4, vm0, $0xb8;
	[tilespmem:$0x1A500] =	vst v63  }
0x195: {  	s18 =	simm.s32 $0x3D00  }
0x196: {  	[tilespmem:s18], [sflag:$0x1] =	stream.indirect_vreg.gather [hbm4b:s1+s20], $0x80, v3, vm0, $0xb8;
	[tilespmem:$0x1A500] =	vst v63  }
0x197: {  	s21 =	simm.s32 $0x4500  }
0x198: {  	[tilespmem:s21], [sflag:$0x1] =	stream.indirect_vreg.gather [hbm4b:s11+s20], $0x80, v3, vm0, $0xb8;
	[tilespmem:$0x1A500] =	vst v63  }
0x199: {  	s7 =	simm.s32 $0x4D00;
	s10 =	simm.s32 $0xA  }
0x19a: {  	[tilespmem:s7], [sflag:$0x1] =	stream.indirect_vreg.gather [hbm4b:s12+s20], $0x80, v3, vm0, $0xb8;
	[tilespmem:$0x1A500] =	vst v63  }
0x19b: {  	_ =	swait.ge [sflag:s10], $0x3000  }
0x19c: {  	[sflag:s10] =	ssyncset.done $0x0  }
0x19d: {  	[sflag:s10] =	ssyncadd.s32 $0xFFFFD000  }
0x19e: {  	v3 =	vld [tilespmem:s2+$0x80];
	_ =	sdelay $0x4  }
0x19f: {  	v4 =	vshrl.u32 v3, $0x3  }
0x1a0: {  	v4 =	vmul.u32 $0x30, v4  }
0x1a1: {  	v3 =	vand.u32 $0x7, v3  }
0x1a2: {  	v3 =	vor.u32 v3, v4  }
0x1a3: {  	v4 =	vperm.xlane v3, v0;
	_ =	sdelay $0x1  }
0x1a4: {  	v4 =	vadd.s32 v1, v4;
	_ =	sdelay $0x3  }
0x1a5: {  	v3 =	vperm.xlane v3, v2  }
0x1a6: {  	[tilespmem:s19], [sflag:$0x2] =	stream.indirect_vreg.gather [hbm4b:s1+s20], $0x80, v4, vm0, $0xb8;
	[tilespmem:$0x1A500] =	vst v63  }
0x1a7: {  	s9 =	simm.s32 $0x5D00;
	v3 =	vadd.s32 v1, v3  }
0x1a8: {  	[tilespmem:s9], [sflag:$0x2] =	stream.indirect_vreg.gather [hbm4b:s11+s20], $0x80, v4, vm0, $0xb8;
	[tilespmem:$0x1A500] =	vst v63  }
0x1a9: {  	s19 =	simm.s32 $0x6500  }
0x1aa: {  	[tilespmem:s19], [sflag:$0x2] =	stream.indirect_vreg.gather [hbm4b:s12+s20], $0x80, v4, vm0, $0xb8;
	[tilespmem:$0x1A500] =	vst v63  }
0x1ab: {  	s21 =	simm.s32 $0x6D00  }
0x1ac: {  	[tilespmem:s21], [sflag:$0x2] =	stream.indirect_vreg.gather [hbm4b:s1+s20], $0x80, v3, vm0, $0xb8;
	[tilespmem:$0x1A500] =	vst v63  }
0x1ad: {  	s7 =	simm.s32 $0x7500  }
0x1ae: {  	[tilespmem:s7], [sflag:$0x2] =	stream.indirect_vreg.gather [hbm4b:s11+s20], $0x80, v3, vm0, $0xb8;
	[tilespmem:$0x1A500] =	vst v63  }
0x1af: {  	s9 =	simm.s32 $0x7D00;
	s19 =	simm.s32 $0xB  }
0x1b0: {  	[tilespmem:s9], [sflag:$0x2] =	stream.indirect_vreg.gather [hbm4b:s12+s20], $0x80, v3, vm0, $0xb8;
	[tilespmem:$0x1A500] =	vst v63  }
0x1b1: {  	_ =	swait.ge [sflag:s19], $0x3000  }
0x1b2: {  	s0 =	sor.u32 s3, s0;
	[sflag:s19] =	ssyncset.done $0x0  }
0x1b3: {  	s21 =	sor.u32 $0x100, s0;
	[sflag:s19] =	ssyncadd.s32 $0xFFFFD000  }
0x1b4: {  	v3 =	vld [tilespmem:s21+$0x0];
	_ =	sdelay $0x4  }
0x1b5: {  	v4 =	vshrl.u32 v3, $0x3  }
0x1b6: {  	v4 =	vmul.u32 $0x30, v4  }
0x1b7: {  	v3 =	vand.u32 $0x7, v3  }
0x1b8: {  	v3 =	vor.u32 v3, v4  }
0x1b9: {  	v4 =	vperm.xlane v3, v0;
	_ =	sdelay $0x1  }
0x1ba: {  	v4 =	vadd.s32 v1, v4;
	_ =	sdelay $0x3  }
0x1bb: {  	v3 =	vperm.xlane v3, v2  }
0x1bc: {  	[tilespmem:s25], [sflag:$0x3] =	stream.indirect_vreg.gather [hbm4b:s1+s20], $0x80, v4, vm0, $0xb8;
	[tilespmem:$0x1A500] =	vst v63  }
0x1bd: {  	s7 =	simm.s32 $0x8D00;
	v3 =	vadd.s32 v1, v3  }
0x1be: {  	[tilespmem:s7], [sflag:$0x3] =	stream.indirect_vreg.gather [hbm4b:s11+s20], $0x80, v4, vm0, $0xb8;
	[tilespmem:$0x1A500] =	vst v63  }
0x1bf: {  	s9 =	simm.s32 $0x9500  }
0x1c0: {  	[tilespmem:s9], [sflag:$0x3] =	stream.indirect_vreg.gather [hbm4b:s12+s20], $0x80, v4, vm0, $0xb8;
	[tilespmem:$0x1A500] =	vst v63  }
0x1c1: {  	s19 =	simm.s32 $0x9D00  }
0x1c2: {  	[tilespmem:s19], [sflag:$0x3] =	stream.indirect_vreg.gather [hbm4b:s1+s20], $0x80, v3, vm0, $0xb8;
	[tilespmem:$0x1A500] =	vst v63  }
0x1c3: {  	s25 =	simm.s32 $0xA500  }
0x1c4: {  	[tilespmem:s25], [sflag:$0x3] =	stream.indirect_vreg.gather [hbm4b:s11+s20], $0x80, v3, vm0, $0xb8;
	[tilespmem:$0x1A500] =	vst v63  }
0x1c5: {  	s7 =	simm.s32 $0xAD00;
	s9 =	simm.s32 $0xC  }
0x1c6: {  	[tilespmem:s7], [sflag:$0x3] =	stream.indirect_vreg.gather [hbm4b:s12+s20], $0x80, v3, vm0, $0xb8;
	[tilespmem:$0x1A500] =	vst v63  }
0x1c7: {  	_ =	swait.ge [sflag:s9], $0x3000  }
0x1c8: {  	[sflag:s9] =	ssyncset.done $0x0  }
0x1c9: {  	s0 =	sor.u32 $0x180, s0;
	[sflag:s9] =	ssyncadd.s32 $0xFFFFD000  }
0x1ca: {  	v3 =	vld [tilespmem:s0+$0x0];
	_ =	sdelay $0x4  }
0x1cb: {  	v4 =	vshrl.u32 v3, $0x3  }
0x1cc: {  	v4 =	vmul.u32 $0x30, v4  }
0x1cd: {  	v3 =	vand.u32 $0x7, v3  }
0x1ce: {  	v3 =	vor.u32 v3, v4  }
0x1cf: {  	v4 =	vperm.xlane v3, v0;
	_ =	sdelay $0x1  }
0x1d0: {  	v4 =	vadd.s32 v1, v4;
	_ =	sdelay $0x3  }
0x1d1: {  	v3 =	vperm.xlane v3, v2  }
0x1d2: {  	[tilespmem:s26], [sflag:$0x4] =	stream.indirect_vreg.gather [hbm4b:s1+s20], $0x80, v4, vm0, $0xb8;
	[tilespmem:$0x1A500] =	vst v63  }
0x1d3: {  	s19 =	simm.s32 $0xBD00;
	v3 =	vadd.s32 v1, v3  }
0x1d4: {  	[tilespmem:s19], [sflag:$0x4] =	stream.indirect_vreg.gather [hbm4b:s11+s20], $0x80, v4, vm0, $0xb8;
	[tilespmem:$0x1A500] =	vst v63  }
0x1d5: {  	s25 =	simm.s32 $0xC500  }
0x1d6: {  	[tilespmem:s25], [sflag:$0x4] =	stream.indirect_vreg.gather [hbm4b:s12+s20], $0x80, v4, vm0, $0xb8;
	[tilespmem:$0x1A500] =	vst v63  }
0x1d7: {  	s26 =	simm.s32 $0xCD00  }
0x1d8: {  	[tilespmem:s26], [sflag:$0x4] =	stream.indirect_vreg.gather [hbm4b:s1+s20], $0x80, v3, vm0, $0xb8;
	[tilespmem:$0x1A500] =	vst v63  }
0x1d9: {  	s2 =	simm.s32 $0xD500  }
0x1da: {  	[tilespmem:s2], [sflag:$0x4] =	stream.indirect_vreg.gather [hbm4b:s11+s20], $0x80, v3, vm0, $0xb8;
	[tilespmem:$0x1A500] =	vst v63  }
0x1db: {  	s9 =	simm.s32 $0xDD00;
	s19 =	simm.s32 $0x5  }
0x1dc: {  	[tilespmem:s9], [sflag:$0x4] =	stream.indirect_vreg.gather [hbm4b:s12+s20], $0x80, v3, vm0, $0xb8;
	[tilespmem:$0x1A500] =	vst v63  }
0x1dd: {  	_ =	swait.ge [sflag:s19], $0x3000  }
0x1de: {  	[sflag:s19] =	ssyncset.done $0x0  }
0x1df: {  	s25 =	simm.s32 $0x6;
	[sflag:s19] =	ssyncadd.s32 $0xFFFFD000  }
0x1e0: {  	_ =	swait.ge [sflag:s25], $0x3000  }
0x1e1: {  	[sflag:s25] =	ssyncset.done $0x0  }
0x1e2: {  	s26 =	simm.s32 $0x7;
	[sflag:s25] =	ssyncadd.s32 $0xFFFFD000  }
0x1e3: {  	_ =	swait.ge [sflag:s26], $0x3000  }
0x1e4: {  	[sflag:s26] =	ssyncset.done $0x0  }
0x1e5: {  	[sflag:s26] =	ssyncadd.s32 $0xFFFFD000  }
0x1e6: {  	s2 =	sand.u32 $0x7FFFFC00, s20;
	_ =	swait.ge [sflag:s23], $0x3000  }
0x1e7: {  	s19 =	sshrl.u32 s2, $0x2;
	s25 =	sand.u32 $0x70, s20;
	[sflag:s23] =	ssyncset.done $0x0  }
0x1e8: {  	s26 =	sor.u32 s25, s19;
	[sflag:s23] =	ssyncadd.s32 $0xFFFFD000  }
0x1e9: {  	s30 =	simm.s32 $0x1C00;
	v4 =	vld [tilespmem:s26+$0x1F80]  }
0x1ea: {  	v3 =	vld [tilespmem:s30+$0x0];
	_ =	sdelay $0x1  }
0x1eb: {  	v5 =	vld [tilespmem:s26+$0x1F00]  }
0x1ec: {  	s19 =	sor.u32 s25, s2  }
0x1ed: {  	[tilespmem:s19+$0x17580] =	vst.add.f32.msk $0xffff, v4  }
0x1ee: {  	[tilespmem:s19+$0x11580] =	vst.add.f32.msk $0xffff, v4;
	v6 =	vmul.f32 v4, v3  }
0x1ef: {  	[tilespmem:s19+$0x14580] =	vst.add.f32.msk $0xffff, v4  }
0x1f0: {  	[tilespmem:s19+$0xE580] =	vst.add.f32.msk $0xffff, v4;
	v6 =	vsub.f32 v6, v5  }
0x1f1: {  	[tilespmem:s19+$0x14500] =	vst.add.f32.msk $0xffff, v5  }
0x1f2: {  	[tilespmem:s19+$0x11500] =	vst.add.f32.msk $0xffff, v5;
	v7 =	vmul.f32 v6, v3  }
0x1f3: {  	[tilespmem:s19+$0xE500] =	vst.add.f32.msk $0xffff, v5  }
0x1f4: {  	[tilespmem:s19+$0x17500] =	vst.add.f32.msk $0xffff, v5;
	v4 =	vsub.f32 v7, v4  }
0x1f5: {  	[tilespmem:s19+$0x17600] =	vst.add.f32.msk $0xffff, v6  }
0x1f6: {  	[tilespmem:s19+$0x11600] =	vst.add.f32.msk $0xffff, v6;
	v5 =	vmul.f32 v4, v3  }
0x1f7: {  	[tilespmem:s19+$0xE600] =	vst.add.f32.msk $0xffff, v6  }
0x1f8: {  	[tilespmem:s19+$0x14600] =	vst.add.f32.msk $0xffff, v6;
	v5 =	vsub.f32 v5, v6  }
0x1f9: {  	[tilespmem:s19+$0x14680] =	vst.add.f32.msk $0xffff, v4  }
0x1fa: {  	[tilespmem:s19+$0xE680] =	vst.add.f32.msk $0xffff, v4;
	v7 =	vmul.f32 v5, v3  }
0x1fb: {  	[tilespmem:s19+$0x17680] =	vst.add.f32.msk $0xffff, v4  }
0x1fc: {  	[tilespmem:s19+$0x11680] =	vst.add.f32.msk $0xffff, v4;
	v4 =	vsub.f32 v7, v4  }
0x1fd: {  	[tilespmem:s19+$0xE700] =	vst.add.f32.msk $0xffff, v5  }
0x1fe: {  	[tilespmem:s19+$0x17700] =	vst.add.f32.msk $0xffff, v5;
	v7 =	vmul.f32 v4, v3  }
0x1ff: {  	[tilespmem:s19+$0x14700] =	vst.add.f32.msk $0xffff, v5  }
0x200: {  	[tilespmem:s19+$0x11700] =	vst.add.f32.msk $0xffff, v5;
	v5 =	vsub.f32 v7, v5  }
0x201: {  	[tilespmem:s19+$0x11780] =	vst.add.f32.msk $0xffff, v4  }
0x202: {  	[tilespmem:s19+$0xE780] =	vst.add.f32.msk $0xffff, v4;
	v7 =	vmul.f32 v5, v3  }
0x203: {  	[tilespmem:s19+$0x17780] =	vst.add.f32.msk $0xffff, v4  }
0x204: {  	[tilespmem:s19+$0x14780] =	vst.add.f32.msk $0xffff, v4;
	v4 =	vsub.f32 v7, v4  }
0x205: {  	[tilespmem:s19+$0x17800] =	vst.add.f32.msk $0xffff, v5  }
0x206: {  	[tilespmem:s19+$0xE800] =	vst.add.f32.msk $0xffff, v5;
	v6 =	vmul.f32 v4, v3  }
0x207: {  	s25 =	sor.u32 s20, s20;
	[tilespmem:s19+$0x11800] =	vst.add.f32.msk $0xffff, v5  }
0x208: {  	s0 =	sor.u32 $0x380, s25;
	[tilespmem:s19+$0x14800] =	vst.add.f32.msk $0xffff, v5;
	v5 =	vsub.f32 v6, v5  }
0x209: {  	[tilespmem:s0+$0x14500] =	vst.add.f32.msk $0xffff, v4  }
0x20a: {  	[tilespmem:s0+$0x17500] =	vst.add.f32.msk $0xffff, v4;
	v6 =	vmul.f32 v5, v3  }
0x20b: {  	[tilespmem:s0+$0x11500] =	vst.add.f32.msk $0xffff, v4  }
0x20c: {  	[tilespmem:s0+$0xE500] =	vst.add.f32.msk $0xffff, v4;
	v7 =	vsub.f32 v6, v4  }
0x20d: {  	[tilespmem:s19+$0xFD00] =	vst.add.f32.msk $0xffff, v5  }
0x20e: {  	[tilespmem:s19+$0x15D00] =	vst.add.f32.msk $0xffff, v5;
	v4 =	vmul.f32 v7, v3  }
0x20f: {  	[tilespmem:s19+$0x18D80] =	vst.add.f32.msk $0xffff, v7  }
0x210: {  	[tilespmem:s19+$0x15D80] =	vst.add.f32.msk $0xffff, v7;
	v4 =	vsub.f32 v4, v5  }
0x211: {  	[tilespmem:s19+$0x12D80] =	vst.add.f32.msk $0xffff, v7  }
0x212: {  	[tilespmem:s19+$0x18E00] =	vst.add.f32.msk $0xffff, v4;
	v6 =	vmul.f32 v4, v3  }
0x213: {  	s13 =	simm.s32 $0x2500;
	s31 =	simm.s32 $0x80;
	[tilespmem:s19+$0x15E00] =	vst.add.f32.msk $0xffff, v4  }
0x214: {  	s18 =	simm.s32 $0x5500;
	s21 =	simm.s32 $0x8500;
	s7 =	simm.s32 $0xB500;
	[tilespmem:s19+$0x12E00] =	vst.add.f32.msk $0xffff, v4;
	v6 =	vsub.f32 v6, v7  }
.LBB2_5:
0x215: {  	p0 =	sne.s32 s31, $0x1780;
	[tilespmem:s19+$0xFD80] =	vst.add.f32.msk $0xffff, v7;
	s20 =	sadd.s32 $0x10, s20;
	s30 =	sadd.s32 $0x10, s30  }
0x216: {  	s0 =	smov.u32 s31;
	s31 =	sadd.s32 $0x80, s31;
	[tilespmem:s19+$0x18E80] =	vst.add.f32.msk $0xffff, v6;
	v7 =	vmul.f32 v6, v3  }
0x217: {  	[tilespmem:s19+$0x15E80] =	vst.add.f32.msk $0xffff, v6  }
0x218: {  	[tilespmem:s19+$0x12E80] =	vst.add.f32.msk $0xffff, v6;
	v7 =	vsub.f32 v7, v4  }
0x219: {  	[tilespmem:s19+$0xFE80] =	vst.add.f32.msk $0xffff, v6  }
0x21a: {  	s2 =	sand.u32 $0x7FFFFC00, s0;
	[tilespmem:s19+$0x12D00] =	vst.add.f32.msk $0xffff, v5;
	v8 =	vmul.f32 v7, v3  }
0x21b: {  	s25 =	sand.u32 $0x70, s20;
	s9 =	sshrl.u32 s2, $0x2;
	[tilespmem:s19+$0x12F00] =	vst.add.f32.msk $0xffff, v7  }
0x21c: {  	s9 =	sor.u32 s25, s9;
	[tilespmem:s19+$0x15F00] =	vst.add.f32.msk $0xffff, v7;
	v6 =	vsub.f32 v8, v6  }
0x21d: {  	[tilespmem:s19+$0x18F00] =	vst.add.f32.msk $0xffff, v7  }
0x21e: {  	[tilespmem:s19+$0x18D00] =	vst.add.f32.msk $0xffff, v5;
	v5 =	vmul.f32 v6, v3  }
0x21f: {  	[tilespmem:s19+$0x18F80] =	vst.add.f32.msk $0xffff, v6  }
0x220: {  	[tilespmem:s19+$0x12F80] =	vst.add.f32.msk $0xffff, v6;
	v5 =	vsub.f32 v5, v7  }
0x221: {  	[tilespmem:s19+$0xFF80] =	vst.add.f32.msk $0xffff, v6  }
0x222: {  	[tilespmem:s19+$0xFF00] =	vst.add.f32.msk $0xffff, v7;
	v7 =	vmul.f32 v5, v3  }
0x223: {  	[tilespmem:s19+$0x15F80] =	vst.add.f32.msk $0xffff, v6  }
0x224: {  	[tilespmem:s19+$0x19000] =	vst.add.f32.msk $0xffff, v5;
	v6 =	vsub.f32 v7, v6  }
0x225: {  	[tilespmem:s19+$0x16000] =	vst.add.f32.msk $0xffff, v5  }
0x226: {  	[tilespmem:s19+$0x13000] =	vst.add.f32.msk $0xffff, v5;
	v7 =	vmul.f32 v6, v3  }
0x227: {  	[tilespmem:s19+$0xFE00] =	vst.add.f32.msk $0xffff, v4  }
0x228: {  	[tilespmem:s19+$0x19080] =	vst.add.f32.msk $0xffff, v6;
	v4 =	vsub.f32 v7, v5  }
0x229: {  	[tilespmem:s19+$0x16080] =	vst.add.f32.msk $0xffff, v6  }
0x22a: {  	[tilespmem:s19+$0x13080] =	vst.add.f32.msk $0xffff, v6;
	v3 =	vmul.f32 v4, v3  }
0x22b: {  	[tilespmem:s19+$0x10080] =	vst.add.f32.msk $0xffff, v6  }
0x22c: {  	[tilespmem:s19+$0x10000] =	vst.add.f32.msk $0xffff, v5;
	v3 =	vsub.f32 v3, v6  }
0x22d: {  	[tilespmem:s26+$0x1F00] =	vst v4  }
0x22e: {  	[tilespmem:s26+$0x1F80] =	vst v3;
	s26 =	smov.u32 s9;
	_ =	sdelay $0x6  }
0x22f: {  	v4 =	vld [tilespmem:s26+$0x1F80]  }
0x230: {  	v3 =	vld [tilespmem:s30+$0x0]  }
0x231: {  	v5 =	vld [tilespmem:s26+$0x1F00];
	_ =	sdelay $0x1  }
0x232: {  	s19 =	sor.u32 s25, s2  }
0x233: {  	[tilespmem:s19+$0x17580] =	vst.add.f32.msk $0xffff, v4  }
0x234: {  	[tilespmem:s19+$0x11580] =	vst.add.f32.msk $0xffff, v4;
	v6 =	vmul.f32 v4, v3  }
0x235: {  	[tilespmem:s19+$0x14580] =	vst.add.f32.msk $0xffff, v4  }
0x236: {  	[tilespmem:s19+$0xE580] =	vst.add.f32.msk $0xffff, v4;
	v6 =	vsub.f32 v6, v5  }
0x237: {  	[tilespmem:s19+$0x14500] =	vst.add.f32.msk $0xffff, v5  }
0x238: {  	[tilespmem:s19+$0x11500] =	vst.add.f32.msk $0xffff, v5;
	v7 =	vmul.f32 v6, v3  }
0x239: {  	[tilespmem:s19+$0xE500] =	vst.add.f32.msk $0xffff, v5  }
0x23a: {  	[tilespmem:s19+$0x17500] =	vst.add.f32.msk $0xffff, v5;
	v4 =	vsub.f32 v7, v4  }
0x23b: {  	[tilespmem:s19+$0x17600] =	vst.add.f32.msk $0xffff, v6  }
0x23c: {  	[tilespmem:s19+$0x11600] =	vst.add.f32.msk $0xffff, v6;
	v5 =	vmul.f32 v4, v3  }
0x23d: {  	[tilespmem:s19+$0xE600] =	vst.add.f32.msk $0xffff, v6  }
0x23e: {  	[tilespmem:s19+$0x14680] =	vst.add.f32.msk $0xffff, v4;
	v5 =	vsub.f32 v5, v6  }
0x23f: {  	[tilespmem:s19+$0xE680] =	vst.add.f32.msk $0xffff, v4  }
0x240: {  	[tilespmem:s19+$0x17680] =	vst.add.f32.msk $0xffff, v4;
	v7 =	vmul.f32 v5, v3  }
0x241: {  	[tilespmem:s19+$0x11680] =	vst.add.f32.msk $0xffff, v4  }
0x242: {  	[tilespmem:s19+$0xE700] =	vst.add.f32.msk $0xffff, v5;
	v4 =	vsub.f32 v7, v4  }
0x243: {  	[tilespmem:s19+$0x17700] =	vst.add.f32.msk $0xffff, v5  }
0x244: {  	[tilespmem:s19+$0x14700] =	vst.add.f32.msk $0xffff, v5;
	v7 =	vmul.f32 v4, v3  }
0x245: {  	[tilespmem:s19+$0x11700] =	vst.add.f32.msk $0xffff, v5  }
0x246: {  	[tilespmem:s19+$0x11780] =	vst.add.f32.msk $0xffff, v4;
	v5 =	vsub.f32 v7, v5  }
0x247: {  	[tilespmem:s19+$0xE780] =	vst.add.f32.msk $0xffff, v4  }
0x248: {  	[tilespmem:s19+$0x17780] =	vst.add.f32.msk $0xffff, v4;
	v7 =	vmul.f32 v5, v3  }
0x249: {  	[tilespmem:s19+$0x14780] =	vst.add.f32.msk $0xffff, v4  }
0x24a: {  	[tilespmem:s19+$0x14600] =	vst.add.f32.msk $0xffff, v6;
	v4 =	vsub.f32 v7, v4  }
0x24b: {  	[tilespmem:s19+$0x17800] =	vst.add.f32.msk $0xffff, v5  }
0x24c: {  	[tilespmem:s19+$0xE800] =	vst.add.f32.msk $0xffff, v5;
	v6 =	vmul.f32 v4, v3  }
0x24d: {  	s0 =	sor.u32 s0, s20;
	[tilespmem:s19+$0x11800] =	vst.add.f32.msk $0xffff, v5  }
0x24e: {  	s0 =	sor.u32 $0x380, s0;
	[tilespmem:s19+$0x14800] =	vst.add.f32.msk $0xffff, v5;
	v5 =	vsub.f32 v6, v5  }
0x24f: {  	[tilespmem:s0+$0x14500] =	vst.add.f32.msk $0xffff, v4  }
0x250: {  	[tilespmem:s0+$0x17500] =	vst.add.f32.msk $0xffff, v4;
	v6 =	vmul.f32 v5, v3  }
0x251: {  	[tilespmem:s0+$0x11500] =	vst.add.f32.msk $0xffff, v4  }
0x252: {  	[tilespmem:s0+$0xE500] =	vst.add.f32.msk $0xffff, v4;
	v7 =	vsub.f32 v6, v4  }
0x253: {  	[tilespmem:s19+$0xFD00] =	vst.add.f32.msk $0xffff, v5  }
0x254: {  	[tilespmem:s19+$0x15D00] =	vst.add.f32.msk $0xffff, v5;
	v4 =	vmul.f32 v7, v3  }
0x255: {  	[tilespmem:s19+$0x18D80] =	vst.add.f32.msk $0xffff, v7  }
.Ltmp1:
0x256: {  	[tilespmem:s19+$0x15D80] =	vst.add.f32.msk $0xffff, v7;
	v4 =	vsub.f32 v4, v5;
	(pc) =	sbr.rel @p0 .LBB2_5-.Ltmp1, $4  }
0x257: {  	[tilespmem:s19+$0x12D80] =	vst.add.f32.msk $0xffff, v7  }
0x258: {  	[tilespmem:s19+$0x18E00] =	vst.add.f32.msk $0xffff, v4;
	v6 =	vmul.f32 v4, v3  }
0x259: {  	[tilespmem:s19+$0x15E00] =	vst.add.f32.msk $0xffff, v4  }
0x25a: {  	[tilespmem:s19+$0x12E00] =	vst.add.f32.msk $0xffff, v4;
	v6 =	vsub.f32 v6, v7  }
0x25b: {  	[tilespmem:s19+$0xFD80] =	vst.add.f32.msk $0xffff, v7  }
0x25c: {  	[tilespmem:s19+$0x12D00] =	vst.add.f32.msk $0xffff, v5;
	v7 =	vmul.f32 v6, v3  }
0x25d: {  	[tilespmem:s19+$0x18D00] =	vst.add.f32.msk $0xffff, v5  }
0x25e: {  	[tilespmem:s19+$0xFE00] =	vst.add.f32.msk $0xffff, v4;
	v7 =	vsub.f32 v7, v4  }
0x25f: {  	[tilespmem:s19+$0x18E80] =	vst.add.f32.msk $0xffff, v6  }
0x260: {  	[tilespmem:s19+$0x15E80] =	vst.add.f32.msk $0xffff, v6;
	v8 =	vmul.f32 v7, v3  }
0x261: {  	[tilespmem:s19+$0x12E80] =	vst.add.f32.msk $0xffff, v6  }
0x262: {  	[tilespmem:s19+$0xFE80] =	vst.add.f32.msk $0xffff, v6;
	v6 =	vsub.f32 v8, v6  }
0x263: {  	[tilespmem:s19+$0x12F00] =	vst.add.f32.msk $0xffff, v7  }
0x264: {  	[tilespmem:s19+$0x15F00] =	vst.add.f32.msk $0xffff, v7;
	v5 =	vmul.f32 v6, v3  }
0x265: {  	[tilespmem:s19+$0x18F00] =	vst.add.f32.msk $0xffff, v7  }
0x266: {  	[tilespmem:s19+$0xFF00] =	vst.add.f32.msk $0xffff, v7;
	v5 =	vsub.f32 v5, v7  }
0x267: {  	[tilespmem:s19+$0x18F80] =	vst.add.f32.msk $0xffff, v6  }
0x268: {  	[tilespmem:s19+$0x12F80] =	vst.add.f32.msk $0xffff, v6;
	v7 =	vmul.f32 v5, v3  }
0x269: {  	[tilespmem:s19+$0xFF80] =	vst.add.f32.msk $0xffff, v6  }
0x26a: {  	[tilespmem:s19+$0x15F80] =	vst.add.f32.msk $0xffff, v6;
	v6 =	vsub.f32 v7, v6  }
0x26b: {  	[tilespmem:s19+$0x19000] =	vst.add.f32.msk $0xffff, v5  }
0x26c: {  	[tilespmem:s19+$0x16000] =	vst.add.f32.msk $0xffff, v5;
	v7 =	vmul.f32 v6, v3  }
0x26d: {  	[tilespmem:s19+$0x13000] =	vst.add.f32.msk $0xffff, v5  }
0x26e: {  	[tilespmem:s19+$0x10000] =	vst.add.f32.msk $0xffff, v5;
	v4 =	vsub.f32 v7, v5  }
0x26f: {  	[tilespmem:s19+$0x19080] =	vst.add.f32.msk $0xffff, v6  }
0x270: {  	s0 =	sor.u32 s6, s22;
	[tilespmem:s19+$0x16080] =	vst.add.f32.msk $0xffff, v6;
	v3 =	vmul.f32 v4, v3  }
0x271: {  	s0 =	sshrl.u32 s0, $0x3;
	[tilespmem:s19+$0x13080] =	vst.add.f32.msk $0xffff, v6  }
0x272: {  	s2 =	sor.u32 s14, s22;
	s0 =	smul.u32 $0x300, s0;
	[tilespmem:s19+$0x10080] =	vst.add.f32.msk $0xffff, v6;
	v3 =	vsub.f32 v3, v6  }
0x273: {  	s20 =	simm.s32 $0x0;
	s30 =	simm.s32 $0xE500;
	s2 =	sshrl.u32 s2, $0x3;
	[tilespmem:s26+$0x1F00] =	vst v4  }
0x274: {  	s25 =	sor.u32 s15, s22;
	s2 =	smul.u32 $0x300, s2;
	s0 =	sadd.s32 s4, s0;
	[tilespmem:s26+$0x1F80] =	vst v3  }
0x275: {  	[hbm4b:s0+s20] =	stream.linear.scatter [tilespmem:s30], [sflag:$0xD], $0x3000, $0x38;
	[tilespmem:$0x1A500] =	vst v63  }
0x276: {  	s9 =	sadd.s32 s4, s2;
	s26 =	sor.u32 s16, s22;
	s0 =	sshrl.u32 s25, $0x3  }
0x277: {  	s19 =	simm.s32 $0x11500;
	s2 =	sshrl.u32 s26, $0x3;
	s0 =	smul.u32 $0x300, s0  }
0x278: {  	[hbm4b:s9+s20] =	stream.linear.scatter [tilespmem:s19], [sflag:$0xE], $0x3000, $0x38;
	[tilespmem:$0x1A500] =	vst v63  }
0x279: {  	s25 =	simm.s32 $0x14500;
	s2 =	smul.u32 $0x300, s2;
	s0 =	sadd.s32 s4, s0  }
0x27a: {  	[hbm4b:s0+s20] =	stream.linear.scatter [tilespmem:s25], [sflag:$0xF], $0x3000, $0x38;
	[tilespmem:$0x1A500] =	vst v63  }
0x27b: {  	s26 =	simm.s32 $0x17500;
	s9 =	simm.s32 $0xD;
	s2 =	sadd.s32 s4, s2  }
0x27c: {  	[hbm4b:s2+s20] =	stream.linear.scatter [tilespmem:s26], [sflag:$0x10], $0x3000, $0x38;
	[tilespmem:$0x1A500] =	vst v63  }
0x27d: {  	s22 =	sor.u32 $0x30, s28;
	_ =	swait.ge [sflag:s9], $0x3000  }
0x27e: {  	s0 =	sand.u32 $0x70, s22;
	[sflag:s9] =	ssyncset.done $0x0  }
0x27f: {  	s2 =	sadd.s32 s0, s17;
	[sflag:s9] =	ssyncadd.s32 $0xFFFFD000  }
0x280: {  	v3 =	vld [tilespmem:s2+$0x0];
	_ =	sdelay $0x4  }
0x281: {  	v4 =	vshrl.u32 v3, $0x3  }
0x282: {  	v4 =	vmul.u32 $0x30, v4  }
0x283: {  	v3 =	vand.u32 $0x7, v3  }
0x284: {  	v3 =	vor.u32 v3, v4  }
0x285: {  	v4 =	vperm.xlane v3, v0;
	_ =	sdelay $0x1  }
0x286: {  	v4 =	vadd.s32 v1, v4;
	_ =	sdelay $0x3  }
0x287: {  	v3 =	vperm.xlane v3, v2  }
0x288: {  	[tilespmem:s30], [sflag:$0x5] =	stream.indirect_vreg.gather [hbm4b:s1+s20], $0x80, v4, vm0, $0xb8;
	[tilespmem:$0x1A500] =	vst v63  }
0x289: {  	s31 =	simm.s32 $0xED00;
	v3 =	vadd.s32 v1, v3  }
0x28a: {  	[tilespmem:s31], [sflag:$0x5] =	stream.indirect_vreg.gather [hbm4b:s11+s20], $0x80, v4, vm0, $0xb8;
	[tilespmem:$0x1A500] =	vst v63  }
0x28b: {  	s9 =	simm.s32 $0xF500  }
0x28c: {  	[tilespmem:s9], [sflag:$0x5] =	stream.indirect_vreg.gather [hbm4b:s12+s20], $0x80, v4, vm0, $0xb8;
	[tilespmem:$0x1A500] =	vst v63  }
0x28d: {  	s17 =	simm.s32 $0xFD00  }
0x28e: {  	[tilespmem:s17], [sflag:$0x5] =	stream.indirect_vreg.gather [hbm4b:s1+s20], $0x80, v3, vm0, $0xb8;
	[tilespmem:$0x1A500] =	vst v63  }
0x28f: {  	s28 =	simm.s32 $0x10500  }
0x290: {  	[tilespmem:s28], [sflag:$0x5] =	stream.indirect_vreg.gather [hbm4b:s11+s20], $0x80, v3, vm0, $0xb8;
	[tilespmem:$0x1A500] =	vst v63  }
0x291: {  	s17 =	simm.s32 $0x10D00;
	s28 =	simm.s32 $0xE  }
0x292: {  	[tilespmem:s17], [sflag:$0x5] =	stream.indirect_vreg.gather [hbm4b:s12+s20], $0x80, v3, vm0, $0xb8;
	[tilespmem:$0x1A500] =	vst v63  }
0x293: {  	_ =	swait.ge [sflag:s28], $0x3000  }
0x294: {  	[sflag:s28] =	ssyncset.done $0x0  }
0x295: {  	[sflag:s28] =	ssyncadd.s32 $0xFFFFD000  }
0x296: {  	v3 =	vld [tilespmem:s2+$0x80];
	_ =	sdelay $0x4  }
0x297: {  	v4 =	vshrl.u32 v3, $0x3  }
0x298: {  	v4 =	vmul.u32 $0x30, v4  }
0x299: {  	v3 =	vand.u32 $0x7, v3  }
0x29a: {  	v3 =	vor.u32 v3, v4  }
0x29b: {  	v4 =	vperm.xlane v3, v0;
	_ =	sdelay $0x1  }
0x29c: {  	v4 =	vadd.s32 v1, v4;
	_ =	sdelay $0x3  }
0x29d: {  	v3 =	vperm.xlane v3, v2  }
0x29e: {  	[tilespmem:s19], [sflag:$0x6] =	stream.indirect_vreg.gather [hbm4b:s1+s20], $0x80, v4, vm0, $0xb8;
	[tilespmem:$0x1A500] =	vst v63  }
0x29f: {  	s17 =	simm.s32 $0x11D00;
	v3 =	vadd.s32 v1, v3  }
0x2a0: {  	[tilespmem:s17], [sflag:$0x6] =	stream.indirect_vreg.gather [hbm4b:s11+s20], $0x80, v4, vm0, $0xb8;
	[tilespmem:$0x1A500] =	vst v63  }
0x2a1: {  	s19 =	simm.s32 $0x12500  }
0x2a2: {  	[tilespmem:s19], [sflag:$0x6] =	stream.indirect_vreg.gather [hbm4b:s12+s20], $0x80, v4, vm0, $0xb8;
	[tilespmem:$0x1A500] =	vst v63  }
0x2a3: {  	s28 =	simm.s32 $0x12D00  }
0x2a4: {  	[tilespmem:s28], [sflag:$0x6] =	stream.indirect_vreg.gather [hbm4b:s1+s20], $0x80, v3, vm0, $0xb8;
	[tilespmem:$0x1A500] =	vst v63  }
0x2a5: {  	s9 =	simm.s32 $0x13500  }
0x2a6: {  	[tilespmem:s9], [sflag:$0x6] =	stream.indirect_vreg.gather [hbm4b:s11+s20], $0x80, v3, vm0, $0xb8;
	[tilespmem:$0x1A500] =	vst v63  }
0x2a7: {  	s17 =	simm.s32 $0x13D00;
	s19 =	simm.s32 $0xF  }
0x2a8: {  	[tilespmem:s17], [sflag:$0x6] =	stream.indirect_vreg.gather [hbm4b:s12+s20], $0x80, v3, vm0, $0xb8;
	[tilespmem:$0x1A500] =	vst v63  }
0x2a9: {  	_ =	swait.ge [sflag:s19], $0x3000  }
0x2aa: {  	s0 =	sor.u32 s3, s0;
	[sflag:s19] =	ssyncset.done $0x0  }
0x2ab: {  	s28 =	sor.u32 $0x100, s0;
	[sflag:s19] =	ssyncadd.s32 $0xFFFFD000  }
0x2ac: {  	v3 =	vld [tilespmem:s28+$0x0];
	_ =	sdelay $0x4  }
0x2ad: {  	v4 =	vshrl.u32 v3, $0x3  }
0x2ae: {  	v4 =	vmul.u32 $0x30, v4  }
0x2af: {  	v3 =	vand.u32 $0x7, v3  }
0x2b0: {  	v3 =	vor.u32 v3, v4  }
0x2b1: {  	v4 =	vperm.xlane v3, v0;
	_ =	sdelay $0x1  }
0x2b2: {  	v4 =	vadd.s32 v1, v4;
	_ =	sdelay $0x3  }
0x2b3: {  	v3 =	vperm.xlane v3, v2  }
0x2b4: {  	[tilespmem:s25], [sflag:$0x7] =	stream.indirect_vreg.gather [hbm4b:s1+s20], $0x80, v4, vm0, $0xb8;
	[tilespmem:$0x1A500] =	vst v63  }
0x2b5: {  	s3 =	simm.s32 $0x14D00;
	v3 =	vadd.s32 v1, v3  }
0x2b6: {  	[tilespmem:s3], [sflag:$0x7] =	stream.indirect_vreg.gather [hbm4b:s11+s20], $0x80, v4, vm0, $0xb8;
	[tilespmem:$0x1A500] =	vst v63  }
0x2b7: {  	s9 =	simm.s32 $0x15500  }
0x2b8: {  	[tilespmem:s9], [sflag:$0x7] =	stream.indirect_vreg.gather [hbm4b:s12+s20], $0x80, v4, vm0, $0xb8;
	[tilespmem:$0x1A500] =	vst v63  }
0x2b9: {  	s17 =	simm.s32 $0x15D00  }
0x2ba: {  	[tilespmem:s17], [sflag:$0x7] =	stream.indirect_vreg.gather [hbm4b:s1+s20], $0x80, v3, vm0, $0xb8;
	[tilespmem:$0x1A500] =	vst v63  }
0x2bb: {  	s19 =	simm.s32 $0x16500  }
0x2bc: {  	[tilespmem:s19], [sflag:$0x7] =	stream.indirect_vreg.gather [hbm4b:s11+s20], $0x80, v3, vm0, $0xb8;
	[tilespmem:$0x1A500] =	vst v63  }
0x2bd: {  	s28 =	simm.s32 $0x10;
	s25 =	simm.s32 $0x16D00  }
0x2be: {  	[tilespmem:s25], [sflag:$0x7] =	stream.indirect_vreg.gather [hbm4b:s12+s20], $0x80, v3, vm0, $0xb8;
	[tilespmem:$0x1A500] =	vst v63  }
0x2bf: {  	_ =	swait.ge [sflag:s28], $0x3000  }
0x2c0: {  	[sflag:s28] =	ssyncset.done $0x0  }
0x2c1: {  	s0 =	sor.u32 $0x180, s0;
	[sflag:s28] =	ssyncadd.s32 $0xFFFFD000  }
0x2c2: {  	v3 =	vld [tilespmem:s0+$0x0];
	_ =	sdelay $0x4  }
0x2c3: {  	v4 =	vshrl.u32 v3, $0x3  }
0x2c4: {  	v4 =	vmul.u32 $0x30, v4  }
0x2c5: {  	v3 =	vand.u32 $0x7, v3  }
0x2c6: {  	v3 =	vor.u32 v3, v4  }
0x2c7: {  	v4 =	vperm.xlane v3, v0;
	_ =	sdelay $0x1  }
0x2c8: {  	v4 =	vadd.s32 v1, v4;
	_ =	sdelay $0x3  }
0x2c9: {  	v3 =	vperm.xlane v3, v2  }
0x2ca: {  	[tilespmem:s26], [sflag:$0x8] =	stream.indirect_vreg.gather [hbm4b:s1+s20], $0x80, v4, vm0, $0xb8;
	[tilespmem:$0x1A500] =	vst v63  }
0x2cb: {  	s3 =	simm.s32 $0x17D00;
	v3 =	vadd.s32 v1, v3  }
0x2cc: {  	[tilespmem:s3], [sflag:$0x8] =	stream.indirect_vreg.gather [hbm4b:s11+s20], $0x80, v4, vm0, $0xb8;
	[tilespmem:$0x1A500] =	vst v63  }
0x2cd: {  	s9 =	simm.s32 $0x18500  }
0x2ce: {  	[tilespmem:s9], [sflag:$0x8] =	stream.indirect_vreg.gather [hbm4b:s12+s20], $0x80, v4, vm0, $0xb8;
	[tilespmem:$0x1A500] =	vst v63  }
0x2cf: {  	s17 =	simm.s32 $0x18D00  }
0x2d0: {  	[tilespmem:s17], [sflag:$0x8] =	stream.indirect_vreg.gather [hbm4b:s1+s20], $0x80, v3, vm0, $0xb8;
	[tilespmem:$0x1A500] =	vst v63  }
0x2d1: {  	s19 =	simm.s32 $0x19500  }
0x2d2: {  	[tilespmem:s19], [sflag:$0x8] =	stream.indirect_vreg.gather [hbm4b:s11+s20], $0x80, v3, vm0, $0xb8;
	[tilespmem:$0x1A500] =	vst v63  }
0x2d3: {  	s25 =	simm.s32 $0x19D00;
	s26 =	simm.s32 $0x1  }
0x2d4: {  	[tilespmem:s25], [sflag:$0x8] =	stream.indirect_vreg.gather [hbm4b:s12+s20], $0x80, v3, vm0, $0xb8;
	[tilespmem:$0x1A500] =	vst v63  }
0x2d5: {  	_ =	swait.ge [sflag:s26], $0x3000  }
0x2d6: {  	[sflag:s26] =	ssyncset.done $0x0  }
0x2d7: {  	s28 =	simm.s32 $0x2;
	[sflag:s26] =	ssyncadd.s32 $0xFFFFD000  }
0x2d8: {  	_ =	swait.ge [sflag:s28], $0x3000  }
0x2d9: {  	[sflag:s28] =	ssyncset.done $0x0  }
0x2da: {  	s2 =	simm.s32 $0x3;
	[sflag:s28] =	ssyncadd.s32 $0xFFFFD000  }
0x2db: {  	_ =	swait.ge [sflag:s2], $0x3000  }
0x2dc: {  	[sflag:s2] =	ssyncset.done $0x0  }
0x2dd: {  	s3 =	simm.s32 $0x4;
	[sflag:s2] =	ssyncadd.s32 $0xFFFFD000  }
0x2de: {  	s17 =	sand.u32 $0x7FFFFC00, s20;
	_ =	swait.ge [sflag:s3], $0x3000  }
0x2df: {  	s25 =	sand.u32 $0x70, s20;
	s26 =	sshrl.u32 s17, $0x2;
	[sflag:s3] =	ssyncset.done $0x0  }
0x2e0: {  	[sflag:s3] =	ssyncadd.s32 $0xFFFFD000;
	s3 =	sor.u32 s25, s26  }
0x2e1: {  	s19 =	simm.s32 $0x1C00;
	v4 =	vld [tilespmem:s3+$0x1F80]  }
0x2e2: {  	v3 =	vld [tilespmem:s19+$0x0];
	_ =	sdelay $0x1  }
0x2e3: {  	v5 =	vld [tilespmem:s3+$0x1F00]  }
0x2e4: {  	s17 =	sor.u32 s25, s17  }
0x2e5: {  	[tilespmem:s17+$0xB580] =	vst.add.f32.msk $0xffff, v4  }
0x2e6: {  	[tilespmem:s17+$0x5580] =	vst.add.f32.msk $0xffff, v4;
	v6 =	vmul.f32 v4, v3  }
0x2e7: {  	[tilespmem:s17+$0x8580] =	vst.add.f32.msk $0xffff, v4  }
0x2e8: {  	[tilespmem:s17+$0x2580] =	vst.add.f32.msk $0xffff, v4;
	v6 =	vsub.f32 v6, v5  }
0x2e9: {  	[tilespmem:s17+$0x8500] =	vst.add.f32.msk $0xffff, v5  }
0x2ea: {  	[tilespmem:s17+$0x5500] =	vst.add.f32.msk $0xffff, v5;
	v7 =	vmul.f32 v6, v3  }
0x2eb: {  	[tilespmem:s17+$0x2500] =	vst.add.f32.msk $0xffff, v5  }
0x2ec: {  	[tilespmem:s17+$0xB500] =	vst.add.f32.msk $0xffff, v5;
	v4 =	vsub.f32 v7, v4  }
0x2ed: {  	[tilespmem:s17+$0xB600] =	vst.add.f32.msk $0xffff, v6  }
0x2ee: {  	[tilespmem:s17+$0x5600] =	vst.add.f32.msk $0xffff, v6;
	v5 =	vmul.f32 v4, v3  }
0x2ef: {  	[tilespmem:s17+$0x2600] =	vst.add.f32.msk $0xffff, v6  }
0x2f0: {  	[tilespmem:s17+$0x8600] =	vst.add.f32.msk $0xffff, v6;
	v5 =	vsub.f32 v5, v6  }
0x2f1: {  	[tilespmem:s17+$0x8680] =	vst.add.f32.msk $0xffff, v4  }
0x2f2: {  	[tilespmem:s17+$0x2680] =	vst.add.f32.msk $0xffff, v4;
	v7 =	vmul.f32 v5, v3  }
0x2f3: {  	[tilespmem:s17+$0xB680] =	vst.add.f32.msk $0xffff, v4  }
0x2f4: {  	[tilespmem:s17+$0x5680] =	vst.add.f32.msk $0xffff, v4;
	v4 =	vsub.f32 v7, v4  }
0x2f5: {  	[tilespmem:s17+$0x2700] =	vst.add.f32.msk $0xffff, v5  }
0x2f6: {  	[tilespmem:s17+$0xB700] =	vst.add.f32.msk $0xffff, v5;
	v7 =	vmul.f32 v4, v3  }
0x2f7: {  	[tilespmem:s17+$0x8700] =	vst.add.f32.msk $0xffff, v5  }
0x2f8: {  	[tilespmem:s17+$0x5700] =	vst.add.f32.msk $0xffff, v5;
	v5 =	vsub.f32 v7, v5  }
0x2f9: {  	[tilespmem:s17+$0x5780] =	vst.add.f32.msk $0xffff, v4  }
0x2fa: {  	[tilespmem:s17+$0x2780] =	vst.add.f32.msk $0xffff, v4;
	v7 =	vmul.f32 v5, v3  }
0x2fb: {  	[tilespmem:s17+$0xB780] =	vst.add.f32.msk $0xffff, v4  }
0x2fc: {  	[tilespmem:s17+$0x8780] =	vst.add.f32.msk $0xffff, v4;
	v4 =	vsub.f32 v7, v4  }
0x2fd: {  	[tilespmem:s17+$0xB800] =	vst.add.f32.msk $0xffff, v5  }
0x2fe: {  	[tilespmem:s17+$0x2800] =	vst.add.f32.msk $0xffff, v5;
	v6 =	vmul.f32 v4, v3  }
0x2ff: {  	s28 =	sor.u32 s20, s20;
	[tilespmem:s17+$0x5800] =	vst.add.f32.msk $0xffff, v5  }
0x300: {  	s0 =	sor.u32 $0x380, s28;
	[tilespmem:s17+$0x8800] =	vst.add.f32.msk $0xffff, v5;
	v5 =	vsub.f32 v6, v5  }
0x301: {  	[tilespmem:s0+$0x8500] =	vst.add.f32.msk $0xffff, v4  }
0x302: {  	[tilespmem:s0+$0xB500] =	vst.add.f32.msk $0xffff, v4;
	v6 =	vmul.f32 v5, v3  }
0x303: {  	[tilespmem:s0+$0x5500] =	vst.add.f32.msk $0xffff, v4  }
0x304: {  	[tilespmem:s0+$0x2500] =	vst.add.f32.msk $0xffff, v4;
	v7 =	vsub.f32 v6, v4  }
0x305: {  	[tilespmem:s17+$0x3D00] =	vst.add.f32.msk $0xffff, v5  }
0x306: {  	[tilespmem:s17+$0x9D00] =	vst.add.f32.msk $0xffff, v5;
	v4 =	vmul.f32 v7, v3  }
0x307: {  	[tilespmem:s17+$0xCD80] =	vst.add.f32.msk $0xffff, v7  }
0x308: {  	[tilespmem:s17+$0x9D80] =	vst.add.f32.msk $0xffff, v7;
	v4 =	vsub.f32 v4, v5  }
0x309: {  	[tilespmem:s17+$0x6D80] =	vst.add.f32.msk $0xffff, v7  }
0x30a: {  	[tilespmem:s17+$0xCE00] =	vst.add.f32.msk $0xffff, v4;
	v6 =	vmul.f32 v4, v3  }
0x30b: {  	[tilespmem:s17+$0x9E00] =	vst.add.f32.msk $0xffff, v4  }
0x30c: {  	s26 =	simm.s32 $0x80;
	[tilespmem:s17+$0x6E00] =	vst.add.f32.msk $0xffff, v4;
	v6 =	vsub.f32 v6, v7  }
.LBB2_7:
0x30d: {  	p0 =	sne.s32 s26, $0x1780;
	[tilespmem:s17+$0x3D80] =	vst.add.f32.msk $0xffff, v7;
	s20 =	sadd.s32 $0x10, s20;
	s19 =	sadd.s32 $0x10, s19  }
0x30e: {  	s0 =	smov.u32 s26;
	s26 =	sadd.s32 $0x80, s26;
	[tilespmem:s17+$0xCE80] =	vst.add.f32.msk $0xffff, v6;
	v7 =	vmul.f32 v6, v3  }
0x30f: {  	[tilespmem:s17+$0x9E80] =	vst.add.f32.msk $0xffff, v6  }
0x310: {  	[tilespmem:s17+$0x6E80] =	vst.add.f32.msk $0xffff, v6;
	v7 =	vsub.f32 v7, v4  }
0x311: {  	[tilespmem:s17+$0x3E80] =	vst.add.f32.msk $0xffff, v6  }
0x312: {  	s2 =	sand.u32 $0x7FFFFC00, s0;
	[tilespmem:s17+$0x6D00] =	vst.add.f32.msk $0xffff, v5;
	v8 =	vmul.f32 v7, v3  }
0x313: {  	s25 =	sand.u32 $0x70, s20;
	s9 =	sshrl.u32 s2, $0x2;
	[tilespmem:s17+$0x6F00] =	vst.add.f32.msk $0xffff, v7  }
0x314: {  	s9 =	sor.u32 s25, s9;
	[tilespmem:s17+$0x9F00] =	vst.add.f32.msk $0xffff, v7;
	v6 =	vsub.f32 v8, v6  }
0x315: {  	[tilespmem:s17+$0xCF00] =	vst.add.f32.msk $0xffff, v7  }
0x316: {  	[tilespmem:s17+$0xCD00] =	vst.add.f32.msk $0xffff, v5;
	v5 =	vmul.f32 v6, v3  }
0x317: {  	[tilespmem:s17+$0xCF80] =	vst.add.f32.msk $0xffff, v6  }
0x318: {  	[tilespmem:s17+$0x6F80] =	vst.add.f32.msk $0xffff, v6;
	v5 =	vsub.f32 v5, v7  }
0x319: {  	[tilespmem:s17+$0x3F80] =	vst.add.f32.msk $0xffff, v6  }
0x31a: {  	[tilespmem:s17+$0x3F00] =	vst.add.f32.msk $0xffff, v7;
	v7 =	vmul.f32 v5, v3  }
0x31b: {  	[tilespmem:s17+$0x9F80] =	vst.add.f32.msk $0xffff, v6  }
0x31c: {  	[tilespmem:s17+$0xD000] =	vst.add.f32.msk $0xffff, v5;
	v6 =	vsub.f32 v7, v6  }
0x31d: {  	[tilespmem:s17+$0xA000] =	vst.add.f32.msk $0xffff, v5  }
0x31e: {  	[tilespmem:s17+$0x7000] =	vst.add.f32.msk $0xffff, v5;
	v7 =	vmul.f32 v6, v3  }
0x31f: {  	[tilespmem:s17+$0x3E00] =	vst.add.f32.msk $0xffff, v4  }
0x320: {  	[tilespmem:s17+$0xD080] =	vst.add.f32.msk $0xffff, v6;
	v4 =	vsub.f32 v7, v5  }
0x321: {  	[tilespmem:s17+$0xA080] =	vst.add.f32.msk $0xffff, v6  }
0x322: {  	[tilespmem:s17+$0x7080] =	vst.add.f32.msk $0xffff, v6;
	v3 =	vmul.f32 v4, v3  }
0x323: {  	[tilespmem:s17+$0x4080] =	vst.add.f32.msk $0xffff, v6  }
0x324: {  	[tilespmem:s17+$0x4000] =	vst.add.f32.msk $0xffff, v5;
	v3 =	vsub.f32 v3, v6  }
0x325: {  	[tilespmem:s3+$0x1F00] =	vst v4  }
0x326: {  	[tilespmem:s3+$0x1F80] =	vst v3;
	s3 =	smov.u32 s9;
	_ =	sdelay $0x6  }
0x327: {  	v4 =	vld [tilespmem:s3+$0x1F80]  }
0x328: {  	v3 =	vld [tilespmem:s19+$0x0]  }
0x329: {  	v5 =	vld [tilespmem:s3+$0x1F00];
	_ =	sdelay $0x1  }
0x32a: {  	s17 =	sor.u32 s25, s2  }
0x32b: {  	[tilespmem:s17+$0xB580] =	vst.add.f32.msk $0xffff, v4  }
0x32c: {  	[tilespmem:s17+$0x5580] =	vst.add.f32.msk $0xffff, v4;
	v6 =	vmul.f32 v4, v3  }
0x32d: {  	[tilespmem:s17+$0x8580] =	vst.add.f32.msk $0xffff, v4  }
0x32e: {  	[tilespmem:s17+$0x2580] =	vst.add.f32.msk $0xffff, v4;
	v6 =	vsub.f32 v6, v5  }
0x32f: {  	[tilespmem:s17+$0x8500] =	vst.add.f32.msk $0xffff, v5  }
0x330: {  	[tilespmem:s17+$0x5500] =	vst.add.f32.msk $0xffff, v5;
	v7 =	vmul.f32 v6, v3  }
0x331: {  	[tilespmem:s17+$0x2500] =	vst.add.f32.msk $0xffff, v5  }
0x332: {  	[tilespmem:s17+$0xB500] =	vst.add.f32.msk $0xffff, v5;
	v4 =	vsub.f32 v7, v4  }
0x333: {  	[tilespmem:s17+$0xB600] =	vst.add.f32.msk $0xffff, v6  }
0x334: {  	[tilespmem:s17+$0x5600] =	vst.add.f32.msk $0xffff, v6;
	v5 =	vmul.f32 v4, v3  }
0x335: {  	[tilespmem:s17+$0x2600] =	vst.add.f32.msk $0xffff, v6  }
0x336: {  	[tilespmem:s17+$0x8680] =	vst.add.f32.msk $0xffff, v4;
	v5 =	vsub.f32 v5, v6  }
0x337: {  	[tilespmem:s17+$0x2680] =	vst.add.f32.msk $0xffff, v4  }
0x338: {  	[tilespmem:s17+$0xB680] =	vst.add.f32.msk $0xffff, v4;
	v7 =	vmul.f32 v5, v3  }
0x339: {  	[tilespmem:s17+$0x5680] =	vst.add.f32.msk $0xffff, v4  }
0x33a: {  	[tilespmem:s17+$0x2700] =	vst.add.f32.msk $0xffff, v5;
	v4 =	vsub.f32 v7, v4  }
0x33b: {  	[tilespmem:s17+$0xB700] =	vst.add.f32.msk $0xffff, v5  }
0x33c: {  	[tilespmem:s17+$0x8700] =	vst.add.f32.msk $0xffff, v5;
	v7 =	vmul.f32 v4, v3  }
0x33d: {  	[tilespmem:s17+$0x5700] =	vst.add.f32.msk $0xffff, v5  }
0x33e: {  	[tilespmem:s17+$0x5780] =	vst.add.f32.msk $0xffff, v4;
	v5 =	vsub.f32 v7, v5  }
0x33f: {  	[tilespmem:s17+$0x2780] =	vst.add.f32.msk $0xffff, v4  }
0x340: {  	[tilespmem:s17+$0xB780] =	vst.add.f32.msk $0xffff, v4;
	v7 =	vmul.f32 v5, v3  }
0x341: {  	[tilespmem:s17+$0x8780] =	vst.add.f32.msk $0xffff, v4  }
0x342: {  	[tilespmem:s17+$0x8600] =	vst.add.f32.msk $0xffff, v6;
	v4 =	vsub.f32 v7, v4  }
0x343: {  	[tilespmem:s17+$0xB800] =	vst.add.f32.msk $0xffff, v5  }
0x344: {  	[tilespmem:s17+$0x2800] =	vst.add.f32.msk $0xffff, v5;
	v6 =	vmul.f32 v4, v3  }
0x345: {  	s0 =	sor.u32 s0, s20;
	[tilespmem:s17+$0x5800] =	vst.add.f32.msk $0xffff, v5  }
0x346: {  	s0 =	sor.u32 $0x380, s0;
	[tilespmem:s17+$0x8800] =	vst.add.f32.msk $0xffff, v5;
	v5 =	vsub.f32 v6, v5  }
0x347: {  	[tilespmem:s0+$0x8500] =	vst.add.f32.msk $0xffff, v4  }
0x348: {  	[tilespmem:s0+$0xB500] =	vst.add.f32.msk $0xffff, v4;
	v6 =	vmul.f32 v5, v3  }
0x349: {  	[tilespmem:s0+$0x5500] =	vst.add.f32.msk $0xffff, v4  }
0x34a: {  	[tilespmem:s0+$0x2500] =	vst.add.f32.msk $0xffff, v4;
	v7 =	vsub.f32 v6, v4  }
0x34b: {  	[tilespmem:s17+$0x3D00] =	vst.add.f32.msk $0xffff, v5  }
0x34c: {  	[tilespmem:s17+$0x9D00] =	vst.add.f32.msk $0xffff, v5;
	v4 =	vmul.f32 v7, v3  }
0x34d: {  	[tilespmem:s17+$0xCD80] =	vst.add.f32.msk $0xffff, v7  }
.Ltmp2:
0x34e: {  	[tilespmem:s17+$0x9D80] =	vst.add.f32.msk $0xffff, v7;
	v4 =	vsub.f32 v4, v5;
	(pc) =	sbr.rel @p0 .LBB2_7-.Ltmp2, $4  }
0x34f: {  	[tilespmem:s17+$0x6D80] =	vst.add.f32.msk $0xffff, v7  }
0x350: {  	[tilespmem:s17+$0xCE00] =	vst.add.f32.msk $0xffff, v4;
	v6 =	vmul.f32 v4, v3  }
0x351: {  	[tilespmem:s17+$0x9E00] =	vst.add.f32.msk $0xffff, v4  }
0x352: {  	[tilespmem:s17+$0x6E00] =	vst.add.f32.msk $0xffff, v4;
	v6 =	vsub.f32 v6, v7  }
0x353: {  	[tilespmem:s17+$0x3D80] =	vst.add.f32.msk $0xffff, v7  }
0x354: {  	[tilespmem:s17+$0x6D00] =	vst.add.f32.msk $0xffff, v5;
	v59 =	vmul.f32 v6, v3  }
0x355: {  	[tilespmem:s17+$0xCD00] =	vst.add.f32.msk $0xffff, v5  }
0x356: {  	[tilespmem:s17+$0x3E00] =	vst.add.f32.msk $0xffff, v4;
	v7 =	vsub.f32 v59, v4  }
0x357: {  	[tilespmem:s17+$0xCE80] =	vst.add.f32.msk $0xffff, v6  }
0x358: {  	[tilespmem:s17+$0x9E80] =	vst.add.f32.msk $0xffff, v6;
	v8 =	vmul.f32 v7, v3  }
0x359: {  	[tilespmem:s17+$0x6E80] =	vst.add.f32.msk $0xffff, v6  }
0x35a: {  	[tilespmem:s17+$0x3E80] =	vst.add.f32.msk $0xffff, v6;
	v60 =	vsub.f32 v8, v6  }
0x35b: {  	[tilespmem:s17+$0x6F00] =	vst.add.f32.msk $0xffff, v7  }
0x35c: {  	[tilespmem:s17+$0x9F00] =	vst.add.f32.msk $0xffff, v7;
	v61 =	vmul.f32 v60, v3  }
0x35d: {  	[tilespmem:s17+$0xCF00] =	vst.add.f32.msk $0xffff, v7  }
0x35e: {  	[tilespmem:s17+$0x3F00] =	vst.add.f32.msk $0xffff, v7;
	v5 =	vsub.f32 v61, v7  }
0x35f: {  	[tilespmem:s17+$0xCF80] =	vst.add.f32.msk $0xffff, v60  }
0x360: {  	[tilespmem:s17+$0x6F80] =	vst.add.f32.msk $0xffff, v60;
	v62 =	vmul.f32 v5, v3  }
0x361: {  	[tilespmem:s17+$0x3F80] =	vst.add.f32.msk $0xffff, v60  }
0x362: {  	[tilespmem:s17+$0x9F80] =	vst.add.f32.msk $0xffff, v60;
	v6 =	vsub.f32 v62, v60  }
0x363: {  	[tilespmem:s17+$0xD000] =	vst.add.f32.msk $0xffff, v5  }
0x364: {  	[tilespmem:s17+$0xA000] =	vst.add.f32.msk $0xffff, v5;
	v7 =	vmul.f32 v6, v3  }
0x365: {  	[tilespmem:s17+$0x7000] =	vst.add.f32.msk $0xffff, v5  }
0x366: {  	[tilespmem:s17+$0x4000] =	vst.add.f32.msk $0xffff, v5;
	v63 =	vsub.f32 v7, v5  }
0x367: {  	[tilespmem:s17+$0xD080] =	vst.add.f32.msk $0xffff, v6  }
0x368: {  	s0 =	sor.u32 s6, s8;
	[tilespmem:s17+$0xA080] =	vst.add.f32.msk $0xffff, v6;
	v3 =	vmul.f32 v63, v3  }
0x369: {  	s0 =	sshrl.u32 s0, $0x3;
	[tilespmem:s17+$0x7080] =	vst.add.f32.msk $0xffff, v6  }
0x36a: {  	s2 =	sor.u32 s14, s8;
	s0 =	smul.u32 $0x300, s0;
	[tilespmem:s17+$0x4080] =	vst.add.f32.msk $0xffff, v6;
	v3 =	vsub.f32 v3, v6  }
0x36b: {  	s2 =	sshrl.u32 s2, $0x3;
	[tilespmem:s3+$0x1F00] =	vst v63  }
0x36c: {  	s25 =	sor.u32 s15, s8;
	s2 =	smul.u32 $0x300, s2;
	s0 =	sadd.s32 s4, s0;
	[tilespmem:s3+$0x1F80] =	vst v3  }
0x36d: {  	[hbm4b:s0+s5] =	stream.linear.scatter [tilespmem:s13], [sflag:$0x9], $0x3000, $0x38;
	[tilespmem:$0x1A500] =	vst v63  }
0x36e: {  	s26 =	sor.u32 s16, s8;
	s0 =	sshrl.u32 s25, $0x3  }
0x36f: {  	p0 =	seq.s32 s24, $0x3;
	s20 =	sadd.s32 s4, s2;
	s0 =	smul.u32 $0x300, s0  }
0x370: {  	[hbm4b:s20+s5] =	stream.linear.scatter [tilespmem:s18], [sflag:$0xA], $0x3000, $0x38;
	[tilespmem:$0x1A500] =	vst v63  }
.Ltmp3:
0x371: {  	s2 =	sshrl.u32 s26, $0x3;
	(pc) =	sbr.rel @p0 .LBB2_10-.Ltmp3, $4  }
0x372: {  	s2 =	smul.u32 $0x300, s2;
	s0 =	sadd.s32 s4, s0  }
0x373: {  	[hbm4b:s0+s5] =	stream.linear.scatter [tilespmem:s21], [sflag:$0xB], $0x3000, $0x38;
	[tilespmem:$0x1A500] =	vst v63  }
0x374: {  	s28 =	sadd.s32 s4, s2  }
0x375: {  	[hbm4b:s28+s5] =	stream.linear.scatter [tilespmem:s7], [sflag:$0xC], $0x3000, $0x38;
	[tilespmem:$0x1A500] =	vst v63  }
0x376: {  	s0 =	rddreg [dreg:$0x11]  }
0x377: {  	s0 =	sadd.s32 $0x4, s0  }
0x378: {  	_ =	swait.ge [sflag:s29], $0x3000;
	s2 =	sshll.u32 s0, $0x4;
	s0 =	sshll.u32 s0, $0x6  }
0x379: {  	[sflag:s29] =	ssyncset.done $0x0;
	s2 =	sand.u32 $0x40, s2;
	s3 =	sand.u32 $0x600, s0  }
0x37a: {  	[sflag:s29] =	ssyncadd.s32 $0xFFFFD000;
	s3 =	sor.u32 s2, s3  }
0x37b: {  	v3 =	vld [tilespmem:s3+$0x0];
	_ =	sdelay $0x4  }
0x37c: {  	v4 =	vshrl.u32 v3, $0x3  }
0x37d: {  	v4 =	vmul.u32 $0x30, v4  }
0x37e: {  	v3 =	vand.u32 $0x7, v3  }
0x37f: {  	v3 =	vor.u32 v3, v4  }
0x380: {  	v4 =	vperm.xlane v3, v0;
	_ =	sdelay $0x1  }
0x381: {  	v4 =	vadd.s32 v1, v4;
	_ =	sdelay $0x3  }
0x382: {  	v3 =	vperm.xlane v3, v2  }
0x383: {  	[tilespmem:s13], [sflag:$0x1] =	stream.indirect_vreg.gather [hbm4b:s1+s5], $0x80, v4, vm0, $0xb8;
	[tilespmem:$0x1A500] =	vst v63  }
0x384: {  	s8 =	simm.s32 $0x2D00;
	v3 =	vadd.s32 v1, v3  }
0x385: {  	[tilespmem:s8], [sflag:$0x1] =	stream.indirect_vreg.gather [hbm4b:s11+s5], $0x80, v4, vm0, $0xb8;
	[tilespmem:$0x1A500] =	vst v63  }
0x386: {  	s25 =	simm.s32 $0x3500  }
0x387: {  	[tilespmem:s25], [sflag:$0x1] =	stream.indirect_vreg.gather [hbm4b:s12+s5], $0x80, v4, vm0, $0xb8;
	[tilespmem:$0x1A500] =	vst v63  }
0x388: {  	s26 =	simm.s32 $0x3D00  }
0x389: {  	[tilespmem:s26], [sflag:$0x1] =	stream.indirect_vreg.gather [hbm4b:s1+s5], $0x80, v3, vm0, $0xb8;
	[tilespmem:$0x1A500] =	vst v63  }
0x38a: {  	s28 =	simm.s32 $0x4500  }
0x38b: {  	[tilespmem:s28], [sflag:$0x1] =	stream.indirect_vreg.gather [hbm4b:s11+s5], $0x80, v3, vm0, $0xb8;
	[tilespmem:$0x1A500] =	vst v63  }
0x38c: {  	s9 =	simm.s32 $0x4D00  }
0x38d: {  	[tilespmem:s9], [sflag:$0x1] =	stream.indirect_vreg.gather [hbm4b:s12+s5], $0x80, v3, vm0, $0xb8;
	[tilespmem:$0x1A500] =	vst v63  }
0x38e: {  	_ =	swait.ge [sflag:s10], $0x3000  }
0x38f: {  	[sflag:s10] =	ssyncset.done $0x0  }
0x390: {  	[sflag:s10] =	ssyncadd.s32 $0xFFFFD000  }
0x391: {  	v3 =	vld [tilespmem:s3+$0x80];
	_ =	sdelay $0x4  }
0x392: {  	v61 =	vshrl.u32 v3, $0x3  }
0x393: {  	v4 =	vmul.u32 $0x30, v61  }
0x394: {  	v3 =	vand.u32 $0x7, v3  }
0x395: {  	v3 =	vor.u32 v3, v4  }
0x396: {  	v4 =	vperm.xlane v3, v0;
	_ =	sdelay $0x1  }
0x397: {  	v4 =	vadd.s32 v1, v4;
	_ =	sdelay $0x3  }
0x398: {  	v3 =	vperm.xlane v3, v2  }
0x399: {  	[tilespmem:s18], [sflag:$0x2] =	stream.indirect_vreg.gather [hbm4b:s1+s5], $0x80, v4, vm0, $0xb8;
	[tilespmem:$0x1A500] =	vst v63  }
0x39a: {  	s10 =	simm.s32 $0x5D00;
	v3 =	vadd.s32 v1, v3  }
0x39b: {  	[tilespmem:s10], [sflag:$0x2] =	stream.indirect_vreg.gather [hbm4b:s11+s5], $0x80, v4, vm0, $0xb8;
	[tilespmem:$0x1A500] =	vst v63  }
0x39c: {  	s17 =	simm.s32 $0x6500  }
0x39d: {  	[tilespmem:s17], [sflag:$0x2] =	stream.indirect_vreg.gather [hbm4b:s12+s5], $0x80, v4, vm0, $0xb8;
	[tilespmem:$0x1A500] =	vst v63  }
0x39e: {  	s19 =	simm.s32 $0x6D00  }
0x39f: {  	[tilespmem:s19], [sflag:$0x2] =	stream.indirect_vreg.gather [hbm4b:s1+s5], $0x80, v3, vm0, $0xb8;
	[tilespmem:$0x1A500] =	vst v63  }
0x3a0: {  	s20 =	simm.s32 $0x7500  }
0x3a1: {  	[tilespmem:s20], [sflag:$0x2] =	stream.indirect_vreg.gather [hbm4b:s11+s5], $0x80, v3, vm0, $0xb8;
	[tilespmem:$0x1A500] =	vst v63  }
0x3a2: {  	s25 =	simm.s32 $0x7D00;
	s26 =	simm.s32 $0xB  }
0x3a3: {  	[tilespmem:s25], [sflag:$0x2] =	stream.indirect_vreg.gather [hbm4b:s12+s5], $0x80, v3, vm0, $0xb8;
	[tilespmem:$0x1A500] =	vst v63  }
0x3a4: {  	_ =	swait.ge [sflag:s26], $0x3000  }
0x3a5: {  	s0 =	sor.u32 s0, s2;
	[sflag:s26] =	ssyncset.done $0x0  }
0x3a6: {  	s2 =	sor.u32 $0x100, s0;
	[sflag:s26] =	ssyncadd.s32 $0xFFFFD000  }
0x3a7: {  	v3 =	vld [tilespmem:s2+$0x0];
	_ =	sdelay $0x4  }
0x3a8: {  	v62 =	vshrl.u32 v3, $0x3  }
0x3a9: {  	v4 =	vmul.u32 $0x30, v62  }
0x3aa: {  	v3 =	vand.u32 $0x7, v3  }
0x3ab: {  	v3 =	vor.u32 v3, v4  }
0x3ac: {  	v4 =	vperm.xlane v3, v0;
	_ =	sdelay $0x1  }
0x3ad: {  	v4 =	vadd.s32 v1, v4;
	_ =	sdelay $0x3  }
0x3ae: {  	v3 =	vperm.xlane v3, v2  }
0x3af: {  	[tilespmem:s21], [sflag:$0x3] =	stream.indirect_vreg.gather [hbm4b:s1+s5], $0x80, v4, vm0, $0xb8;
	[tilespmem:$0x1A500] =	vst v63  }
0x3b0: {  	s28 =	simm.s32 $0x8D00;
	v3 =	vadd.s32 v1, v3  }
0x3b1: {  	[tilespmem:s28], [sflag:$0x3] =	stream.indirect_vreg.gather [hbm4b:s11+s5], $0x80, v4, vm0, $0xb8;
	[tilespmem:$0x1A500] =	vst v63  }
0x3b2: {  	s3 =	simm.s32 $0x9500  }
0x3b3: {  	[tilespmem:s3], [sflag:$0x3] =	stream.indirect_vreg.gather [hbm4b:s12+s5], $0x80, v4, vm0, $0xb8;
	[tilespmem:$0x1A500] =	vst v63  }
0x3b4: {  	s8 =	simm.s32 $0x9D00  }
0x3b5: {  	[tilespmem:s8], [sflag:$0x3] =	stream.indirect_vreg.gather [hbm4b:s1+s5], $0x80, v3, vm0, $0xb8;
	[tilespmem:$0x1A500] =	vst v63  }
0x3b6: {  	s9 =	simm.s32 $0xA500  }
0x3b7: {  	[tilespmem:s9], [sflag:$0x3] =	stream.indirect_vreg.gather [hbm4b:s11+s5], $0x80, v3, vm0, $0xb8;
	[tilespmem:$0x1A500] =	vst v63  }
0x3b8: {  	s10 =	simm.s32 $0xAD00;
	s17 =	simm.s32 $0xC  }
0x3b9: {  	[tilespmem:s10], [sflag:$0x3] =	stream.indirect_vreg.gather [hbm4b:s12+s5], $0x80, v3, vm0, $0xb8;
	[tilespmem:$0x1A500] =	vst v63  }
0x3ba: {  	_ =	swait.ge [sflag:s17], $0x3000  }
0x3bb: {  	[sflag:s17] =	ssyncset.done $0x0  }
0x3bc: {  	s0 =	sor.u32 $0x180, s0;
	[sflag:s17] =	ssyncadd.s32 $0xFFFFD000  }
0x3bd: {  	v3 =	vld [tilespmem:s0+$0x0];
	_ =	sdelay $0x4  }
0x3be: {  	v63 =	vshrl.u32 v3, $0x3  }
0x3bf: {  	v4 =	vmul.u32 $0x30, v63  }
0x3c0: {  	v3 =	vand.u32 $0x7, v3  }
0x3c1: {  	v3 =	vor.u32 v3, v4  }
0x3c2: {  	v4 =	vperm.xlane v3, v0;
	_ =	sdelay $0x1  }
0x3c3: {  	v4 =	vadd.s32 v1, v4;
	_ =	sdelay $0x3  }
0x3c4: {  	v3 =	vperm.xlane v3, v2  }
0x3c5: {  	[tilespmem:s7], [sflag:$0x4] =	stream.indirect_vreg.gather [hbm4b:s1+s5], $0x80, v4, vm0, $0xb8;
	[tilespmem:$0x1A500] =	vst v63  }
0x3c6: {  	s19 =	simm.s32 $0xBD00;
	v3 =	vadd.s32 v1, v3  }
0x3c7: {  	[tilespmem:s19], [sflag:$0x4] =	stream.indirect_vreg.gather [hbm4b:s11+s5], $0x80, v4, vm0, $0xb8;
	[tilespmem:$0x1A500] =	vst v63  }
0x3c8: {  	s20 =	simm.s32 $0xC500  }
0x3c9: {  	[tilespmem:s20], [sflag:$0x4] =	stream.indirect_vreg.gather [hbm4b:s12+s5], $0x80, v4, vm0, $0xb8;
	[tilespmem:$0x1A500] =	vst v63  }
0x3ca: {  	s25 =	simm.s32 $0xCD00  }
0x3cb: {  	[tilespmem:s25], [sflag:$0x4] =	stream.indirect_vreg.gather [hbm4b:s1+s5], $0x80, v3, vm0, $0xb8;
	[tilespmem:$0x1A500] =	vst v63  }
0x3cc: {  	s26 =	simm.s32 $0xD500  }
0x3cd: {  	[tilespmem:s26], [sflag:$0x4] =	stream.indirect_vreg.gather [hbm4b:s11+s5], $0x80, v3, vm0, $0xb8;
	[tilespmem:$0x1A500] =	vst v63  }
0x3ce: {  	s28 =	simm.s32 $0xDD00  }
0x3cf: {  	[tilespmem:s28], [sflag:$0x4] =	stream.indirect_vreg.gather [hbm4b:s12+s5], $0x80, v3, vm0, $0xb8;
	[tilespmem:$0x1A500] =	vst v63  }
.LBB2_10:
0x3d0: {  	s0 =	simm.s32 $0x5  }
0x3d1: {  	_ =	swait.ge [sflag:s0], $0x3000  }
0x3d2: {  	[sflag:s0] =	ssyncset.done $0x0  }
0x3d3: {  	s20 =	simm.s32 $0x6;
	[sflag:s0] =	ssyncadd.s32 $0xFFFFD000  }
0x3d4: {  	_ =	swait.ge [sflag:s20], $0x3000  }
0x3d5: {  	[sflag:s20] =	ssyncset.done $0x0  }
0x3d6: {  	s25 =	simm.s32 $0x7;
	[sflag:s20] =	ssyncadd.s32 $0xFFFFD000  }
0x3d7: {  	_ =	swait.ge [sflag:s25], $0x3000  }
0x3d8: {  	[sflag:s25] =	ssyncset.done $0x0  }
0x3d9: {  	s8 =	simm.s32 $0x0;
	[sflag:s25] =	ssyncadd.s32 $0xFFFFD000  }
0x3da: {  	s26 =	sand.u32 $0x7FFFFC00, s8;
	_ =	swait.ge [sflag:s23], $0x3000  }
0x3db: {  	s2 =	sand.u32 $0x70, s8;
	s3 =	sshrl.u32 s26, $0x2;
	[sflag:s23] =	ssyncset.done $0x0  }
0x3dc: {  	s3 =	sor.u32 s2, s3;
	[sflag:s23] =	ssyncadd.s32 $0xFFFFD000  }
0x3dd: {  	s9 =	simm.s32 $0x1C00;
	v4 =	vld [tilespmem:s3+$0x1F80]  }
0x3de: {  	v3 =	vld [tilespmem:s9+$0x0];
	_ =	sdelay $0x1  }
0x3df: {  	v5 =	vld [tilespmem:s3+$0x1F00]  }
0x3e0: {  	s3 =	sor.u32 s2, s26  }
0x3e1: {  	[tilespmem:s3+$0x14580] =	vst.add.f32.msk $0xffff, v4  }
0x3e2: {  	[tilespmem:s3+$0x11580] =	vst.add.f32.msk $0xffff, v4;
	v6 =	vmul.f32 v4, v3  }
0x3e3: {  	[tilespmem:s3+$0xE580] =	vst.add.f32.msk $0xffff, v4  }
0x3e4: {  	[tilespmem:s3+$0x17580] =	vst.add.f32.msk $0xffff, v4;
	v6 =	vsub.f32 v6, v5  }
0x3e5: {  	[tilespmem:s3+$0x17500] =	vst.add.f32.msk $0xffff, v5  }
0x3e6: {  	[tilespmem:s3+$0x11500] =	vst.add.f32.msk $0xffff, v5;
	v7 =	vmul.f32 v6, v3  }
0x3e7: {  	[tilespmem:s3+$0xE500] =	vst.add.f32.msk $0xffff, v5  }
0x3e8: {  	[tilespmem:s3+$0x14500] =	vst.add.f32.msk $0xffff, v5;
	v4 =	vsub.f32 v7, v4  }
0x3e9: {  	[tilespmem:s3+$0x17600] =	vst.add.f32.msk $0xffff, v6  }
0x3ea: {  	[tilespmem:s3+$0x11600] =	vst.add.f32.msk $0xffff, v6;
	v5 =	vmul.f32 v4, v3  }
0x3eb: {  	[tilespmem:s3+$0xE600] =	vst.add.f32.msk $0xffff, v6  }
0x3ec: {  	[tilespmem:s3+$0x14600] =	vst.add.f32.msk $0xffff, v6;
	v5 =	vsub.f32 v5, v6  }
0x3ed: {  	[tilespmem:s3+$0x17680] =	vst.add.f32.msk $0xffff, v4  }
0x3ee: {  	[tilespmem:s3+$0x14680] =	vst.add.f32.msk $0xffff, v4;
	v7 =	vmul.f32 v5, v3  }
0x3ef: {  	[tilespmem:s3+$0x11680] =	vst.add.f32.msk $0xffff, v4  }
0x3f0: {  	[tilespmem:s3+$0xE680] =	vst.add.f32.msk $0xffff, v4;
	v4 =	vsub.f32 v7, v4  }
0x3f1: {  	[tilespmem:s3+$0x17700] =	vst.add.f32.msk $0xffff, v5  }
0x3f2: {  	[tilespmem:s3+$0x14700] =	vst.add.f32.msk $0xffff, v5;
	v6 =	vmul.f32 v4, v3  }
0x3f3: {  	[tilespmem:s3+$0x11700] =	vst.add.f32.msk $0xffff, v5  }
0x3f4: {  	[tilespmem:s3+$0xE700] =	vst.add.f32.msk $0xffff, v5;
	v6 =	vsub.f32 v6, v5  }
0x3f5: {  	[tilespmem:s3+$0x11780] =	vst.add.f32.msk $0xffff, v4  }
0x3f6: {  	[tilespmem:s3+$0x17780] =	vst.add.f32.msk $0xffff, v4;
	v7 =	vmul.f32 v6, v3  }
0x3f7: {  	[tilespmem:s3+$0x14780] =	vst.add.f32.msk $0xffff, v4  }
0x3f8: {  	[tilespmem:s3+$0xE780] =	vst.add.f32.msk $0xffff, v4;
	v5 =	vsub.f32 v7, v4  }
0x3f9: {  	[tilespmem:s3+$0xE800] =	vst.add.f32.msk $0xffff, v6  }
0x3fa: {  	[tilespmem:s3+$0x11800] =	vst.add.f32.msk $0xffff, v6;
	v4 =	vmul.f32 v5, v3  }
0x3fb: {  	s28 =	sor.u32 s8, s8;
	[tilespmem:s3+$0x17800] =	vst.add.f32.msk $0xffff, v6  }
0x3fc: {  	s0 =	sor.u32 $0x380, s28;
	[tilespmem:s3+$0x14800] =	vst.add.f32.msk $0xffff, v6;
	v4 =	vsub.f32 v4, v6  }
0x3fd: {  	[tilespmem:s0+$0x17500] =	vst.add.f32.msk $0xffff, v5  }
0x3fe: {  	[tilespmem:s0+$0x14500] =	vst.add.f32.msk $0xffff, v5;
	v6 =	vmul.f32 v4, v3  }
0x3ff: {  	[tilespmem:s0+$0x11500] =	vst.add.f32.msk $0xffff, v5  }
0x400: {  	[tilespmem:s0+$0xE500] =	vst.add.f32.msk $0xffff, v5;
	v5 =	vsub.f32 v6, v5  }
0x401: {  	[tilespmem:s3+$0x15D00] =	vst.add.f32.msk $0xffff, v4  }
0x402: {  	[tilespmem:s3+$0x18D00] =	vst.add.f32.msk $0xffff, v4;
	v6 =	vmul.f32 v5, v3  }
0x403: {  	[tilespmem:s3+$0xFD00] =	vst.add.f32.msk $0xffff, v4  }
0x404: {  	[tilespmem:s3+$0xFD80] =	vst.add.f32.msk $0xffff, v5;
	v7 =	vsub.f32 v6, v4  }
0x405: {  	[tilespmem:s3+$0x12D80] =	vst.add.f32.msk $0xffff, v5  }
0x406: {  	[tilespmem:s3+$0xFE00] =	vst.add.f32.msk $0xffff, v7;
	v6 =	vmul.f32 v7, v3  }
0x407: {  	[tilespmem:s3+$0x12E00] =	vst.add.f32.msk $0xffff, v7  }
0x408: {  	[tilespmem:s3+$0x15E00] =	vst.add.f32.msk $0xffff, v7;
	v6 =	vsub.f32 v6, v5  }
0x409: {  	[tilespmem:s3+$0x18E00] =	vst.add.f32.msk $0xffff, v7  }
0x40a: {  	[tilespmem:s3+$0xFE80] =	vst.add.f32.msk $0xffff, v6;
	v8 =	vmul.f32 v6, v3  }
0x40b: {  	[tilespmem:s3+$0x12E80] =	vst.add.f32.msk $0xffff, v6  }
0x40c: {  	s19 =	simm.s32 $0x80;
	s25 =	simm.s32 $0x17500;
	s0 =	simm.s32 $0x1C10;
	[tilespmem:s3+$0x15E80] =	vst.add.f32.msk $0xffff, v6;
	v7 =	vsub.f32 v8, v7  }
.LBB2_11:
0x40d: {  	s9 =	sand.u32 $0x7FFFFC00, s19  }
0x40e: {  	[tilespmem:s3+$0x18E80] =	vst.add.f32.msk $0xffff, v6;
	s8 =	sadd.s32 $0x10, s8;
	s2 =	smov.u32 s19;
	s17 =	sadd.s32 $0x80, s19  }
0x40f: {  	p0 =	sne.s32 s19, $0x1780;
	s10 =	sand.u32 $0x70, s8;
	s20 =	sshrl.u32 s9, $0x2;
	[tilespmem:s3+$0xFF00] =	vst.add.f32.msk $0xffff, v7;
	v8 =	vmul.f32 v7, v3  }
0x410: {  	s19 =	sor.u32 s10, s20;
	[tilespmem:s3+$0x12F00] =	vst.add.f32.msk $0xffff, v7  }
0x411: {  	[tilespmem:s3+$0x15F00] =	vst.add.f32.msk $0xffff, v7;
	v6 =	vsub.f32 v8, v6  }
0x412: {  	[tilespmem:s3+$0x18F00] =	vst.add.f32.msk $0xffff, v7  }
0x413: {  	[tilespmem:s3+$0xFF80] =	vst.add.f32.msk $0xffff, v6;
	v8 =	vmul.f32 v6, v3  }
0x414: {  	[tilespmem:s3+$0x12F80] =	vst.add.f32.msk $0xffff, v6  }
0x415: {  	[tilespmem:s3+$0x15F80] =	vst.add.f32.msk $0xffff, v6;
	v7 =	vsub.f32 v8, v7  }
0x416: {  	[tilespmem:s3+$0x18F80] =	vst.add.f32.msk $0xffff, v6  }
0x417: {  	[tilespmem:s3+$0x10000] =	vst.add.f32.msk $0xffff, v7;
	v3 =	vmul.f32 v7, v3  }
0x418: {  	[tilespmem:s3+$0x13000] =	vst.add.f32.msk $0xffff, v7  }
0x419: {  	[tilespmem:s3+$0x16000] =	vst.add.f32.msk $0xffff, v7;
	v3 =	vsub.f32 v3, v6  }
0x41a: {  	[tilespmem:s3+$0x19000] =	vst.add.f32.msk $0xffff, v7  }
0x41b: {  	[tilespmem:s3+$0x10080] =	vst.add.f32.msk $0xffff, v3  }
0x41c: {  	[tilespmem:s3+$0x13080] =	vst.add.f32.msk $0xffff, v3  }
0x41d: {  	[tilespmem:s3+$0x16080] =	vst.add.f32.msk $0xffff, v3  }
0x41e: {  	[tilespmem:s3+$0x19080] =	vst.add.f32.msk $0xffff, v3  }
0x41f: {  	[tilespmem:s3+$0x12D00] =	vst.add.f32.msk $0xffff, v4  }
0x420: {  	[tilespmem:s3+$0x15D80] =	vst.add.f32.msk $0xffff, v5  }
0x421: {  	[tilespmem:s3+$0x18D80] =	vst.add.f32.msk $0xffff, v5  }
0x422: {  	v4 =	vld [tilespmem:s19+$0x1F80]  }
0x423: {  	v3 =	vld [tilespmem:s0+$0x0];
	_ =	sdelay $0x1  }
0x424: {  	v5 =	vld [tilespmem:s19+$0x1F00]  }
0x425: {  	s3 =	sor.u32 s10, s9  }
0x426: {  	[tilespmem:s3+$0x14580] =	vst.add.f32.msk $0xffff, v4  }
0x427: {  	[tilespmem:s3+$0x11580] =	vst.add.f32.msk $0xffff, v4;
	v6 =	vmul.f32 v4, v3  }
0x428: {  	[tilespmem:s3+$0xE580] =	vst.add.f32.msk $0xffff, v4  }
0x429: {  	[tilespmem:s3+$0x17580] =	vst.add.f32.msk $0xffff, v4;
	v6 =	vsub.f32 v6, v5  }
0x42a: {  	[tilespmem:s3+$0x17500] =	vst.add.f32.msk $0xffff, v5  }
0x42b: {  	[tilespmem:s3+$0x11500] =	vst.add.f32.msk $0xffff, v5;
	v7 =	vmul.f32 v6, v3  }
0x42c: {  	[tilespmem:s3+$0xE500] =	vst.add.f32.msk $0xffff, v5  }
0x42d: {  	[tilespmem:s3+$0x14500] =	vst.add.f32.msk $0xffff, v5;
	v4 =	vsub.f32 v7, v4  }
0x42e: {  	[tilespmem:s3+$0x17600] =	vst.add.f32.msk $0xffff, v6  }
0x42f: {  	[tilespmem:s3+$0x11600] =	vst.add.f32.msk $0xffff, v6;
	v5 =	vmul.f32 v4, v3  }
0x430: {  	[tilespmem:s3+$0xE600] =	vst.add.f32.msk $0xffff, v6  }
0x431: {  	[tilespmem:s3+$0x17680] =	vst.add.f32.msk $0xffff, v4;
	v5 =	vsub.f32 v5, v6  }
0x432: {  	[tilespmem:s3+$0x14680] =	vst.add.f32.msk $0xffff, v4  }
0x433: {  	[tilespmem:s3+$0x11680] =	vst.add.f32.msk $0xffff, v4;
	v7 =	vmul.f32 v5, v3  }
0x434: {  	[tilespmem:s3+$0xE680] =	vst.add.f32.msk $0xffff, v4  }
0x435: {  	[tilespmem:s3+$0x14600] =	vst.add.f32.msk $0xffff, v6;
	v4 =	vsub.f32 v7, v4  }
0x436: {  	[tilespmem:s3+$0x17700] =	vst.add.f32.msk $0xffff, v5  }
0x437: {  	[tilespmem:s3+$0x14700] =	vst.add.f32.msk $0xffff, v5;
	v6 =	vmul.f32 v4, v3  }
0x438: {  	[tilespmem:s3+$0x11700] =	vst.add.f32.msk $0xffff, v5  }
0x439: {  	[tilespmem:s3+$0x11780] =	vst.add.f32.msk $0xffff, v4;
	v6 =	vsub.f32 v6, v5  }
0x43a: {  	[tilespmem:s3+$0x17780] =	vst.add.f32.msk $0xffff, v4  }
0x43b: {  	[tilespmem:s3+$0x14780] =	vst.add.f32.msk $0xffff, v4;
	v7 =	vmul.f32 v6, v3  }
0x43c: {  	[tilespmem:s3+$0xE780] =	vst.add.f32.msk $0xffff, v4  }
0x43d: {  	[tilespmem:s3+$0xE700] =	vst.add.f32.msk $0xffff, v5;
	v5 =	vsub.f32 v7, v4  }
0x43e: {  	[tilespmem:s3+$0xE800] =	vst.add.f32.msk $0xffff, v6  }
0x43f: {  	[tilespmem:s3+$0x11800] =	vst.add.f32.msk $0xffff, v6;
	v4 =	vmul.f32 v5, v3  }
0x440: {  	s2 =	sor.u32 s2, s8;
	[tilespmem:s3+$0x17800] =	vst.add.f32.msk $0xffff, v6  }
0x441: {  	s2 =	sor.u32 $0x380, s2;
	[tilespmem:s3+$0x14800] =	vst.add.f32.msk $0xffff, v6;
	v4 =	vsub.f32 v4, v6  }
0x442: {  	[tilespmem:s2+$0x17500] =	vst.add.f32.msk $0xffff, v5  }
0x443: {  	[tilespmem:s2+$0x14500] =	vst.add.f32.msk $0xffff, v5;
	v6 =	vmul.f32 v4, v3  }
0x444: {  	[tilespmem:s2+$0x11500] =	vst.add.f32.msk $0xffff, v5  }
0x445: {  	[tilespmem:s2+$0xE500] =	vst.add.f32.msk $0xffff, v5;
	v5 =	vsub.f32 v6, v5  }
0x446: {  	[tilespmem:s3+$0x15D00] =	vst.add.f32.msk $0xffff, v4  }
0x447: {  	[tilespmem:s3+$0x18D00] =	vst.add.f32.msk $0xffff, v4;
	v6 =	vmul.f32 v5, v3  }
0x448: {  	[tilespmem:s3+$0xFD00] =	vst.add.f32.msk $0xffff, v4  }
0x449: {  	[tilespmem:s3+$0xFD80] =	vst.add.f32.msk $0xffff, v5;
	v7 =	vsub.f32 v6, v4  }
0x44a: {  	[tilespmem:s3+$0x12D80] =	vst.add.f32.msk $0xffff, v5  }
0x44b: {  	[tilespmem:s3+$0xFE00] =	vst.add.f32.msk $0xffff, v7;
	v6 =	vmul.f32 v7, v3  }
0x44c: {  	[tilespmem:s3+$0x12E00] =	vst.add.f32.msk $0xffff, v7  }
.Ltmp4:
0x44d: {  	[tilespmem:s3+$0x15E00] =	vst.add.f32.msk $0xffff, v7;
	v6 =	vsub.f32 v6, v5;
	(pc) =	sbr.rel @p0 .LBB2_11-.Ltmp4, $4  }
0x44e: {  	[tilespmem:s3+$0x18E00] =	vst.add.f32.msk $0xffff, v7  }
0x44f: {  	[tilespmem:s3+$0xFE80] =	vst.add.f32.msk $0xffff, v6;
	v8 =	vmul.f32 v6, v3  }
0x450: {  	[tilespmem:s3+$0x12E80] =	vst.add.f32.msk $0xffff, v6  }
0x451: {  	s0 =	sadd.s32 $0x10, s0;
	s19 =	smov.u32 s17;
	[tilespmem:s3+$0x15E80] =	vst.add.f32.msk $0xffff, v6;
	v7 =	vsub.f32 v8, v7  }
0x452: {  	[tilespmem:s3+$0x18E80] =	vst.add.f32.msk $0xffff, v6  }
0x453: {  	[tilespmem:s3+$0x12D00] =	vst.add.f32.msk $0xffff, v4  }
0x454: {  	[tilespmem:s3+$0x15D80] =	vst.add.f32.msk $0xffff, v5  }
0x455: {  	[tilespmem:s3+$0x18D80] =	vst.add.f32.msk $0xffff, v5  }
0x456: {  	[tilespmem:s3+$0xFF00] =	vst.add.f32.msk $0xffff, v7;
	v8 =	vmul.f32 v7, v3  }
0x457: {  	[tilespmem:s3+$0x12F00] =	vst.add.f32.msk $0xffff, v7  }
0x458: {  	[tilespmem:s3+$0x15F00] =	vst.add.f32.msk $0xffff, v7;
	v62 =	vsub.f32 v8, v6  }
0x459: {  	[tilespmem:s3+$0x18F00] =	vst.add.f32.msk $0xffff, v7  }
0x45a: {  	[tilespmem:s3+$0xFF80] =	vst.add.f32.msk $0xffff, v62;
	v8 =	vmul.f32 v62, v3  }
0x45b: {  	[tilespmem:s3+$0x12F80] =	vst.add.f32.msk $0xffff, v62  }
0x45c: {  	[tilespmem:s3+$0x15F80] =	vst.add.f32.msk $0xffff, v62;
	v63 =	vsub.f32 v8, v7  }
0x45d: {  	[tilespmem:s3+$0x18F80] =	vst.add.f32.msk $0xffff, v62  }
0x45e: {  	[tilespmem:s3+$0x10000] =	vst.add.f32.msk $0xffff, v63;
	v3 =	vmul.f32 v63, v3  }
0x45f: {  	[tilespmem:s3+$0x13000] =	vst.add.f32.msk $0xffff, v63  }
0x460: {  	[tilespmem:s3+$0x16000] =	vst.add.f32.msk $0xffff, v63;
	v3 =	vsub.f32 v3, v62  }
0x461: {  	s0 =	sor.u32 s6, s22;
	[tilespmem:s3+$0x19000] =	vst.add.f32.msk $0xffff, v63  }
0x462: {  	s0 =	sshrl.u32 s0, $0x3;
	[tilespmem:s3+$0x10080] =	vst.add.f32.msk $0xffff, v3  }
0x463: {  	s2 =	sor.u32 s14, s22;
	s0 =	smul.u32 $0x300, s0;
	[tilespmem:s3+$0x13080] =	vst.add.f32.msk $0xffff, v3  }
0x464: {  	s10 =	simm.s32 $0x11500;
	s2 =	sshrl.u32 s2, $0x3;
	[tilespmem:s3+$0x16080] =	vst.add.f32.msk $0xffff, v3  }
0x465: {  	s20 =	sor.u32 s15, s22;
	s2 =	smul.u32 $0x300, s2;
	s0 =	sadd.s32 s4, s0;
	[tilespmem:s3+$0x19080] =	vst.add.f32.msk $0xffff, v3  }
0x466: {  	[hbm4b:s0+s5] =	stream.linear.scatter [tilespmem:s30], [sflag:$0xD], $0x3000, $0x38;
	[tilespmem:$0x1A500] =	vst v63  }
0x467: {  	s26 =	sor.u32 s16, s22;
	s24 =	sadd.s32 $0x1, s24;
	s0 =	sshrl.u32 s20, $0x3  }
0x468: {  	p0 =	sne.s32 s24, $0x4;
	s19 =	sadd.s32 s4, s2;
	s0 =	smul.u32 $0x300, s0  }
0x469: {  	[hbm4b:s19+s5] =	stream.linear.scatter [tilespmem:s10], [sflag:$0xE], $0x3000, $0x38;
	[tilespmem:$0x1A500] =	vst v63  }
.Ltmp5:
0x46a: {  	s2 =	sshrl.u32 s26, $0x3;
	(pc) =	sbr.rel @p0 .LBB2_2-.Ltmp5, $4  }
0x46b: {  	s2 =	smul.u32 $0x300, s2;
	s19 =	simm.s32 $0x14500;
	s0 =	sadd.s32 s4, s0  }
0x46c: {  	[hbm4b:s0+s5] =	stream.linear.scatter [tilespmem:s19], [sflag:$0xF], $0x3000, $0x38;
	[tilespmem:$0x1A500] =	vst v63  }
0x46d: {  	s28 =	sadd.s32 s4, s2  }
0x46e: {  	[hbm4b:s28+s5] =	stream.linear.scatter [tilespmem:s25], [sflag:$0x10], $0x3000, $0x38;
	[tilespmem:$0x1A500] =	vst v63  }
0x46f: {  	_ =	swait.ge [sflag:s29], $0x3000  }
0x470: {  	[sflag:s29] =	ssyncset.done $0x0  }
0x471: {  	s3 =	simm.s32 $0xA;
	[sflag:s29] =	ssyncadd.s32 $0xFFFFD000  }
0x472: {  	_ =	swait.ge [sflag:s3], $0x3000  }
0x473: {  	[sflag:s3] =	ssyncset.done $0x0  }
0x474: {  	s8 =	simm.s32 $0xB;
	[sflag:s3] =	ssyncadd.s32 $0xFFFFD000  }
0x475: {  	_ =	swait.ge [sflag:s8], $0x3000  }
0x476: {  	[sflag:s8] =	ssyncset.done $0x0  }
0x477: {  	s9 =	simm.s32 $0xC;
	[sflag:s8] =	ssyncadd.s32 $0xFFFFD000  }
0x478: {  	_ =	swait.ge [sflag:s9], $0x3000  }
0x479: {  	[sflag:s9] =	ssyncset.done $0x0  }
0x47a: {  	s0 =	simm.s32 $0xD;
	[sflag:s9] =	ssyncadd.s32 $0xFFFFD000  }
0x47b: {  	_ =	swait.ge [sflag:s0], $0x3000  }
0x47c: {  	[sflag:s0] =	ssyncset.done $0x0  }
0x47d: {  	s24 =	simm.s32 $0xE;
	[sflag:s0] =	ssyncadd.s32 $0xFFFFD000  }
0x47e: {  	_ =	swait.ge [sflag:s24], $0x3000  }
0x47f: {  	[sflag:s24] =	ssyncset.done $0x0  }
0x480: {  	s26 =	simm.s32 $0xF;
	[sflag:s24] =	ssyncadd.s32 $0xFFFFD000  }
0x481: {  	_ =	swait.ge [sflag:s26], $0x3000  }
0x482: {  	[sflag:s26] =	ssyncset.done $0x0  }
0x483: {  	s2 =	simm.s32 $0x10;
	[sflag:s26] =	ssyncadd.s32 $0xFFFFD000  }
0x484: {  	_ =	swait.ge [sflag:s2], $0x3000  }
0x485: {  	s17 =	rddreg [dreg:$0x10]  }
0x486: {  	s28 =	rddreg [dreg:$0xb];
	s17 =	sadd.s32 $0x1, s17  }
0x487: {  	p0 =	sne.s32 s17, s28  }
.Ltmp6:
0x488: {  	_ = 	snop;
	(pc) =	sbr.rel @p0 .LBB2_1-.Ltmp6, $3  }
0x489: {  	_ =	sdelay $0x1  }
0x48a: {  	[sflag:s2] =	ssyncset.done $0x0  }
0x48b: {  	[sflag:s2] =	ssyncadd.s32 $0xFFFFD000  }
0x48c: {  	_ =	sfence.sel $0x180000  }
0x48d: {  	[bflag:$0x0] =	sbarrier.arrive $0xFFFF  }
0x48e: {  	_ =	strace $0x90000047  }
0x48f: {  	s0 =	stileid.u32;
	[bflag:$0x2] =	sbarrier.arrive $0xFFFF  }
0x490: {  	p0 =	sne.s32 s0, $0x0;
	s0 =	rddreg [dreg:$0x5]  }
0x491: {  	s0 =	sadd.s32 @!p0 $0x100000, s0  }
0x492: {  	[sflag:s0] =	ssyncadd.tile.s32 @!p0 $0x1;
	_ =	shalt  }
.Lfunc_end2:
_tile_overlayer_lowered:
.L_overlay_start_2:
0x493: {  	(tag) =	ssettag $0x2  }
0x494: {  	s0 =	rddreg [dreg:$0x0];
	s2 =	stileid.u32  }
0x495: {  	s1 =	rddreg [dreg:$0x1];
	p0 =	sne.s32 s2, $0x0  }
0x496: {  	s3 =	rddreg [dreg:$0x2];
	[bflag:$0x3] =	sbarrier.arrive $0xFFFF;
	s2 =	simm.s32 @!p0 $0x1C12  }
0x497: {  	[timem:s3], [sflag:s2] =	dma.local @!p0 [hbm:s0], s1  }
0x498: {  	s0 =	simm.s32 @!p0 $0x12  }
0x499: {  	_ =	swait.ge @!p0 [sflag:s0], s1  }
0x49a: {  	s1 =	ssub.s32 @!p0 $0x0, s1;
	[sflag:s0] =	ssyncset.done @!p0 $0x0  }
0x49b: {  	[sflag:s0] =	ssyncadd.s32 @!p0 s1  }
0x49c: {  	[bflag:$0x3] =	sbarrier.arrive $0xFFFF  }
0x49d: {  	_ =	shalt  }

</sc_bundles>
